<compile_context>
chip_gen: v7x
topology: tpu7x:2x2x1
jax: 0.10.2.dev20260603
libtpu: 0.0.44.dev20260713+nightly
codegen_flags: <defaults>
</compile_context>

<pallas_src>
import functools

import jax
import jax.numpy as jnp
from jax import lax
from jax.experimental import pallas as pl
from jax.experimental.pallas import tpu as pltpu
from jax.experimental.pallas import tpu_sc as plsc

NC = 2
NS = 16
L = 16
NW = NC * NS


def _matmul_body(x_ref, wt_ref, b_ref, o_ref):
    o_ref[...] = (
        jnp.dot(x_ref[...], wt_ref[...], preferred_element_type=jnp.float32)
        + b_ref[...]
    )


def _fuse_body(p0_ref, p1_ref, x_ref, o_ref):
    y = p0_ref[...] + p1_ref[...] + x_ref[...]
    o_ref[...] = jnp.where(y >= 0, y, 0.2 * y)


def _edge_body(n, cpw0, cpw1, h_hbm, cols_hbm, rows_hbm, w_hbm, p_hbm,
               cols_v, rows_v, w_v, msgs_v, acc):
    C = 128
    D = 128
    cid = lax.axis_index("c")
    sid = lax.axis_index("s")

    base = pl.multiple_of(sid * (cpw0 + cpw1) + cid * cpw0, 8)
    cnt = jnp.where(cid == 0, cpw0, cpw1)

    cmax = max(cpw0, cpw1)
    pltpu.sync_copy(cols_hbm.at[pl.ds(base, cmax)], cols_v)
    pltpu.sync_copy(rows_hbm.at[pl.ds(base, cmax)], rows_v)
    pltpu.sync_copy(w_hbm.at[pl.ds(base, cmax)], w_v)

    zeros16 = jnp.zeros((L,), jnp.float32)

    def zrow(r, carry):
        for d in range(D // L):
            msgs_v[r, pl.ds(d * L, L)] = zeros16
        return carry

    lax.fori_loop(0, C, zrow, 0)
    rpt = (n // (NS * 8)) * 8
    rem = n - NS * rpt

    def zero_acc_rows(base, count):
        full, tail = count // C, count % C
        for k in range(full):
            pltpu.sync_copy(msgs_v,
                            acc.at[pl.ds(pl.multiple_of(base + k * C, 8), C)])
        if tail:
            pltpu.sync_copy(msgs_v.at[pl.ds(0, tail)],
                            acc.at[pl.ds(pl.multiple_of(base + full * C, 8), tail)])

    zero_acc_rows(sid * rpt, rpt)
    if rem:
        @pl.when(sid == NS - 1)
        def _():
            zero_acc_rows(NS * rpt, rem)
    plsc.subcore_barrier()

    def chunk(ci, carry):
        pltpu.sync_copy(h_hbm.at[cols_v.at[ci]], msgs_v)

        def grp(g, c2):
            w16 = w_v[ci, pl.ds(g * L, L)]
            for i in range(L):
                e = g * L + i
                wspl = lax.gather(
                    w16, jnp.full((L, 1), i, jnp.int32),
                    lax.GatherDimensionNumbers(
                        offset_dims=(), collapsed_slice_dims=(0,),
                        start_index_map=(0,)),
                    slice_sizes=(1,),
                    mode=lax.GatherScatterMode.PROMISE_IN_BOUNDS)
                for d in range(D // L):
                    sl = pl.ds(d * L, L)
                    msgs_v[e, sl] = msgs_v[e, sl] * wspl
            return c2

        lax.fori_loop(0, C // L, grp, 0)

        pltpu.sync_copy(msgs_v, acc.at[rows_v.at[ci]], add=True)
        return carry

    lax.fori_loop(0, cnt, chunk, 0)

    plsc.subcore_barrier()
    wbase = pl.multiple_of(sid * rpt, 8)
    pltpu.sync_copy(acc.at[pl.ds(wbase, rpt)],
                    p_hbm.at[cid, pl.ds(wbase, rpt)])
    if rem:
        @pl.when(sid == NS - 1)
        def _():
            pltpu.sync_copy(acc.at[pl.ds(NS * rpt, rem)],
                            p_hbm.at[cid, pl.ds(NS * rpt, rem)])


def kernel(x, edge_index, edge_weight, W, b):
    n, d = x.shape
    e = edge_weight.shape[0]
    C = 128

    blk = 1000 if n % 1000 == 0 else n
    h = pl.pallas_call(
        _matmul_body,
        grid=(n // blk,),
        in_specs=[
            pl.BlockSpec((blk, d), lambda i: (i, 0)),
            pl.BlockSpec((d, d), lambda i: (0, 0)),
            pl.BlockSpec((1, d), lambda i: (0, 0)),
        ],
        out_specs=pl.BlockSpec((blk, d), lambda i: (i, 0)),
        out_shape=jax.ShapeDtypeStruct((n, d), jnp.float32),
    )(x, W.T, b.reshape(1, d))

    cpw2 = 16 * (-(-(-(-e // C)) // (16 * NS)))
    cpw0 = max(8, (cpw2 * 9 // 20) // 8 * 8)
    cpw1 = cpw2 - cpw0
    nch = NS * cpw2
    e_pad = nch * C
    pad = e_pad - e
    rows = jnp.concatenate([edge_index[0], jnp.zeros((pad,), jnp.int32)])
    cols = jnp.concatenate([edge_index[1], jnp.zeros((pad,), jnp.int32)])
    wgt = jnp.concatenate([edge_weight, jnp.zeros((pad,), jnp.float32)])
    rows3 = rows.reshape(nch, C)
    cols3 = cols.reshape(nch, C)
    wgt3 = wgt.reshape(nch, C)

    cmax = max(cpw0, cpw1)
    mesh = plsc.VectorSubcoreMesh(core_axis_name="c", subcore_axis_name="s")
    partials = pl.kernel(
        functools.partial(_edge_body, n, cpw0, cpw1),
        mesh=mesh,
        out_type=jax.ShapeDtypeStruct((NC, n, d), jnp.float32),
        scratch_types=[
            pltpu.VMEM((cmax, C), jnp.int32),
            pltpu.VMEM((cmax, C), jnp.int32),
            pltpu.VMEM((cmax, C), jnp.float32),
            pltpu.VMEM((C, d), jnp.float32),
            pltpu.VMEM_SHARED((n, d), jnp.float32),
        ],
    )(h, cols3, rows3, wgt3)

    out = pl.pallas_call(
        _fuse_body,
        grid=(n // blk,),
        in_specs=[
            pl.BlockSpec((blk, d), lambda i: (i, 0)),
            pl.BlockSpec((blk, d), lambda i: (i, 0)),
            pl.BlockSpec((blk, d), lambda i: (i, 0)),
        ],
        out_specs=pl.BlockSpec((blk, d), lambda i: (i, 0)),
        out_shape=jax.ShapeDtypeStruct((n, d), jnp.float32),
    )(partials[0], partials[1], x)
    return out

# --- scband reference (transcript-rebuilt; emitter-appended) ---
"""Pipeline reference for scband-res-gcnlayer-20547123544256 (READ-ONLY COPY).

The authoritative reference and input builder live on the scoring server;
editing this copy changes nothing except your own understanding.
"""

import jax, jax.numpy as jnp
import numpy as np

N = 10000
E = 320000
D = 128


def _xavier_uniform(key, shape):
    fan_in, fan_out = shape[1], shape[0]
    limit = float(np.sqrt(6.0 / (fan_in + fan_out)))
    return jax.random.uniform(key, shape, dtype=jnp.float32, minval=-limit, maxval=limit)


def setup_inputs(seed: int = 0) -> dict:
    key = jax.random.key(seed)
    k1, k2, k3, k4 = jax.random.split(key, 4)
    x = jax.random.normal(k1, (N, D), dtype=jnp.float32)
    edge_index = jax.random.randint(k2, (2, E), 0, N, dtype=jnp.int32)
    edge_weight = jax.random.uniform(k3, (E,), dtype=jnp.float32)
    # Learned parameters of self.linear (in_features == out_features, so res_linear is None)
    W = _xavier_uniform(k4, (D, D))
    b = jnp.zeros((D,), dtype=jnp.float32)
    return {"x": x, "edge_index": edge_index, "edge_weight": edge_weight, "W": W, "b": b}


def reference(x, edge_index, edge_weight, W, b):
    # res = x (res_linear is None since in_features == out_features)
    res = x
    # x = self.linear(x)
    h = x @ W.T + b
    # x = torch.spmm(adj, x): out[i] = sum_j adj[i, j] * h[j]
    rows = edge_index[0]  # destination (row of adj)
    cols = edge_index[1]  # source (col of adj)
    msgs = jnp.take(h, cols, axis=0) * edge_weight[:, None]
    agg = jax.ops.segment_sum(msgs, rows, num_segments=x.shape[0])
    # F.leaky_relu(x + res, negative_slope=0.2)
    return jax.nn.leaky_relu(agg + res, negative_slope=0.2)

if __name__ == "__main__":
    import jax
    _d = setup_inputs()
    print(jax.jit(kernel)(*tuple(_d.values())))

</pallas_src>

<mosaic_0001>
#map = affine_map<(d0, d1) -> (0, 0)>
#map1 = affine_map<(d0, d1) -> (0, 0, 0)>
module attributes {stable_mosaic.version = 14 : i64} {
  func.func @_edge_body(%arg0: i32, %arg1: i32, %arg2: memref<10000x128xf32, #tpu.memory_space<hbm>>, %arg3: memref<2560x128xi32, #tpu.memory_space<hbm>>, %arg4: memref<2560x128xi32, #tpu.memory_space<hbm>>, %arg5: memref<2560x128xf32, #tpu.memory_space<hbm>>, %arg6: memref<2x10000x128xf32, #tpu.memory_space<hbm>>, %arg7: memref<88x128xi32, #tpu.memory_space<vmem>>, %arg8: memref<88x128xi32, #tpu.memory_space<vmem>>, %arg9: memref<88x128xf32, #tpu.memory_space<vmem>>, %arg10: memref<128x128xf32, #tpu.memory_space<vmem>>, %arg11: memref<10000x128xf32, #tpu.memory_space<vmem_shared>>) attributes {dimension_semantics = [#tpu.dimension_semantics<core_parallel>, #tpu.dimension_semantics<subcore_parallel>], iteration_bounds = array<i64: 2, 16>, scalar_prefetch = 0 : i64, scratch_operands = 5 : i64, tpu.core_type = #tpu.core_type<sc_vector_subcore>, window_params = [{transform_indices = #map}, {transform_indices = #map}, {transform_indices = #map}, {transform_indices = #map}, {transform_indices = #map1}]} {
    %mul3A = arith.constant 160 : i32
    %mul3A_0 = arith.muli %arg1, %mul3A : i32
    %mul3A_1 = arith.constant 72 : i32
    %mul3A_2 = arith.muli %arg0, %mul3A_1 : i32
    %add3A = arith.addi %mul3A_0, %mul3A_2 : i32
    %multiple_of3A = tpu.assume_multiple %add3A, 8 : i32
    %eq3A = arith.constant 0 : i32
    %eq3A_3 = arith.cmpi eq, %arg0, %eq3A : i32
    %jit3A = arith.constant 72 : i32
    %jit3A_4 = arith.constant 88 : i32
    %select_n3A = arith.select %eq3A_3, %jit3A, %jit3A_4 : i32
    "tpu.region"() ({
      %run_scoped3A = tpu.sem_alloc : memref<!tpu.dma_semaphore, #tpu.memory_space<semaphore_mem>>
      %dma_start3A = arith.constant 0 : i32
      %dma_start3A_49 = tpu.memref_slice %arg3[%multiple_of3A, %dma_start3A] : memref<2560x128xi32, #tpu.memory_space<hbm>> -> memref<88x128xi32, #tpu.memory_space<hbm>>
      %dma_start3A_50 = arith.constant 0 : i32
      %dma_start3A_51 = tpu.memref_slice %arg3[%multiple_of3A, %dma_start3A_50] : memref<2560x128xi32, #tpu.memory_space<hbm>> -> memref<88x128xi32, #tpu.memory_space<hbm>>
      tpu.enqueue_dma source(%dma_start3A_51 : memref<88x128xi32, #tpu.memory_space<hbm>>) target(%arg7 : memref<88x128xi32, #tpu.memory_space<vmem>>) target_semaphore(%run_scoped3A : memref<!tpu.dma_semaphore, #tpu.memory_space<semaphore_mem>>)
      %dma_wait3A = arith.constant 0 : i32
      %dma_wait3A_52 = tpu.memref_slice %arg3[%multiple_of3A, %dma_wait3A] : memref<2560x128xi32, #tpu.memory_space<hbm>> -> memref<88x128xi32, #tpu.memory_space<hbm>>
      %dma_wait3A_53 = arith.constant 0 : i32
      %dma_wait3A_54 = tpu.memref_slice %arg3[%multiple_of3A, %dma_wait3A_53] : memref<2560x128xi32, #tpu.memory_space<hbm>> -> memref<88x128xi32, #tpu.memory_space<hbm>>
      tpu.wait_dma2 semaphore(%run_scoped3A : memref<!tpu.dma_semaphore, #tpu.memory_space<semaphore_mem>>) src(%dma_wait3A_54 : memref<88x128xi32, #tpu.memory_space<hbm>>) dst(%arg7 : memref<88x128xi32, #tpu.memory_space<vmem>>)
      tpu.yield
    }) : () -> ()
    "tpu.region"() ({
      %run_scoped3A = tpu.sem_alloc : memref<!tpu.dma_semaphore, #tpu.memory_space<semaphore_mem>>
      %dma_start3A = arith.constant 0 : i32
      %dma_start3A_49 = tpu.memref_slice %arg4[%multiple_of3A, %dma_start3A] : memref<2560x128xi32, #tpu.memory_space<hbm>> -> memref<88x128xi32, #tpu.memory_space<hbm>>
      %dma_start3A_50 = arith.constant 0 : i32
      %dma_start3A_51 = tpu.memref_slice %arg4[%multiple_of3A, %dma_start3A_50] : memref<2560x128xi32, #tpu.memory_space<hbm>> -> memref<88x128xi32, #tpu.memory_space<hbm>>
      tpu.enqueue_dma source(%dma_start3A_51 : memref<88x128xi32, #tpu.memory_space<hbm>>) target(%arg8 : memref<88x128xi32, #tpu.memory_space<vmem>>) target_semaphore(%run_scoped3A : memref<!tpu.dma_semaphore, #tpu.memory_space<semaphore_mem>>)
      %dma_wait3A = arith.constant 0 : i32
      %dma_wait3A_52 = tpu.memref_slice %arg4[%multiple_of3A, %dma_wait3A] : memref<2560x128xi32, #tpu.memory_space<hbm>> -> memref<88x128xi32, #tpu.memory_space<hbm>>
      %dma_wait3A_53 = arith.constant 0 : i32
      %dma_wait3A_54 = tpu.memref_slice %arg4[%multiple_of3A, %dma_wait3A_53] : memref<2560x128xi32, #tpu.memory_space<hbm>> -> memref<88x128xi32, #tpu.memory_space<hbm>>
      tpu.wait_dma2 semaphore(%run_scoped3A : memref<!tpu.dma_semaphore, #tpu.memory_space<semaphore_mem>>) src(%dma_wait3A_54 : memref<88x128xi32, #tpu.memory_space<hbm>>) dst(%arg8 : memref<88x128xi32, #tpu.memory_space<vmem>>)
      tpu.yield
    }) : () -> ()
    "tpu.region"() ({
      %run_scoped3A = tpu.sem_alloc : memref<!tpu.dma_semaphore, #tpu.memory_space<semaphore_mem>>
      %dma_start3A = arith.constant 0 : i32
      %dma_start3A_49 = tpu.memref_slice %arg5[%multiple_of3A, %dma_start3A] : memref<2560x128xf32, #tpu.memory_space<hbm>> -> memref<88x128xf32, #tpu.memory_space<hbm>>
      %dma_start3A_50 = arith.constant 0 : i32
      %dma_start3A_51 = tpu.memref_slice %arg5[%multiple_of3A, %dma_start3A_50] : memref<2560x128xf32, #tpu.memory_space<hbm>> -> memref<88x128xf32, #tpu.memory_space<hbm>>
      tpu.enqueue_dma source(%dma_start3A_51 : memref<88x128xf32, #tpu.memory_space<hbm>>) target(%arg9 : memref<88x128xf32, #tpu.memory_space<vmem>>) target_semaphore(%run_scoped3A : memref<!tpu.dma_semaphore, #tpu.memory_space<semaphore_mem>>)
      %dma_wait3A = arith.constant 0 : i32
      %dma_wait3A_52 = tpu.memref_slice %arg5[%multiple_of3A, %dma_wait3A] : memref<2560x128xf32, #tpu.memory_space<hbm>> -> memref<88x128xf32, #tpu.memory_space<hbm>>
      %dma_wait3A_53 = arith.constant 0 : i32
      %dma_wait3A_54 = tpu.memref_slice %arg5[%multiple_of3A, %dma_wait3A_53] : memref<2560x128xf32, #tpu.memory_space<hbm>> -> memref<88x128xf32, #tpu.memory_space<hbm>>
      tpu.wait_dma2 semaphore(%run_scoped3A : memref<!tpu.dma_semaphore, #tpu.memory_space<semaphore_mem>>) src(%dma_wait3A_54 : memref<88x128xf32, #tpu.memory_space<hbm>>) dst(%arg9 : memref<88x128xf32, #tpu.memory_space<vmem>>)
      tpu.yield
    }) : () -> ()
    %broadcast_in_dim3A = arith.constant 0.000000e+00 : f32
    %broadcast_in_dim3A_5 = vector.broadcast %broadcast_in_dim3A : f32 to vector<16xf32>
    %scan3A = arith.constant 0 : i32
    %scan3A_6 = arith.constant 0 : i32
    %scan3A_7 = arith.constant 128 : i32
    %scan3A_8 = arith.addi %scan3A_6, %scan3A_7 : i32
    %scan3A_9 = arith.constant 1 : i32
    scf.for %scan3A_49 = %scan3A_6 to %scan3A_8 step %scan3A_9  : i32 {
      %swap3A = arith.index_cast %scan3A_49 : i32 to index
      %swap3A_50 = arith.constant 0 : index
      %swap3A_51 = tpu.vector_load %arg10[%swap3A, %swap3A_50] {strides = array<i32>} : memref<128x128xf32, #tpu.memory_space<vmem>>, vector<1x16xf32>,
      %swap3A_52 = vector.shape_cast %swap3A_51 : vector<1x16xf32> to vector<16xf32>
      %swap3A_53 = vector.shape_cast %broadcast_in_dim3A_5 : vector<16xf32> to vector<1x16xf32>
      tpu.vector_store %arg10[%swap3A, %swap3A_50], %swap3A_53 {strides = array<i32>} : memref<128x128xf32, #tpu.memory_space<vmem>>, vector<1x16xf32>,
      %swap3A_54 = arith.index_cast %scan3A_49 : i32 to index
      %swap3A_55 = arith.constant 16 : index
      %swap3A_56 = tpu.vector_load %arg10[%swap3A_54, %swap3A_55] {strides = array<i32>} : memref<128x128xf32, #tpu.memory_space<vmem>>, vector<1x16xf32>,
      %swap3A_57 = vector.shape_cast %swap3A_56 : vector<1x16xf32> to vector<16xf32>
      %swap3A_58 = vector.shape_cast %broadcast_in_dim3A_5 : vector<16xf32> to vector<1x16xf32>
      tpu.vector_store %arg10[%swap3A_54, %swap3A_55], %swap3A_58 {strides = array<i32>} : memref<128x128xf32, #tpu.memory_space<vmem>>, vector<1x16xf32>,
      %swap3A_59 = arith.index_cast %scan3A_49 : i32 to index
      %swap3A_60 = arith.constant 32 : index
      %swap3A_61 = tpu.vector_load %arg10[%swap3A_59, %swap3A_60] {strides = array<i32>} : memref<128x128xf32, #tpu.memory_space<vmem>>, vector<1x16xf32>,
      %swap3A_62 = vector.shape_cast %swap3A_61 : vector<1x16xf32> to vector<16xf32>
      %swap3A_63 = vector.shape_cast %broadcast_in_dim3A_5 : vector<16xf32> to vector<1x16xf32>
      tpu.vector_store %arg10[%swap3A_59, %swap3A_60], %swap3A_63 {strides = array<i32>} : memref<128x128xf32, #tpu.memory_space<vmem>>, vector<1x16xf32>,
      %swap3A_64 = arith.index_cast %scan3A_49 : i32 to index
      %swap3A_65 = arith.constant 48 : index
      %swap3A_66 = tpu.vector_load %arg10[%swap3A_64, %swap3A_65] {strides = array<i32>} : memref<128x128xf32, #tpu.memory_space<vmem>>, vector<1x16xf32>,
      %swap3A_67 = vector.shape_cast %swap3A_66 : vector<1x16xf32> to vector<16xf32>
      %swap3A_68 = vector.shape_cast %broadcast_in_dim3A_5 : vector<16xf32> to vector<1x16xf32>
      tpu.vector_store %arg10[%swap3A_64, %swap3A_65], %swap3A_68 {strides = array<i32>} : memref<128x128xf32, #tpu.memory_space<vmem>>, vector<1x16xf32>,
      %swap3A_69 = arith.index_cast %scan3A_49 : i32 to index
      %swap3A_70 = arith.constant 64 : index
      %swap3A_71 = tpu.vector_load %arg10[%swap3A_69, %swap3A_70] {strides = array<i32>} : memref<128x128xf32, #tpu.memory_space<vmem>>, vector<1x16xf32>,
      %swap3A_72 = vector.shape_cast %swap3A_71 : vector<1x16xf32> to vector<16xf32>
      %swap3A_73 = vector.shape_cast %broadcast_in_dim3A_5 : vector<16xf32> to vector<1x16xf32>
      tpu.vector_store %arg10[%swap3A_69, %swap3A_70], %swap3A_73 {strides = array<i32>} : memref<128x128xf32, #tpu.memory_space<vmem>>, vector<1x16xf32>,
      %swap3A_74 = arith.index_cast %scan3A_49 : i32 to index
      %swap3A_75 = arith.constant 80 : index
      %swap3A_76 = tpu.vector_load %arg10[%swap3A_74, %swap3A_75] {strides = array<i32>} : memref<128x128xf32, #tpu.memory_space<vmem>>, vector<1x16xf32>,
      %swap3A_77 = vector.shape_cast %swap3A_76 : vector<1x16xf32> to vector<16xf32>
      %swap3A_78 = vector.shape_cast %broadcast_in_dim3A_5 : vector<16xf32> to vector<1x16xf32>
      tpu.vector_store %arg10[%swap3A_74, %swap3A_75], %swap3A_78 {strides = array<i32>} : memref<128x128xf32, #tpu.memory_space<vmem>>, vector<1x16xf32>,
      %swap3A_79 = arith.index_cast %scan3A_49 : i32 to index
      %swap3A_80 = arith.constant 96 : index
      %swap3A_81 = tpu.vector_load %arg10[%swap3A_79, %swap3A_80] {strides = array<i32>} : memref<128x128xf32, #tpu.memory_space<vmem>>, vector<1x16xf32>,
      %swap3A_82 = vector.shape_cast %swap3A_81 : vector<1x16xf32> to vector<16xf32>
      %swap3A_83 = vector.shape_cast %broadcast_in_dim3A_5 : vector<16xf32> to vector<1x16xf32>
      tpu.vector_store %arg10[%swap3A_79, %swap3A_80], %swap3A_83 {strides = array<i32>} : memref<128x128xf32, #tpu.memory_space<vmem>>, vector<1x16xf32>,
      %swap3A_84 = arith.index_cast %scan3A_49 : i32 to index
      %swap3A_85 = arith.constant 112 : index
      %swap3A_86 = tpu.vector_load %arg10[%swap3A_84, %swap3A_85] {strides = array<i32>} : memref<128x128xf32, #tpu.memory_space<vmem>>, vector<1x16xf32>,
      %swap3A_87 = vector.shape_cast %swap3A_86 : vector<1x16xf32> to vector<16xf32>
      %swap3A_88 = vector.shape_cast %broadcast_in_dim3A_5 : vector<16xf32> to vector<1x16xf32>
      tpu.vector_store %arg10[%swap3A_84, %swap3A_85], %swap3A_88 {strides = array<i32>} : memref<128x128xf32, #tpu.memory_space<vmem>>, vector<1x16xf32>,
    }
    %scan3A_10 = arith.constant 128 : i32
    %mul3A_11 = arith.constant 624 : i32
    %mul3A_12 = arith.muli %arg1, %mul3A_11 : i32
    %add3A_13 = arith.constant 0 : i32
    %add3A_14 = arith.addi %mul3A_12, %add3A_13 : i32
    %multiple_of3A_15 = tpu.assume_multiple %add3A_14, 8 : i32
    "tpu.region"() ({
      %run_scoped3A = tpu.sem_alloc : memref<!tpu.dma_semaphore, #tpu.memory_space<semaphore_mem>>
      %dma_start3A = arith.constant 0 : i32
      %dma_start3A_49 = tpu.memref_slice %arg11[%multiple_of3A_15, %dma_start3A] : memref<10000x128xf32, #tpu.memory_space<vmem_shared>> -> memref<128x128xf32, #tpu.memory_space<vmem_shared>>
      %dma_start3A_50 = arith.constant 0 : i32
      %dma_start3A_51 = tpu.memref_slice %arg11[%multiple_of3A_15, %dma_start3A_50] : memref<10000x128xf32, #tpu.memory_space<vmem_shared>> -> memref<128x128xf32, #tpu.memory_space<vmem_shared>>
      tpu.enqueue_dma source(%arg10 : memref<128x128xf32, #tpu.memory_space<vmem>>) target(%dma_start3A_51 : memref<128x128xf32, #tpu.memory_space<vmem_shared>>) target_semaphore(%run_scoped3A : memref<!tpu.dma_semaphore, #tpu.memory_space<semaphore_mem>>)
      %dma_wait3A = arith.constant 0 : i32
      %dma_wait3A_52 = tpu.memref_slice %arg11[%multiple_of3A_15, %dma_wait3A] : memref<10000x128xf32, #tpu.memory_space<vmem_shared>> -> memref<128x128xf32, #tpu.memory_space<vmem_shared>>
      %dma_wait3A_53 = arith.constant 0 : i32
      %dma_wait3A_54 = tpu.memref_slice %arg11[%multiple_of3A_15, %dma_wait3A_53] : memref<10000x128xf32, #tpu.memory_space<vmem_shared>> -> memref<128x128xf32, #tpu.memory_space<vmem_shared>>
      tpu.wait_dma2 semaphore(%run_scoped3A : memref<!tpu.dma_semaphore, #tpu.memory_space<semaphore_mem>>) src(%arg10 : memref<128x128xf32, #tpu.memory_space<vmem>>) dst(%dma_wait3A_54 : memref<128x128xf32, #tpu.memory_space<vmem_shared>>)
      tpu.yield
    }) : () -> ()
    %add3A_16 = arith.constant 128 : i32
    %add3A_17 = arith.addi %mul3A_12, %add3A_16 : i32
    %multiple_of3A_18 = tpu.assume_multiple %add3A_17, 8 : i32
    "tpu.region"() ({
      %run_scoped3A = tpu.sem_alloc : memref<!tpu.dma_semaphore, #tpu.memory_space<semaphore_mem>>
      %dma_start3A = arith.constant 0 : i32
      %dma_start3A_49 = tpu.memref_slice %arg11[%multiple_of3A_18, %dma_start3A] : memref<10000x128xf32, #tpu.memory_space<vmem_shared>> -> memref<128x128xf32, #tpu.memory_space<vmem_shared>>
      %dma_start3A_50 = arith.constant 0 : i32
      %dma_start3A_51 = tpu.memref_slice %arg11[%multiple_of3A_18, %dma_start3A_50] : memref<10000x128xf32, #tpu.memory_space<vmem_shared>> -> memref<128x128xf32, #tpu.memory_space<vmem_shared>>
      tpu.enqueue_dma source(%arg10 : memref<128x128xf32, #tpu.memory_space<vmem>>) target(%dma_start3A_51 : memref<128x128xf32, #tpu.memory_space<vmem_shared>>) target_semaphore(%run_scoped3A : memref<!tpu.dma_semaphore, #tpu.memory_space<semaphore_mem>>)
      %dma_wait3A = arith.constant 0 : i32
      %dma_wait3A_52 = tpu.memref_slice %arg11[%multiple_of3A_18, %dma_wait3A] : memref<10000x128xf32, #tpu.memory_space<vmem_shared>> -> memref<128x128xf32, #tpu.memory_space<vmem_shared>>
      %dma_wait3A_53 = arith.constant 0 : i32
      %dma_wait3A_54 = tpu.memref_slice %arg11[%multiple_of3A_18, %dma_wait3A_53] : memref<10000x128xf32, #tpu.memory_space<vmem_shared>> -> memref<128x128xf32, #tpu.memory_space<vmem_shared>>
      tpu.wait_dma2 semaphore(%run_scoped3A : memref<!tpu.dma_semaphore, #tpu.memory_space<semaphore_mem>>) src(%arg10 : memref<128x128xf32, #tpu.memory_space<vmem>>) dst(%dma_wait3A_54 : memref<128x128xf32, #tpu.memory_space<vmem_shared>>)
      tpu.yield
    }) : () -> ()
    %add3A_19 = arith.constant 256 : i32
    %add3A_20 = arith.addi %mul3A_12, %add3A_19 : i32
    %multiple_of3A_21 = tpu.assume_multiple %add3A_20, 8 : i32
    "tpu.region"() ({
      %run_scoped3A = tpu.sem_alloc : memref<!tpu.dma_semaphore, #tpu.memory_space<semaphore_mem>>
      %dma_start3A = arith.constant 0 : i32
      %dma_start3A_49 = tpu.memref_slice %arg11[%multiple_of3A_21, %dma_start3A] : memref<10000x128xf32, #tpu.memory_space<vmem_shared>> -> memref<128x128xf32, #tpu.memory_space<vmem_shared>>
      %dma_start3A_50 = arith.constant 0 : i32
      %dma_start3A_51 = tpu.memref_slice %arg11[%multiple_of3A_21, %dma_start3A_50] : memref<10000x128xf32, #tpu.memory_space<vmem_shared>> -> memref<128x128xf32, #tpu.memory_space<vmem_shared>>
      tpu.enqueue_dma source(%arg10 : memref<128x128xf32, #tpu.memory_space<vmem>>) target(%dma_start3A_51 : memref<128x128xf32, #tpu.memory_space<vmem_shared>>) target_semaphore(%run_scoped3A : memref<!tpu.dma_semaphore, #tpu.memory_space<semaphore_mem>>)
      %dma_wait3A = arith.constant 0 : i32
      %dma_wait3A_52 = tpu.memref_slice %arg11[%multiple_of3A_21, %dma_wait3A] : memref<10000x128xf32, #tpu.memory_space<vmem_shared>> -> memref<128x128xf32, #tpu.memory_space<vmem_shared>>
      %dma_wait3A_53 = arith.constant 0 : i32
      %dma_wait3A_54 = tpu.memref_slice %arg11[%multiple_of3A_21, %dma_wait3A_53] : memref<10000x128xf32, #tpu.memory_space<vmem_shared>> -> memref<128x128xf32, #tpu.memory_space<vmem_shared>>
      tpu.wait_dma2 semaphore(%run_scoped3A : memref<!tpu.dma_semaphore, #tpu.memory_space<semaphore_mem>>) src(%arg10 : memref<128x128xf32, #tpu.memory_space<vmem>>) dst(%dma_wait3A_54 : memref<128x128xf32, #tpu.memory_space<vmem_shared>>)
      tpu.yield
    }) : () -> ()
    %add3A_22 = arith.constant 384 : i32
    %add3A_23 = arith.addi %mul3A_12, %add3A_22 : i32
    %multiple_of3A_24 = tpu.assume_multiple %add3A_23, 8 : i32
    "tpu.region"() ({
      %run_scoped3A = tpu.sem_alloc : memref<!tpu.dma_semaphore, #tpu.memory_space<semaphore_mem>>
      %dma_start3A = arith.constant 0 : i32
      %dma_start3A_49 = tpu.memref_slice %arg11[%multiple_of3A_24, %dma_start3A] : memref<10000x128xf32, #tpu.memory_space<vmem_shared>> -> memref<128x128xf32, #tpu.memory_space<vmem_shared>>
      %dma_start3A_50 = arith.constant 0 : i32
      %dma_start3A_51 = tpu.memref_slice %arg11[%multiple_of3A_24, %dma_start3A_50] : memref<10000x128xf32, #tpu.memory_space<vmem_shared>> -> memref<128x128xf32, #tpu.memory_space<vmem_shared>>
      tpu.enqueue_dma source(%arg10 : memref<128x128xf32, #tpu.memory_space<vmem>>) target(%dma_start3A_51 : memref<128x128xf32, #tpu.memory_space<vmem_shared>>) target_semaphore(%run_scoped3A : memref<!tpu.dma_semaphore, #tpu.memory_space<semaphore_mem>>)
      %dma_wait3A = arith.constant 0 : i32
      %dma_wait3A_52 = tpu.memref_slice %arg11[%multiple_of3A_24, %dma_wait3A] : memref<10000x128xf32, #tpu.memory_space<vmem_shared>> -> memref<128x128xf32, #tpu.memory_space<vmem_shared>>
      %dma_wait3A_53 = arith.constant 0 : i32
      %dma_wait3A_54 = tpu.memref_slice %arg11[%multiple_of3A_24, %dma_wait3A_53] : memref<10000x128xf32, #tpu.memory_space<vmem_shared>> -> memref<128x128xf32, #tpu.memory_space<vmem_shared>>
      tpu.wait_dma2 semaphore(%run_scoped3A : memref<!tpu.dma_semaphore, #tpu.memory_space<semaphore_mem>>) src(%arg10 : memref<128x128xf32, #tpu.memory_space<vmem>>) dst(%dma_wait3A_54 : memref<128x128xf32, #tpu.memory_space<vmem_shared>>)
      tpu.yield
    }) : () -> ()
    %add3A_25 = arith.constant 512 : i32
    %add3A_26 = arith.addi %mul3A_12, %add3A_25 : i32
    %multiple_of3A_27 = tpu.assume_multiple %add3A_26, 8 : i32
    "tpu.region"() ({
      %run_scoped3A = tpu.sem_alloc : memref<!tpu.dma_semaphore, #tpu.memory_space<semaphore_mem>>
      %dma_start3A = arith.constant 0 : i32
      %dma_start3A_49 = arith.constant 0 : i32
      %dma_start3A_50 = tpu.memref_slice %arg10[%dma_start3A, %dma_start3A_49] : memref<128x128xf32, #tpu.memory_space<vmem>> -> memref<112x128xf32, #tpu.memory_space<vmem>>
      %dma_start3A_51 = arith.constant 0 : i32
      %dma_start3A_52 = tpu.memref_slice %arg11[%multiple_of3A_27, %dma_start3A_51] : memref<10000x128xf32, #tpu.memory_space<vmem_shared>> -> memref<112x128xf32, #tpu.memory_space<vmem_shared>>
      %dma_start3A_53 = arith.constant 0 : i32
      %dma_start3A_54 = tpu.memref_slice %arg11[%multiple_of3A_27, %dma_start3A_53] : memref<10000x128xf32, #tpu.memory_space<vmem_shared>> -> memref<112x128xf32, #tpu.memory_space<vmem_shared>>
      %dma_start3A_55 = arith.constant 0 : i32
      %dma_start3A_56 = arith.constant 0 : i32
      %dma_start3A_57 = tpu.memref_slice %arg10[%dma_start3A_55, %dma_start3A_56] : memref<128x128xf32, #tpu.memory_space<vmem>> -> memref<112x128xf32, #tpu.memory_space<vmem>>
      tpu.enqueue_dma source(%dma_start3A_57 : memref<112x128xf32, #tpu.memory_space<vmem>>) target(%dma_start3A_54 : memref<112x128xf32, #tpu.memory_space<vmem_shared>>) target_semaphore(%run_scoped3A : memref<!tpu.dma_semaphore, #tpu.memory_space<semaphore_mem>>)
      %dma_wait3A = arith.constant 0 : i32
      %dma_wait3A_58 = arith.constant 0 : i32
      %dma_wait3A_59 = tpu.memref_slice %arg10[%dma_wait3A, %dma_wait3A_58] : memref<128x128xf32, #tpu.memory_space<vmem>> -> memref<112x128xf32, #tpu.memory_space<vmem>>
      %dma_wait3A_60 = arith.constant 0 : i32
      %dma_wait3A_61 = tpu.memref_slice %arg11[%multiple_of3A_27, %dma_wait3A_60] : memref<10000x128xf32, #tpu.memory_space<vmem_shared>> -> memref<112x128xf32, #tpu.memory_space<vmem_shared>>
      %dma_wait3A_62 = arith.constant 0 : i32
      %dma_wait3A_63 = tpu.memref_slice %arg11[%multiple_of3A_27, %dma_wait3A_62] : memref<10000x128xf32, #tpu.memory_space<vmem_shared>> -> memref<112x128xf32, #tpu.memory_space<vmem_shared>>
      %dma_wait3A_64 = arith.constant 0 : i32
      %dma_wait3A_65 = arith.constant 0 : i32
      %dma_wait3A_66 = tpu.memref_slice %arg10[%dma_wait3A_64, %dma_wait3A_65] : memref<128x128xf32, #tpu.memory_space<vmem>> -> memref<112x128xf32, #tpu.memory_space<vmem>>
      tpu.wait_dma2 semaphore(%run_scoped3A : memref<!tpu.dma_semaphore, #tpu.memory_space<semaphore_mem>>) src(%dma_wait3A_66 : memref<112x128xf32, #tpu.memory_space<vmem>>) dst(%dma_wait3A_63 : memref<112x128xf32, #tpu.memory_space<vmem_shared>>)
      tpu.yield
    }) : () -> ()
    %eq3A_28 = arith.constant 15 : i32
    %eq3A_29 = arith.cmpi eq, %arg1, %eq3A_28 : i32
    %convert_element_type3A = arith.extui %eq3A_29 : i1 to i32
    %cond3A = arith.constant 0 : i32
    %cond3A_30 = arith.cmpi ne, %convert_element_type3A, %cond3A : i32
    scf.if %cond3A_30 {
      %multiple_of3A_49 = arith.constant 9984 : i32
      %multiple_of3A_50 = tpu.assume_multiple %multiple_of3A_49, 8 : i32
      "tpu.region"() ({
        %run_scoped3A = tpu.sem_alloc : memref<!tpu.dma_semaphore, #tpu.memory_space<semaphore_mem>>
        %dma_start3A = arith.constant 0 : i32
        %dma_start3A_51 = arith.constant 0 : i32
        %dma_start3A_52 = tpu.memref_slice %arg10[%dma_start3A, %dma_start3A_51] : memref<128x128xf32, #tpu.memory_space<vmem>> -> memref<16x128xf32, #tpu.memory_space<vmem>>
        %dma_start3A_53 = arith.constant 0 : i32
        %dma_start3A_54 = tpu.memref_slice %arg11[%multiple_of3A_50, %dma_start3A_53] : memref<10000x128xf32, #tpu.memory_space<vmem_shared>> -> memref<16x128xf32, #tpu.memory_space<vmem_shared>>
        %dma_start3A_55 = arith.constant 0 : i32
        %dma_start3A_56 = tpu.memref_slice %arg11[%multiple_of3A_50, %dma_start3A_55] : memref<10000x128xf32, #tpu.memory_space<vmem_shared>> -> memref<16x128xf32, #tpu.memory_space<vmem_shared>>
        %dma_start3A_57 = arith.constant 0 : i32
        %dma_start3A_58 = arith.constant 0 : i32
        %dma_start3A_59 = tpu.memref_slice %arg10[%dma_start3A_57, %dma_start3A_58] : memref<128x128xf32, #tpu.memory_space<vmem>> -> memref<16x128xf32, #tpu.memory_space<vmem>>
        tpu.enqueue_dma source(%dma_start3A_59 : memref<16x128xf32, #tpu.memory_space<vmem>>) target(%dma_start3A_56 : memref<16x128xf32, #tpu.memory_space<vmem_shared>>) target_semaphore(%run_scoped3A : memref<!tpu.dma_semaphore, #tpu.memory_space<semaphore_mem>>)
        %dma_wait3A = arith.constant 0 : i32
        %dma_wait3A_60 = arith.constant 0 : i32
        %dma_wait3A_61 = tpu.memref_slice %arg10[%dma_wait3A, %dma_wait3A_60] : memref<128x128xf32, #tpu.memory_space<vmem>> -> memref<16x128xf32, #tpu.memory_space<vmem>>
        %dma_wait3A_62 = arith.constant 0 : i32
        %dma_wait3A_63 = tpu.memref_slice %arg11[%multiple_of3A_50, %dma_wait3A_62] : memref<10000x128xf32, #tpu.memory_space<vmem_shared>> -> memref<16x128xf32, #tpu.memory_space<vmem_shared>>
        %dma_wait3A_64 = arith.constant 0 : i32
        %dma_wait3A_65 = tpu.memref_slice %arg11[%multiple_of3A_50, %dma_wait3A_64] : memref<10000x128xf32, #tpu.memory_space<vmem_shared>> -> memref<16x128xf32, #tpu.memory_space<vmem_shared>>
        %dma_wait3A_66 = arith.constant 0 : i32
        %dma_wait3A_67 = arith.constant 0 : i32
        %dma_wait3A_68 = tpu.memref_slice %arg10[%dma_wait3A_66, %dma_wait3A_67] : memref<128x128xf32, #tpu.memory_space<vmem>> -> memref<16x128xf32, #tpu.memory_space<vmem>>
        tpu.wait_dma2 semaphore(%run_scoped3A : memref<!tpu.dma_semaphore, #tpu.memory_space<semaphore_mem>>) src(%dma_wait3A_68 : memref<16x128xf32, #tpu.memory_space<vmem>>) dst(%dma_wait3A_65 : memref<16x128xf32, #tpu.memory_space<vmem_shared>>)
        tpu.yield
      }) : () -> ()
    } else {
    }
    %barrier3A = arith.constant 0 : index
    tpu.barrier barrier_id(%barrier3A)
    %while3A = arith.constant 0 : i32
    %while3A_31 = arith.constant 0 : i32
    %while3A_32 = arith.subi %select_n3A, %while3A_31 : i32
    %while3A_33 = arith.addi %while3A_31, %while3A_32 : i32
    %while3A_34 = arith.constant 1 : i32
    %while3A_35 = arith.divsi %while3A_32, %while3A_34 : i32
    %while3A_36 = arith.muli %while3A_35, %while3A_34 : i32
    %while3A_37 = arith.addi %while3A_31, %while3A_36 : i32
    %while3A_38 = arith.constant 1 : i32
    scf.for %while3A_49 = %while3A_31 to %while3A_37 step %while3A_38  : i32 {
      "tpu.region"() ({
        %run_scoped3A = tpu.sem_alloc : memref<!tpu.dma_semaphore, #tpu.memory_space<semaphore_mem>>
        %dma_start3A = arith.constant 0 : i32
        %dma_start3A_56 = tpu.memref_slice %arg7[%while3A_49, %dma_start3A] : memref<88x128xi32, #tpu.memory_space<vmem>> -> memref<1x128xi32, #tpu.memory_space<vmem>>
        %dma_start3A_57 = tpu.memref_squeeze %dma_start3A_56 : memref<1x128xi32, #tpu.memory_space<vmem>> -> memref<128xi32, #tpu.memory_space<vmem>>
        %dma_start3A_58 = arith.constant 0 : i32
        %dma_start3A_59 = arith.constant 0 : i32
        %dma_start3A_60 = tpu.memref_slice %arg2[%dma_start3A_58, %dma_start3A_59] : memref<10000x128xf32, #tpu.memory_space<hbm>> -> memref<10000x128xf32, #tpu.memory_space<hbm>>
        tpu.enqueue_indirect_dma source(%dma_start3A_60 : memref<10000x128xf32, #tpu.memory_space<hbm>>) target(%arg10 : memref<128x128xf32, #tpu.memory_space<vmem>>) offsets(%dma_start3A_57 : memref<128xi32, #tpu.memory_space<vmem>>) semaphore(%run_scoped3A : memref<!tpu.dma_semaphore, #tpu.memory_space<semaphore_mem>>)
        %dma_wait3A = arith.constant 0 : i32
        %dma_wait3A_61 = tpu.memref_slice %arg7[%while3A_49, %dma_wait3A] : memref<88x128xi32, #tpu.memory_space<vmem>> -> memref<1x128xi32, #tpu.memory_space<vmem>>
        %dma_wait3A_62 = tpu.memref_squeeze %dma_wait3A_61 : memref<1x128xi32, #tpu.memory_space<vmem>> -> memref<128xi32, #tpu.memory_space<vmem>>
        %dma_wait3A_63 = arith.constant 0 : i32
        %dma_wait3A_64 = arith.constant 0 : i32
        %dma_wait3A_65 = tpu.memref_slice %arg2[%dma_wait3A_63, %dma_wait3A_64] : memref<10000x128xf32, #tpu.memory_space<hbm>> -> memref<10000x128xf32, #tpu.memory_space<hbm>>
        tpu.wait_indirect_dma semaphore(%run_scoped3A : memref<!tpu.dma_semaphore, #tpu.memory_space<semaphore_mem>>) src(%dma_wait3A_65 : memref<10000x128xf32, #tpu.memory_space<hbm>>) dst(%arg10 : memref<128x128xf32, #tpu.memory_space<vmem>>)
        tpu.yield
      }) : () -> ()
      %scan3A_50 = arith.constant 0 : i32
      %scan3A_51 = arith.constant 0 : i32
      %scan3A_52 = arith.constant 8 : i32
      %scan3A_53 = arith.addi %scan3A_51, %scan3A_52 : i32
      %scan3A_54 = arith.constant 1 : i32
      scf.for %scan3A_56 = %scan3A_51 to %scan3A_53 step %scan3A_54  : i32 {
        %mul3A_57 = arith.constant 16 : i32
        %mul3A_58 = arith.muli %scan3A_56, %mul3A_57 : i32
        %get3A = arith.index_cast %while3A_49 : i32 to index
        %get3A_59 = arith.index_cast %mul3A_58 : i32 to index
        %get3A_60 = tpu.vector_load %arg9[%get3A, %get3A_59] {strides = array<i32>} : memref<88x128xf32, #tpu.memory_space<vmem>>, vector<1x16xf32>,
        %get3A_61 = vector.shape_cast %get3A_60 : vector<1x16xf32> to vector<16xf32>
        %mul3A_62 = arith.constant 16 : i32
        %mul3A_63 = arith.muli %scan3A_56, %mul3A_62 : i32
        %add3A_64 = arith.constant 0 : i32
        %add3A_65 = arith.addi %mul3A_63, %add3A_64 : i32
        %broadcast_in_dim3A_66 = arith.constant 0 : i32
        %broadcast_in_dim3A_67 = vector.broadcast %broadcast_in_dim3A_66 : i32 to vector<16x1xi32>
        %gather3A = vector.shape_cast %broadcast_in_dim3A_67 : vector<16x1xi32> to vector<16xi32>
        %gather3A_68 = tpu.dynamic_gather %get3A_61[%gather3A] in [0] : vector<16xf32>, vector<16xi32> -> vector<16xf32>
        %get3A_69 = arith.index_cast %add3A_65 : i32 to index
        %get3A_70 = arith.constant 0 : index
        %get3A_71 = tpu.vector_load %arg10[%get3A_69, %get3A_70] {strides = array<i32>} : memref<128x128xf32, #tpu.memory_space<vmem>>, vector<1x16xf32>,
        %get3A_72 = vector.shape_cast %get3A_71 : vector<1x16xf32> to vector<16xf32>
        %mul3A_73 = arith.mulf %get3A_72, %gather3A_68 : vector<16xf32>
        %swap3A = arith.index_cast %add3A_65 : i32 to index
        %swap3A_74 = arith.constant 0 : index
        %swap3A_75 = tpu.vector_load %arg10[%swap3A, %swap3A_74] {strides = array<i32>} : memref<128x128xf32, #tpu.memory_space<vmem>>, vector<1x16xf32>,
        %swap3A_76 = vector.shape_cast %swap3A_75 : vector<1x16xf32> to vector<16xf32>
        %swap3A_77 = vector.shape_cast %mul3A_73 : vector<16xf32> to vector<1x16xf32>
        tpu.vector_store %arg10[%swap3A, %swap3A_74], %swap3A_77 {strides = array<i32>} : memref<128x128xf32, #tpu.memory_space<vmem>>, vector<1x16xf32>,
        %get3A_78 = arith.index_cast %add3A_65 : i32 to index
        %get3A_79 = arith.constant 16 : index
        %get3A_80 = tpu.vector_load %arg10[%get3A_78, %get3A_79] {strides = array<i32>} : memref<128x128xf32, #tpu.memory_space<vmem>>, vector<1x16xf32>,
        %get3A_81 = vector.shape_cast %get3A_80 : vector<1x16xf32> to vector<16xf32>
        %mul3A_82 = arith.mulf %get3A_81, %gather3A_68 : vector<16xf32>
        %swap3A_83 = arith.index_cast %add3A_65 : i32 to index
        %swap3A_84 = arith.constant 16 : index
        %swap3A_85 = tpu.vector_load %arg10[%swap3A_83, %swap3A_84] {strides = array<i32>} : memref<128x128xf32, #tpu.memory_space<vmem>>, vector<1x16xf32>,
        %swap3A_86 = vector.shape_cast %swap3A_85 : vector<1x16xf32> to vector<16xf32>
        %swap3A_87 = vector.shape_cast %mul3A_82 : vector<16xf32> to vector<1x16xf32>
        tpu.vector_store %arg10[%swap3A_83, %swap3A_84], %swap3A_87 {strides = array<i32>} : memref<128x128xf32, #tpu.memory_space<vmem>>, vector<1x16xf32>,
        %get3A_88 = arith.index_cast %add3A_65 : i32 to index
        %get3A_89 = arith.constant 32 : index
        %get3A_90 = tpu.vector_load %arg10[%get3A_88, %get3A_89] {strides = array<i32>} : memref<128x128xf32, #tpu.memory_space<vmem>>, vector<1x16xf32>,
        %get3A_91 = vector.shape_cast %get3A_90 : vector<1x16xf32> to vector<16xf32>
        %mul3A_92 = arith.mulf %get3A_91, %gather3A_68 : vector<16xf32>
        %swap3A_93 = arith.index_cast %add3A_65 : i32 to index
        %swap3A_94 = arith.constant 32 : index
        %swap3A_95 = tpu.vector_load %arg10[%swap3A_93, %swap3A_94] {strides = array<i32>} : memref<128x128xf32, #tpu.memory_space<vmem>>, vector<1x16xf32>,
        %swap3A_96 = vector.shape_cast %swap3A_95 : vector<1x16xf32> to vector<16xf32>
        %swap3A_97 = vector.shape_cast %mul3A_92 : vector<16xf32> to vector<1x16xf32>
        tpu.vector_store %arg10[%swap3A_93, %swap3A_94], %swap3A_97 {strides = array<i32>} : memref<128x128xf32, #tpu.memory_space<vmem>>, vector<1x16xf32>,
        %get3A_98 = arith.index_cast %add3A_65 : i32 to index
        %get3A_99 = arith.constant 48 : index
        %get3A_100 = tpu.vector_load %arg10[%get3A_98, %get3A_99] {strides = array<i32>} : memref<128x128xf32, #tpu.memory_space<vmem>>, vector<1x16xf32>,
        %get3A_101 = vector.shape_cast %get3A_100 : vector<1x16xf32> to vector<16xf32>
        %mul3A_102 = arith.mulf %get3A_101, %gather3A_68 : vector<16xf32>
        %swap3A_103 = arith.index_cast %add3A_65 : i32 to index
        %swap3A_104 = arith.constant 48 : index
        %swap3A_105 = tpu.vector_load %arg10[%swap3A_103, %swap3A_104] {strides = array<i32>} : memref<128x128xf32, #tpu.memory_space<vmem>>, vector<1x16xf32>,
        %swap3A_106 = vector.shape_cast %swap3A_105 : vector<1x16xf32> to vector<16xf32>
        %swap3A_107 = vector.shape_cast %mul3A_102 : vector<16xf32> to vector<1x16xf32>
        tpu.vector_store %arg10[%swap3A_103, %swap3A_104], %swap3A_107 {strides = array<i32>} : memref<128x128xf32, #tpu.memory_space<vmem>>, vector<1x16xf32>,
        %get3A_108 = arith.index_cast %add3A_65 : i32 to index
        %get3A_109 = arith.constant 64 : index
        %get3A_110 = tpu.vector_load %arg10[%get3A_108, %get3A_109] {strides = array<i32>} : memref<128x128xf32, #tpu.memory_space<vmem>>, vector<1x16xf32>,
        %get3A_111 = vector.shape_cast %get3A_110 : vector<1x16xf32> to vector<16xf32>
        %mul3A_112 = arith.mulf %get3A_111, %gather3A_68 : vector<16xf32>
        %swap3A_113 = arith.index_cast %add3A_65 : i32 to index
        %swap3A_114 = arith.constant 64 : index
        %swap3A_115 = tpu.vector_load %arg10[%swap3A_113, %swap3A_114] {strides = array<i32>} : memref<128x128xf32, #tpu.memory_space<vmem>>, vector<1x16xf32>,
        %swap3A_116 = vector.shape_cast %swap3A_115 : vector<1x16xf32> to vector<16xf32>
        %swap3A_117 = vector.shape_cast %mul3A_112 : vector<16xf32> to vector<1x16xf32>
        tpu.vector_store %arg10[%swap3A_113, %swap3A_114], %swap3A_117 {strides = array<i32>} : memref<128x128xf32, #tpu.memory_space<vmem>>, vector<1x16xf32>,
        %get3A_118 = arith.index_cast %add3A_65 : i32 to index
        %get3A_119 = arith.constant 80 : index
        %get3A_120 = tpu.vector_load %arg10[%get3A_118, %get3A_119] {strides = array<i32>} : memref<128x128xf32, #tpu.memory_space<vmem>>, vector<1x16xf32>,
        %get3A_121 = vector.shape_cast %get3A_120 : vector<1x16xf32> to vector<16xf32>
        %mul3A_122 = arith.mulf %get3A_121, %gather3A_68 : vector<16xf32>
        %swap3A_123 = arith.index_cast %add3A_65 : i32 to index
        %swap3A_124 = arith.constant 80 : index
        %swap3A_125 = tpu.vector_load %arg10[%swap3A_123, %swap3A_124] {strides = array<i32>} : memref<128x128xf32, #tpu.memory_space<vmem>>, vector<1x16xf32>,
        %swap3A_126 = vector.shape_cast %swap3A_125 : vector<1x16xf32> to vector<16xf32>
        %swap3A_127 = vector.shape_cast %mul3A_122 : vector<16xf32> to vector<1x16xf32>
        tpu.vector_store %arg10[%swap3A_123, %swap3A_124], %swap3A_127 {strides = array<i32>} : memref<128x128xf32, #tpu.memory_space<vmem>>, vector<1x16xf32>,
        %get3A_128 = arith.index_cast %add3A_65 : i32 to index
        %get3A_129 = arith.constant 96 : index
        %get3A_130 = tpu.vector_load %arg10[%get3A_128, %get3A_129] {strides = array<i32>} : memref<128x128xf32, #tpu.memory_space<vmem>>, vector<1x16xf32>,
        %get3A_131 = vector.shape_cast %get3A_130 : vector<1x16xf32> to vector<16xf32>
        %mul3A_132 = arith.mulf %get3A_131, %gather3A_68 : vector<16xf32>
        %swap3A_133 = arith.index_cast %add3A_65 : i32 to index
        %swap3A_134 = arith.constant 96 : index
        %swap3A_135 = tpu.vector_load %arg10[%swap3A_133, %swap3A_134] {strides = array<i32>} : memref<128x128xf32, #tpu.memory_space<vmem>>, vector<1x16xf32>,
        %swap3A_136 = vector.shape_cast %swap3A_135 : vector<1x16xf32> to vector<16xf32>
        %swap3A_137 = vector.shape_cast %mul3A_132 : vector<16xf32> to vector<1x16xf32>
        tpu.vector_store %arg10[%swap3A_133, %swap3A_134], %swap3A_137 {strides = array<i32>} : memref<128x128xf32, #tpu.memory_space<vmem>>, vector<1x16xf32>,
        %get3A_138 = arith.index_cast %add3A_65 : i32 to index
        %get3A_139 = arith.constant 112 : index
        %get3A_140 = tpu.vector_load %arg10[%get3A_138, %get3A_139] {strides = array<i32>} : memref<128x128xf32, #tpu.memory_space<vmem>>, vector<1x16xf32>,
        %get3A_141 = vector.shape_cast %get3A_140 : vector<1x16xf32> to vector<16xf32>
        %mul3A_142 = arith.mulf %get3A_141, %gather3A_68 : vector<16xf32>
        %swap3A_143 = arith.index_cast %add3A_65 : i32 to index
        %swap3A_144 = arith.constant 112 : index
        %swap3A_145 = tpu.vector_load %arg10[%swap3A_143, %swap3A_144] {strides = array<i32>} : memref<128x128xf32, #tpu.memory_space<vmem>>, vector<1x16xf32>,
        %swap3A_146 = vector.shape_cast %swap3A_145 : vector<1x16xf32> to vector<16xf32>
        %swap3A_147 = vector.shape_cast %mul3A_142 : vector<16xf32> to vector<1x16xf32>
        tpu.vector_store %arg10[%swap3A_143, %swap3A_144], %swap3A_147 {strides = array<i32>} : memref<128x128xf32, #tpu.memory_space<vmem>>, vector<1x16xf32>,
        %mul3A_148 = arith.constant 16 : i32
        %mul3A_149 = arith.muli %scan3A_56, %mul3A_148 : i32
        %add3A_150 = arith.constant 1 : i32
        %add3A_151 = arith.addi %mul3A_149, %add3A_150 : i32
        %broadcast_in_dim3A_152 = arith.constant 1 : i32
        %broadcast_in_dim3A_153 = vector.broadcast %broadcast_in_dim3A_152 : i32 to vector<16x1xi32>
        %gather3A_154 = vector.shape_cast %broadcast_in_dim3A_153 : vector<16x1xi32> to vector<16xi32>
        %gather3A_155 = tpu.dynamic_gather %get3A_61[%gather3A_154] in [0] : vector<16xf32>, vector<16xi32> -> vector<16xf32>
        %get3A_156 = arith.index_cast %add3A_151 : i32 to index
        %get3A_157 = arith.constant 0 : index
        %get3A_158 = tpu.vector_load %arg10[%get3A_156, %get3A_157] {strides = array<i32>} : memref<128x128xf32, #tpu.memory_space<vmem>>, vector<1x16xf32>,
        %get3A_159 = vector.shape_cast %get3A_158 : vector<1x16xf32> to vector<16xf32>
        %mul3A_160 = arith.mulf %get3A_159, %gather3A_155 : vector<16xf32>
        %swap3A_161 = arith.index_cast %add3A_151 : i32 to index
        %swap3A_162 = arith.constant 0 : index
        %swap3A_163 = tpu.vector_load %arg10[%swap3A_161, %swap3A_162] {strides = array<i32>} : memref<128x128xf32, #tpu.memory_space<vmem>>, vector<1x16xf32>,
        %swap3A_164 = vector.shape_cast %swap3A_163 : vector<1x16xf32> to vector<16xf32>
        %swap3A_165 = vector.shape_cast %mul3A_160 : vector<16xf32> to vector<1x16xf32>
        tpu.vector_store %arg10[%swap3A_161, %swap3A_162], %swap3A_165 {strides = array<i32>} : memref<128x128xf32, #tpu.memory_space<vmem>>, vector<1x16xf32>,
        %get3A_166 = arith.index_cast %add3A_151 : i32 to index
        %get3A_167 = arith.constant 16 : index
        %get3A_168 = tpu.vector_load %arg10[%get3A_166, %get3A_167] {strides = array<i32>} : memref<128x128xf32, #tpu.memory_space<vmem>>, vector<1x16xf32>,
        %get3A_169 = vector.shape_cast %get3A_168 : vector<1x16xf32> to vector<16xf32>
        %mul3A_170 = arith.mulf %get3A_169, %gather3A_155 : vector<16xf32>
        %swap3A_171 = arith.index_cast %add3A_151 : i32 to index
        %swap3A_172 = arith.constant 16 : index
        %swap3A_173 = tpu.vector_load %arg10[%swap3A_171, %swap3A_172] {strides = array<i32>} : memref<128x128xf32, #tpu.memory_space<vmem>>, vector<1x16xf32>,
        %swap3A_174 = vector.shape_cast %swap3A_173 : vector<1x16xf32> to vector<16xf32>
        %swap3A_175 = vector.shape_cast %mul3A_170 : vector<16xf32> to vector<1x16xf32>
        tpu.vector_store %arg10[%swap3A_171, %swap3A_172], %swap3A_175 {strides = array<i32>} : memref<128x128xf32, #tpu.memory_space<vmem>>, vector<1x16xf32>,
        %get3A_176 = arith.index_cast %add3A_151 : i32 to index
        %get3A_177 = arith.constant 32 : index
        %get3A_178 = tpu.vector_load %arg10[%get3A_176, %get3A_177] {strides = array<i32>} : memref<128x128xf32, #tpu.memory_space<vmem>>, vector<1x16xf32>,
        %get3A_179 = vector.shape_cast %get3A_178 : vector<1x16xf32> to vector<16xf32>
        %mul3A_180 = arith.mulf %get3A_179, %gather3A_155 : vector<16xf32>
        %swap3A_181 = arith.index_cast %add3A_151 : i32 to index
        %swap3A_182 = arith.constant 32 : index
        %swap3A_183 = tpu.vector_load %arg10[%swap3A_181, %swap3A_182] {strides = array<i32>} : memref<128x128xf32, #tpu.memory_space<vmem>>, vector<1x16xf32>,
        %swap3A_184 = vector.shape_cast %swap3A_183 : vector<1x16xf32> to vector<16xf32>
        %swap3A_185 = vector.shape_cast %mul3A_180 : vector<16xf32> to vector<1x16xf32>
        tpu.vector_store %arg10[%swap3A_181, %swap3A_182], %swap3A_185 {strides = array<i32>} : memref<128x128xf32, #tpu.memory_space<vmem>>, vector<1x16xf32>,
        %get3A_186 = arith.index_cast %add3A_151 : i32 to index
        %get3A_187 = arith.constant 48 : index
        %get3A_188 = tpu.vector_load %arg10[%get3A_186, %get3A_187] {strides = array<i32>} : memref<128x128xf32, #tpu.memory_space<vmem>>, vector<1x16xf32>,
        %get3A_189 = vector.shape_cast %get3A_188 : vector<1x16xf32> to vector<16xf32>
        %mul3A_190 = arith.mulf %get3A_189, %gather3A_155 : vector<16xf32>
        %swap3A_191 = arith.index_cast %add3A_151 : i32 to index
        %swap3A_192 = arith.constant 48 : index
        %swap3A_193 = tpu.vector_load %arg10[%swap3A_191, %swap3A_192] {strides = array<i32>} : memref<128x128xf32, #tpu.memory_space<vmem>>, vector<1x16xf32>,
        %swap3A_194 = vector.shape_cast %swap3A_193 : vector<1x16xf32> to vector<16xf32>
        %swap3A_195 = vector.shape_cast %mul3A_190 : vector<16xf32> to vector<1x16xf32>
        tpu.vector_store %arg10[%swap3A_191, %swap3A_192], %swap3A_195 {strides = array<i32>} : memref<128x128xf32, #tpu.memory_space<vmem>>, vector<1x16xf32>,
        %get3A_196 = arith.index_cast %add3A_151 : i32 to index
        %get3A_197 = arith.constant 64 : index
        %get3A_198 = tpu.vector_load %arg10[%get3A_196, %get3A_197] {strides = array<i32>} : memref<128x128xf32, #tpu.memory_space<vmem>>, vector<1x16xf32>,
        %get3A_199 = vector.shape_cast %get3A_198 : vector<1x16xf32> to vector<16xf32>
        %mul3A_200 = arith.mulf %get3A_199, %gather3A_155 : vector<16xf32>
        %swap3A_201 = arith.index_cast %add3A_151 : i32 to index
        %swap3A_202 = arith.constant 64 : index
        %swap3A_203 = tpu.vector_load %arg10[%swap3A_201, %swap3A_202] {strides = array<i32>} : memref<128x128xf32, #tpu.memory_space<vmem>>, vector<1x16xf32>,
        %swap3A_204 = vector.shape_cast %swap3A_203 : vector<1x16xf32> to vector<16xf32>
        %swap3A_205 = vector.shape_cast %mul3A_200 : vector<16xf32> to vector<1x16xf32>
        tpu.vector_store %arg10[%swap3A_201, %swap3A_202], %swap3A_205 {strides = array<i32>} : memref<128x128xf32, #tpu.memory_space<vmem>>, vector<1x16xf32>,
        %get3A_206 = arith.index_cast %add3A_151 : i32 to index
        %get3A_207 = arith.constant 80 : index
        %get3A_208 = tpu.vector_load %arg10[%get3A_206, %get3A_207] {strides = array<i32>} : memref<128x128xf32, #tpu.memory_space<vmem>>, vector<1x16xf32>,
        %get3A_209 = vector.shape_cast %get3A_208 : vector<1x16xf32> to vector<16xf32>
        %mul3A_210 = arith.mulf %get3A_209, %gather3A_155 : vector<16xf32>
        %swap3A_211 = arith.index_cast %add3A_151 : i32 to index
        %swap3A_212 = arith.constant 80 : index
        %swap3A_213 = tpu.vector_load %arg10[%swap3A_211, %swap3A_212] {strides = array<i32>} : memref<128x128xf32, #tpu.memory_space<vmem>>, vector<1x16xf32>,
        %swap3A_214 = vector.shape_cast %swap3A_213 : vector<1x16xf32> to vector<16xf32>
        %swap3A_215 = vector.shape_cast %mul3A_210 : vector<16xf32> to vector<1x16xf32>
        tpu.vector_store %arg10[%swap3A_211, %swap3A_212], %swap3A_215 {strides = array<i32>} : memref<128x128xf32, #tpu.memory_space<vmem>>, vector<1x16xf32>,
        %get3A_216 = arith.index_cast %add3A_151 : i32 to index
        %get3A_217 = arith.constant 96 : index
        %get3A_218 = tpu.vector_load %arg10[%get3A_216, %get3A_217] {strides = array<i32>} : memref<128x128xf32, #tpu.memory_space<vmem>>, vector<1x16xf32>,
        %get3A_219 = vector.shape_cast %get3A_218 : vector<1x16xf32> to vector<16xf32>
        %mul3A_220 = arith.mulf %get3A_219, %gather3A_155 : vector<16xf32>
        %swap3A_221 = arith.index_cast %add3A_151 : i32 to index
        %swap3A_222 = arith.constant 96 : index
        %swap3A_223 = tpu.vector_load %arg10[%swap3A_221, %swap3A_222] {strides = array<i32>} : memref<128x128xf32, #tpu.memory_space<vmem>>, vector<1x16xf32>,
        %swap3A_224 = vector.shape_cast %swap3A_223 : vector<1x16xf32> to vector<16xf32>
        %swap3A_225 = vector.shape_cast %mul3A_220 : vector<16xf32> to vector<1x16xf32>
        tpu.vector_store %arg10[%swap3A_221, %swap3A_222], %swap3A_225 {strides = array<i32>} : memref<128x128xf32, #tpu.memory_space<vmem>>, vector<1x16xf32>,
        %get3A_226 = arith.index_cast %add3A_151 : i32 to index
        %get3A_227 = arith.constant 112 : index
        %get3A_228 = tpu.vector_load %arg10[%get3A_226, %get3A_227] {strides = array<i32>} : memref<128x128xf32, #tpu.memory_space<vmem>>, vector<1x16xf32>,
        %get3A_229 = vector.shape_cast %get3A_228 : vector<1x16xf32> to vector<16xf32>
        %mul3A_230 = arith.mulf %get3A_229, %gather3A_155 : vector<16xf32>
        %swap3A_231 = arith.index_cast %add3A_151 : i32 to index
        %swap3A_232 = arith.constant 112 : index
        %swap3A_233 = tpu.vector_load %arg10[%swap3A_231, %swap3A_232] {strides = array<i32>} : memref<128x128xf32, #tpu.memory_space<vmem>>, vector<1x16xf32>,
        %swap3A_234 = vector.shape_cast %swap3A_233 : vector<1x16xf32> to vector<16xf32>
        %swap3A_235 = vector.shape_cast %mul3A_230 : vector<16xf32> to vector<1x16xf32>
        tpu.vector_store %arg10[%swap3A_231, %swap3A_232], %swap3A_235 {strides = array<i32>} : memref<128x128xf32, #tpu.memory_space<vmem>>, vector<1x16xf32>,
        %mul3A_236 = arith.constant 16 : i32
        %mul3A_237 = arith.muli %scan3A_56, %mul3A_236 : i32
        %add3A_238 = arith.constant 2 : i32
        %add3A_239 = arith.addi %mul3A_237, %add3A_238 : i32
        %broadcast_in_dim3A_240 = arith.constant 2 : i32
        %broadcast_in_dim3A_241 = vector.broadcast %broadcast_in_dim3A_240 : i32 to vector<16x1xi32>
        %gather3A_242 = vector.shape_cast %broadcast_in_dim3A_241 : vector<16x1xi32> to vector<16xi32>
        %gather3A_243 = tpu.dynamic_gather %get3A_61[%gather3A_242] in [0] : vector<16xf32>, vector<16xi32> -> vector<16xf32>
        %get3A_244 = arith.index_cast %add3A_239 : i32 to index
        %get3A_245 = arith.constant 0 : index
        %get3A_246 = tpu.vector_load %arg10[%get3A_244, %get3A_245] {strides = array<i32>} : memref<128x128xf32, #tpu.memory_space<vmem>>, vector<1x16xf32>,
        %get3A_247 = vector.shape_cast %get3A_246 : vector<1x16xf32> to vector<16xf32>
        %mul3A_248 = arith.mulf %get3A_247, %gather3A_243 : vector<16xf32>
        %swap3A_249 = arith.index_cast %add3A_239 : i32 to index
        %swap3A_250 = arith.constant 0 : index
        %swap3A_251 = tpu.vector_load %arg10[%swap3A_249, %swap3A_250] {strides = array<i32>} : memref<128x128xf32, #tpu.memory_space<vmem>>, vector<1x16xf32>,
        %swap3A_252 = vector.shape_cast %swap3A_251 : vector<1x16xf32> to vector<16xf32>
        %swap3A_253 = vector.shape_cast %mul3A_248 : vector<16xf32> to vector<1x16xf32>
        tpu.vector_store %arg10[%swap3A_249, %swap3A_250], %swap3A_253 {strides = array<i32>} : memref<128x128xf32, #tpu.memory_space<vmem>>, vector<1x16xf32>,
        %get3A_254 = arith.index_cast %add3A_239 : i32 to index
        %get3A_255 = arith.constant 16 : index
        %get3A_256 = tpu.vector_load %arg10[%get3A_254, %get3A_255] {strides = array<i32>} : memref<128x128xf32, #tpu.memory_space<vmem>>, vector<1x16xf32>,
        %get3A_257 = vector.shape_cast %get3A_256 : vector<1x16xf32> to vector<16xf32>
        %mul3A_258 = arith.mulf %get3A_257, %gather3A_243 : vector<16xf32>
        %swap3A_259 = arith.index_cast %add3A_239 : i32 to index
        %swap3A_260 = arith.constant 16 : index
        %swap3A_261 = tpu.vector_load %arg10[%swap3A_259, %swap3A_260] {strides = array<i32>} : memref<128x128xf32, #tpu.memory_space<vmem>>, vector<1x16xf32>,
        %swap3A_262 = vector.shape_cast %swap3A_261 : vector<1x16xf32> to vector<16xf32>
        %swap3A_263 = vector.shape_cast %mul3A_258 : vector<16xf32> to vector<1x16xf32>
        tpu.vector_store %arg10[%swap3A_259, %swap3A_260], %swap3A_263 {strides = array<i32>} : memref<128x128xf32, #tpu.memory_space<vmem>>, vector<1x16xf32>,
        %get3A_264 = arith.index_cast %add3A_239 : i32 to index
        %get3A_265 = arith.constant 32 : index
        %get3A_266 = tpu.vector_load %arg10[%get3A_264, %get3A_265] {strides = array<i32>} : memref<128x128xf32, #tpu.memory_space<vmem>>, vector<1x16xf32>,
        %get3A_267 = vector.shape_cast %get3A_266 : vector<1x16xf32> to vector<16xf32>
        %mul3A_268 = arith.mulf %get3A_267, %gather3A_243 : vector<16xf32>
        %swap3A_269 = arith.index_cast %add3A_239 : i32 to index
        %swap3A_270 = arith.constant 32 : index
        %swap3A_271 = tpu.vector_load %arg10[%swap3A_269, %swap3A_270] {strides = array<i32>} : memref<128x128xf32, #tpu.memory_space<vmem>>, vector<1x16xf32>,
        %swap3A_272 = vector.shape_cast %swap3A_271 : vector<1x16xf32> to vector<16xf32>
        %swap3A_273 = vector.shape_cast %mul3A_268 : vector<16xf32> to vector<1x16xf32>
        tpu.vector_store %arg10[%swap3A_269, %swap3A_270], %swap3A_273 {strides = array<i32>} : memref<128x128xf32, #tpu.memory_space<vmem>>, vector<1x16xf32>,
        %get3A_274 = arith.index_cast %add3A_239 : i32 to index
        %get3A_275 = arith.constant 48 : index
        %get3A_276 = tpu.vector_load %arg10[%get3A_274, %get3A_275] {strides = array<i32>} : memref<128x128xf32, #tpu.memory_space<vmem>>, vector<1x16xf32>,
        %get3A_277 = vector.shape_cast %get3A_276 : vector<1x16xf32> to vector<16xf32>
        %mul3A_278 = arith.mulf %get3A_277, %gather3A_243 : vector<16xf32>
        %swap3A_279 = arith.index_cast %add3A_239 : i32 to index
        %swap3A_280 = arith.constant 48 : index
        %swap3A_281 = tpu.vector_load %arg10[%swap3A_279, %swap3A_280] {strides = array<i32>} : memref<128x128xf32, #tpu.memory_space<vmem>>, vector<1x16xf32>,
        %swap3A_282 = vector.shape_cast %swap3A_281 : vector<1x16xf32> to vector<16xf32>
        %swap3A_283 = vector.shape_cast %mul3A_278 : vector<16xf32> to vector<1x16xf32>
        tpu.vector_store %arg10[%swap3A_279, %swap3A_280], %swap3A_283 {strides = array<i32>} : memref<128x128xf32, #tpu.memory_space<vmem>>, vector<1x16xf32>,
        %get3A_284 = arith.index_cast %add3A_239 : i32 to index
        %get3A_285 = arith.constant 64 : index
        %get3A_286 = tpu.vector_load %arg10[%get3A_284, %get3A_285] {strides = array<i32>} : memref<128x128xf32, #tpu.memory_space<vmem>>, vector<1x16xf32>,
        %get3A_287 = vector.shape_cast %get3A_286 : vector<1x16xf32> to vector<16xf32>
        %mul3A_288 = arith.mulf %get3A_287, %gather3A_243 : vector<16xf32>
        %swap3A_289 = arith.index_cast %add3A_239 : i32 to index
        %swap3A_290 = arith.constant 64 : index
        %swap3A_291 = tpu.vector_load %arg10[%swap3A_289, %swap3A_290] {strides = array<i32>} : memref<128x128xf32, #tpu.memory_space<vmem>>, vector<1x16xf32>,
        %swap3A_292 = vector.shape_cast %swap3A_291 : vector<1x16xf32> to vector<16xf32>
        %swap3A_293 = vector.shape_cast %mul3A_288 : vector<16xf32> to vector<1x16xf32>
        tpu.vector_store %arg10[%swap3A_289, %swap3A_290], %swap3A_293 {strides = array<i32>} : memref<128x128xf32, #tpu.memory_space<vmem>>, vector<1x16xf32>,
        %get3A_294 = arith.index_cast %add3A_239 : i32 to index
        %get3A_295 = arith.constant 80 : index
        %get3A_296 = tpu.vector_load %arg10[%get3A_294, %get3A_295] {strides = array<i32>} : memref<128x128xf32, #tpu.memory_space<vmem>>, vector<1x16xf32>,
        %get3A_297 = vector.shape_cast %get3A_296 : vector<1x16xf32> to vector<16xf32>
        %mul3A_298 = arith.mulf %get3A_297, %gather3A_243 : vector<16xf32>
        %swap3A_299 = arith.index_cast %add3A_239 : i32 to index
        %swap3A_300 = arith.constant 80 : index
        %swap3A_301 = tpu.vector_load %arg10[%swap3A_299, %swap3A_300] {strides = array<i32>} : memref<128x128xf32, #tpu.memory_space<vmem>>, vector<1x16xf32>,
        %swap3A_302 = vector.shape_cast %swap3A_301 : vector<1x16xf32> to vector<16xf32>
        %swap3A_303 = vector.shape_cast %mul3A_298 : vector<16xf32> to vector<1x16xf32>
        tpu.vector_store %arg10[%swap3A_299, %swap3A_300], %swap3A_303 {strides = array<i32>} : memref<128x128xf32, #tpu.memory_space<vmem>>, vector<1x16xf32>,
        %get3A_304 = arith.index_cast %add3A_239 : i32 to index
        %get3A_305 = arith.constant 96 : index
        %get3A_306 = tpu.vector_load %arg10[%get3A_304, %get3A_305] {strides = array<i32>} : memref<128x128xf32, #tpu.memory_space<vmem>>, vector<1x16xf32>,
        %get3A_307 = vector.shape_cast %get3A_306 : vector<1x16xf32> to vector<16xf32>
        %mul3A_308 = arith.mulf %get3A_307, %gather3A_243 : vector<16xf32>
        %swap3A_309 = arith.index_cast %add3A_239 : i32 to index
        %swap3A_310 = arith.constant 96 : index
        %swap3A_311 = tpu.vector_load %arg10[%swap3A_309, %swap3A_310] {strides = array<i32>} : memref<128x128xf32, #tpu.memory_space<vmem>>, vector<1x16xf32>,
        %swap3A_312 = vector.shape_cast %swap3A_311 : vector<1x16xf32> to vector<16xf32>
        %swap3A_313 = vector.shape_cast %mul3A_308 : vector<16xf32> to vector<1x16xf32>
        tpu.vector_store %arg10[%swap3A_309, %swap3A_310], %swap3A_313 {strides = array<i32>} : memref<128x128xf32, #tpu.memory_space<vmem>>, vector<1x16xf32>,
        %get3A_314 = arith.index_cast %add3A_239 : i32 to index
        %get3A_315 = arith.constant 112 : index
        %get3A_316 = tpu.vector_load %arg10[%get3A_314, %get3A_315] {strides = array<i32>} : memref<128x128xf32, #tpu.memory_space<vmem>>, vector<1x16xf32>,
        %get3A_317 = vector.shape_cast %get3A_316 : vector<1x16xf32> to vector<16xf32>
        %mul3A_318 = arith.mulf %get3A_317, %gather3A_243 : vector<16xf32>
        %swap3A_319 = arith.index_cast %add3A_239 : i32 to index
        %swap3A_320 = arith.constant 112 : index
        %swap3A_321 = tpu.vector_load %arg10[%swap3A_319, %swap3A_320] {strides = array<i32>} : memref<128x128xf32, #tpu.memory_space<vmem>>, vector<1x16xf32>,
        %swap3A_322 = vector.shape_cast %swap3A_321 : vector<1x16xf32> to vector<16xf32>
        %swap3A_323 = vector.shape_cast %mul3A_318 : vector<16xf32> to vector<1x16xf32>
        tpu.vector_store %arg10[%swap3A_319, %swap3A_320], %swap3A_323 {strides = array<i32>} : memref<128x128xf32, #tpu.memory_space<vmem>>, vector<1x16xf32>,
        %mul3A_324 = arith.constant 16 : i32
        %mul3A_325 = arith.muli %scan3A_56, %mul3A_324 : i32
        %add3A_326 = arith.constant 3 : i32
        %add3A_327 = arith.addi %mul3A_325, %add3A_326 : i32
        %broadcast_in_dim3A_328 = arith.constant 3 : i32
        %broadcast_in_dim3A_329 = vector.broadcast %broadcast_in_dim3A_328 : i32 to vector<16x1xi32>
        %gather3A_330 = vector.shape_cast %broadcast_in_dim3A_329 : vector<16x1xi32> to vector<16xi32>
        %gather3A_331 = tpu.dynamic_gather %get3A_61[%gather3A_330] in [0] : vector<16xf32>, vector<16xi32> -> vector<16xf32>
        %get3A_332 = arith.index_cast %add3A_327 : i32 to index
        %get3A_333 = arith.constant 0 : index
        %get3A_334 = tpu.vector_load %arg10[%get3A_332, %get3A_333] {strides = array<i32>} : memref<128x128xf32, #tpu.memory_space<vmem>>, vector<1x16xf32>,
        %get3A_335 = vector.shape_cast %get3A_334 : vector<1x16xf32> to vector<16xf32>
        %mul3A_336 = arith.mulf %get3A_335, %gather3A_331 : vector<16xf32>
        %swap3A_337 = arith.index_cast %add3A_327 : i32 to index
        %swap3A_338 = arith.constant 0 : index
        %swap3A_339 = tpu.vector_load %arg10[%swap3A_337, %swap3A_338] {strides = array<i32>} : memref<128x128xf32, #tpu.memory_space<vmem>>, vector<1x16xf32>,
        %swap3A_340 = vector.shape_cast %swap3A_339 : vector<1x16xf32> to vector<16xf32>
        %swap3A_341 = vector.shape_cast %mul3A_336 : vector<16xf32> to vector<1x16xf32>
        tpu.vector_store %arg10[%swap3A_337, %swap3A_338], %swap3A_341 {strides = array<i32>} : memref<128x128xf32, #tpu.memory_space<vmem>>, vector<1x16xf32>,
        %get3A_342 = arith.index_cast %add3A_327 : i32 to index
        %get3A_343 = arith.constant 16 : index
        %get3A_344 = tpu.vector_load %arg10[%get3A_342, %get3A_343] {strides = array<i32>} : memref<128x128xf32, #tpu.memory_space<vmem>>, vector<1x16xf32>,
        %get3A_345 = vector.shape_cast %get3A_344 : vector<1x16xf32> to vector<16xf32>
        %mul3A_346 = arith.mulf %get3A_345, %gather3A_331 : vector<16xf32>
        %swap3A_347 = arith.index_cast %add3A_327 : i32 to index
        %swap3A_348 = arith.constant 16 : index
        %swap3A_349 = tpu.vector_load %arg10[%swap3A_347, %swap3A_348] {strides = array<i32>} : memref<128x128xf32, #tpu.memory_space<vmem>>, vector<1x16xf32>,
        %swap3A_350 = vector.shape_cast %swap3A_349 : vector<1x16xf32> to vector<16xf32>
        %swap3A_351 = vector.shape_cast %mul3A_346 : vector<16xf32> to vector<1x16xf32>
        tpu.vector_store %arg10[%swap3A_347, %swap3A_348], %swap3A_351 {strides = array<i32>} : memref<128x128xf32, #tpu.memory_space<vmem>>, vector<1x16xf32>,
        %get3A_352 = arith.index_cast %add3A_327 : i32 to index
        %get3A_353 = arith.constant 32 : index
        %get3A_354 = tpu.vector_load %arg10[%get3A_352, %get3A_353] {strides = array<i32>} : memref<128x128xf32, #tpu.memory_space<vmem>>, vector<1x16xf32>,
        %get3A_355 = vector.shape_cast %get3A_354 : vector<1x16xf32> to vector<16xf32>
        %mul3A_356 = arith.mulf %get3A_355, %gather3A_331 : vector<16xf32>
        %swap3A_357 = arith.index_cast %add3A_327 : i32 to index
        %swap3A_358 = arith.constant 32 : index
        %swap3A_359 = tpu.vector_load %arg10[%swap3A_357, %swap3A_358] {strides = array<i32>} : memref<128x128xf32, #tpu.memory_space<vmem>>, vector<1x16xf32>,
        %swap3A_360 = vector.shape_cast %swap3A_359 : vector<1x16xf32> to vector<16xf32>
        %swap3A_361 = vector.shape_cast %mul3A_356 : vector<16xf32> to vector<1x16xf32>
        tpu.vector_store %arg10[%swap3A_357, %swap3A_358], %swap3A_361 {strides = array<i32>} : memref<128x128xf32, #tpu.memory_space<vmem>>, vector<1x16xf32>,
        %get3A_362 = arith.index_cast %add3A_327 : i32 to index
        %get3A_363 = arith.constant 48 : index
        %get3A_364 = tpu.vector_load %arg10[%get3A_362, %get3A_363] {strides = array<i32>} : memref<128x128xf32, #tpu.memory_space<vmem>>, vector<1x16xf32>,
        %get3A_365 = vector.shape_cast %get3A_364 : vector<1x16xf32> to vector<16xf32>
        %mul3A_366 = arith.mulf %get3A_365, %gather3A_331 : vector<16xf32>
        %swap3A_367 = arith.index_cast %add3A_327 : i32 to index
        %swap3A_368 = arith.constant 48 : index
        %swap3A_369 = tpu.vector_load %arg10[%swap3A_367, %swap3A_368] {strides = array<i32>} : memref<128x128xf32, #tpu.memory_space<vmem>>, vector<1x16xf32>,
        %swap3A_370 = vector.shape_cast %swap3A_369 : vector<1x16xf32> to vector<16xf32>
        %swap3A_371 = vector.shape_cast %mul3A_366 : vector<16xf32> to vector<1x16xf32>
        tpu.vector_store %arg10[%swap3A_367, %swap3A_368], %swap3A_371 {strides = array<i32>} : memref<128x128xf32, #tpu.memory_space<vmem>>, vector<1x16xf32>,
        %get3A_372 = arith.index_cast %add3A_327 : i32 to index
        %get3A_373 = arith.constant 64 : index
        %get3A_374 = tpu.vector_load %arg10[%get3A_372, %get3A_373] {strides = array<i32>} : memref<128x128xf32, #tpu.memory_space<vmem>>, vector<1x16xf32>,
        %get3A_375 = vector.shape_cast %get3A_374 : vector<1x16xf32> to vector<16xf32>
        %mul3A_376 = arith.mulf %get3A_375, %gather3A_331 : vector<16xf32>
        %swap3A_377 = arith.index_cast %add3A_327 : i32 to index
        %swap3A_378 = arith.constant 64 : index
        %swap3A_379 = tpu.vector_load %arg10[%swap3A_377, %swap3A_378] {strides = array<i32>} : memref<128x128xf32, #tpu.memory_space<vmem>>, vector<1x16xf32>,
        %swap3A_380 = vector.shape_cast %swap3A_379 : vector<1x16xf32> to vector<16xf32>
        %swap3A_381 = vector.shape_cast %mul3A_376 : vector<16xf32> to vector<1x16xf32>
        tpu.vector_store %arg10[%swap3A_377, %swap3A_378], %swap3A_381 {strides = array<i32>} : memref<128x128xf32, #tpu.memory_space<vmem>>, vector<1x16xf32>,
        %get3A_382 = arith.index_cast %add3A_327 : i32 to index
        %get3A_383 = arith.constant 80 : index
        %get3A_384 = tpu.vector_load %arg10[%get3A_382, %get3A_383] {strides = array<i32>} : memref<128x128xf32, #tpu.memory_space<vmem>>, vector<1x16xf32>,
        %get3A_385 = vector.shape_cast %get3A_384 : vector<1x16xf32> to vector<16xf32>
        %mul3A_386 = arith.mulf %get3A_385, %gather3A_331 : vector<16xf32>
        %swap3A_387 = arith.index_cast %add3A_327 : i32 to index
        %swap3A_388 = arith.constant 80 : index
        %swap3A_389 = tpu.vector_load %arg10[%swap3A_387, %swap3A_388] {strides = array<i32>} : memref<128x128xf32, #tpu.memory_space<vmem>>, vector<1x16xf32>,
        %swap3A_390 = vector.shape_cast %swap3A_389 : vector<1x16xf32> to vector<16xf32>
        %swap3A_391 = vector.shape_cast %mul3A_386 : vector<16xf32> to vector<1x16xf32>
        tpu.vector_store %arg10[%swap3A_387, %swap3A_388], %swap3A_391 {strides = array<i32>} : memref<128x128xf32, #tpu.memory_space<vmem>>, vector<1x16xf32>,
        %get3A_392 = arith.index_cast %add3A_327 : i32 to index
        %get3A_393 = arith.constant 96 : index
        %get3A_394 = tpu.vector_load %arg10[%get3A_392, %get3A_393] {strides = array<i32>} : memref<128x128xf32, #tpu.memory_space<vmem>>, vector<1x16xf32>,
        %get3A_395 = vector.shape_cast %get3A_394 : vector<1x16xf32> to vector<16xf32>
        %mul3A_396 = arith.mulf %get3A_395, %gather3A_331 : vector<16xf32>
        %swap3A_397 = arith.index_cast %add3A_327 : i32 to index
        %swap3A_398 = arith.constant 96 : index
        %swap3A_399 = tpu.vector_load %arg10[%swap3A_397, %swap3A_398] {strides = array<i32>} : memref<128x128xf32, #tpu.memory_space<vmem>>, vector<1x16xf32>,
        %swap3A_400 = vector.shape_cast %swap3A_399 : vector<1x16xf32> to vector<16xf32>
        %swap3A_401 = vector.shape_cast %mul3A_396 : vector<16xf32> to vector<1x16xf32>
        tpu.vector_store %arg10[%swap3A_397, %swap3A_398], %swap3A_401 {strides = array<i32>} : memref<128x128xf32, #tpu.memory_space<vmem>>, vector<1x16xf32>,
        %get3A_402 = arith.index_cast %add3A_327 : i32 to index
        %get3A_403 = arith.constant 112 : index
        %get3A_404 = tpu.vector_load %arg10[%get3A_402, %get3A_403] {strides = array<i32>} : memref<128x128xf32, #tpu.memory_space<vmem>>, vector<1x16xf32>,
        %get3A_405 = vector.shape_cast %get3A_404 : vector<1x16xf32> to vector<16xf32>
        %mul3A_406 = arith.mulf %get3A_405, %gather3A_331 : vector<16xf32>
        %swap3A_407 = arith.index_cast %add3A_327 : i32 to index
        %swap3A_408 = arith.constant 112 : index
        %swap3A_409 = tpu.vector_load %arg10[%swap3A_407, %swap3A_408] {strides = array<i32>} : memref<128x128xf32, #tpu.memory_space<vmem>>, vector<1x16xf32>,
        %swap3A_410 = vector.shape_cast %swap3A_409 : vector<1x16xf32> to vector<16xf32>
        %swap3A_411 = vector.shape_cast %mul3A_406 : vector<16xf32> to vector<1x16xf32>
        tpu.vector_store %arg10[%swap3A_407, %swap3A_408], %swap3A_411 {strides = array<i32>} : memref<128x128xf32, #tpu.memory_space<vmem>>, vector<1x16xf32>,
        %mul3A_412 = arith.constant 16 : i32
        %mul3A_413 = arith.muli %scan3A_56, %mul3A_412 : i32
        %add3A_414 = arith.constant 4 : i32
        %add3A_415 = arith.addi %mul3A_413, %add3A_414 : i32
        %broadcast_in_dim3A_416 = arith.constant 4 : i32
        %broadcast_in_dim3A_417 = vector.broadcast %broadcast_in_dim3A_416 : i32 to vector<16x1xi32>
        %gather3A_418 = vector.shape_cast %broadcast_in_dim3A_417 : vector<16x1xi32> to vector<16xi32>
        %gather3A_419 = tpu.dynamic_gather %get3A_61[%gather3A_418] in [0] : vector<16xf32>, vector<16xi32> -> vector<16xf32>
        %get3A_420 = arith.index_cast %add3A_415 : i32 to index
        %get3A_421 = arith.constant 0 : index
        %get3A_422 = tpu.vector_load %arg10[%get3A_420, %get3A_421] {strides = array<i32>} : memref<128x128xf32, #tpu.memory_space<vmem>>, vector<1x16xf32>,
        %get3A_423 = vector.shape_cast %get3A_422 : vector<1x16xf32> to vector<16xf32>
        %mul3A_424 = arith.mulf %get3A_423, %gather3A_419 : vector<16xf32>
        %swap3A_425 = arith.index_cast %add3A_415 : i32 to index
        %swap3A_426 = arith.constant 0 : index
        %swap3A_427 = tpu.vector_load %arg10[%swap3A_425, %swap3A_426] {strides = array<i32>} : memref<128x128xf32, #tpu.memory_space<vmem>>, vector<1x16xf32>,
        %swap3A_428 = vector.shape_cast %swap3A_427 : vector<1x16xf32> to vector<16xf32>
        %swap3A_429 = vector.shape_cast %mul3A_424 : vector<16xf32> to vector<1x16xf32>
        tpu.vector_store %arg10[%swap3A_425, %swap3A_426], %swap3A_429 {strides = array<i32>} : memref<128x128xf32, #tpu.memory_space<vmem>>, vector<1x16xf32>,
        %get3A_430 = arith.index_cast %add3A_415 : i32 to index
        %get3A_431 = arith.constant 16 : index
        %get3A_432 = tpu.vector_load %arg10[%get3A_430, %get3A_431] {strides = array<i32>} : memref<128x128xf32, #tpu.memory_space<vmem>>, vector<1x16xf32>,
        %get3A_433 = vector.shape_cast %get3A_432 : vector<1x16xf32> to vector<16xf32>
        %mul3A_434 = arith.mulf %get3A_433, %gather3A_419 : vector<16xf32>
        %swap3A_435 = arith.index_cast %add3A_415 : i32 to index
        %swap3A_436 = arith.constant 16 : index
        %swap3A_437 = tpu.vector_load %arg10[%swap3A_435, %swap3A_436] {strides = array<i32>} : memref<128x128xf32, #tpu.memory_space<vmem>>, vector<1x16xf32>,
        %swap3A_438 = vector.shape_cast %swap3A_437 : vector<1x16xf32> to vector<16xf32>
        %swap3A_439 = vector.shape_cast %mul3A_434 : vector<16xf32> to vector<1x16xf32>
        tpu.vector_store %arg10[%swap3A_435, %swap3A_436], %swap3A_439 {strides = array<i32>} : memref<128x128xf32, #tpu.memory_space<vmem>>, vector<1x16xf32>,
        %get3A_440 = arith.index_cast %add3A_415 : i32 to index
        %get3A_441 = arith.constant 32 : index
        %get3A_442 = tpu.vector_load %arg10[%get3A_440, %get3A_441] {strides = array<i32>} : memref<128x128xf32, #tpu.memory_space<vmem>>, vector<1x16xf32>,
        %get3A_443 = vector.shape_cast %get3A_442 : vector<1x16xf32> to vector<16xf32>
        %mul3A_444 = arith.mulf %get3A_443, %gather3A_419 : vector<16xf32>
        %swap3A_445 = arith.index_cast %add3A_415 : i32 to index
        %swap3A_446 = arith.constant 32 : index
        %swap3A_447 = tpu.vector_load %arg10[%swap3A_445, %swap3A_446] {strides = array<i32>} : memref<128x128xf32, #tpu.memory_space<vmem>>, vector<1x16xf32>,
        %swap3A_448 = vector.shape_cast %swap3A_447 : vector<1x16xf32> to vector<16xf32>
        %swap3A_449 = vector.shape_cast %mul3A_444 : vector<16xf32> to vector<1x16xf32>
        tpu.vector_store %arg10[%swap3A_445, %swap3A_446], %swap3A_449 {strides = array<i32>} : memref<128x128xf32, #tpu.memory_space<vmem>>, vector<1x16xf32>,
        %get3A_450 = arith.index_cast %add3A_415 : i32 to index
        %get3A_451 = arith.constant 48 : index
        %get3A_452 = tpu.vector_load %arg10[%get3A_450, %get3A_451] {strides = array<i32>} : memref<128x128xf32, #tpu.memory_space<vmem>>, vector<1x16xf32>,
        %get3A_453 = vector.shape_cast %get3A_452 : vector<1x16xf32> to vector<16xf32>
        %mul3A_454 = arith.mulf %get3A_453, %gather3A_419 : vector<16xf32>
        %swap3A_455 = arith.index_cast %add3A_415 : i32 to index
        %swap3A_456 = arith.constant 48 : index
        %swap3A_457 = tpu.vector_load %arg10[%swap3A_455, %swap3A_456] {strides = array<i32>} : memref<128x128xf32, #tpu.memory_space<vmem>>, vector<1x16xf32>,
        %swap3A_458 = vector.shape_cast %swap3A_457 : vector<1x16xf32> to vector<16xf32>
        %swap3A_459 = vector.shape_cast %mul3A_454 : vector<16xf32> to vector<1x16xf32>
        tpu.vector_store %arg10[%swap3A_455, %swap3A_456], %swap3A_459 {strides = array<i32>} : memref<128x128xf32, #tpu.memory_space<vmem>>, vector<1x16xf32>,
        %get3A_460 = arith.index_cast %add3A_415 : i32 to index
        %get3A_461 = arith.constant 64 : index
        %get3A_462 = tpu.vector_load %arg10[%get3A_460, %get3A_461] {strides = array<i32>} : memref<128x128xf32, #tpu.memory_space<vmem>>, vector<1x16xf32>,
        %get3A_463 = vector.shape_cast %get3A_462 : vector<1x16xf32> to vector<16xf32>
        %mul3A_464 = arith.mulf %get3A_463, %gather3A_419 : vector<16xf32>
        %swap3A_465 = arith.index_cast %add3A_415 : i32 to index
        %swap3A_466 = arith.constant 64 : index
        %swap3A_467 = tpu.vector_load %arg10[%swap3A_465, %swap3A_466] {strides = array<i32>} : memref<128x128xf32, #tpu.memory_space<vmem>>, vector<1x16xf32>,
        %swap3A_468 = vector.shape_cast %swap3A_467 : vector<1x16xf32> to vector<16xf32>
        %swap3A_469 = vector.shape_cast %mul3A_464 : vector<16xf32> to vector<1x16xf32>
        tpu.vector_store %arg10[%swap3A_465, %swap3A_466], %swap3A_469 {strides = array<i32>} : memref<128x128xf32, #tpu.memory_space<vmem>>, vector<1x16xf32>,
        %get3A_470 = arith.index_cast %add3A_415 : i32 to index
        %get3A_471 = arith.constant 80 : index
        %get3A_472 = tpu.vector_load %arg10[%get3A_470, %get3A_471] {strides = array<i32>} : memref<128x128xf32, #tpu.memory_space<vmem>>, vector<1x16xf32>,
        %get3A_473 = vector.shape_cast %get3A_472 : vector<1x16xf32> to vector<16xf32>
        %mul3A_474 = arith.mulf %get3A_473, %gather3A_419 : vector<16xf32>
        %swap3A_475 = arith.index_cast %add3A_415 : i32 to index
        %swap3A_476 = arith.constant 80 : index
        %swap3A_477 = tpu.vector_load %arg10[%swap3A_475, %swap3A_476] {strides = array<i32>} : memref<128x128xf32, #tpu.memory_space<vmem>>, vector<1x16xf32>,
        %swap3A_478 = vector.shape_cast %swap3A_477 : vector<1x16xf32> to vector<16xf32>
        %swap3A_479 = vector.shape_cast %mul3A_474 : vector<16xf32> to vector<1x16xf32>
        tpu.vector_store %arg10[%swap3A_475, %swap3A_476], %swap3A_479 {strides = array<i32>} : memref<128x128xf32, #tpu.memory_space<vmem>>, vector<1x16xf32>,
        %get3A_480 = arith.index_cast %add3A_415 : i32 to index
        %get3A_481 = arith.constant 96 : index
        %get3A_482 = tpu.vector_load %arg10[%get3A_480, %get3A_481] {strides = array<i32>} : memref<128x128xf32, #tpu.memory_space<vmem>>, vector<1x16xf32>,
        %get3A_483 = vector.shape_cast %get3A_482 : vector<1x16xf32> to vector<16xf32>
        %mul3A_484 = arith.mulf %get3A_483, %gather3A_419 : vector<16xf32>
        %swap3A_485 = arith.index_cast %add3A_415 : i32 to index
        %swap3A_486 = arith.constant 96 : index
        %swap3A_487 = tpu.vector_load %arg10[%swap3A_485, %swap3A_486] {strides = array<i32>} : memref<128x128xf32, #tpu.memory_space<vmem>>, vector<1x16xf32>,
        %swap3A_488 = vector.shape_cast %swap3A_487 : vector<1x16xf32> to vector<16xf32>
        %swap3A_489 = vector.shape_cast %mul3A_484 : vector<16xf32> to vector<1x16xf32>
        tpu.vector_store %arg10[%swap3A_485, %swap3A_486], %swap3A_489 {strides = array<i32>} : memref<128x128xf32, #tpu.memory_space<vmem>>, vector<1x16xf32>,
        %get3A_490 = arith.index_cast %add3A_415 : i32 to index
        %get3A_491 = arith.constant 112 : index
        %get3A_492 = tpu.vector_load %arg10[%get3A_490, %get3A_491] {strides = array<i32>} : memref<128x128xf32, #tpu.memory_space<vmem>>, vector<1x16xf32>,
        %get3A_493 = vector.shape_cast %get3A_492 : vector<1x16xf32> to vector<16xf32>
        %mul3A_494 = arith.mulf %get3A_493, %gather3A_419 : vector<16xf32>
        %swap3A_495 = arith.index_cast %add3A_415 : i32 to index
        %swap3A_496 = arith.constant 112 : index
        %swap3A_497 = tpu.vector_load %arg10[%swap3A_495, %swap3A_496] {strides = array<i32>} : memref<128x128xf32, #tpu.memory_space<vmem>>, vector<1x16xf32>,
        %swap3A_498 = vector.shape_cast %swap3A_497 : vector<1x16xf32> to vector<16xf32>
        %swap3A_499 = vector.shape_cast %mul3A_494 : vector<16xf32> to vector<1x16xf32>
        tpu.vector_store %arg10[%swap3A_495, %swap3A_496], %swap3A_499 {strides = array<i32>} : memref<128x128xf32, #tpu.memory_space<vmem>>, vector<1x16xf32>,
        %mul3A_500 = arith.constant 16 : i32
        %mul3A_501 = arith.muli %scan3A_56, %mul3A_500 : i32
        %add3A_502 = arith.constant 5 : i32
        %add3A_503 = arith.addi %mul3A_501, %add3A_502 : i32
        %broadcast_in_dim3A_504 = arith.constant 5 : i32
        %broadcast_in_dim3A_505 = vector.broadcast %broadcast_in_dim3A_504 : i32 to vector<16x1xi32>
        %gather3A_506 = vector.shape_cast %broadcast_in_dim3A_505 : vector<16x1xi32> to vector<16xi32>
        %gather3A_507 = tpu.dynamic_gather %get3A_61[%gather3A_506] in [0] : vector<16xf32>, vector<16xi32> -> vector<16xf32>
        %get3A_508 = arith.index_cast %add3A_503 : i32 to index
        %get3A_509 = arith.constant 0 : index
        %get3A_510 = tpu.vector_load %arg10[%get3A_508, %get3A_509] {strides = array<i32>} : memref<128x128xf32, #tpu.memory_space<vmem>>, vector<1x16xf32>,
        %get3A_511 = vector.shape_cast %get3A_510 : vector<1x16xf32> to vector<16xf32>
        %mul3A_512 = arith.mulf %get3A_511, %gather3A_507 : vector<16xf32>
        %swap3A_513 = arith.index_cast %add3A_503 : i32 to index
        %swap3A_514 = arith.constant 0 : index
        %swap3A_515 = tpu.vector_load %arg10[%swap3A_513, %swap3A_514] {strides = array<i32>} : memref<128x128xf32, #tpu.memory_space<vmem>>, vector<1x16xf32>,
        %swap3A_516 = vector.shape_cast %swap3A_515 : vector<1x16xf32> to vector<16xf32>
        %swap3A_517 = vector.shape_cast %mul3A_512 : vector<16xf32> to vector<1x16xf32>
        tpu.vector_store %arg10[%swap3A_513, %swap3A_514], %swap3A_517 {strides = array<i32>} : memref<128x128xf32, #tpu.memory_space<vmem>>, vector<1x16xf32>,
        %get3A_518 = arith.index_cast %add3A_503 : i32 to index
        %get3A_519 = arith.constant 16 : index
        %get3A_520 = tpu.vector_load %arg10[%get3A_518, %get3A_519] {strides = array<i32>} : memref<128x128xf32, #tpu.memory_space<vmem>>, vector<1x16xf32>,
        %get3A_521 = vector.shape_cast %get3A_520 : vector<1x16xf32> to vector<16xf32>
        %mul3A_522 = arith.mulf %get3A_521, %gather3A_507 : vector<16xf32>
        %swap3A_523 = arith.index_cast %add3A_503 : i32 to index
        %swap3A_524 = arith.constant 16 : index
        %swap3A_525 = tpu.vector_load %arg10[%swap3A_523, %swap3A_524] {strides = array<i32>} : memref<128x128xf32, #tpu.memory_space<vmem>>, vector<1x16xf32>,
        %swap3A_526 = vector.shape_cast %swap3A_525 : vector<1x16xf32> to vector<16xf32>
        %swap3A_527 = vector.shape_cast %mul3A_522 : vector<16xf32> to vector<1x16xf32>
        tpu.vector_store %arg10[%swap3A_523, %swap3A_524], %swap3A_527 {strides = array<i32>} : memref<128x128xf32, #tpu.memory_space<vmem>>, vector<1x16xf32>,
        %get3A_528 = arith.index_cast %add3A_503 : i32 to index
        %get3A_529 = arith.constant 32 : index
        %get3A_530 = tpu.vector_load %arg10[%get3A_528, %get3A_529] {strides = array<i32>} : memref<128x128xf32, #tpu.memory_space<vmem>>, vector<1x16xf32>,
        %get3A_531 = vector.shape_cast %get3A_530 : vector<1x16xf32> to vector<16xf32>
        %mul3A_532 = arith.mulf %get3A_531, %gather3A_507 : vector<16xf32>
        %swap3A_533 = arith.index_cast %add3A_503 : i32 to index
        %swap3A_534 = arith.constant 32 : index
        %swap3A_535 = tpu.vector_load %arg10[%swap3A_533, %swap3A_534] {strides = array<i32>} : memref<128x128xf32, #tpu.memory_space<vmem>>, vector<1x16xf32>,
        %swap3A_536 = vector.shape_cast %swap3A_535 : vector<1x16xf32> to vector<16xf32>
        %swap3A_537 = vector.shape_cast %mul3A_532 : vector<16xf32> to vector<1x16xf32>
        tpu.vector_store %arg10[%swap3A_533, %swap3A_534], %swap3A_537 {strides = array<i32>} : memref<128x128xf32, #tpu.memory_space<vmem>>, vector<1x16xf32>,
        %get3A_538 = arith.index_cast %add3A_503 : i32 to index
        %get3A_539 = arith.constant 48 : index
        %get3A_540 = tpu.vector_load %arg10[%get3A_538, %get3A_539] {strides = array<i32>} : memref<128x128xf32, #tpu.memory_space<vmem>>, vector<1x16xf32>,
        %get3A_541 = vector.shape_cast %get3A_540 : vector<1x16xf32> to vector<16xf32>
        %mul3A_542 = arith.mulf %get3A_541, %gather3A_507 : vector<16xf32>
        %swap3A_543 = arith.index_cast %add3A_503 : i32 to index
        %swap3A_544 = arith.constant 48 : index
        %swap3A_545 = tpu.vector_load %arg10[%swap3A_543, %swap3A_544] {strides = array<i32>} : memref<128x128xf32, #tpu.memory_space<vmem>>, vector<1x16xf32>,
        %swap3A_546 = vector.shape_cast %swap3A_545 : vector<1x16xf32> to vector<16xf32>
        %swap3A_547 = vector.shape_cast %mul3A_542 : vector<16xf32> to vector<1x16xf32>
        tpu.vector_store %arg10[%swap3A_543, %swap3A_544], %swap3A_547 {strides = array<i32>} : memref<128x128xf32, #tpu.memory_space<vmem>>, vector<1x16xf32>,
        %get3A_548 = arith.index_cast %add3A_503 : i32 to index
        %get3A_549 = arith.constant 64 : index
        %get3A_550 = tpu.vector_load %arg10[%get3A_548, %get3A_549] {strides = array<i32>} : memref<128x128xf32, #tpu.memory_space<vmem>>, vector<1x16xf32>,
        %get3A_551 = vector.shape_cast %get3A_550 : vector<1x16xf32> to vector<16xf32>
        %mul3A_552 = arith.mulf %get3A_551, %gather3A_507 : vector<16xf32>
        %swap3A_553 = arith.index_cast %add3A_503 : i32 to index
        %swap3A_554 = arith.constant 64 : index
        %swap3A_555 = tpu.vector_load %arg10[%swap3A_553, %swap3A_554] {strides = array<i32>} : memref<128x128xf32, #tpu.memory_space<vmem>>, vector<1x16xf32>,
        %swap3A_556 = vector.shape_cast %swap3A_555 : vector<1x16xf32> to vector<16xf32>
        %swap3A_557 = vector.shape_cast %mul3A_552 : vector<16xf32> to vector<1x16xf32>
        tpu.vector_store %arg10[%swap3A_553, %swap3A_554], %swap3A_557 {strides = array<i32>} : memref<128x128xf32, #tpu.memory_space<vmem>>, vector<1x16xf32>,
        %get3A_558 = arith.index_cast %add3A_503 : i32 to index
        %get3A_559 = arith.constant 80 : index
        %get3A_560 = tpu.vector_load %arg10[%get3A_558, %get3A_559] {strides = array<i32>} : memref<128x128xf32, #tpu.memory_space<vmem>>, vector<1x16xf32>,
        %get3A_561 = vector.shape_cast %get3A_560 : vector<1x16xf32> to vector<16xf32>
        %mul3A_562 = arith.mulf %get3A_561, %gather3A_507 : vector<16xf32>
        %swap3A_563 = arith.index_cast %add3A_503 : i32 to index
        %swap3A_564 = arith.constant 80 : index
        %swap3A_565 = tpu.vector_load %arg10[%swap3A_563, %swap3A_564] {strides = array<i32>} : memref<128x128xf32, #tpu.memory_space<vmem>>, vector<1x16xf32>,
        %swap3A_566 = vector.shape_cast %swap3A_565 : vector<1x16xf32> to vector<16xf32>
        %swap3A_567 = vector.shape_cast %mul3A_562 : vector<16xf32> to vector<1x16xf32>
        tpu.vector_store %arg10[%swap3A_563, %swap3A_564], %swap3A_567 {strides = array<i32>} : memref<128x128xf32, #tpu.memory_space<vmem>>, vector<1x16xf32>,
        %get3A_568 = arith.index_cast %add3A_503 : i32 to index
        %get3A_569 = arith.constant 96 : index
        %get3A_570 = tpu.vector_load %arg10[%get3A_568, %get3A_569] {strides = array<i32>} : memref<128x128xf32, #tpu.memory_space<vmem>>, vector<1x16xf32>,
        %get3A_571 = vector.shape_cast %get3A_570 : vector<1x16xf32> to vector<16xf32>
        %mul3A_572 = arith.mulf %get3A_571, %gather3A_507 : vector<16xf32>
        %swap3A_573 = arith.index_cast %add3A_503 : i32 to index
        %swap3A_574 = arith.constant 96 : index
        %swap3A_575 = tpu.vector_load %arg10[%swap3A_573, %swap3A_574] {strides = array<i32>} : memref<128x128xf32, #tpu.memory_space<vmem>>, vector<1x16xf32>,
        %swap3A_576 = vector.shape_cast %swap3A_575 : vector<1x16xf32> to vector<16xf32>
        %swap3A_577 = vector.shape_cast %mul3A_572 : vector<16xf32> to vector<1x16xf32>
        tpu.vector_store %arg10[%swap3A_573, %swap3A_574], %swap3A_577 {strides = array<i32>} : memref<128x128xf32, #tpu.memory_space<vmem>>, vector<1x16xf32>,
        %get3A_578 = arith.index_cast %add3A_503 : i32 to index
        %get3A_579 = arith.constant 112 : index
        %get3A_580 = tpu.vector_load %arg10[%get3A_578, %get3A_579] {strides = array<i32>} : memref<128x128xf32, #tpu.memory_space<vmem>>, vector<1x16xf32>,
        %get3A_581 = vector.shape_cast %get3A_580 : vector<1x16xf32> to vector<16xf32>
        %mul3A_582 = arith.mulf %get3A_581, %gather3A_507 : vector<16xf32>
        %swap3A_583 = arith.index_cast %add3A_503 : i32 to index
        %swap3A_584 = arith.constant 112 : index
        %swap3A_585 = tpu.vector_load %arg10[%swap3A_583, %swap3A_584] {strides = array<i32>} : memref<128x128xf32, #tpu.memory_space<vmem>>, vector<1x16xf32>,
        %swap3A_586 = vector.shape_cast %swap3A_585 : vector<1x16xf32> to vector<16xf32>
        %swap3A_587 = vector.shape_cast %mul3A_582 : vector<16xf32> to vector<1x16xf32>
        tpu.vector_store %arg10[%swap3A_583, %swap3A_584], %swap3A_587 {strides = array<i32>} : memref<128x128xf32, #tpu.memory_space<vmem>>, vector<1x16xf32>,
        %mul3A_588 = arith.constant 16 : i32
        %mul3A_589 = arith.muli %scan3A_56, %mul3A_588 : i32
        %add3A_590 = arith.constant 6 : i32
        %add3A_591 = arith.addi %mul3A_589, %add3A_590 : i32
        %broadcast_in_dim3A_592 = arith.constant 6 : i32
        %broadcast_in_dim3A_593 = vector.broadcast %broadcast_in_dim3A_592 : i32 to vector<16x1xi32>
        %gather3A_594 = vector.shape_cast %broadcast_in_dim3A_593 : vector<16x1xi32> to vector<16xi32>
        %gather3A_595 = tpu.dynamic_gather %get3A_61[%gather3A_594] in [0] : vector<16xf32>, vector<16xi32> -> vector<16xf32>
        %get3A_596 = arith.index_cast %add3A_591 : i32 to index
        %get3A_597 = arith.constant 0 : index
        %get3A_598 = tpu.vector_load %arg10[%get3A_596, %get3A_597] {strides = array<i32>} : memref<128x128xf32, #tpu.memory_space<vmem>>, vector<1x16xf32>,
        %get3A_599 = vector.shape_cast %get3A_598 : vector<1x16xf32> to vector<16xf32>
        %mul3A_600 = arith.mulf %get3A_599, %gather3A_595 : vector<16xf32>
        %swap3A_601 = arith.index_cast %add3A_591 : i32 to index
        %swap3A_602 = arith.constant 0 : index
        %swap3A_603 = tpu.vector_load %arg10[%swap3A_601, %swap3A_602] {strides = array<i32>} : memref<128x128xf32, #tpu.memory_space<vmem>>, vector<1x16xf32>,
        %swap3A_604 = vector.shape_cast %swap3A_603 : vector<1x16xf32> to vector<16xf32>
        %swap3A_605 = vector.shape_cast %mul3A_600 : vector<16xf32> to vector<1x16xf32>
        tpu.vector_store %arg10[%swap3A_601, %swap3A_602], %swap3A_605 {strides = array<i32>} : memref<128x128xf32, #tpu.memory_space<vmem>>, vector<1x16xf32>,
        %get3A_606 = arith.index_cast %add3A_591 : i32 to index
        %get3A_607 = arith.constant 16 : index
        %get3A_608 = tpu.vector_load %arg10[%get3A_606, %get3A_607] {strides = array<i32>} : memref<128x128xf32, #tpu.memory_space<vmem>>, vector<1x16xf32>,
        %get3A_609 = vector.shape_cast %get3A_608 : vector<1x16xf32> to vector<16xf32>
        %mul3A_610 = arith.mulf %get3A_609, %gather3A_595 : vector<16xf32>
        %swap3A_611 = arith.index_cast %add3A_591 : i32 to index
        %swap3A_612 = arith.constant 16 : index
        %swap3A_613 = tpu.vector_load %arg10[%swap3A_611, %swap3A_612] {strides = array<i32>} : memref<128x128xf32, #tpu.memory_space<vmem>>, vector<1x16xf32>,
        %swap3A_614 = vector.shape_cast %swap3A_613 : vector<1x16xf32> to vector<16xf32>
        %swap3A_615 = vector.shape_cast %mul3A_610 : vector<16xf32> to vector<1x16xf32>
        tpu.vector_store %arg10[%swap3A_611, %swap3A_612], %swap3A_615 {strides = array<i32>} : memref<128x128xf32, #tpu.memory_space<vmem>>, vector<1x16xf32>,
        %get3A_616 = arith.index_cast %add3A_591 : i32 to index
        %get3A_617 = arith.constant 32 : index
        %get3A_618 = tpu.vector_load %arg10[%get3A_616, %get3A_617] {strides = array<i32>} : memref<128x128xf32, #tpu.memory_space<vmem>>, vector<1x16xf32>,
        %get3A_619 = vector.shape_cast %get3A_618 : vector<1x16xf32> to vector<16xf32>
        %mul3A_620 = arith.mulf %get3A_619, %gather3A_595 : vector<16xf32>
        %swap3A_621 = arith.index_cast %add3A_591 : i32 to index
        %swap3A_622 = arith.constant 32 : index
        %swap3A_623 = tpu.vector_load %arg10[%swap3A_621, %swap3A_622] {strides = array<i32>} : memref<128x128xf32, #tpu.memory_space<vmem>>, vector<1x16xf32>,
        %swap3A_624 = vector.shape_cast %swap3A_623 : vector<1x16xf32> to vector<16xf32>
        %swap3A_625 = vector.shape_cast %mul3A_620 : vector<16xf32> to vector<1x16xf32>
        tpu.vector_store %arg10[%swap3A_621, %swap3A_622], %swap3A_625 {strides = array<i32>} : memref<128x128xf32, #tpu.memory_space<vmem>>, vector<1x16xf32>,
        %get3A_626 = arith.index_cast %add3A_591 : i32 to index
        %get3A_627 = arith.constant 48 : index
        %get3A_628 = tpu.vector_load %arg10[%get3A_626, %get3A_627] {strides = array<i32>} : memref<128x128xf32, #tpu.memory_space<vmem>>, vector<1x16xf32>,
        %get3A_629 = vector.shape_cast %get3A_628 : vector<1x16xf32> to vector<16xf32>
        %mul3A_630 = arith.mulf %get3A_629, %gather3A_595 : vector<16xf32>
        %swap3A_631 = arith.index_cast %add3A_591 : i32 to index
        %swap3A_632 = arith.constant 48 : index
        %swap3A_633 = tpu.vector_load %arg10[%swap3A_631, %swap3A_632] {strides = array<i32>} : memref<128x128xf32, #tpu.memory_space<vmem>>, vector<1x16xf32>,
        %swap3A_634 = vector.shape_cast %swap3A_633 : vector<1x16xf32> to vector<16xf32>
        %swap3A_635 = vector.shape_cast %mul3A_630 : vector<16xf32> to vector<1x16xf32>
        tpu.vector_store %arg10[%swap3A_631, %swap3A_632], %swap3A_635 {strides = array<i32>} : memref<128x128xf32, #tpu.memory_space<vmem>>, vector<1x16xf32>,
        %get3A_636 = arith.index_cast %add3A_591 : i32 to index
        %get3A_637 = arith.constant 64 : index
        %get3A_638 = tpu.vector_load %arg10[%get3A_636, %get3A_637] {strides = array<i32>} : memref<128x128xf32, #tpu.memory_space<vmem>>, vector<1x16xf32>,
        %get3A_639 = vector.shape_cast %get3A_638 : vector<1x16xf32> to vector<16xf32>
        %mul3A_640 = arith.mulf %get3A_639, %gather3A_595 : vector<16xf32>
        %swap3A_641 = arith.index_cast %add3A_591 : i32 to index
        %swap3A_642 = arith.constant 64 : index
        %swap3A_643 = tpu.vector_load %arg10[%swap3A_641, %swap3A_642] {strides = array<i32>} : memref<128x128xf32, #tpu.memory_space<vmem>>, vector<1x16xf32>,
        %swap3A_644 = vector.shape_cast %swap3A_643 : vector<1x16xf32> to vector<16xf32>
        %swap3A_645 = vector.shape_cast %mul3A_640 : vector<16xf32> to vector<1x16xf32>
        tpu.vector_store %arg10[%swap3A_641, %swap3A_642], %swap3A_645 {strides = array<i32>} : memref<128x128xf32, #tpu.memory_space<vmem>>, vector<1x16xf32>,
        %get3A_646 = arith.index_cast %add3A_591 : i32 to index
        %get3A_647 = arith.constant 80 : index
        %get3A_648 = tpu.vector_load %arg10[%get3A_646, %get3A_647] {strides = array<i32>} : memref<128x128xf32, #tpu.memory_space<vmem>>, vector<1x16xf32>,
        %get3A_649 = vector.shape_cast %get3A_648 : vector<1x16xf32> to vector<16xf32>
        %mul3A_650 = arith.mulf %get3A_649, %gather3A_595 : vector<16xf32>
        %swap3A_651 = arith.index_cast %add3A_591 : i32 to index
        %swap3A_652 = arith.constant 80 : index
        %swap3A_653 = tpu.vector_load %arg10[%swap3A_651, %swap3A_652] {strides = array<i32>} : memref<128x128xf32, #tpu.memory_space<vmem>>, vector<1x16xf32>,
        %swap3A_654 = vector.shape_cast %swap3A_653 : vector<1x16xf32> to vector<16xf32>
        %swap3A_655 = vector.shape_cast %mul3A_650 : vector<16xf32> to vector<1x16xf32>
        tpu.vector_store %arg10[%swap3A_651, %swap3A_652], %swap3A_655 {strides = array<i32>} : memref<128x128xf32, #tpu.memory_space<vmem>>, vector<1x16xf32>,
        %get3A_656 = arith.index_cast %add3A_591 : i32 to index
        %get3A_657 = arith.constant 96 : index
        %get3A_658 = tpu.vector_load %arg10[%get3A_656, %get3A_657] {strides = array<i32>} : memref<128x128xf32, #tpu.memory_space<vmem>>, vector<1x16xf32>,
        %get3A_659 = vector.shape_cast %get3A_658 : vector<1x16xf32> to vector<16xf32>
        %mul3A_660 = arith.mulf %get3A_659, %gather3A_595 : vector<16xf32>
        %swap3A_661 = arith.index_cast %add3A_591 : i32 to index
        %swap3A_662 = arith.constant 96 : index
        %swap3A_663 = tpu.vector_load %arg10[%swap3A_661, %swap3A_662] {strides = array<i32>} : memref<128x128xf32, #tpu.memory_space<vmem>>, vector<1x16xf32>,
        %swap3A_664 = vector.shape_cast %swap3A_663 : vector<1x16xf32> to vector<16xf32>
        %swap3A_665 = vector.shape_cast %mul3A_660 : vector<16xf32> to vector<1x16xf32>
        tpu.vector_store %arg10[%swap3A_661, %swap3A_662], %swap3A_665 {strides = array<i32>} : memref<128x128xf32, #tpu.memory_space<vmem>>, vector<1x16xf32>,
        %get3A_666 = arith.index_cast %add3A_591 : i32 to index
        %get3A_667 = arith.constant 112 : index
        %get3A_668 = tpu.vector_load %arg10[%get3A_666, %get3A_667] {strides = array<i32>} : memref<128x128xf32, #tpu.memory_space<vmem>>, vector<1x16xf32>,
        %get3A_669 = vector.shape_cast %get3A_668 : vector<1x16xf32> to vector<16xf32>
        %mul3A_670 = arith.mulf %get3A_669, %gather3A_595 : vector<16xf32>
        %swap3A_671 = arith.index_cast %add3A_591 : i32 to index
        %swap3A_672 = arith.constant 112 : index
        %swap3A_673 = tpu.vector_load %arg10[%swap3A_671, %swap3A_672] {strides = array<i32>} : memref<128x128xf32, #tpu.memory_space<vmem>>, vector<1x16xf32>,
        %swap3A_674 = vector.shape_cast %swap3A_673 : vector<1x16xf32> to vector<16xf32>
        %swap3A_675 = vector.shape_cast %mul3A_670 : vector<16xf32> to vector<1x16xf32>
        tpu.vector_store %arg10[%swap3A_671, %swap3A_672], %swap3A_675 {strides = array<i32>} : memref<128x128xf32, #tpu.memory_space<vmem>>, vector<1x16xf32>,
        %mul3A_676 = arith.constant 16 : i32
        %mul3A_677 = arith.muli %scan3A_56, %mul3A_676 : i32
        %add3A_678 = arith.constant 7 : i32
        %add3A_679 = arith.addi %mul3A_677, %add3A_678 : i32
        %broadcast_in_dim3A_680 = arith.constant 7 : i32
        %broadcast_in_dim3A_681 = vector.broadcast %broadcast_in_dim3A_680 : i32 to vector<16x1xi32>
        %gather3A_682 = vector.shape_cast %broadcast_in_dim3A_681 : vector<16x1xi32> to vector<16xi32>
        %gather3A_683 = tpu.dynamic_gather %get3A_61[%gather3A_682] in [0] : vector<16xf32>, vector<16xi32> -> vector<16xf32>
        %get3A_684 = arith.index_cast %add3A_679 : i32 to index
        %get3A_685 = arith.constant 0 : index
        %get3A_686 = tpu.vector_load %arg10[%get3A_684, %get3A_685] {strides = array<i32>} : memref<128x128xf32, #tpu.memory_space<vmem>>, vector<1x16xf32>,
        %get3A_687 = vector.shape_cast %get3A_686 : vector<1x16xf32> to vector<16xf32>
        %mul3A_688 = arith.mulf %get3A_687, %gather3A_683 : vector<16xf32>
        %swap3A_689 = arith.index_cast %add3A_679 : i32 to index
        %swap3A_690 = arith.constant 0 : index
        %swap3A_691 = tpu.vector_load %arg10[%swap3A_689, %swap3A_690] {strides = array<i32>} : memref<128x128xf32, #tpu.memory_space<vmem>>, vector<1x16xf32>,
        %swap3A_692 = vector.shape_cast %swap3A_691 : vector<1x16xf32> to vector<16xf32>
        %swap3A_693 = vector.shape_cast %mul3A_688 : vector<16xf32> to vector<1x16xf32>
        tpu.vector_store %arg10[%swap3A_689, %swap3A_690], %swap3A_693 {strides = array<i32>} : memref<128x128xf32, #tpu.memory_space<vmem>>, vector<1x16xf32>,
        %get3A_694 = arith.index_cast %add3A_679 : i32 to index
        %get3A_695 = arith.constant 16 : index
        %get3A_696 = tpu.vector_load %arg10[%get3A_694, %get3A_695] {strides = array<i32>} : memref<128x128xf32, #tpu.memory_space<vmem>>, vector<1x16xf32>,
        %get3A_697 = vector.shape_cast %get3A_696 : vector<1x16xf32> to vector<16xf32>
        %mul3A_698 = arith.mulf %get3A_697, %gather3A_683 : vector<16xf32>
        %swap3A_699 = arith.index_cast %add3A_679 : i32 to index
        %swap3A_700 = arith.constant 16 : index
        %swap3A_701 = tpu.vector_load %arg10[%swap3A_699, %swap3A_700] {strides = array<i32>} : memref<128x128xf32, #tpu.memory_space<vmem>>, vector<1x16xf32>,
        %swap3A_702 = vector.shape_cast %swap3A_701 : vector<1x16xf32> to vector<16xf32>
        %swap3A_703 = vector.shape_cast %mul3A_698 : vector<16xf32> to vector<1x16xf32>
        tpu.vector_store %arg10[%swap3A_699, %swap3A_700], %swap3A_703 {strides = array<i32>} : memref<128x128xf32, #tpu.memory_space<vmem>>, vector<1x16xf32>,
        %get3A_704 = arith.index_cast %add3A_679 : i32 to index
        %get3A_705 = arith.constant 32 : index
        %get3A_706 = tpu.vector_load %arg10[%get3A_704, %get3A_705] {strides = array<i32>} : memref<128x128xf32, #tpu.memory_space<vmem>>, vector<1x16xf32>,
        %get3A_707 = vector.shape_cast %get3A_706 : vector<1x16xf32> to vector<16xf32>
        %mul3A_708 = arith.mulf %get3A_707, %gather3A_683 : vector<16xf32>
        %swap3A_709 = arith.index_cast %add3A_679 : i32 to index
        %swap3A_710 = arith.constant 32 : index
        %swap3A_711 = tpu.vector_load %arg10[%swap3A_709, %swap3A_710] {strides = array<i32>} : memref<128x128xf32, #tpu.memory_space<vmem>>, vector<1x16xf32>,
        %swap3A_712 = vector.shape_cast %swap3A_711 : vector<1x16xf32> to vector<16xf32>
        %swap3A_713 = vector.shape_cast %mul3A_708 : vector<16xf32> to vector<1x16xf32>
        tpu.vector_store %arg10[%swap3A_709, %swap3A_710], %swap3A_713 {strides = array<i32>} : memref<128x128xf32, #tpu.memory_space<vmem>>, vector<1x16xf32>,
        %get3A_714 = arith.index_cast %add3A_679 : i32 to index
        %get3A_715 = arith.constant 48 : index
        %get3A_716 = tpu.vector_load %arg10[%get3A_714, %get3A_715] {strides = array<i32>} : memref<128x128xf32, #tpu.memory_space<vmem>>, vector<1x16xf32>,
        %get3A_717 = vector.shape_cast %get3A_716 : vector<1x16xf32> to vector<16xf32>
        %mul3A_718 = arith.mulf %get3A_717, %gather3A_683 : vector<16xf32>
        %swap3A_719 = arith.index_cast %add3A_679 : i32 to index
        %swap3A_720 = arith.constant 48 : index
        %swap3A_721 = tpu.vector_load %arg10[%swap3A_719, %swap3A_720] {strides = array<i32>} : memref<128x128xf32, #tpu.memory_space<vmem>>, vector<1x16xf32>,
        %swap3A_722 = vector.shape_cast %swap3A_721 : vector<1x16xf32> to vector<16xf32>
        %swap3A_723 = vector.shape_cast %mul3A_718 : vector<16xf32> to vector<1x16xf32>
        tpu.vector_store %arg10[%swap3A_719, %swap3A_720], %swap3A_723 {strides = array<i32>} : memref<128x128xf32, #tpu.memory_space<vmem>>, vector<1x16xf32>,
        %get3A_724 = arith.index_cast %add3A_679 : i32 to index
        %get3A_725 = arith.constant 64 : index
        %get3A_726 = tpu.vector_load %arg10[%get3A_724, %get3A_725] {strides = array<i32>} : memref<128x128xf32, #tpu.memory_space<vmem>>, vector<1x16xf32>,
        %get3A_727 = vector.shape_cast %get3A_726 : vector<1x16xf32> to vector<16xf32>
        %mul3A_728 = arith.mulf %get3A_727, %gather3A_683 : vector<16xf32>
        %swap3A_729 = arith.index_cast %add3A_679 : i32 to index
        %swap3A_730 = arith.constant 64 : index
        %swap3A_731 = tpu.vector_load %arg10[%swap3A_729, %swap3A_730] {strides = array<i32>} : memref<128x128xf32, #tpu.memory_space<vmem>>, vector<1x16xf32>,
        %swap3A_732 = vector.shape_cast %swap3A_731 : vector<1x16xf32> to vector<16xf32>
        %swap3A_733 = vector.shape_cast %mul3A_728 : vector<16xf32> to vector<1x16xf32>
        tpu.vector_store %arg10[%swap3A_729, %swap3A_730], %swap3A_733 {strides = array<i32>} : memref<128x128xf32, #tpu.memory_space<vmem>>, vector<1x16xf32>,
        %get3A_734 = arith.index_cast %add3A_679 : i32 to index
        %get3A_735 = arith.constant 80 : index
        %get3A_736 = tpu.vector_load %arg10[%get3A_734, %get3A_735] {strides = array<i32>} : memref<128x128xf32, #tpu.memory_space<vmem>>, vector<1x16xf32>,
        %get3A_737 = vector.shape_cast %get3A_736 : vector<1x16xf32> to vector<16xf32>
        %mul3A_738 = arith.mulf %get3A_737, %gather3A_683 : vector<16xf32>
        %swap3A_739 = arith.index_cast %add3A_679 : i32 to index
        %swap3A_740 = arith.constant 80 : index
        %swap3A_741 = tpu.vector_load %arg10[%swap3A_739, %swap3A_740] {strides = array<i32>} : memref<128x128xf32, #tpu.memory_space<vmem>>, vector<1x16xf32>,
        %swap3A_742 = vector.shape_cast %swap3A_741 : vector<1x16xf32> to vector<16xf32>
        %swap3A_743 = vector.shape_cast %mul3A_738 : vector<16xf32> to vector<1x16xf32>
        tpu.vector_store %arg10[%swap3A_739, %swap3A_740], %swap3A_743 {strides = array<i32>} : memref<128x128xf32, #tpu.memory_space<vmem>>, vector<1x16xf32>,
        %get3A_744 = arith.index_cast %add3A_679 : i32 to index
        %get3A_745 = arith.constant 96 : index
        %get3A_746 = tpu.vector_load %arg10[%get3A_744, %get3A_745] {strides = array<i32>} : memref<128x128xf32, #tpu.memory_space<vmem>>, vector<1x16xf32>,
        %get3A_747 = vector.shape_cast %get3A_746 : vector<1x16xf32> to vector<16xf32>
        %mul3A_748 = arith.mulf %get3A_747, %gather3A_683 : vector<16xf32>
        %swap3A_749 = arith.index_cast %add3A_679 : i32 to index
        %swap3A_750 = arith.constant 96 : index
        %swap3A_751 = tpu.vector_load %arg10[%swap3A_749, %swap3A_750] {strides = array<i32>} : memref<128x128xf32, #tpu.memory_space<vmem>>, vector<1x16xf32>,
        %swap3A_752 = vector.shape_cast %swap3A_751 : vector<1x16xf32> to vector<16xf32>
        %swap3A_753 = vector.shape_cast %mul3A_748 : vector<16xf32> to vector<1x16xf32>
        tpu.vector_store %arg10[%swap3A_749, %swap3A_750], %swap3A_753 {strides = array<i32>} : memref<128x128xf32, #tpu.memory_space<vmem>>, vector<1x16xf32>,
        %get3A_754 = arith.index_cast %add3A_679 : i32 to index
        %get3A_755 = arith.constant 112 : index
        %get3A_756 = tpu.vector_load %arg10[%get3A_754, %get3A_755] {strides = array<i32>} : memref<128x128xf32, #tpu.memory_space<vmem>>, vector<1x16xf32>,
        %get3A_757 = vector.shape_cast %get3A_756 : vector<1x16xf32> to vector<16xf32>
        %mul3A_758 = arith.mulf %get3A_757, %gather3A_683 : vector<16xf32>
        %swap3A_759 = arith.index_cast %add3A_679 : i32 to index
        %swap3A_760 = arith.constant 112 : index
        %swap3A_761 = tpu.vector_load %arg10[%swap3A_759, %swap3A_760] {strides = array<i32>} : memref<128x128xf32, #tpu.memory_space<vmem>>, vector<1x16xf32>,
        %swap3A_762 = vector.shape_cast %swap3A_761 : vector<1x16xf32> to vector<16xf32>
        %swap3A_763 = vector.shape_cast %mul3A_758 : vector<16xf32> to vector<1x16xf32>
        tpu.vector_store %arg10[%swap3A_759, %swap3A_760], %swap3A_763 {strides = array<i32>} : memref<128x128xf32, #tpu.memory_space<vmem>>, vector<1x16xf32>,
        %mul3A_764 = arith.constant 16 : i32
        %mul3A_765 = arith.muli %scan3A_56, %mul3A_764 : i32
        %add3A_766 = arith.constant 8 : i32
        %add3A_767 = arith.addi %mul3A_765, %add3A_766 : i32
        %broadcast_in_dim3A_768 = arith.constant 8 : i32
        %broadcast_in_dim3A_769 = vector.broadcast %broadcast_in_dim3A_768 : i32 to vector<16x1xi32>
        %gather3A_770 = vector.shape_cast %broadcast_in_dim3A_769 : vector<16x1xi32> to vector<16xi32>
        %gather3A_771 = tpu.dynamic_gather %get3A_61[%gather3A_770] in [0] : vector<16xf32>, vector<16xi32> -> vector<16xf32>
        %get3A_772 = arith.index_cast %add3A_767 : i32 to index
        %get3A_773 = arith.constant 0 : index
        %get3A_774 = tpu.vector_load %arg10[%get3A_772, %get3A_773] {strides = array<i32>} : memref<128x128xf32, #tpu.memory_space<vmem>>, vector<1x16xf32>,
        %get3A_775 = vector.shape_cast %get3A_774 : vector<1x16xf32> to vector<16xf32>
        %mul3A_776 = arith.mulf %get3A_775, %gather3A_771 : vector<16xf32>
        %swap3A_777 = arith.index_cast %add3A_767 : i32 to index
        %swap3A_778 = arith.constant 0 : index
        %swap3A_779 = tpu.vector_load %arg10[%swap3A_777, %swap3A_778] {strides = array<i32>} : memref<128x128xf32, #tpu.memory_space<vmem>>, vector<1x16xf32>,
        %swap3A_780 = vector.shape_cast %swap3A_779 : vector<1x16xf32> to vector<16xf32>
        %swap3A_781 = vector.shape_cast %mul3A_776 : vector<16xf32> to vector<1x16xf32>
        tpu.vector_store %arg10[%swap3A_777, %swap3A_778], %swap3A_781 {strides = array<i32>} : memref<128x128xf32, #tpu.memory_space<vmem>>, vector<1x16xf32>,
        %get3A_782 = arith.index_cast %add3A_767 : i32 to index
        %get3A_783 = arith.constant 16 : index
        %get3A_784 = tpu.vector_load %arg10[%get3A_782, %get3A_783] {strides = array<i32>} : memref<128x128xf32, #tpu.memory_space<vmem>>, vector<1x16xf32>,
        %get3A_785 = vector.shape_cast %get3A_784 : vector<1x16xf32> to vector<16xf32>
        %mul3A_786 = arith.mulf %get3A_785, %gather3A_771 : vector<16xf32>
        %swap3A_787 = arith.index_cast %add3A_767 : i32 to index
        %swap3A_788 = arith.constant 16 : index
        %swap3A_789 = tpu.vector_load %arg10[%swap3A_787, %swap3A_788] {strides = array<i32>} : memref<128x128xf32, #tpu.memory_space<vmem>>, vector<1x16xf32>,
        %swap3A_790 = vector.shape_cast %swap3A_789 : vector<1x16xf32> to vector<16xf32>
        %swap3A_791 = vector.shape_cast %mul3A_786 : vector<16xf32> to vector<1x16xf32>
        tpu.vector_store %arg10[%swap3A_787, %swap3A_788], %swap3A_791 {strides = array<i32>} : memref<128x128xf32, #tpu.memory_space<vmem>>, vector<1x16xf32>,
        %get3A_792 = arith.index_cast %add3A_767 : i32 to index
        %get3A_793 = arith.constant 32 : index
        %get3A_794 = tpu.vector_load %arg10[%get3A_792, %get3A_793] {strides = array<i32>} : memref<128x128xf32, #tpu.memory_space<vmem>>, vector<1x16xf32>,
        %get3A_795 = vector.shape_cast %get3A_794 : vector<1x16xf32> to vector<16xf32>
        %mul3A_796 = arith.mulf %get3A_795, %gather3A_771 : vector<16xf32>
        %swap3A_797 = arith.index_cast %add3A_767 : i32 to index
        %swap3A_798 = arith.constant 32 : index
        %swap3A_799 = tpu.vector_load %arg10[%swap3A_797, %swap3A_798] {strides = array<i32>} : memref<128x128xf32, #tpu.memory_space<vmem>>, vector<1x16xf32>,
        %swap3A_800 = vector.shape_cast %swap3A_799 : vector<1x16xf32> to vector<16xf32>
        %swap3A_801 = vector.shape_cast %mul3A_796 : vector<16xf32> to vector<1x16xf32>
        tpu.vector_store %arg10[%swap3A_797, %swap3A_798], %swap3A_801 {strides = array<i32>} : memref<128x128xf32, #tpu.memory_space<vmem>>, vector<1x16xf32>,
        %get3A_802 = arith.index_cast %add3A_767 : i32 to index
        %get3A_803 = arith.constant 48 : index
        %get3A_804 = tpu.vector_load %arg10[%get3A_802, %get3A_803] {strides = array<i32>} : memref<128x128xf32, #tpu.memory_space<vmem>>, vector<1x16xf32>,
        %get3A_805 = vector.shape_cast %get3A_804 : vector<1x16xf32> to vector<16xf32>
        %mul3A_806 = arith.mulf %get3A_805, %gather3A_771 : vector<16xf32>
        %swap3A_807 = arith.index_cast %add3A_767 : i32 to index
        %swap3A_808 = arith.constant 48 : index
        %swap3A_809 = tpu.vector_load %arg10[%swap3A_807, %swap3A_808] {strides = array<i32>} : memref<128x128xf32, #tpu.memory_space<vmem>>, vector<1x16xf32>,
        %swap3A_810 = vector.shape_cast %swap3A_809 : vector<1x16xf32> to vector<16xf32>
        %swap3A_811 = vector.shape_cast %mul3A_806 : vector<16xf32> to vector<1x16xf32>
        tpu.vector_store %arg10[%swap3A_807, %swap3A_808], %swap3A_811 {strides = array<i32>} : memref<128x128xf32, #tpu.memory_space<vmem>>, vector<1x16xf32>,
        %get3A_812 = arith.index_cast %add3A_767 : i32 to index
        %get3A_813 = arith.constant 64 : index
        %get3A_814 = tpu.vector_load %arg10[%get3A_812, %get3A_813] {strides = array<i32>} : memref<128x128xf32, #tpu.memory_space<vmem>>, vector<1x16xf32>,
        %get3A_815 = vector.shape_cast %get3A_814 : vector<1x16xf32> to vector<16xf32>
        %mul3A_816 = arith.mulf %get3A_815, %gather3A_771 : vector<16xf32>
        %swap3A_817 = arith.index_cast %add3A_767 : i32 to index
        %swap3A_818 = arith.constant 64 : index
        %swap3A_819 = tpu.vector_load %arg10[%swap3A_817, %swap3A_818] {strides = array<i32>} : memref<128x128xf32, #tpu.memory_space<vmem>>, vector<1x16xf32>,
        %swap3A_820 = vector.shape_cast %swap3A_819 : vector<1x16xf32> to vector<16xf32>
        %swap3A_821 = vector.shape_cast %mul3A_816 : vector<16xf32> to vector<1x16xf32>
        tpu.vector_store %arg10[%swap3A_817, %swap3A_818], %swap3A_821 {strides = array<i32>} : memref<128x128xf32, #tpu.memory_space<vmem>>, vector<1x16xf32>,
        %get3A_822 = arith.index_cast %add3A_767 : i32 to index
        %get3A_823 = arith.constant 80 : index
        %get3A_824 = tpu.vector_load %arg10[%get3A_822, %get3A_823] {strides = array<i32>} : memref<128x128xf32, #tpu.memory_space<vmem>>, vector<1x16xf32>,
        %get3A_825 = vector.shape_cast %get3A_824 : vector<1x16xf32> to vector<16xf32>
        %mul3A_826 = arith.mulf %get3A_825, %gather3A_771 : vector<16xf32>
        %swap3A_827 = arith.index_cast %add3A_767 : i32 to index
        %swap3A_828 = arith.constant 80 : index
        %swap3A_829 = tpu.vector_load %arg10[%swap3A_827, %swap3A_828] {strides = array<i32>} : memref<128x128xf32, #tpu.memory_space<vmem>>, vector<1x16xf32>,
        %swap3A_830 = vector.shape_cast %swap3A_829 : vector<1x16xf32> to vector<16xf32>
        %swap3A_831 = vector.shape_cast %mul3A_826 : vector<16xf32> to vector<1x16xf32>
        tpu.vector_store %arg10[%swap3A_827, %swap3A_828], %swap3A_831 {strides = array<i32>} : memref<128x128xf32, #tpu.memory_space<vmem>>, vector<1x16xf32>,
        %get3A_832 = arith.index_cast %add3A_767 : i32 to index
        %get3A_833 = arith.constant 96 : index
        %get3A_834 = tpu.vector_load %arg10[%get3A_832, %get3A_833] {strides = array<i32>} : memref<128x128xf32, #tpu.memory_space<vmem>>, vector<1x16xf32>,
        %get3A_835 = vector.shape_cast %get3A_834 : vector<1x16xf32> to vector<16xf32>
        %mul3A_836 = arith.mulf %get3A_835, %gather3A_771 : vector<16xf32>
        %swap3A_837 = arith.index_cast %add3A_767 : i32 to index
        %swap3A_838 = arith.constant 96 : index
        %swap3A_839 = tpu.vector_load %arg10[%swap3A_837, %swap3A_838] {strides = array<i32>} : memref<128x128xf32, #tpu.memory_space<vmem>>, vector<1x16xf32>,
        %swap3A_840 = vector.shape_cast %swap3A_839 : vector<1x16xf32> to vector<16xf32>
        %swap3A_841 = vector.shape_cast %mul3A_836 : vector<16xf32> to vector<1x16xf32>
        tpu.vector_store %arg10[%swap3A_837, %swap3A_838], %swap3A_841 {strides = array<i32>} : memref<128x128xf32, #tpu.memory_space<vmem>>, vector<1x16xf32>,
        %get3A_842 = arith.index_cast %add3A_767 : i32 to index
        %get3A_843 = arith.constant 112 : index
        %get3A_844 = tpu.vector_load %arg10[%get3A_842, %get3A_843] {strides = array<i32>} : memref<128x128xf32, #tpu.memory_space<vmem>>, vector<1x16xf32>,
        %get3A_845 = vector.shape_cast %get3A_844 : vector<1x16xf32> to vector<16xf32>
        %mul3A_846 = arith.mulf %get3A_845, %gather3A_771 : vector<16xf32>
        %swap3A_847 = arith.index_cast %add3A_767 : i32 to index
        %swap3A_848 = arith.constant 112 : index
        %swap3A_849 = tpu.vector_load %arg10[%swap3A_847, %swap3A_848] {strides = array<i32>} : memref<128x128xf32, #tpu.memory_space<vmem>>, vector<1x16xf32>,
        %swap3A_850 = vector.shape_cast %swap3A_849 : vector<1x16xf32> to vector<16xf32>
        %swap3A_851 = vector.shape_cast %mul3A_846 : vector<16xf32> to vector<1x16xf32>
        tpu.vector_store %arg10[%swap3A_847, %swap3A_848], %swap3A_851 {strides = array<i32>} : memref<128x128xf32, #tpu.memory_space<vmem>>, vector<1x16xf32>,
        %mul3A_852 = arith.constant 16 : i32
        %mul3A_853 = arith.muli %scan3A_56, %mul3A_852 : i32
        %add3A_854 = arith.constant 9 : i32
        %add3A_855 = arith.addi %mul3A_853, %add3A_854 : i32
        %broadcast_in_dim3A_856 = arith.constant 9 : i32
        %broadcast_in_dim3A_857 = vector.broadcast %broadcast_in_dim3A_856 : i32 to vector<16x1xi32>
        %gather3A_858 = vector.shape_cast %broadcast_in_dim3A_857 : vector<16x1xi32> to vector<16xi32>
        %gather3A_859 = tpu.dynamic_gather %get3A_61[%gather3A_858] in [0] : vector<16xf32>, vector<16xi32> -> vector<16xf32>
        %get3A_860 = arith.index_cast %add3A_855 : i32 to index
        %get3A_861 = arith.constant 0 : index
        %get3A_862 = tpu.vector_load %arg10[%get3A_860, %get3A_861] {strides = array<i32>} : memref<128x128xf32, #tpu.memory_space<vmem>>, vector<1x16xf32>,
        %get3A_863 = vector.shape_cast %get3A_862 : vector<1x16xf32> to vector<16xf32>
        %mul3A_864 = arith.mulf %get3A_863, %gather3A_859 : vector<16xf32>
        %swap3A_865 = arith.index_cast %add3A_855 : i32 to index
        %swap3A_866 = arith.constant 0 : index
        %swap3A_867 = tpu.vector_load %arg10[%swap3A_865, %swap3A_866] {strides = array<i32>} : memref<128x128xf32, #tpu.memory_space<vmem>>, vector<1x16xf32>,
        %swap3A_868 = vector.shape_cast %swap3A_867 : vector<1x16xf32> to vector<16xf32>
        %swap3A_869 = vector.shape_cast %mul3A_864 : vector<16xf32> to vector<1x16xf32>
        tpu.vector_store %arg10[%swap3A_865, %swap3A_866], %swap3A_869 {strides = array<i32>} : memref<128x128xf32, #tpu.memory_space<vmem>>, vector<1x16xf32>,
        %get3A_870 = arith.index_cast %add3A_855 : i32 to index
        %get3A_871 = arith.constant 16 : index
        %get3A_872 = tpu.vector_load %arg10[%get3A_870, %get3A_871] {strides = array<i32>} : memref<128x128xf32, #tpu.memory_space<vmem>>, vector<1x16xf32>,
        %get3A_873 = vector.shape_cast %get3A_872 : vector<1x16xf32> to vector<16xf32>
        %mul3A_874 = arith.mulf %get3A_873, %gather3A_859 : vector<16xf32>
        %swap3A_875 = arith.index_cast %add3A_855 : i32 to index
        %swap3A_876 = arith.constant 16 : index
        %swap3A_877 = tpu.vector_load %arg10[%swap3A_875, %swap3A_876] {strides = array<i32>} : memref<128x128xf32, #tpu.memory_space<vmem>>, vector<1x16xf32>,
        %swap3A_878 = vector.shape_cast %swap3A_877 : vector<1x16xf32> to vector<16xf32>
        %swap3A_879 = vector.shape_cast %mul3A_874 : vector<16xf32> to vector<1x16xf32>
        tpu.vector_store %arg10[%swap3A_875, %swap3A_876], %swap3A_879 {strides = array<i32>} : memref<128x128xf32, #tpu.memory_space<vmem>>, vector<1x16xf32>,
        %get3A_880 = arith.index_cast %add3A_855 : i32 to index
        %get3A_881 = arith.constant 32 : index
        %get3A_882 = tpu.vector_load %arg10[%get3A_880, %get3A_881] {strides = array<i32>} : memref<128x128xf32, #tpu.memory_space<vmem>>, vector<1x16xf32>,
        %get3A_883 = vector.shape_cast %get3A_882 : vector<1x16xf32> to vector<16xf32>
        %mul3A_884 = arith.mulf %get3A_883, %gather3A_859 : vector<16xf32>
        %swap3A_885 = arith.index_cast %add3A_855 : i32 to index
        %swap3A_886 = arith.constant 32 : index
        %swap3A_887 = tpu.vector_load %arg10[%swap3A_885, %swap3A_886] {strides = array<i32>} : memref<128x128xf32, #tpu.memory_space<vmem>>, vector<1x16xf32>,
        %swap3A_888 = vector.shape_cast %swap3A_887 : vector<1x16xf32> to vector<16xf32>
        %swap3A_889 = vector.shape_cast %mul3A_884 : vector<16xf32> to vector<1x16xf32>
        tpu.vector_store %arg10[%swap3A_885, %swap3A_886], %swap3A_889 {strides = array<i32>} : memref<128x128xf32, #tpu.memory_space<vmem>>, vector<1x16xf32>,
        %get3A_890 = arith.index_cast %add3A_855 : i32 to index
        %get3A_891 = arith.constant 48 : index
        %get3A_892 = tpu.vector_load %arg10[%get3A_890, %get3A_891] {strides = array<i32>} : memref<128x128xf32, #tpu.memory_space<vmem>>, vector<1x16xf32>,
        %get3A_893 = vector.shape_cast %get3A_892 : vector<1x16xf32> to vector<16xf32>
        %mul3A_894 = arith.mulf %get3A_893, %gather3A_859 : vector<16xf32>
        %swap3A_895 = arith.index_cast %add3A_855 : i32 to index
        %swap3A_896 = arith.constant 48 : index
        %swap3A_897 = tpu.vector_load %arg10[%swap3A_895, %swap3A_896] {strides = array<i32>} : memref<128x128xf32, #tpu.memory_space<vmem>>, vector<1x16xf32>,
        %swap3A_898 = vector.shape_cast %swap3A_897 : vector<1x16xf32> to vector<16xf32>
        %swap3A_899 = vector.shape_cast %mul3A_894 : vector<16xf32> to vector<1x16xf32>
        tpu.vector_store %arg10[%swap3A_895, %swap3A_896], %swap3A_899 {strides = array<i32>} : memref<128x128xf32, #tpu.memory_space<vmem>>, vector<1x16xf32>,
        %get3A_900 = arith.index_cast %add3A_855 : i32 to index
        %get3A_901 = arith.constant 64 : index
        %get3A_902 = tpu.vector_load %arg10[%get3A_900, %get3A_901] {strides = array<i32>} : memref<128x128xf32, #tpu.memory_space<vmem>>, vector<1x16xf32>,
        %get3A_903 = vector.shape_cast %get3A_902 : vector<1x16xf32> to vector<16xf32>
        %mul3A_904 = arith.mulf %get3A_903, %gather3A_859 : vector<16xf32>
        %swap3A_905 = arith.index_cast %add3A_855 : i32 to index
        %swap3A_906 = arith.constant 64 : index
        %swap3A_907 = tpu.vector_load %arg10[%swap3A_905, %swap3A_906] {strides = array<i32>} : memref<128x128xf32, #tpu.memory_space<vmem>>, vector<1x16xf32>,
        %swap3A_908 = vector.shape_cast %swap3A_907 : vector<1x16xf32> to vector<16xf32>
        %swap3A_909 = vector.shape_cast %mul3A_904 : vector<16xf32> to vector<1x16xf32>
        tpu.vector_store %arg10[%swap3A_905, %swap3A_906], %swap3A_909 {strides = array<i32>} : memref<128x128xf32, #tpu.memory_space<vmem>>, vector<1x16xf32>,
        %get3A_910 = arith.index_cast %add3A_855 : i32 to index
        %get3A_911 = arith.constant 80 : index
        %get3A_912 = tpu.vector_load %arg10[%get3A_910, %get3A_911] {strides = array<i32>} : memref<128x128xf32, #tpu.memory_space<vmem>>, vector<1x16xf32>,
        %get3A_913 = vector.shape_cast %get3A_912 : vector<1x16xf32> to vector<16xf32>
        %mul3A_914 = arith.mulf %get3A_913, %gather3A_859 : vector<16xf32>
        %swap3A_915 = arith.index_cast %add3A_855 : i32 to index
        %swap3A_916 = arith.constant 80 : index
        %swap3A_917 = tpu.vector_load %arg10[%swap3A_915, %swap3A_916] {strides = array<i32>} : memref<128x128xf32, #tpu.memory_space<vmem>>, vector<1x16xf32>,
        %swap3A_918 = vector.shape_cast %swap3A_917 : vector<1x16xf32> to vector<16xf32>
        %swap3A_919 = vector.shape_cast %mul3A_914 : vector<16xf32> to vector<1x16xf32>
        tpu.vector_store %arg10[%swap3A_915, %swap3A_916], %swap3A_919 {strides = array<i32>} : memref<128x128xf32, #tpu.memory_space<vmem>>, vector<1x16xf32>,
        %get3A_920 = arith.index_cast %add3A_855 : i32 to index
        %get3A_921 = arith.constant 96 : index
        %get3A_922 = tpu.vector_load %arg10[%get3A_920, %get3A_921] {strides = array<i32>} : memref<128x128xf32, #tpu.memory_space<vmem>>, vector<1x16xf32>,
        %get3A_923 = vector.shape_cast %get3A_922 : vector<1x16xf32> to vector<16xf32>
        %mul3A_924 = arith.mulf %get3A_923, %gather3A_859 : vector<16xf32>
        %swap3A_925 = arith.index_cast %add3A_855 : i32 to index
        %swap3A_926 = arith.constant 96 : index
        %swap3A_927 = tpu.vector_load %arg10[%swap3A_925, %swap3A_926] {strides = array<i32>} : memref<128x128xf32, #tpu.memory_space<vmem>>, vector<1x16xf32>,
        %swap3A_928 = vector.shape_cast %swap3A_927 : vector<1x16xf32> to vector<16xf32>
        %swap3A_929 = vector.shape_cast %mul3A_924 : vector<16xf32> to vector<1x16xf32>
        tpu.vector_store %arg10[%swap3A_925, %swap3A_926], %swap3A_929 {strides = array<i32>} : memref<128x128xf32, #tpu.memory_space<vmem>>, vector<1x16xf32>,
        %get3A_930 = arith.index_cast %add3A_855 : i32 to index
        %get3A_931 = arith.constant 112 : index
        %get3A_932 = tpu.vector_load %arg10[%get3A_930, %get3A_931] {strides = array<i32>} : memref<128x128xf32, #tpu.memory_space<vmem>>, vector<1x16xf32>,
        %get3A_933 = vector.shape_cast %get3A_932 : vector<1x16xf32> to vector<16xf32>
        %mul3A_934 = arith.mulf %get3A_933, %gather3A_859 : vector<16xf32>
        %swap3A_935 = arith.index_cast %add3A_855 : i32 to index
        %swap3A_936 = arith.constant 112 : index
        %swap3A_937 = tpu.vector_load %arg10[%swap3A_935, %swap3A_936] {strides = array<i32>} : memref<128x128xf32, #tpu.memory_space<vmem>>, vector<1x16xf32>,
        %swap3A_938 = vector.shape_cast %swap3A_937 : vector<1x16xf32> to vector<16xf32>
        %swap3A_939 = vector.shape_cast %mul3A_934 : vector<16xf32> to vector<1x16xf32>
        tpu.vector_store %arg10[%swap3A_935, %swap3A_936], %swap3A_939 {strides = array<i32>} : memref<128x128xf32, #tpu.memory_space<vmem>>, vector<1x16xf32>,
        %mul3A_940 = arith.constant 16 : i32
        %mul3A_941 = arith.muli %scan3A_56, %mul3A_940 : i32
        %add3A_942 = arith.constant 10 : i32
        %add3A_943 = arith.addi %mul3A_941, %add3A_942 : i32
        %broadcast_in_dim3A_944 = arith.constant 10 : i32
        %broadcast_in_dim3A_945 = vector.broadcast %broadcast_in_dim3A_944 : i32 to vector<16x1xi32>
        %gather3A_946 = vector.shape_cast %broadcast_in_dim3A_945 : vector<16x1xi32> to vector<16xi32>
        %gather3A_947 = tpu.dynamic_gather %get3A_61[%gather3A_946] in [0] : vector<16xf32>, vector<16xi32> -> vector<16xf32>
        %get3A_948 = arith.index_cast %add3A_943 : i32 to index
        %get3A_949 = arith.constant 0 : index
        %get3A_950 = tpu.vector_load %arg10[%get3A_948, %get3A_949] {strides = array<i32>} : memref<128x128xf32, #tpu.memory_space<vmem>>, vector<1x16xf32>,
        %get3A_951 = vector.shape_cast %get3A_950 : vector<1x16xf32> to vector<16xf32>
        %mul3A_952 = arith.mulf %get3A_951, %gather3A_947 : vector<16xf32>
        %swap3A_953 = arith.index_cast %add3A_943 : i32 to index
        %swap3A_954 = arith.constant 0 : index
        %swap3A_955 = tpu.vector_load %arg10[%swap3A_953, %swap3A_954] {strides = array<i32>} : memref<128x128xf32, #tpu.memory_space<vmem>>, vector<1x16xf32>,
        %swap3A_956 = vector.shape_cast %swap3A_955 : vector<1x16xf32> to vector<16xf32>
        %swap3A_957 = vector.shape_cast %mul3A_952 : vector<16xf32> to vector<1x16xf32>
        tpu.vector_store %arg10[%swap3A_953, %swap3A_954], %swap3A_957 {strides = array<i32>} : memref<128x128xf32, #tpu.memory_space<vmem>>, vector<1x16xf32>,
        %get3A_958 = arith.index_cast %add3A_943 : i32 to index
        %get3A_959 = arith.constant 16 : index
        %get3A_960 = tpu.vector_load %arg10[%get3A_958, %get3A_959] {strides = array<i32>} : memref<128x128xf32, #tpu.memory_space<vmem>>, vector<1x16xf32>,
        %get3A_961 = vector.shape_cast %get3A_960 : vector<1x16xf32> to vector<16xf32>
        %mul3A_962 = arith.mulf %get3A_961, %gather3A_947 : vector<16xf32>
        %swap3A_963 = arith.index_cast %add3A_943 : i32 to index
        %swap3A_964 = arith.constant 16 : index
        %swap3A_965 = tpu.vector_load %arg10[%swap3A_963, %swap3A_964] {strides = array<i32>} : memref<128x128xf32, #tpu.memory_space<vmem>>, vector<1x16xf32>,
        %swap3A_966 = vector.shape_cast %swap3A_965 : vector<1x16xf32> to vector<16xf32>
        %swap3A_967 = vector.shape_cast %mul3A_962 : vector<16xf32> to vector<1x16xf32>
        tpu.vector_store %arg10[%swap3A_963, %swap3A_964], %swap3A_967 {strides = array<i32>} : memref<128x128xf32, #tpu.memory_space<vmem>>, vector<1x16xf32>,
        %get3A_968 = arith.index_cast %add3A_943 : i32 to index
        %get3A_969 = arith.constant 32 : index
        %get3A_970 = tpu.vector_load %arg10[%get3A_968, %get3A_969] {strides = array<i32>} : memref<128x128xf32, #tpu.memory_space<vmem>>, vector<1x16xf32>,
        %get3A_971 = vector.shape_cast %get3A_970 : vector<1x16xf32> to vector<16xf32>
        %mul3A_972 = arith.mulf %get3A_971, %gather3A_947 : vector<16xf32>
        %swap3A_973 = arith.index_cast %add3A_943 : i32 to index
        %swap3A_974 = arith.constant 32 : index
        %swap3A_975 = tpu.vector_load %arg10[%swap3A_973, %swap3A_974] {strides = array<i32>} : memref<128x128xf32, #tpu.memory_space<vmem>>, vector<1x16xf32>,
        %swap3A_976 = vector.shape_cast %swap3A_975 : vector<1x16xf32> to vector<16xf32>
        %swap3A_977 = vector.shape_cast %mul3A_972 : vector<16xf32> to vector<1x16xf32>
        tpu.vector_store %arg10[%swap3A_973, %swap3A_974], %swap3A_977 {strides = array<i32>} : memref<128x128xf32, #tpu.memory_space<vmem>>, vector<1x16xf32>,
        %get3A_978 = arith.index_cast %add3A_943 : i32 to index
        %get3A_979 = arith.constant 48 : index
        %get3A_980 = tpu.vector_load %arg10[%get3A_978, %get3A_979] {strides = array<i32>} : memref<128x128xf32, #tpu.memory_space<vmem>>, vector<1x16xf32>,
        %get3A_981 = vector.shape_cast %get3A_980 : vector<1x16xf32> to vector<16xf32>
        %mul3A_982 = arith.mulf %get3A_981, %gather3A_947 : vector<16xf32>
        %swap3A_983 = arith.index_cast %add3A_943 : i32 to index
        %swap3A_984 = arith.constant 48 : index
        %swap3A_985 = tpu.vector_load %arg10[%swap3A_983, %swap3A_984] {strides = array<i32>} : memref<128x128xf32, #tpu.memory_space<vmem>>, vector<1x16xf32>,
        %swap3A_986 = vector.shape_cast %swap3A_985 : vector<1x16xf32> to vector<16xf32>
        %swap3A_987 = vector.shape_cast %mul3A_982 : vector<16xf32> to vector<1x16xf32>
        tpu.vector_store %arg10[%swap3A_983, %swap3A_984], %swap3A_987 {strides = array<i32>} : memref<128x128xf32, #tpu.memory_space<vmem>>, vector<1x16xf32>,
        %get3A_988 = arith.index_cast %add3A_943 : i32 to index
        %get3A_989 = arith.constant 64 : index
        %get3A_990 = tpu.vector_load %arg10[%get3A_988, %get3A_989] {strides = array<i32>} : memref<128x128xf32, #tpu.memory_space<vmem>>, vector<1x16xf32>,
        %get3A_991 = vector.shape_cast %get3A_990 : vector<1x16xf32> to vector<16xf32>
        %mul3A_992 = arith.mulf %get3A_991, %gather3A_947 : vector<16xf32>
        %swap3A_993 = arith.index_cast %add3A_943 : i32 to index
        %swap3A_994 = arith.constant 64 : index
        %swap3A_995 = tpu.vector_load %arg10[%swap3A_993, %swap3A_994] {strides = array<i32>} : memref<128x128xf32, #tpu.memory_space<vmem>>, vector<1x16xf32>,
        %swap3A_996 = vector.shape_cast %swap3A_995 : vector<1x16xf32> to vector<16xf32>
        %swap3A_997 = vector.shape_cast %mul3A_992 : vector<16xf32> to vector<1x16xf32>
        tpu.vector_store %arg10[%swap3A_993, %swap3A_994], %swap3A_997 {strides = array<i32>} : memref<128x128xf32, #tpu.memory_space<vmem>>, vector<1x16xf32>,
        %get3A_998 = arith.index_cast %add3A_943 : i32 to index
        %get3A_999 = arith.constant 80 : index
        %get3A_1000 = tpu.vector_load %arg10[%get3A_998, %get3A_999] {strides = array<i32>} : memref<128x128xf32, #tpu.memory_space<vmem>>, vector<1x16xf32>,
        %get3A_1001 = vector.shape_cast %get3A_1000 : vector<1x16xf32> to vector<16xf32>
        %mul3A_1002 = arith.mulf %get3A_1001, %gather3A_947 : vector<16xf32>
        %swap3A_1003 = arith.index_cast %add3A_943 : i32 to index
        %swap3A_1004 = arith.constant 80 : index
        %swap3A_1005 = tpu.vector_load %arg10[%swap3A_1003, %swap3A_1004] {strides = array<i32>} : memref<128x128xf32, #tpu.memory_space<vmem>>, vector<1x16xf32>,
        %swap3A_1006 = vector.shape_cast %swap3A_1005 : vector<1x16xf32> to vector<16xf32>
        %swap3A_1007 = vector.shape_cast %mul3A_1002 : vector<16xf32> to vector<1x16xf32>
        tpu.vector_store %arg10[%swap3A_1003, %swap3A_1004], %swap3A_1007 {strides = array<i32>} : memref<128x128xf32, #tpu.memory_space<vmem>>, vector<1x16xf32>,
        %get3A_1008 = arith.index_cast %add3A_943 : i32 to index
        %get3A_1009 = arith.constant 96 : index
        %get3A_1010 = tpu.vector_load %arg10[%get3A_1008, %get3A_1009] {strides = array<i32>} : memref<128x128xf32, #tpu.memory_space<vmem>>, vector<1x16xf32>,
        %get3A_1011 = vector.shape_cast %get3A_1010 : vector<1x16xf32> to vector<16xf32>
        %mul3A_1012 = arith.mulf %get3A_1011, %gather3A_947 : vector<16xf32>
        %swap3A_1013 = arith.index_cast %add3A_943 : i32 to index
        %swap3A_1014 = arith.constant 96 : index
        %swap3A_1015 = tpu.vector_load %arg10[%swap3A_1013, %swap3A_1014] {strides = array<i32>} : memref<128x128xf32, #tpu.memory_space<vmem>>, vector<1x16xf32>,
        %swap3A_1016 = vector.shape_cast %swap3A_1015 : vector<1x16xf32> to vector<16xf32>
        %swap3A_1017 = vector.shape_cast %mul3A_1012 : vector<16xf32> to vector<1x16xf32>
        tpu.vector_store %arg10[%swap3A_1013, %swap3A_1014], %swap3A_1017 {strides = array<i32>} : memref<128x128xf32, #tpu.memory_space<vmem>>, vector<1x16xf32>,
        %get3A_1018 = arith.index_cast %add3A_943 : i32 to index
        %get3A_1019 = arith.constant 112 : index
        %get3A_1020 = tpu.vector_load %arg10[%get3A_1018, %get3A_1019] {strides = array<i32>} : memref<128x128xf32, #tpu.memory_space<vmem>>, vector<1x16xf32>,
        %get3A_1021 = vector.shape_cast %get3A_1020 : vector<1x16xf32> to vector<16xf32>
        %mul3A_1022 = arith.mulf %get3A_1021, %gather3A_947 : vector<16xf32>
        %swap3A_1023 = arith.index_cast %add3A_943 : i32 to index
        %swap3A_1024 = arith.constant 112 : index
        %swap3A_1025 = tpu.vector_load %arg10[%swap3A_1023, %swap3A_1024] {strides = array<i32>} : memref<128x128xf32, #tpu.memory_space<vmem>>, vector<1x16xf32>,
        %swap3A_1026 = vector.shape_cast %swap3A_1025 : vector<1x16xf32> to vector<16xf32>
        %swap3A_1027 = vector.shape_cast %mul3A_1022 : vector<16xf32> to vector<1x16xf32>
        tpu.vector_store %arg10[%swap3A_1023, %swap3A_1024], %swap3A_1027 {strides = array<i32>} : memref<128x128xf32, #tpu.memory_space<vmem>>, vector<1x16xf32>,
        %mul3A_1028 = arith.constant 16 : i32
        %mul3A_1029 = arith.muli %scan3A_56, %mul3A_1028 : i32
        %add3A_1030 = arith.constant 11 : i32
        %add3A_1031 = arith.addi %mul3A_1029, %add3A_1030 : i32
        %broadcast_in_dim3A_1032 = arith.constant 11 : i32
        %broadcast_in_dim3A_1033 = vector.broadcast %broadcast_in_dim3A_1032 : i32 to vector<16x1xi32>
        %gather3A_1034 = vector.shape_cast %broadcast_in_dim3A_1033 : vector<16x1xi32> to vector<16xi32>
        %gather3A_1035 = tpu.dynamic_gather %get3A_61[%gather3A_1034] in [0] : vector<16xf32>, vector<16xi32> -> vector<16xf32>
        %get3A_1036 = arith.index_cast %add3A_1031 : i32 to index
        %get3A_1037 = arith.constant 0 : index
        %get3A_1038 = tpu.vector_load %arg10[%get3A_1036, %get3A_1037] {strides = array<i32>} : memref<128x128xf32, #tpu.memory_space<vmem>>, vector<1x16xf32>,
        %get3A_1039 = vector.shape_cast %get3A_1038 : vector<1x16xf32> to vector<16xf32>
        %mul3A_1040 = arith.mulf %get3A_1039, %gather3A_1035 : vector<16xf32>
        %swap3A_1041 = arith.index_cast %add3A_1031 : i32 to index
        %swap3A_1042 = arith.constant 0 : index
        %swap3A_1043 = tpu.vector_load %arg10[%swap3A_1041, %swap3A_1042] {strides = array<i32>} : memref<128x128xf32, #tpu.memory_space<vmem>>, vector<1x16xf32>,
        %swap3A_1044 = vector.shape_cast %swap3A_1043 : vector<1x16xf32> to vector<16xf32>
        %swap3A_1045 = vector.shape_cast %mul3A_1040 : vector<16xf32> to vector<1x16xf32>
        tpu.vector_store %arg10[%swap3A_1041, %swap3A_1042], %swap3A_1045 {strides = array<i32>} : memref<128x128xf32, #tpu.memory_space<vmem>>, vector<1x16xf32>,
        %get3A_1046 = arith.index_cast %add3A_1031 : i32 to index
        %get3A_1047 = arith.constant 16 : index
        %get3A_1048 = tpu.vector_load %arg10[%get3A_1046, %get3A_1047] {strides = array<i32>} : memref<128x128xf32, #tpu.memory_space<vmem>>, vector<1x16xf32>,
        %get3A_1049 = vector.shape_cast %get3A_1048 : vector<1x16xf32> to vector<16xf32>
        %mul3A_1050 = arith.mulf %get3A_1049, %gather3A_1035 : vector<16xf32>
        %swap3A_1051 = arith.index_cast %add3A_1031 : i32 to index
        %swap3A_1052 = arith.constant 16 : index
        %swap3A_1053 = tpu.vector_load %arg10[%swap3A_1051, %swap3A_1052] {strides = array<i32>} : memref<128x128xf32, #tpu.memory_space<vmem>>, vector<1x16xf32>,
        %swap3A_1054 = vector.shape_cast %swap3A_1053 : vector<1x16xf32> to vector<16xf32>
        %swap3A_1055 = vector.shape_cast %mul3A_1050 : vector<16xf32> to vector<1x16xf32>
        tpu.vector_store %arg10[%swap3A_1051, %swap3A_1052], %swap3A_1055 {strides = array<i32>} : memref<128x128xf32, #tpu.memory_space<vmem>>, vector<1x16xf32>,
        %get3A_1056 = arith.index_cast %add3A_1031 : i32 to index
        %get3A_1057 = arith.constant 32 : index
        %get3A_1058 = tpu.vector_load %arg10[%get3A_1056, %get3A_1057] {strides = array<i32>} : memref<128x128xf32, #tpu.memory_space<vmem>>, vector<1x16xf32>,
        %get3A_1059 = vector.shape_cast %get3A_1058 : vector<1x16xf32> to vector<16xf32>
        %mul3A_1060 = arith.mulf %get3A_1059, %gather3A_1035 : vector<16xf32>
        %swap3A_1061 = arith.index_cast %add3A_1031 : i32 to index
        %swap3A_1062 = arith.constant 32 : index
        %swap3A_1063 = tpu.vector_load %arg10[%swap3A_1061, %swap3A_1062] {strides = array<i32>} : memref<128x128xf32, #tpu.memory_space<vmem>>, vector<1x16xf32>,
        %swap3A_1064 = vector.shape_cast %swap3A_1063 : vector<1x16xf32> to vector<16xf32>
        %swap3A_1065 = vector.shape_cast %mul3A_1060 : vector<16xf32> to vector<1x16xf32>
        tpu.vector_store %arg10[%swap3A_1061, %swap3A_1062], %swap3A_1065 {strides = array<i32>} : memref<128x128xf32, #tpu.memory_space<vmem>>, vector<1x16xf32>,
        %get3A_1066 = arith.index_cast %add3A_1031 : i32 to index
        %get3A_1067 = arith.constant 48 : index
        %get3A_1068 = tpu.vector_load %arg10[%get3A_1066, %get3A_1067] {strides = array<i32>} : memref<128x128xf32, #tpu.memory_space<vmem>>, vector<1x16xf32>,
        %get3A_1069 = vector.shape_cast %get3A_1068 : vector<1x16xf32> to vector<16xf32>
        %mul3A_1070 = arith.mulf %get3A_1069, %gather3A_1035 : vector<16xf32>
        %swap3A_1071 = arith.index_cast %add3A_1031 : i32 to index
        %swap3A_1072 = arith.constant 48 : index
        %swap3A_1073 = tpu.vector_load %arg10[%swap3A_1071, %swap3A_1072] {strides = array<i32>} : memref<128x128xf32, #tpu.memory_space<vmem>>, vector<1x16xf32>,
        %swap3A_1074 = vector.shape_cast %swap3A_1073 : vector<1x16xf32> to vector<16xf32>
        %swap3A_1075 = vector.shape_cast %mul3A_1070 : vector<16xf32> to vector<1x16xf32>
        tpu.vector_store %arg10[%swap3A_1071, %swap3A_1072], %swap3A_1075 {strides = array<i32>} : memref<128x128xf32, #tpu.memory_space<vmem>>, vector<1x16xf32>,
        %get3A_1076 = arith.index_cast %add3A_1031 : i32 to index
        %get3A_1077 = arith.constant 64 : index
        %get3A_1078 = tpu.vector_load %arg10[%get3A_1076, %get3A_1077] {strides = array<i32>} : memref<128x128xf32, #tpu.memory_space<vmem>>, vector<1x16xf32>,
        %get3A_1079 = vector.shape_cast %get3A_1078 : vector<1x16xf32> to vector<16xf32>
        %mul3A_1080 = arith.mulf %get3A_1079, %gather3A_1035 : vector<16xf32>
        %swap3A_1081 = arith.index_cast %add3A_1031 : i32 to index
        %swap3A_1082 = arith.constant 64 : index
        %swap3A_1083 = tpu.vector_load %arg10[%swap3A_1081, %swap3A_1082] {strides = array<i32>} : memref<128x128xf32, #tpu.memory_space<vmem>>, vector<1x16xf32>,
        %swap3A_1084 = vector.shape_cast %swap3A_1083 : vector<1x16xf32> to vector<16xf32>
        %swap3A_1085 = vector.shape_cast %mul3A_1080 : vector<16xf32> to vector<1x16xf32>
        tpu.vector_store %arg10[%swap3A_1081, %swap3A_1082], %swap3A_1085 {strides = array<i32>} : memref<128x128xf32, #tpu.memory_space<vmem>>, vector<1x16xf32>,
        %get3A_1086 = arith.index_cast %add3A_1031 : i32 to index
        %get3A_1087 = arith.constant 80 : index
        %get3A_1088 = tpu.vector_load %arg10[%get3A_1086, %get3A_1087] {strides = array<i32>} : memref<128x128xf32, #tpu.memory_space<vmem>>, vector<1x16xf32>,
        %get3A_1089 = vector.shape_cast %get3A_1088 : vector<1x16xf32> to vector<16xf32>
        %mul3A_1090 = arith.mulf %get3A_1089, %gather3A_1035 : vector<16xf32>
        %swap3A_1091 = arith.index_cast %add3A_1031 : i32 to index
        %swap3A_1092 = arith.constant 80 : index
        %swap3A_1093 = tpu.vector_load %arg10[%swap3A_1091, %swap3A_1092] {strides = array<i32>} : memref<128x128xf32, #tpu.memory_space<vmem>>, vector<1x16xf32>,
        %swap3A_1094 = vector.shape_cast %swap3A_1093 : vector<1x16xf32> to vector<16xf32>
        %swap3A_1095 = vector.shape_cast %mul3A_1090 : vector<16xf32> to vector<1x16xf32>
        tpu.vector_store %arg10[%swap3A_1091, %swap3A_1092], %swap3A_1095 {strides = array<i32>} : memref<128x128xf32, #tpu.memory_space<vmem>>, vector<1x16xf32>,
        %get3A_1096 = arith.index_cast %add3A_1031 : i32 to index
        %get3A_1097 = arith.constant 96 : index
        %get3A_1098 = tpu.vector_load %arg10[%get3A_1096, %get3A_1097] {strides = array<i32>} : memref<128x128xf32, #tpu.memory_space<vmem>>, vector<1x16xf32>,
        %get3A_1099 = vector.shape_cast %get3A_1098 : vector<1x16xf32> to vector<16xf32>
        %mul3A_1100 = arith.mulf %get3A_1099, %gather3A_1035 : vector<16xf32>
        %swap3A_1101 = arith.index_cast %add3A_1031 : i32 to index
        %swap3A_1102 = arith.constant 96 : index
        %swap3A_1103 = tpu.vector_load %arg10[%swap3A_1101, %swap3A_1102] {strides = array<i32>} : memref<128x128xf32, #tpu.memory_space<vmem>>, vector<1x16xf32>,
        %swap3A_1104 = vector.shape_cast %swap3A_1103 : vector<1x16xf32> to vector<16xf32>
        %swap3A_1105 = vector.shape_cast %mul3A_1100 : vector<16xf32> to vector<1x16xf32>
        tpu.vector_store %arg10[%swap3A_1101, %swap3A_1102], %swap3A_1105 {strides = array<i32>} : memref<128x128xf32, #tpu.memory_space<vmem>>, vector<1x16xf32>,
        %get3A_1106 = arith.index_cast %add3A_1031 : i32 to index
        %get3A_1107 = arith.constant 112 : index
        %get3A_1108 = tpu.vector_load %arg10[%get3A_1106, %get3A_1107] {strides = array<i32>} : memref<128x128xf32, #tpu.memory_space<vmem>>, vector<1x16xf32>,
        %get3A_1109 = vector.shape_cast %get3A_1108 : vector<1x16xf32> to vector<16xf32>
        %mul3A_1110 = arith.mulf %get3A_1109, %gather3A_1035 : vector<16xf32>
        %swap3A_1111 = arith.index_cast %add3A_1031 : i32 to index
        %swap3A_1112 = arith.constant 112 : index
        %swap3A_1113 = tpu.vector_load %arg10[%swap3A_1111, %swap3A_1112] {strides = array<i32>} : memref<128x128xf32, #tpu.memory_space<vmem>>, vector<1x16xf32>,
        %swap3A_1114 = vector.shape_cast %swap3A_1113 : vector<1x16xf32> to vector<16xf32>
        %swap3A_1115 = vector.shape_cast %mul3A_1110 : vector<16xf32> to vector<1x16xf32>
        tpu.vector_store %arg10[%swap3A_1111, %swap3A_1112], %swap3A_1115 {strides = array<i32>} : memref<128x128xf32, #tpu.memory_space<vmem>>, vector<1x16xf32>,
        %mul3A_1116 = arith.constant 16 : i32
        %mul3A_1117 = arith.muli %scan3A_56, %mul3A_1116 : i32
        %add3A_1118 = arith.constant 12 : i32
        %add3A_1119 = arith.addi %mul3A_1117, %add3A_1118 : i32
        %broadcast_in_dim3A_1120 = arith.constant 12 : i32
        %broadcast_in_dim3A_1121 = vector.broadcast %broadcast_in_dim3A_1120 : i32 to vector<16x1xi32>
        %gather3A_1122 = vector.shape_cast %broadcast_in_dim3A_1121 : vector<16x1xi32> to vector<16xi32>
        %gather3A_1123 = tpu.dynamic_gather %get3A_61[%gather3A_1122] in [0] : vector<16xf32>, vector<16xi32> -> vector<16xf32>
        %get3A_1124 = arith.index_cast %add3A_1119 : i32 to index
        %get3A_1125 = arith.constant 0 : index
        %get3A_1126 = tpu.vector_load %arg10[%get3A_1124, %get3A_1125] {strides = array<i32>} : memref<128x128xf32, #tpu.memory_space<vmem>>, vector<1x16xf32>,
        %get3A_1127 = vector.shape_cast %get3A_1126 : vector<1x16xf32> to vector<16xf32>
        %mul3A_1128 = arith.mulf %get3A_1127, %gather3A_1123 : vector<16xf32>
        %swap3A_1129 = arith.index_cast %add3A_1119 : i32 to index
        %swap3A_1130 = arith.constant 0 : index
        %swap3A_1131 = tpu.vector_load %arg10[%swap3A_1129, %swap3A_1130] {strides = array<i32>} : memref<128x128xf32, #tpu.memory_space<vmem>>, vector<1x16xf32>,
        %swap3A_1132 = vector.shape_cast %swap3A_1131 : vector<1x16xf32> to vector<16xf32>
        %swap3A_1133 = vector.shape_cast %mul3A_1128 : vector<16xf32> to vector<1x16xf32>
        tpu.vector_store %arg10[%swap3A_1129, %swap3A_1130], %swap3A_1133 {strides = array<i32>} : memref<128x128xf32, #tpu.memory_space<vmem>>, vector<1x16xf32>,
        %get3A_1134 = arith.index_cast %add3A_1119 : i32 to index
        %get3A_1135 = arith.constant 16 : index
        %get3A_1136 = tpu.vector_load %arg10[%get3A_1134, %get3A_1135] {strides = array<i32>} : memref<128x128xf32, #tpu.memory_space<vmem>>, vector<1x16xf32>,
        %get3A_1137 = vector.shape_cast %get3A_1136 : vector<1x16xf32> to vector<16xf32>
        %mul3A_1138 = arith.mulf %get3A_1137, %gather3A_1123 : vector<16xf32>
        %swap3A_1139 = arith.index_cast %add3A_1119 : i32 to index
        %swap3A_1140 = arith.constant 16 : index
        %swap3A_1141 = tpu.vector_load %arg10[%swap3A_1139, %swap3A_1140] {strides = array<i32>} : memref<128x128xf32, #tpu.memory_space<vmem>>, vector<1x16xf32>,
        %swap3A_1142 = vector.shape_cast %swap3A_1141 : vector<1x16xf32> to vector<16xf32>
        %swap3A_1143 = vector.shape_cast %mul3A_1138 : vector<16xf32> to vector<1x16xf32>
        tpu.vector_store %arg10[%swap3A_1139, %swap3A_1140], %swap3A_1143 {strides = array<i32>} : memref<128x128xf32, #tpu.memory_space<vmem>>, vector<1x16xf32>,
        %get3A_1144 = arith.index_cast %add3A_1119 : i32 to index
        %get3A_1145 = arith.constant 32 : index
        %get3A_1146 = tpu.vector_load %arg10[%get3A_1144, %get3A_1145] {strides = array<i32>} : memref<128x128xf32, #tpu.memory_space<vmem>>, vector<1x16xf32>,
        %get3A_1147 = vector.shape_cast %get3A_1146 : vector<1x16xf32> to vector<16xf32>
        %mul3A_1148 = arith.mulf %get3A_1147, %gather3A_1123 : vector<16xf32>
        %swap3A_1149 = arith.index_cast %add3A_1119 : i32 to index
        %swap3A_1150 = arith.constant 32 : index
        %swap3A_1151 = tpu.vector_load %arg10[%swap3A_1149, %swap3A_1150] {strides = array<i32>} : memref<128x128xf32, #tpu.memory_space<vmem>>, vector<1x16xf32>,
        %swap3A_1152 = vector.shape_cast %swap3A_1151 : vector<1x16xf32> to vector<16xf32>
        %swap3A_1153 = vector.shape_cast %mul3A_1148 : vector<16xf32> to vector<1x16xf32>
        tpu.vector_store %arg10[%swap3A_1149, %swap3A_1150], %swap3A_1153 {strides = array<i32>} : memref<128x128xf32, #tpu.memory_space<vmem>>, vector<1x16xf32>,
        %get3A_1154 = arith.index_cast %add3A_1119 : i32 to index
        %get3A_1155 = arith.constant 48 : index
        %get3A_1156 = tpu.vector_load %arg10[%get3A_1154, %get3A_1155] {strides = array<i32>} : memref<128x128xf32, #tpu.memory_space<vmem>>, vector<1x16xf32>,
        %get3A_1157 = vector.shape_cast %get3A_1156 : vector<1x16xf32> to vector<16xf32>
        %mul3A_1158 = arith.mulf %get3A_1157, %gather3A_1123 : vector<16xf32>
        %swap3A_1159 = arith.index_cast %add3A_1119 : i32 to index
        %swap3A_1160 = arith.constant 48 : index
        %swap3A_1161 = tpu.vector_load %arg10[%swap3A_1159, %swap3A_1160] {strides = array<i32>} : memref<128x128xf32, #tpu.memory_space<vmem>>, vector<1x16xf32>,
        %swap3A_1162 = vector.shape_cast %swap3A_1161 : vector<1x16xf32> to vector<16xf32>
        %swap3A_1163 = vector.shape_cast %mul3A_1158 : vector<16xf32> to vector<1x16xf32>
        tpu.vector_store %arg10[%swap3A_1159, %swap3A_1160], %swap3A_1163 {strides = array<i32>} : memref<128x128xf32, #tpu.memory_space<vmem>>, vector<1x16xf32>,
        %get3A_1164 = arith.index_cast %add3A_1119 : i32 to index
        %get3A_1165 = arith.constant 64 : index
        %get3A_1166 = tpu.vector_load %arg10[%get3A_1164, %get3A_1165] {strides = array<i32>} : memref<128x128xf32, #tpu.memory_space<vmem>>, vector<1x16xf32>,
        %get3A_1167 = vector.shape_cast %get3A_1166 : vector<1x16xf32> to vector<16xf32>
        %mul3A_1168 = arith.mulf %get3A_1167, %gather3A_1123 : vector<16xf32>
        %swap3A_1169 = arith.index_cast %add3A_1119 : i32 to index
        %swap3A_1170 = arith.constant 64 : index
        %swap3A_1171 = tpu.vector_load %arg10[%swap3A_1169, %swap3A_1170] {strides = array<i32>} : memref<128x128xf32, #tpu.memory_space<vmem>>, vector<1x16xf32>,
        %swap3A_1172 = vector.shape_cast %swap3A_1171 : vector<1x16xf32> to vector<16xf32>
        %swap3A_1173 = vector.shape_cast %mul3A_1168 : vector<16xf32> to vector<1x16xf32>
        tpu.vector_store %arg10[%swap3A_1169, %swap3A_1170], %swap3A_1173 {strides = array<i32>} : memref<128x128xf32, #tpu.memory_space<vmem>>, vector<1x16xf32>,
        %get3A_1174 = arith.index_cast %add3A_1119 : i32 to index
        %get3A_1175 = arith.constant 80 : index
        %get3A_1176 = tpu.vector_load %arg10[%get3A_1174, %get3A_1175] {strides = array<i32>} : memref<128x128xf32, #tpu.memory_space<vmem>>, vector<1x16xf32>,
        %get3A_1177 = vector.shape_cast %get3A_1176 : vector<1x16xf32> to vector<16xf32>
        %mul3A_1178 = arith.mulf %get3A_1177, %gather3A_1123 : vector<16xf32>
        %swap3A_1179 = arith.index_cast %add3A_1119 : i32 to index
        %swap3A_1180 = arith.constant 80 : index
        %swap3A_1181 = tpu.vector_load %arg10[%swap3A_1179, %swap3A_1180] {strides = array<i32>} : memref<128x128xf32, #tpu.memory_space<vmem>>, vector<1x16xf32>,
        %swap3A_1182 = vector.shape_cast %swap3A_1181 : vector<1x16xf32> to vector<16xf32>
        %swap3A_1183 = vector.shape_cast %mul3A_1178 : vector<16xf32> to vector<1x16xf32>
        tpu.vector_store %arg10[%swap3A_1179, %swap3A_1180], %swap3A_1183 {strides = array<i32>} : memref<128x128xf32, #tpu.memory_space<vmem>>, vector<1x16xf32>,
        %get3A_1184 = arith.index_cast %add3A_1119 : i32 to index
        %get3A_1185 = arith.constant 96 : index
        %get3A_1186 = tpu.vector_load %arg10[%get3A_1184, %get3A_1185] {strides = array<i32>} : memref<128x128xf32, #tpu.memory_space<vmem>>, vector<1x16xf32>,
        %get3A_1187 = vector.shape_cast %get3A_1186 : vector<1x16xf32> to vector<16xf32>
        %mul3A_1188 = arith.mulf %get3A_1187, %gather3A_1123 : vector<16xf32>
        %swap3A_1189 = arith.index_cast %add3A_1119 : i32 to index
        %swap3A_1190 = arith.constant 96 : index
        %swap3A_1191 = tpu.vector_load %arg10[%swap3A_1189, %swap3A_1190] {strides = array<i32>} : memref<128x128xf32, #tpu.memory_space<vmem>>, vector<1x16xf32>,
        %swap3A_1192 = vector.shape_cast %swap3A_1191 : vector<1x16xf32> to vector<16xf32>
        %swap3A_1193 = vector.shape_cast %mul3A_1188 : vector<16xf32> to vector<1x16xf32>
        tpu.vector_store %arg10[%swap3A_1189, %swap3A_1190], %swap3A_1193 {strides = array<i32>} : memref<128x128xf32, #tpu.memory_space<vmem>>, vector<1x16xf32>,
        %get3A_1194 = arith.index_cast %add3A_1119 : i32 to index
        %get3A_1195 = arith.constant 112 : index
        %get3A_1196 = tpu.vector_load %arg10[%get3A_1194, %get3A_1195] {strides = array<i32>} : memref<128x128xf32, #tpu.memory_space<vmem>>, vector<1x16xf32>,
        %get3A_1197 = vector.shape_cast %get3A_1196 : vector<1x16xf32> to vector<16xf32>
        %mul3A_1198 = arith.mulf %get3A_1197, %gather3A_1123 : vector<16xf32>
        %swap3A_1199 = arith.index_cast %add3A_1119 : i32 to index
        %swap3A_1200 = arith.constant 112 : index
        %swap3A_1201 = tpu.vector_load %arg10[%swap3A_1199, %swap3A_1200] {strides = array<i32>} : memref<128x128xf32, #tpu.memory_space<vmem>>, vector<1x16xf32>,
        %swap3A_1202 = vector.shape_cast %swap3A_1201 : vector<1x16xf32> to vector<16xf32>
        %swap3A_1203 = vector.shape_cast %mul3A_1198 : vector<16xf32> to vector<1x16xf32>
        tpu.vector_store %arg10[%swap3A_1199, %swap3A_1200], %swap3A_1203 {strides = array<i32>} : memref<128x128xf32, #tpu.memory_space<vmem>>, vector<1x16xf32>,
        %mul3A_1204 = arith.constant 16 : i32
        %mul3A_1205 = arith.muli %scan3A_56, %mul3A_1204 : i32
        %add3A_1206 = arith.constant 13 : i32
        %add3A_1207 = arith.addi %mul3A_1205, %add3A_1206 : i32
        %broadcast_in_dim3A_1208 = arith.constant 13 : i32
        %broadcast_in_dim3A_1209 = vector.broadcast %broadcast_in_dim3A_1208 : i32 to vector<16x1xi32>
        %gather3A_1210 = vector.shape_cast %broadcast_in_dim3A_1209 : vector<16x1xi32> to vector<16xi32>
        %gather3A_1211 = tpu.dynamic_gather %get3A_61[%gather3A_1210] in [0] : vector<16xf32>, vector<16xi32> -> vector<16xf32>
        %get3A_1212 = arith.index_cast %add3A_1207 : i32 to index
        %get3A_1213 = arith.constant 0 : index
        %get3A_1214 = tpu.vector_load %arg10[%get3A_1212, %get3A_1213] {strides = array<i32>} : memref<128x128xf32, #tpu.memory_space<vmem>>, vector<1x16xf32>,
        %get3A_1215 = vector.shape_cast %get3A_1214 : vector<1x16xf32> to vector<16xf32>
        %mul3A_1216 = arith.mulf %get3A_1215, %gather3A_1211 : vector<16xf32>
        %swap3A_1217 = arith.index_cast %add3A_1207 : i32 to index
        %swap3A_1218 = arith.constant 0 : index
        %swap3A_1219 = tpu.vector_load %arg10[%swap3A_1217, %swap3A_1218] {strides = array<i32>} : memref<128x128xf32, #tpu.memory_space<vmem>>, vector<1x16xf32>,
        %swap3A_1220 = vector.shape_cast %swap3A_1219 : vector<1x16xf32> to vector<16xf32>
        %swap3A_1221 = vector.shape_cast %mul3A_1216 : vector<16xf32> to vector<1x16xf32>
        tpu.vector_store %arg10[%swap3A_1217, %swap3A_1218], %swap3A_1221 {strides = array<i32>} : memref<128x128xf32, #tpu.memory_space<vmem>>, vector<1x16xf32>,
        %get3A_1222 = arith.index_cast %add3A_1207 : i32 to index
        %get3A_1223 = arith.constant 16 : index
        %get3A_1224 = tpu.vector_load %arg10[%get3A_1222, %get3A_1223] {strides = array<i32>} : memref<128x128xf32, #tpu.memory_space<vmem>>, vector<1x16xf32>,
        %get3A_1225 = vector.shape_cast %get3A_1224 : vector<1x16xf32> to vector<16xf32>
        %mul3A_1226 = arith.mulf %get3A_1225, %gather3A_1211 : vector<16xf32>
        %swap3A_1227 = arith.index_cast %add3A_1207 : i32 to index
        %swap3A_1228 = arith.constant 16 : index
        %swap3A_1229 = tpu.vector_load %arg10[%swap3A_1227, %swap3A_1228] {strides = array<i32>} : memref<128x128xf32, #tpu.memory_space<vmem>>, vector<1x16xf32>,
        %swap3A_1230 = vector.shape_cast %swap3A_1229 : vector<1x16xf32> to vector<16xf32>
        %swap3A_1231 = vector.shape_cast %mul3A_1226 : vector<16xf32> to vector<1x16xf32>
        tpu.vector_store %arg10[%swap3A_1227, %swap3A_1228], %swap3A_1231 {strides = array<i32>} : memref<128x128xf32, #tpu.memory_space<vmem>>, vector<1x16xf32>,
        %get3A_1232 = arith.index_cast %add3A_1207 : i32 to index
        %get3A_1233 = arith.constant 32 : index
        %get3A_1234 = tpu.vector_load %arg10[%get3A_1232, %get3A_1233] {strides = array<i32>} : memref<128x128xf32, #tpu.memory_space<vmem>>, vector<1x16xf32>,
        %get3A_1235 = vector.shape_cast %get3A_1234 : vector<1x16xf32> to vector<16xf32>
        %mul3A_1236 = arith.mulf %get3A_1235, %gather3A_1211 : vector<16xf32>
        %swap3A_1237 = arith.index_cast %add3A_1207 : i32 to index
        %swap3A_1238 = arith.constant 32 : index
        %swap3A_1239 = tpu.vector_load %arg10[%swap3A_1237, %swap3A_1238] {strides = array<i32>} : memref<128x128xf32, #tpu.memory_space<vmem>>, vector<1x16xf32>,
        %swap3A_1240 = vector.shape_cast %swap3A_1239 : vector<1x16xf32> to vector<16xf32>
        %swap3A_1241 = vector.shape_cast %mul3A_1236 : vector<16xf32> to vector<1x16xf32>
        tpu.vector_store %arg10[%swap3A_1237, %swap3A_1238], %swap3A_1241 {strides = array<i32>} : memref<128x128xf32, #tpu.memory_space<vmem>>, vector<1x16xf32>,
        %get3A_1242 = arith.index_cast %add3A_1207 : i32 to index
        %get3A_1243 = arith.constant 48 : index
        %get3A_1244 = tpu.vector_load %arg10[%get3A_1242, %get3A_1243] {strides = array<i32>} : memref<128x128xf32, #tpu.memory_space<vmem>>, vector<1x16xf32>,
        %get3A_1245 = vector.shape_cast %get3A_1244 : vector<1x16xf32> to vector<16xf32>
        %mul3A_1246 = arith.mulf %get3A_1245, %gather3A_1211 : vector<16xf32>
        %swap3A_1247 = arith.index_cast %add3A_1207 : i32 to index
        %swap3A_1248 = arith.constant 48 : index
        %swap3A_1249 = tpu.vector_load %arg10[%swap3A_1247, %swap3A_1248] {strides = array<i32>} : memref<128x128xf32, #tpu.memory_space<vmem>>, vector<1x16xf32>,
        %swap3A_1250 = vector.shape_cast %swap3A_1249 : vector<1x16xf32> to vector<16xf32>
        %swap3A_1251 = vector.shape_cast %mul3A_1246 : vector<16xf32> to vector<1x16xf32>
        tpu.vector_store %arg10[%swap3A_1247, %swap3A_1248], %swap3A_1251 {strides = array<i32>} : memref<128x128xf32, #tpu.memory_space<vmem>>, vector<1x16xf32>,
        %get3A_1252 = arith.index_cast %add3A_1207 : i32 to index
        %get3A_1253 = arith.constant 64 : index
        %get3A_1254 = tpu.vector_load %arg10[%get3A_1252, %get3A_1253] {strides = array<i32>} : memref<128x128xf32, #tpu.memory_space<vmem>>, vector<1x16xf32>,
        %get3A_1255 = vector.shape_cast %get3A_1254 : vector<1x16xf32> to vector<16xf32>
        %mul3A_1256 = arith.mulf %get3A_1255, %gather3A_1211 : vector<16xf32>
        %swap3A_1257 = arith.index_cast %add3A_1207 : i32 to index
        %swap3A_1258 = arith.constant 64 : index
        %swap3A_1259 = tpu.vector_load %arg10[%swap3A_1257, %swap3A_1258] {strides = array<i32>} : memref<128x128xf32, #tpu.memory_space<vmem>>, vector<1x16xf32>,
        %swap3A_1260 = vector.shape_cast %swap3A_1259 : vector<1x16xf32> to vector<16xf32>
        %swap3A_1261 = vector.shape_cast %mul3A_1256 : vector<16xf32> to vector<1x16xf32>
        tpu.vector_store %arg10[%swap3A_1257, %swap3A_1258], %swap3A_1261 {strides = array<i32>} : memref<128x128xf32, #tpu.memory_space<vmem>>, vector<1x16xf32>,
        %get3A_1262 = arith.index_cast %add3A_1207 : i32 to index
        %get3A_1263 = arith.constant 80 : index
        %get3A_1264 = tpu.vector_load %arg10[%get3A_1262, %get3A_1263] {strides = array<i32>} : memref<128x128xf32, #tpu.memory_space<vmem>>, vector<1x16xf32>,
        %get3A_1265 = vector.shape_cast %get3A_1264 : vector<1x16xf32> to vector<16xf32>
        %mul3A_1266 = arith.mulf %get3A_1265, %gather3A_1211 : vector<16xf32>
        %swap3A_1267 = arith.index_cast %add3A_1207 : i32 to index
        %swap3A_1268 = arith.constant 80 : index
        %swap3A_1269 = tpu.vector_load %arg10[%swap3A_1267, %swap3A_1268] {strides = array<i32>} : memref<128x128xf32, #tpu.memory_space<vmem>>, vector<1x16xf32>,
        %swap3A_1270 = vector.shape_cast %swap3A_1269 : vector<1x16xf32> to vector<16xf32>
        %swap3A_1271 = vector.shape_cast %mul3A_1266 : vector<16xf32> to vector<1x16xf32>
        tpu.vector_store %arg10[%swap3A_1267, %swap3A_1268], %swap3A_1271 {strides = array<i32>} : memref<128x128xf32, #tpu.memory_space<vmem>>, vector<1x16xf32>,
        %get3A_1272 = arith.index_cast %add3A_1207 : i32 to index
        %get3A_1273 = arith.constant 96 : index
        %get3A_1274 = tpu.vector_load %arg10[%get3A_1272, %get3A_1273] {strides = array<i32>} : memref<128x128xf32, #tpu.memory_space<vmem>>, vector<1x16xf32>,
        %get3A_1275 = vector.shape_cast %get3A_1274 : vector<1x16xf32> to vector<16xf32>
        %mul3A_1276 = arith.mulf %get3A_1275, %gather3A_1211 : vector<16xf32>
        %swap3A_1277 = arith.index_cast %add3A_1207 : i32 to index
        %swap3A_1278 = arith.constant 96 : index
        %swap3A_1279 = tpu.vector_load %arg10[%swap3A_1277, %swap3A_1278] {strides = array<i32>} : memref<128x128xf32, #tpu.memory_space<vmem>>, vector<1x16xf32>,
        %swap3A_1280 = vector.shape_cast %swap3A_1279 : vector<1x16xf32> to vector<16xf32>
        %swap3A_1281 = vector.shape_cast %mul3A_1276 : vector<16xf32> to vector<1x16xf32>
        tpu.vector_store %arg10[%swap3A_1277, %swap3A_1278], %swap3A_1281 {strides = array<i32>} : memref<128x128xf32, #tpu.memory_space<vmem>>, vector<1x16xf32>,
        %get3A_1282 = arith.index_cast %add3A_1207 : i32 to index
        %get3A_1283 = arith.constant 112 : index
        %get3A_1284 = tpu.vector_load %arg10[%get3A_1282, %get3A_1283] {strides = array<i32>} : memref<128x128xf32, #tpu.memory_space<vmem>>, vector<1x16xf32>,
        %get3A_1285 = vector.shape_cast %get3A_1284 : vector<1x16xf32> to vector<16xf32>
        %mul3A_1286 = arith.mulf %get3A_1285, %gather3A_1211 : vector<16xf32>
        %swap3A_1287 = arith.index_cast %add3A_1207 : i32 to index
        %swap3A_1288 = arith.constant 112 : index
        %swap3A_1289 = tpu.vector_load %arg10[%swap3A_1287, %swap3A_1288] {strides = array<i32>} : memref<128x128xf32, #tpu.memory_space<vmem>>, vector<1x16xf32>,
        %swap3A_1290 = vector.shape_cast %swap3A_1289 : vector<1x16xf32> to vector<16xf32>
        %swap3A_1291 = vector.shape_cast %mul3A_1286 : vector<16xf32> to vector<1x16xf32>
        tpu.vector_store %arg10[%swap3A_1287, %swap3A_1288], %swap3A_1291 {strides = array<i32>} : memref<128x128xf32, #tpu.memory_space<vmem>>, vector<1x16xf32>,
        %mul3A_1292 = arith.constant 16 : i32
        %mul3A_1293 = arith.muli %scan3A_56, %mul3A_1292 : i32
        %add3A_1294 = arith.constant 14 : i32
        %add3A_1295 = arith.addi %mul3A_1293, %add3A_1294 : i32
        %broadcast_in_dim3A_1296 = arith.constant 14 : i32
        %broadcast_in_dim3A_1297 = vector.broadcast %broadcast_in_dim3A_1296 : i32 to vector<16x1xi32>
        %gather3A_1298 = vector.shape_cast %broadcast_in_dim3A_1297 : vector<16x1xi32> to vector<16xi32>
        %gather3A_1299 = tpu.dynamic_gather %get3A_61[%gather3A_1298] in [0] : vector<16xf32>, vector<16xi32> -> vector<16xf32>
        %get3A_1300 = arith.index_cast %add3A_1295 : i32 to index
        %get3A_1301 = arith.constant 0 : index
        %get3A_1302 = tpu.vector_load %arg10[%get3A_1300, %get3A_1301] {strides = array<i32>} : memref<128x128xf32, #tpu.memory_space<vmem>>, vector<1x16xf32>,
        %get3A_1303 = vector.shape_cast %get3A_1302 : vector<1x16xf32> to vector<16xf32>
        %mul3A_1304 = arith.mulf %get3A_1303, %gather3A_1299 : vector<16xf32>
        %swap3A_1305 = arith.index_cast %add3A_1295 : i32 to index
        %swap3A_1306 = arith.constant 0 : index
        %swap3A_1307 = tpu.vector_load %arg10[%swap3A_1305, %swap3A_1306] {strides = array<i32>} : memref<128x128xf32, #tpu.memory_space<vmem>>, vector<1x16xf32>,
        %swap3A_1308 = vector.shape_cast %swap3A_1307 : vector<1x16xf32> to vector<16xf32>
        %swap3A_1309 = vector.shape_cast %mul3A_1304 : vector<16xf32> to vector<1x16xf32>
        tpu.vector_store %arg10[%swap3A_1305, %swap3A_1306], %swap3A_1309 {strides = array<i32>} : memref<128x128xf32, #tpu.memory_space<vmem>>, vector<1x16xf32>,
        %get3A_1310 = arith.index_cast %add3A_1295 : i32 to index
        %get3A_1311 = arith.constant 16 : index
        %get3A_1312 = tpu.vector_load %arg10[%get3A_1310, %get3A_1311] {strides = array<i32>} : memref<128x128xf32, #tpu.memory_space<vmem>>, vector<1x16xf32>,
        %get3A_1313 = vector.shape_cast %get3A_1312 : vector<1x16xf32> to vector<16xf32>
        %mul3A_1314 = arith.mulf %get3A_1313, %gather3A_1299 : vector<16xf32>
        %swap3A_1315 = arith.index_cast %add3A_1295 : i32 to index
        %swap3A_1316 = arith.constant 16 : index
        %swap3A_1317 = tpu.vector_load %arg10[%swap3A_1315, %swap3A_1316] {strides = array<i32>} : memref<128x128xf32, #tpu.memory_space<vmem>>, vector<1x16xf32>,
        %swap3A_1318 = vector.shape_cast %swap3A_1317 : vector<1x16xf32> to vector<16xf32>
        %swap3A_1319 = vector.shape_cast %mul3A_1314 : vector<16xf32> to vector<1x16xf32>
        tpu.vector_store %arg10[%swap3A_1315, %swap3A_1316], %swap3A_1319 {strides = array<i32>} : memref<128x128xf32, #tpu.memory_space<vmem>>, vector<1x16xf32>,
        %get3A_1320 = arith.index_cast %add3A_1295 : i32 to index
        %get3A_1321 = arith.constant 32 : index
        %get3A_1322 = tpu.vector_load %arg10[%get3A_1320, %get3A_1321] {strides = array<i32>} : memref<128x128xf32, #tpu.memory_space<vmem>>, vector<1x16xf32>,
        %get3A_1323 = vector.shape_cast %get3A_1322 : vector<1x16xf32> to vector<16xf32>
        %mul3A_1324 = arith.mulf %get3A_1323, %gather3A_1299 : vector<16xf32>
        %swap3A_1325 = arith.index_cast %add3A_1295 : i32 to index
        %swap3A_1326 = arith.constant 32 : index
        %swap3A_1327 = tpu.vector_load %arg10[%swap3A_1325, %swap3A_1326] {strides = array<i32>} : memref<128x128xf32, #tpu.memory_space<vmem>>, vector<1x16xf32>,
        %swap3A_1328 = vector.shape_cast %swap3A_1327 : vector<1x16xf32> to vector<16xf32>
        %swap3A_1329 = vector.shape_cast %mul3A_1324 : vector<16xf32> to vector<1x16xf32>
        tpu.vector_store %arg10[%swap3A_1325, %swap3A_1326], %swap3A_1329 {strides = array<i32>} : memref<128x128xf32, #tpu.memory_space<vmem>>, vector<1x16xf32>,
        %get3A_1330 = arith.index_cast %add3A_1295 : i32 to index
        %get3A_1331 = arith.constant 48 : index
        %get3A_1332 = tpu.vector_load %arg10[%get3A_1330, %get3A_1331] {strides = array<i32>} : memref<128x128xf32, #tpu.memory_space<vmem>>, vector<1x16xf32>,
        %get3A_1333 = vector.shape_cast %get3A_1332 : vector<1x16xf32> to vector<16xf32>
        %mul3A_1334 = arith.mulf %get3A_1333, %gather3A_1299 : vector<16xf32>
        %swap3A_1335 = arith.index_cast %add3A_1295 : i32 to index
        %swap3A_1336 = arith.constant 48 : index
        %swap3A_1337 = tpu.vector_load %arg10[%swap3A_1335, %swap3A_1336] {strides = array<i32>} : memref<128x128xf32, #tpu.memory_space<vmem>>, vector<1x16xf32>,
        %swap3A_1338 = vector.shape_cast %swap3A_1337 : vector<1x16xf32> to vector<16xf32>
        %swap3A_1339 = vector.shape_cast %mul3A_1334 : vector<16xf32> to vector<1x16xf32>
        tpu.vector_store %arg10[%swap3A_1335, %swap3A_1336], %swap3A_1339 {strides = array<i32>} : memref<128x128xf32, #tpu.memory_space<vmem>>, vector<1x16xf32>,
        %get3A_1340 = arith.index_cast %add3A_1295 : i32 to index
        %get3A_1341 = arith.constant 64 : index
        %get3A_1342 = tpu.vector_load %arg10[%get3A_1340, %get3A_1341] {strides = array<i32>} : memref<128x128xf32, #tpu.memory_space<vmem>>, vector<1x16xf32>,
        %get3A_1343 = vector.shape_cast %get3A_1342 : vector<1x16xf32> to vector<16xf32>
        %mul3A_1344 = arith.mulf %get3A_1343, %gather3A_1299 : vector<16xf32>
        %swap3A_1345 = arith.index_cast %add3A_1295 : i32 to index
        %swap3A_1346 = arith.constant 64 : index
        %swap3A_1347 = tpu.vector_load %arg10[%swap3A_1345, %swap3A_1346] {strides = array<i32>} : memref<128x128xf32, #tpu.memory_space<vmem>>, vector<1x16xf32>,
        %swap3A_1348 = vector.shape_cast %swap3A_1347 : vector<1x16xf32> to vector<16xf32>
        %swap3A_1349 = vector.shape_cast %mul3A_1344 : vector<16xf32> to vector<1x16xf32>
        tpu.vector_store %arg10[%swap3A_1345, %swap3A_1346], %swap3A_1349 {strides = array<i32>} : memref<128x128xf32, #tpu.memory_space<vmem>>, vector<1x16xf32>,
        %get3A_1350 = arith.index_cast %add3A_1295 : i32 to index
        %get3A_1351 = arith.constant 80 : index
        %get3A_1352 = tpu.vector_load %arg10[%get3A_1350, %get3A_1351] {strides = array<i32>} : memref<128x128xf32, #tpu.memory_space<vmem>>, vector<1x16xf32>,
        %get3A_1353 = vector.shape_cast %get3A_1352 : vector<1x16xf32> to vector<16xf32>
        %mul3A_1354 = arith.mulf %get3A_1353, %gather3A_1299 : vector<16xf32>
        %swap3A_1355 = arith.index_cast %add3A_1295 : i32 to index
        %swap3A_1356 = arith.constant 80 : index
        %swap3A_1357 = tpu.vector_load %arg10[%swap3A_1355, %swap3A_1356] {strides = array<i32>} : memref<128x128xf32, #tpu.memory_space<vmem>>, vector<1x16xf32>,
        %swap3A_1358 = vector.shape_cast %swap3A_1357 : vector<1x16xf32> to vector<16xf32>
        %swap3A_1359 = vector.shape_cast %mul3A_1354 : vector<16xf32> to vector<1x16xf32>
        tpu.vector_store %arg10[%swap3A_1355, %swap3A_1356], %swap3A_1359 {strides = array<i32>} : memref<128x128xf32, #tpu.memory_space<vmem>>, vector<1x16xf32>,
        %get3A_1360 = arith.index_cast %add3A_1295 : i32 to index
        %get3A_1361 = arith.constant 96 : index
        %get3A_1362 = tpu.vector_load %arg10[%get3A_1360, %get3A_1361] {strides = array<i32>} : memref<128x128xf32, #tpu.memory_space<vmem>>, vector<1x16xf32>,
        %get3A_1363 = vector.shape_cast %get3A_1362 : vector<1x16xf32> to vector<16xf32>
        %mul3A_1364 = arith.mulf %get3A_1363, %gather3A_1299 : vector<16xf32>
        %swap3A_1365 = arith.index_cast %add3A_1295 : i32 to index
        %swap3A_1366 = arith.constant 96 : index
        %swap3A_1367 = tpu.vector_load %arg10[%swap3A_1365, %swap3A_1366] {strides = array<i32>} : memref<128x128xf32, #tpu.memory_space<vmem>>, vector<1x16xf32>,
        %swap3A_1368 = vector.shape_cast %swap3A_1367 : vector<1x16xf32> to vector<16xf32>
        %swap3A_1369 = vector.shape_cast %mul3A_1364 : vector<16xf32> to vector<1x16xf32>
        tpu.vector_store %arg10[%swap3A_1365, %swap3A_1366], %swap3A_1369 {strides = array<i32>} : memref<128x128xf32, #tpu.memory_space<vmem>>, vector<1x16xf32>,
        %get3A_1370 = arith.index_cast %add3A_1295 : i32 to index
        %get3A_1371 = arith.constant 112 : index
        %get3A_1372 = tpu.vector_load %arg10[%get3A_1370, %get3A_1371] {strides = array<i32>} : memref<128x128xf32, #tpu.memory_space<vmem>>, vector<1x16xf32>,
        %get3A_1373 = vector.shape_cast %get3A_1372 : vector<1x16xf32> to vector<16xf32>
        %mul3A_1374 = arith.mulf %get3A_1373, %gather3A_1299 : vector<16xf32>
        %swap3A_1375 = arith.index_cast %add3A_1295 : i32 to index
        %swap3A_1376 = arith.constant 112 : index
        %swap3A_1377 = tpu.vector_load %arg10[%swap3A_1375, %swap3A_1376] {strides = array<i32>} : memref<128x128xf32, #tpu.memory_space<vmem>>, vector<1x16xf32>,
        %swap3A_1378 = vector.shape_cast %swap3A_1377 : vector<1x16xf32> to vector<16xf32>
        %swap3A_1379 = vector.shape_cast %mul3A_1374 : vector<16xf32> to vector<1x16xf32>
        tpu.vector_store %arg10[%swap3A_1375, %swap3A_1376], %swap3A_1379 {strides = array<i32>} : memref<128x128xf32, #tpu.memory_space<vmem>>, vector<1x16xf32>,
        %mul3A_1380 = arith.constant 16 : i32
        %mul3A_1381 = arith.muli %scan3A_56, %mul3A_1380 : i32
        %add3A_1382 = arith.constant 15 : i32
        %add3A_1383 = arith.addi %mul3A_1381, %add3A_1382 : i32
        %broadcast_in_dim3A_1384 = arith.constant 15 : i32
        %broadcast_in_dim3A_1385 = vector.broadcast %broadcast_in_dim3A_1384 : i32 to vector<16x1xi32>
        %gather3A_1386 = vector.shape_cast %broadcast_in_dim3A_1385 : vector<16x1xi32> to vector<16xi32>
        %gather3A_1387 = tpu.dynamic_gather %get3A_61[%gather3A_1386] in [0] : vector<16xf32>, vector<16xi32> -> vector<16xf32>
        %get3A_1388 = arith.index_cast %add3A_1383 : i32 to index
        %get3A_1389 = arith.constant 0 : index
        %get3A_1390 = tpu.vector_load %arg10[%get3A_1388, %get3A_1389] {strides = array<i32>} : memref<128x128xf32, #tpu.memory_space<vmem>>, vector<1x16xf32>,
        %get3A_1391 = vector.shape_cast %get3A_1390 : vector<1x16xf32> to vector<16xf32>
        %mul3A_1392 = arith.mulf %get3A_1391, %gather3A_1387 : vector<16xf32>
        %swap3A_1393 = arith.index_cast %add3A_1383 : i32 to index
        %swap3A_1394 = arith.constant 0 : index
        %swap3A_1395 = tpu.vector_load %arg10[%swap3A_1393, %swap3A_1394] {strides = array<i32>} : memref<128x128xf32, #tpu.memory_space<vmem>>, vector<1x16xf32>,
        %swap3A_1396 = vector.shape_cast %swap3A_1395 : vector<1x16xf32> to vector<16xf32>
        %swap3A_1397 = vector.shape_cast %mul3A_1392 : vector<16xf32> to vector<1x16xf32>
        tpu.vector_store %arg10[%swap3A_1393, %swap3A_1394], %swap3A_1397 {strides = array<i32>} : memref<128x128xf32, #tpu.memory_space<vmem>>, vector<1x16xf32>,
        %get3A_1398 = arith.index_cast %add3A_1383 : i32 to index
        %get3A_1399 = arith.constant 16 : index
        %get3A_1400 = tpu.vector_load %arg10[%get3A_1398, %get3A_1399] {strides = array<i32>} : memref<128x128xf32, #tpu.memory_space<vmem>>, vector<1x16xf32>,
        %get3A_1401 = vector.shape_cast %get3A_1400 : vector<1x16xf32> to vector<16xf32>
        %mul3A_1402 = arith.mulf %get3A_1401, %gather3A_1387 : vector<16xf32>
        %swap3A_1403 = arith.index_cast %add3A_1383 : i32 to index
        %swap3A_1404 = arith.constant 16 : index
        %swap3A_1405 = tpu.vector_load %arg10[%swap3A_1403, %swap3A_1404] {strides = array<i32>} : memref<128x128xf32, #tpu.memory_space<vmem>>, vector<1x16xf32>,
        %swap3A_1406 = vector.shape_cast %swap3A_1405 : vector<1x16xf32> to vector<16xf32>
        %swap3A_1407 = vector.shape_cast %mul3A_1402 : vector<16xf32> to vector<1x16xf32>
        tpu.vector_store %arg10[%swap3A_1403, %swap3A_1404], %swap3A_1407 {strides = array<i32>} : memref<128x128xf32, #tpu.memory_space<vmem>>, vector<1x16xf32>,
        %get3A_1408 = arith.index_cast %add3A_1383 : i32 to index
        %get3A_1409 = arith.constant 32 : index
        %get3A_1410 = tpu.vector_load %arg10[%get3A_1408, %get3A_1409] {strides = array<i32>} : memref<128x128xf32, #tpu.memory_space<vmem>>, vector<1x16xf32>,
        %get3A_1411 = vector.shape_cast %get3A_1410 : vector<1x16xf32> to vector<16xf32>
        %mul3A_1412 = arith.mulf %get3A_1411, %gather3A_1387 : vector<16xf32>
        %swap3A_1413 = arith.index_cast %add3A_1383 : i32 to index
        %swap3A_1414 = arith.constant 32 : index
        %swap3A_1415 = tpu.vector_load %arg10[%swap3A_1413, %swap3A_1414] {strides = array<i32>} : memref<128x128xf32, #tpu.memory_space<vmem>>, vector<1x16xf32>,
        %swap3A_1416 = vector.shape_cast %swap3A_1415 : vector<1x16xf32> to vector<16xf32>
        %swap3A_1417 = vector.shape_cast %mul3A_1412 : vector<16xf32> to vector<1x16xf32>
        tpu.vector_store %arg10[%swap3A_1413, %swap3A_1414], %swap3A_1417 {strides = array<i32>} : memref<128x128xf32, #tpu.memory_space<vmem>>, vector<1x16xf32>,
        %get3A_1418 = arith.index_cast %add3A_1383 : i32 to index
        %get3A_1419 = arith.constant 48 : index
        %get3A_1420 = tpu.vector_load %arg10[%get3A_1418, %get3A_1419] {strides = array<i32>} : memref<128x128xf32, #tpu.memory_space<vmem>>, vector<1x16xf32>,
        %get3A_1421 = vector.shape_cast %get3A_1420 : vector<1x16xf32> to vector<16xf32>
        %mul3A_1422 = arith.mulf %get3A_1421, %gather3A_1387 : vector<16xf32>
        %swap3A_1423 = arith.index_cast %add3A_1383 : i32 to index
        %swap3A_1424 = arith.constant 48 : index
        %swap3A_1425 = tpu.vector_load %arg10[%swap3A_1423, %swap3A_1424] {strides = array<i32>} : memref<128x128xf32, #tpu.memory_space<vmem>>, vector<1x16xf32>,
        %swap3A_1426 = vector.shape_cast %swap3A_1425 : vector<1x16xf32> to vector<16xf32>
        %swap3A_1427 = vector.shape_cast %mul3A_1422 : vector<16xf32> to vector<1x16xf32>
        tpu.vector_store %arg10[%swap3A_1423, %swap3A_1424], %swap3A_1427 {strides = array<i32>} : memref<128x128xf32, #tpu.memory_space<vmem>>, vector<1x16xf32>,
        %get3A_1428 = arith.index_cast %add3A_1383 : i32 to index
        %get3A_1429 = arith.constant 64 : index
        %get3A_1430 = tpu.vector_load %arg10[%get3A_1428, %get3A_1429] {strides = array<i32>} : memref<128x128xf32, #tpu.memory_space<vmem>>, vector<1x16xf32>,
        %get3A_1431 = vector.shape_cast %get3A_1430 : vector<1x16xf32> to vector<16xf32>
        %mul3A_1432 = arith.mulf %get3A_1431, %gather3A_1387 : vector<16xf32>
        %swap3A_1433 = arith.index_cast %add3A_1383 : i32 to index
        %swap3A_1434 = arith.constant 64 : index
        %swap3A_1435 = tpu.vector_load %arg10[%swap3A_1433, %swap3A_1434] {strides = array<i32>} : memref<128x128xf32, #tpu.memory_space<vmem>>, vector<1x16xf32>,
        %swap3A_1436 = vector.shape_cast %swap3A_1435 : vector<1x16xf32> to vector<16xf32>
        %swap3A_1437 = vector.shape_cast %mul3A_1432 : vector<16xf32> to vector<1x16xf32>
        tpu.vector_store %arg10[%swap3A_1433, %swap3A_1434], %swap3A_1437 {strides = array<i32>} : memref<128x128xf32, #tpu.memory_space<vmem>>, vector<1x16xf32>,
        %get3A_1438 = arith.index_cast %add3A_1383 : i32 to index
        %get3A_1439 = arith.constant 80 : index
        %get3A_1440 = tpu.vector_load %arg10[%get3A_1438, %get3A_1439] {strides = array<i32>} : memref<128x128xf32, #tpu.memory_space<vmem>>, vector<1x16xf32>,
        %get3A_1441 = vector.shape_cast %get3A_1440 : vector<1x16xf32> to vector<16xf32>
        %mul3A_1442 = arith.mulf %get3A_1441, %gather3A_1387 : vector<16xf32>
        %swap3A_1443 = arith.index_cast %add3A_1383 : i32 to index
        %swap3A_1444 = arith.constant 80 : index
        %swap3A_1445 = tpu.vector_load %arg10[%swap3A_1443, %swap3A_1444] {strides = array<i32>} : memref<128x128xf32, #tpu.memory_space<vmem>>, vector<1x16xf32>,
        %swap3A_1446 = vector.shape_cast %swap3A_1445 : vector<1x16xf32> to vector<16xf32>
        %swap3A_1447 = vector.shape_cast %mul3A_1442 : vector<16xf32> to vector<1x16xf32>
        tpu.vector_store %arg10[%swap3A_1443, %swap3A_1444], %swap3A_1447 {strides = array<i32>} : memref<128x128xf32, #tpu.memory_space<vmem>>, vector<1x16xf32>,
        %get3A_1448 = arith.index_cast %add3A_1383 : i32 to index
        %get3A_1449 = arith.constant 96 : index
        %get3A_1450 = tpu.vector_load %arg10[%get3A_1448, %get3A_1449] {strides = array<i32>} : memref<128x128xf32, #tpu.memory_space<vmem>>, vector<1x16xf32>,
        %get3A_1451 = vector.shape_cast %get3A_1450 : vector<1x16xf32> to vector<16xf32>
        %mul3A_1452 = arith.mulf %get3A_1451, %gather3A_1387 : vector<16xf32>
        %swap3A_1453 = arith.index_cast %add3A_1383 : i32 to index
        %swap3A_1454 = arith.constant 96 : index
        %swap3A_1455 = tpu.vector_load %arg10[%swap3A_1453, %swap3A_1454] {strides = array<i32>} : memref<128x128xf32, #tpu.memory_space<vmem>>, vector<1x16xf32>,
        %swap3A_1456 = vector.shape_cast %swap3A_1455 : vector<1x16xf32> to vector<16xf32>
        %swap3A_1457 = vector.shape_cast %mul3A_1452 : vector<16xf32> to vector<1x16xf32>
        tpu.vector_store %arg10[%swap3A_1453, %swap3A_1454], %swap3A_1457 {strides = array<i32>} : memref<128x128xf32, #tpu.memory_space<vmem>>, vector<1x16xf32>,
        %get3A_1458 = arith.index_cast %add3A_1383 : i32 to index
        %get3A_1459 = arith.constant 112 : index
        %get3A_1460 = tpu.vector_load %arg10[%get3A_1458, %get3A_1459] {strides = array<i32>} : memref<128x128xf32, #tpu.memory_space<vmem>>, vector<1x16xf32>,
        %get3A_1461 = vector.shape_cast %get3A_1460 : vector<1x16xf32> to vector<16xf32>
        %mul3A_1462 = arith.mulf %get3A_1461, %gather3A_1387 : vector<16xf32>
        %swap3A_1463 = arith.index_cast %add3A_1383 : i32 to index
        %swap3A_1464 = arith.constant 112 : index
        %swap3A_1465 = tpu.vector_load %arg10[%swap3A_1463, %swap3A_1464] {strides = array<i32>} : memref<128x128xf32, #tpu.memory_space<vmem>>, vector<1x16xf32>,
        %swap3A_1466 = vector.shape_cast %swap3A_1465 : vector<1x16xf32> to vector<16xf32>
        %swap3A_1467 = vector.shape_cast %mul3A_1462 : vector<16xf32> to vector<1x16xf32>
        tpu.vector_store %arg10[%swap3A_1463, %swap3A_1464], %swap3A_1467 {strides = array<i32>} : memref<128x128xf32, #tpu.memory_space<vmem>>, vector<1x16xf32>,
      }
      %scan3A_55 = arith.constant 8 : i32
      "tpu.region"() ({
        %run_scoped3A = tpu.sem_alloc : memref<!tpu.dma_semaphore, #tpu.memory_space<semaphore_mem>>
        %dma_start3A = arith.constant 0 : i32
        %dma_start3A_56 = tpu.memref_slice %arg8[%while3A_49, %dma_start3A] : memref<88x128xi32, #tpu.memory_space<vmem>> -> memref<1x128xi32, #tpu.memory_space<vmem>>
        %dma_start3A_57 = tpu.memref_squeeze %dma_start3A_56 : memref<1x128xi32, #tpu.memory_space<vmem>> -> memref<128xi32, #tpu.memory_space<vmem>>
        %dma_start3A_58 = arith.constant 0 : i32
        %dma_start3A_59 = arith.constant 0 : i32
        %dma_start3A_60 = tpu.memref_slice %arg11[%dma_start3A_58, %dma_start3A_59] : memref<10000x128xf32, #tpu.memory_space<vmem_shared>> -> memref<10000x128xf32, #tpu.memory_space<vmem_shared>>
        tpu.enqueue_indirect_dma source(%arg10 : memref<128x128xf32, #tpu.memory_space<vmem>>) target(%dma_start3A_60 : memref<10000x128xf32, #tpu.memory_space<vmem_shared>>) offsets(%dma_start3A_57 : memref<128xi32, #tpu.memory_space<vmem>>) semaphore(%run_scoped3A : memref<!tpu.dma_semaphore, #tpu.memory_space<semaphore_mem>>) {add = true}
        %dma_wait3A = arith.constant 0 : i32
        %dma_wait3A_61 = tpu.memref_slice %arg8[%while3A_49, %dma_wait3A] : memref<88x128xi32, #tpu.memory_space<vmem>> -> memref<1x128xi32, #tpu.memory_space<vmem>>
        %dma_wait3A_62 = tpu.memref_squeeze %dma_wait3A_61 : memref<1x128xi32, #tpu.memory_space<vmem>> -> memref<128xi32, #tpu.memory_space<vmem>>
        %dma_wait3A_63 = arith.constant 0 : i32
        %dma_wait3A_64 = arith.constant 0 : i32
        %dma_wait3A_65 = tpu.memref_slice %arg11[%dma_wait3A_63, %dma_wait3A_64] : memref<10000x128xf32, #tpu.memory_space<vmem_shared>> -> memref<10000x128xf32, #tpu.memory_space<vmem_shared>>
        tpu.wait_indirect_dma semaphore(%run_scoped3A : memref<!tpu.dma_semaphore, #tpu.memory_space<semaphore_mem>>) src(%arg10 : memref<128x128xf32, #tpu.memory_space<vmem>>) dst(%dma_wait3A_65 : memref<10000x128xf32, #tpu.memory_space<vmem_shared>>)
        tpu.yield
      }) : () -> ()
    }
    %while3A_39 = arith.constant 1 : i32
    scf.for %while3A_49 = %while3A_37 to %while3A_33 step %while3A_39  : i32 {
      "tpu.region"() ({
        %run_scoped3A = tpu.sem_alloc : memref<!tpu.dma_semaphore, #tpu.memory_space<semaphore_mem>>
        %dma_start3A = arith.constant 0 : i32
        %dma_start3A_56 = tpu.memref_slice %arg7[%while3A_49, %dma_start3A] : memref<88x128xi32, #tpu.memory_space<vmem>> -> memref<1x128xi32, #tpu.memory_space<vmem>>
        %dma_start3A_57 = tpu.memref_squeeze %dma_start3A_56 : memref<1x128xi32, #tpu.memory_space<vmem>> -> memref<128xi32, #tpu.memory_space<vmem>>
        %dma_start3A_58 = arith.constant 0 : i32
        %dma_start3A_59 = arith.constant 0 : i32
        %dma_start3A_60 = tpu.memref_slice %arg2[%dma_start3A_58, %dma_start3A_59] : memref<10000x128xf32, #tpu.memory_space<hbm>> -> memref<10000x128xf32, #tpu.memory_space<hbm>>
        tpu.enqueue_indirect_dma source(%dma_start3A_60 : memref<10000x128xf32, #tpu.memory_space<hbm>>) target(%arg10 : memref<128x128xf32, #tpu.memory_space<vmem>>) offsets(%dma_start3A_57 : memref<128xi32, #tpu.memory_space<vmem>>) semaphore(%run_scoped3A : memref<!tpu.dma_semaphore, #tpu.memory_space<semaphore_mem>>)
        %dma_wait3A = arith.constant 0 : i32
        %dma_wait3A_61 = tpu.memref_slice %arg7[%while3A_49, %dma_wait3A] : memref<88x128xi32, #tpu.memory_space<vmem>> -> memref<1x128xi32, #tpu.memory_space<vmem>>
        %dma_wait3A_62 = tpu.memref_squeeze %dma_wait3A_61 : memref<1x128xi32, #tpu.memory_space<vmem>> -> memref<128xi32, #tpu.memory_space<vmem>>
        %dma_wait3A_63 = arith.constant 0 : i32
        %dma_wait3A_64 = arith.constant 0 : i32
        %dma_wait3A_65 = tpu.memref_slice %arg2[%dma_wait3A_63, %dma_wait3A_64] : memref<10000x128xf32, #tpu.memory_space<hbm>> -> memref<10000x128xf32, #tpu.memory_space<hbm>>
        tpu.wait_indirect_dma semaphore(%run_scoped3A : memref<!tpu.dma_semaphore, #tpu.memory_space<semaphore_mem>>) src(%dma_wait3A_65 : memref<10000x128xf32, #tpu.memory_space<hbm>>) dst(%arg10 : memref<128x128xf32, #tpu.memory_space<vmem>>)
        tpu.yield
      }) : () -> ()
      %scan3A_50 = arith.constant 0 : i32
      %scan3A_51 = arith.constant 0 : i32
      %scan3A_52 = arith.constant 8 : i32
      %scan3A_53 = arith.addi %scan3A_51, %scan3A_52 : i32
      %scan3A_54 = arith.constant 1 : i32
      scf.for %scan3A_56 = %scan3A_51 to %scan3A_53 step %scan3A_54  : i32 {
        %mul3A_57 = arith.constant 16 : i32
        %mul3A_58 = arith.muli %scan3A_56, %mul3A_57 : i32
        %get3A = arith.index_cast %while3A_49 : i32 to index
        %get3A_59 = arith.index_cast %mul3A_58 : i32 to index
        %get3A_60 = tpu.vector_load %arg9[%get3A, %get3A_59] {strides = array<i32>} : memref<88x128xf32, #tpu.memory_space<vmem>>, vector<1x16xf32>,
        %get3A_61 = vector.shape_cast %get3A_60 : vector<1x16xf32> to vector<16xf32>
        %mul3A_62 = arith.constant 16 : i32
        %mul3A_63 = arith.muli %scan3A_56, %mul3A_62 : i32
        %add3A_64 = arith.constant 0 : i32
        %add3A_65 = arith.addi %mul3A_63, %add3A_64 : i32
        %broadcast_in_dim3A_66 = arith.constant 0 : i32
        %broadcast_in_dim3A_67 = vector.broadcast %broadcast_in_dim3A_66 : i32 to vector<16x1xi32>
        %gather3A = vector.shape_cast %broadcast_in_dim3A_67 : vector<16x1xi32> to vector<16xi32>
        %gather3A_68 = tpu.dynamic_gather %get3A_61[%gather3A] in [0] : vector<16xf32>, vector<16xi32> -> vector<16xf32>
        %get3A_69 = arith.index_cast %add3A_65 : i32 to index
        %get3A_70 = arith.constant 0 : index
        %get3A_71 = tpu.vector_load %arg10[%get3A_69, %get3A_70] {strides = array<i32>} : memref<128x128xf32, #tpu.memory_space<vmem>>, vector<1x16xf32>,
        %get3A_72 = vector.shape_cast %get3A_71 : vector<1x16xf32> to vector<16xf32>
        %mul3A_73 = arith.mulf %get3A_72, %gather3A_68 : vector<16xf32>
        %swap3A = arith.index_cast %add3A_65 : i32 to index
        %swap3A_74 = arith.constant 0 : index
        %swap3A_75 = tpu.vector_load %arg10[%swap3A, %swap3A_74] {strides = array<i32>} : memref<128x128xf32, #tpu.memory_space<vmem>>, vector<1x16xf32>,
        %swap3A_76 = vector.shape_cast %swap3A_75 : vector<1x16xf32> to vector<16xf32>
        %swap3A_77 = vector.shape_cast %mul3A_73 : vector<16xf32> to vector<1x16xf32>
        tpu.vector_store %arg10[%swap3A, %swap3A_74], %swap3A_77 {strides = array<i32>} : memref<128x128xf32, #tpu.memory_space<vmem>>, vector<1x16xf32>,
        %get3A_78 = arith.index_cast %add3A_65 : i32 to index
        %get3A_79 = arith.constant 16 : index
        %get3A_80 = tpu.vector_load %arg10[%get3A_78, %get3A_79] {strides = array<i32>} : memref<128x128xf32, #tpu.memory_space<vmem>>, vector<1x16xf32>,
        %get3A_81 = vector.shape_cast %get3A_80 : vector<1x16xf32> to vector<16xf32>
        %mul3A_82 = arith.mulf %get3A_81, %gather3A_68 : vector<16xf32>
        %swap3A_83 = arith.index_cast %add3A_65 : i32 to index
        %swap3A_84 = arith.constant 16 : index
        %swap3A_85 = tpu.vector_load %arg10[%swap3A_83, %swap3A_84] {strides = array<i32>} : memref<128x128xf32, #tpu.memory_space<vmem>>, vector<1x16xf32>,
        %swap3A_86 = vector.shape_cast %swap3A_85 : vector<1x16xf32> to vector<16xf32>
        %swap3A_87 = vector.shape_cast %mul3A_82 : vector<16xf32> to vector<1x16xf32>
        tpu.vector_store %arg10[%swap3A_83, %swap3A_84], %swap3A_87 {strides = array<i32>} : memref<128x128xf32, #tpu.memory_space<vmem>>, vector<1x16xf32>,
        %get3A_88 = arith.index_cast %add3A_65 : i32 to index
        %get3A_89 = arith.constant 32 : index
        %get3A_90 = tpu.vector_load %arg10[%get3A_88, %get3A_89] {strides = array<i32>} : memref<128x128xf32, #tpu.memory_space<vmem>>, vector<1x16xf32>,
        %get3A_91 = vector.shape_cast %get3A_90 : vector<1x16xf32> to vector<16xf32>
        %mul3A_92 = arith.mulf %get3A_91, %gather3A_68 : vector<16xf32>
        %swap3A_93 = arith.index_cast %add3A_65 : i32 to index
        %swap3A_94 = arith.constant 32 : index
        %swap3A_95 = tpu.vector_load %arg10[%swap3A_93, %swap3A_94] {strides = array<i32>} : memref<128x128xf32, #tpu.memory_space<vmem>>, vector<1x16xf32>,
        %swap3A_96 = vector.shape_cast %swap3A_95 : vector<1x16xf32> to vector<16xf32>
        %swap3A_97 = vector.shape_cast %mul3A_92 : vector<16xf32> to vector<1x16xf32>
        tpu.vector_store %arg10[%swap3A_93, %swap3A_94], %swap3A_97 {strides = array<i32>} : memref<128x128xf32, #tpu.memory_space<vmem>>, vector<1x16xf32>,
        %get3A_98 = arith.index_cast %add3A_65 : i32 to index
        %get3A_99 = arith.constant 48 : index
        %get3A_100 = tpu.vector_load %arg10[%get3A_98, %get3A_99] {strides = array<i32>} : memref<128x128xf32, #tpu.memory_space<vmem>>, vector<1x16xf32>,
        %get3A_101 = vector.shape_cast %get3A_100 : vector<1x16xf32> to vector<16xf32>
        %mul3A_102 = arith.mulf %get3A_101, %gather3A_68 : vector<16xf32>
        %swap3A_103 = arith.index_cast %add3A_65 : i32 to index
        %swap3A_104 = arith.constant 48 : index
        %swap3A_105 = tpu.vector_load %arg10[%swap3A_103, %swap3A_104] {strides = array<i32>} : memref<128x128xf32, #tpu.memory_space<vmem>>, vector<1x16xf32>,
        %swap3A_106 = vector.shape_cast %swap3A_105 : vector<1x16xf32> to vector<16xf32>
        %swap3A_107 = vector.shape_cast %mul3A_102 : vector<16xf32> to vector<1x16xf32>
        tpu.vector_store %arg10[%swap3A_103, %swap3A_104], %swap3A_107 {strides = array<i32>} : memref<128x128xf32, #tpu.memory_space<vmem>>, vector<1x16xf32>,
        %get3A_108 = arith.index_cast %add3A_65 : i32 to index
        %get3A_109 = arith.constant 64 : index
        %get3A_110 = tpu.vector_load %arg10[%get3A_108, %get3A_109] {strides = array<i32>} : memref<128x128xf32, #tpu.memory_space<vmem>>, vector<1x16xf32>,
        %get3A_111 = vector.shape_cast %get3A_110 : vector<1x16xf32> to vector<16xf32>
        %mul3A_112 = arith.mulf %get3A_111, %gather3A_68 : vector<16xf32>
        %swap3A_113 = arith.index_cast %add3A_65 : i32 to index
        %swap3A_114 = arith.constant 64 : index
        %swap3A_115 = tpu.vector_load %arg10[%swap3A_113, %swap3A_114] {strides = array<i32>} : memref<128x128xf32, #tpu.memory_space<vmem>>, vector<1x16xf32>,
        %swap3A_116 = vector.shape_cast %swap3A_115 : vector<1x16xf32> to vector<16xf32>
        %swap3A_117 = vector.shape_cast %mul3A_112 : vector<16xf32> to vector<1x16xf32>
        tpu.vector_store %arg10[%swap3A_113, %swap3A_114], %swap3A_117 {strides = array<i32>} : memref<128x128xf32, #tpu.memory_space<vmem>>, vector<1x16xf32>,
        %get3A_118 = arith.index_cast %add3A_65 : i32 to index
        %get3A_119 = arith.constant 80 : index
        %get3A_120 = tpu.vector_load %arg10[%get3A_118, %get3A_119] {strides = array<i32>} : memref<128x128xf32, #tpu.memory_space<vmem>>, vector<1x16xf32>,
        %get3A_121 = vector.shape_cast %get3A_120 : vector<1x16xf32> to vector<16xf32>
        %mul3A_122 = arith.mulf %get3A_121, %gather3A_68 : vector<16xf32>
        %swap3A_123 = arith.index_cast %add3A_65 : i32 to index
        %swap3A_124 = arith.constant 80 : index
        %swap3A_125 = tpu.vector_load %arg10[%swap3A_123, %swap3A_124] {strides = array<i32>} : memref<128x128xf32, #tpu.memory_space<vmem>>, vector<1x16xf32>,
        %swap3A_126 = vector.shape_cast %swap3A_125 : vector<1x16xf32> to vector<16xf32>
        %swap3A_127 = vector.shape_cast %mul3A_122 : vector<16xf32> to vector<1x16xf32>
        tpu.vector_store %arg10[%swap3A_123, %swap3A_124], %swap3A_127 {strides = array<i32>} : memref<128x128xf32, #tpu.memory_space<vmem>>, vector<1x16xf32>,
        %get3A_128 = arith.index_cast %add3A_65 : i32 to index
        %get3A_129 = arith.constant 96 : index
        %get3A_130 = tpu.vector_load %arg10[%get3A_128, %get3A_129] {strides = array<i32>} : memref<128x128xf32, #tpu.memory_space<vmem>>, vector<1x16xf32>,
        %get3A_131 = vector.shape_cast %get3A_130 : vector<1x16xf32> to vector<16xf32>
        %mul3A_132 = arith.mulf %get3A_131, %gather3A_68 : vector<16xf32>
        %swap3A_133 = arith.index_cast %add3A_65 : i32 to index
        %swap3A_134 = arith.constant 96 : index
        %swap3A_135 = tpu.vector_load %arg10[%swap3A_133, %swap3A_134] {strides = array<i32>} : memref<128x128xf32, #tpu.memory_space<vmem>>, vector<1x16xf32>,
        %swap3A_136 = vector.shape_cast %swap3A_135 : vector<1x16xf32> to vector<16xf32>
        %swap3A_137 = vector.shape_cast %mul3A_132 : vector<16xf32> to vector<1x16xf32>
        tpu.vector_store %arg10[%swap3A_133, %swap3A_134], %swap3A_137 {strides = array<i32>} : memref<128x128xf32, #tpu.memory_space<vmem>>, vector<1x16xf32>,
        %get3A_138 = arith.index_cast %add3A_65 : i32 to index
        %get3A_139 = arith.constant 112 : index
        %get3A_140 = tpu.vector_load %arg10[%get3A_138, %get3A_139] {strides = array<i32>} : memref<128x128xf32, #tpu.memory_space<vmem>>, vector<1x16xf32>,
        %get3A_141 = vector.shape_cast %get3A_140 : vector<1x16xf32> to vector<16xf32>
        %mul3A_142 = arith.mulf %get3A_141, %gather3A_68 : vector<16xf32>
        %swap3A_143 = arith.index_cast %add3A_65 : i32 to index
        %swap3A_144 = arith.constant 112 : index
        %swap3A_145 = tpu.vector_load %arg10[%swap3A_143, %swap3A_144] {strides = array<i32>} : memref<128x128xf32, #tpu.memory_space<vmem>>, vector<1x16xf32>,
        %swap3A_146 = vector.shape_cast %swap3A_145 : vector<1x16xf32> to vector<16xf32>
        %swap3A_147 = vector.shape_cast %mul3A_142 : vector<16xf32> to vector<1x16xf32>
        tpu.vector_store %arg10[%swap3A_143, %swap3A_144], %swap3A_147 {strides = array<i32>} : memref<128x128xf32, #tpu.memory_space<vmem>>, vector<1x16xf32>,
        %mul3A_148 = arith.constant 16 : i32
        %mul3A_149 = arith.muli %scan3A_56, %mul3A_148 : i32
        %add3A_150 = arith.constant 1 : i32
        %add3A_151 = arith.addi %mul3A_149, %add3A_150 : i32
        %broadcast_in_dim3A_152 = arith.constant 1 : i32
        %broadcast_in_dim3A_153 = vector.broadcast %broadcast_in_dim3A_152 : i32 to vector<16x1xi32>
        %gather3A_154 = vector.shape_cast %broadcast_in_dim3A_153 : vector<16x1xi32> to vector<16xi32>
        %gather3A_155 = tpu.dynamic_gather %get3A_61[%gather3A_154] in [0] : vector<16xf32>, vector<16xi32> -> vector<16xf32>
        %get3A_156 = arith.index_cast %add3A_151 : i32 to index
        %get3A_157 = arith.constant 0 : index
        %get3A_158 = tpu.vector_load %arg10[%get3A_156, %get3A_157] {strides = array<i32>} : memref<128x128xf32, #tpu.memory_space<vmem>>, vector<1x16xf32>,
        %get3A_159 = vector.shape_cast %get3A_158 : vector<1x16xf32> to vector<16xf32>
        %mul3A_160 = arith.mulf %get3A_159, %gather3A_155 : vector<16xf32>
        %swap3A_161 = arith.index_cast %add3A_151 : i32 to index
        %swap3A_162 = arith.constant 0 : index
        %swap3A_163 = tpu.vector_load %arg10[%swap3A_161, %swap3A_162] {strides = array<i32>} : memref<128x128xf32, #tpu.memory_space<vmem>>, vector<1x16xf32>,
        %swap3A_164 = vector.shape_cast %swap3A_163 : vector<1x16xf32> to vector<16xf32>
        %swap3A_165 = vector.shape_cast %mul3A_160 : vector<16xf32> to vector<1x16xf32>
        tpu.vector_store %arg10[%swap3A_161, %swap3A_162], %swap3A_165 {strides = array<i32>} : memref<128x128xf32, #tpu.memory_space<vmem>>, vector<1x16xf32>,
        %get3A_166 = arith.index_cast %add3A_151 : i32 to index
        %get3A_167 = arith.constant 16 : index
        %get3A_168 = tpu.vector_load %arg10[%get3A_166, %get3A_167] {strides = array<i32>} : memref<128x128xf32, #tpu.memory_space<vmem>>, vector<1x16xf32>,
        %get3A_169 = vector.shape_cast %get3A_168 : vector<1x16xf32> to vector<16xf32>
        %mul3A_170 = arith.mulf %get3A_169, %gather3A_155 : vector<16xf32>
        %swap3A_171 = arith.index_cast %add3A_151 : i32 to index
        %swap3A_172 = arith.constant 16 : index
        %swap3A_173 = tpu.vector_load %arg10[%swap3A_171, %swap3A_172] {strides = array<i32>} : memref<128x128xf32, #tpu.memory_space<vmem>>, vector<1x16xf32>,
        %swap3A_174 = vector.shape_cast %swap3A_173 : vector<1x16xf32> to vector<16xf32>
        %swap3A_175 = vector.shape_cast %mul3A_170 : vector<16xf32> to vector<1x16xf32>
        tpu.vector_store %arg10[%swap3A_171, %swap3A_172], %swap3A_175 {strides = array<i32>} : memref<128x128xf32, #tpu.memory_space<vmem>>, vector<1x16xf32>,
        %get3A_176 = arith.index_cast %add3A_151 : i32 to index
        %get3A_177 = arith.constant 32 : index
        %get3A_178 = tpu.vector_load %arg10[%get3A_176, %get3A_177] {strides = array<i32>} : memref<128x128xf32, #tpu.memory_space<vmem>>, vector<1x16xf32>,
        %get3A_179 = vector.shape_cast %get3A_178 : vector<1x16xf32> to vector<16xf32>
        %mul3A_180 = arith.mulf %get3A_179, %gather3A_155 : vector<16xf32>
        %swap3A_181 = arith.index_cast %add3A_151 : i32 to index
        %swap3A_182 = arith.constant 32 : index
        %swap3A_183 = tpu.vector_load %arg10[%swap3A_181, %swap3A_182] {strides = array<i32>} : memref<128x128xf32, #tpu.memory_space<vmem>>, vector<1x16xf32>,
        %swap3A_184 = vector.shape_cast %swap3A_183 : vector<1x16xf32> to vector<16xf32>
        %swap3A_185 = vector.shape_cast %mul3A_180 : vector<16xf32> to vector<1x16xf32>
        tpu.vector_store %arg10[%swap3A_181, %swap3A_182], %swap3A_185 {strides = array<i32>} : memref<128x128xf32, #tpu.memory_space<vmem>>, vector<1x16xf32>,
        %get3A_186 = arith.index_cast %add3A_151 : i32 to index
        %get3A_187 = arith.constant 48 : index
        %get3A_188 = tpu.vector_load %arg10[%get3A_186, %get3A_187] {strides = array<i32>} : memref<128x128xf32, #tpu.memory_space<vmem>>, vector<1x16xf32>,
        %get3A_189 = vector.shape_cast %get3A_188 : vector<1x16xf32> to vector<16xf32>
        %mul3A_190 = arith.mulf %get3A_189, %gather3A_155 : vector<16xf32>
        %swap3A_191 = arith.index_cast %add3A_151 : i32 to index
        %swap3A_192 = arith.constant 48 : index
        %swap3A_193 = tpu.vector_load %arg10[%swap3A_191, %swap3A_192] {strides = array<i32>} : memref<128x128xf32, #tpu.memory_space<vmem>>, vector<1x16xf32>,
        %swap3A_194 = vector.shape_cast %swap3A_193 : vector<1x16xf32> to vector<16xf32>
        %swap3A_195 = vector.shape_cast %mul3A_190 : vector<16xf32> to vector<1x16xf32>
        tpu.vector_store %arg10[%swap3A_191, %swap3A_192], %swap3A_195 {strides = array<i32>} : memref<128x128xf32, #tpu.memory_space<vmem>>, vector<1x16xf32>,
        %get3A_196 = arith.index_cast %add3A_151 : i32 to index
        %get3A_197 = arith.constant 64 : index
        %get3A_198 = tpu.vector_load %arg10[%get3A_196, %get3A_197] {strides = array<i32>} : memref<128x128xf32, #tpu.memory_space<vmem>>, vector<1x16xf32>,
        %get3A_199 = vector.shape_cast %get3A_198 : vector<1x16xf32> to vector<16xf32>
        %mul3A_200 = arith.mulf %get3A_199, %gather3A_155 : vector<16xf32>
        %swap3A_201 = arith.index_cast %add3A_151 : i32 to index
        %swap3A_202 = arith.constant 64 : index
        %swap3A_203 = tpu.vector_load %arg10[%swap3A_201, %swap3A_202] {strides = array<i32>} : memref<128x128xf32, #tpu.memory_space<vmem>>, vector<1x16xf32>,
        %swap3A_204 = vector.shape_cast %swap3A_203 : vector<1x16xf32> to vector<16xf32>
        %swap3A_205 = vector.shape_cast %mul3A_200 : vector<16xf32> to vector<1x16xf32>
        tpu.vector_store %arg10[%swap3A_201, %swap3A_202], %swap3A_205 {strides = array<i32>} : memref<128x128xf32, #tpu.memory_space<vmem>>, vector<1x16xf32>,
        %get3A_206 = arith.index_cast %add3A_151 : i32 to index
        %get3A_207 = arith.constant 80 : index
        %get3A_208 = tpu.vector_load %arg10[%get3A_206, %get3A_207] {strides = array<i32>} : memref<128x128xf32, #tpu.memory_space<vmem>>, vector<1x16xf32>,
        %get3A_209 = vector.shape_cast %get3A_208 : vector<1x16xf32> to vector<16xf32>
        %mul3A_210 = arith.mulf %get3A_209, %gather3A_155 : vector<16xf32>
        %swap3A_211 = arith.index_cast %add3A_151 : i32 to index
        %swap3A_212 = arith.constant 80 : index
        %swap3A_213 = tpu.vector_load %arg10[%swap3A_211, %swap3A_212] {strides = array<i32>} : memref<128x128xf32, #tpu.memory_space<vmem>>, vector<1x16xf32>,
        %swap3A_214 = vector.shape_cast %swap3A_213 : vector<1x16xf32> to vector<16xf32>
        %swap3A_215 = vector.shape_cast %mul3A_210 : vector<16xf32> to vector<1x16xf32>
        tpu.vector_store %arg10[%swap3A_211, %swap3A_212], %swap3A_215 {strides = array<i32>} : memref<128x128xf32, #tpu.memory_space<vmem>>, vector<1x16xf32>,
        %get3A_216 = arith.index_cast %add3A_151 : i32 to index
        %get3A_217 = arith.constant 96 : index
        %get3A_218 = tpu.vector_load %arg10[%get3A_216, %get3A_217] {strides = array<i32>} : memref<128x128xf32, #tpu.memory_space<vmem>>, vector<1x16xf32>,
        %get3A_219 = vector.shape_cast %get3A_218 : vector<1x16xf32> to vector<16xf32>
        %mul3A_220 = arith.mulf %get3A_219, %gather3A_155 : vector<16xf32>
        %swap3A_221 = arith.index_cast %add3A_151 : i32 to index
        %swap3A_222 = arith.constant 96 : index
        %swap3A_223 = tpu.vector_load %arg10[%swap3A_221, %swap3A_222] {strides = array<i32>} : memref<128x128xf32, #tpu.memory_space<vmem>>, vector<1x16xf32>,
        %swap3A_224 = vector.shape_cast %swap3A_223 : vector<1x16xf32> to vector<16xf32>
        %swap3A_225 = vector.shape_cast %mul3A_220 : vector<16xf32> to vector<1x16xf32>
        tpu.vector_store %arg10[%swap3A_221, %swap3A_222], %swap3A_225 {strides = array<i32>} : memref<128x128xf32, #tpu.memory_space<vmem>>, vector<1x16xf32>,
        %get3A_226 = arith.index_cast %add3A_151 : i32 to index
        %get3A_227 = arith.constant 112 : index
        %get3A_228 = tpu.vector_load %arg10[%get3A_226, %get3A_227] {strides = array<i32>} : memref<128x128xf32, #tpu.memory_space<vmem>>, vector<1x16xf32>,
        %get3A_229 = vector.shape_cast %get3A_228 : vector<1x16xf32> to vector<16xf32>
        %mul3A_230 = arith.mulf %get3A_229, %gather3A_155 : vector<16xf32>
        %swap3A_231 = arith.index_cast %add3A_151 : i32 to index
        %swap3A_232 = arith.constant 112 : index
        %swap3A_233 = tpu.vector_load %arg10[%swap3A_231, %swap3A_232] {strides = array<i32>} : memref<128x128xf32, #tpu.memory_space<vmem>>, vector<1x16xf32>,
        %swap3A_234 = vector.shape_cast %swap3A_233 : vector<1x16xf32> to vector<16xf32>
        %swap3A_235 = vector.shape_cast %mul3A_230 : vector<16xf32> to vector<1x16xf32>
        tpu.vector_store %arg10[%swap3A_231, %swap3A_232], %swap3A_235 {strides = array<i32>} : memref<128x128xf32, #tpu.memory_space<vmem>>, vector<1x16xf32>,
        %mul3A_236 = arith.constant 16 : i32
        %mul3A_237 = arith.muli %scan3A_56, %mul3A_236 : i32
        %add3A_238 = arith.constant 2 : i32
        %add3A_239 = arith.addi %mul3A_237, %add3A_238 : i32
        %broadcast_in_dim3A_240 = arith.constant 2 : i32
        %broadcast_in_dim3A_241 = vector.broadcast %broadcast_in_dim3A_240 : i32 to vector<16x1xi32>
        %gather3A_242 = vector.shape_cast %broadcast_in_dim3A_241 : vector<16x1xi32> to vector<16xi32>
        %gather3A_243 = tpu.dynamic_gather %get3A_61[%gather3A_242] in [0] : vector<16xf32>, vector<16xi32> -> vector<16xf32>
        %get3A_244 = arith.index_cast %add3A_239 : i32 to index
        %get3A_245 = arith.constant 0 : index
        %get3A_246 = tpu.vector_load %arg10[%get3A_244, %get3A_245] {strides = array<i32>} : memref<128x128xf32, #tpu.memory_space<vmem>>, vector<1x16xf32>,
        %get3A_247 = vector.shape_cast %get3A_246 : vector<1x16xf32> to vector<16xf32>
        %mul3A_248 = arith.mulf %get3A_247, %gather3A_243 : vector<16xf32>
        %swap3A_249 = arith.index_cast %add3A_239 : i32 to index
        %swap3A_250 = arith.constant 0 : index
        %swap3A_251 = tpu.vector_load %arg10[%swap3A_249, %swap3A_250] {strides = array<i32>} : memref<128x128xf32, #tpu.memory_space<vmem>>, vector<1x16xf32>,
        %swap3A_252 = vector.shape_cast %swap3A_251 : vector<1x16xf32> to vector<16xf32>
        %swap3A_253 = vector.shape_cast %mul3A_248 : vector<16xf32> to vector<1x16xf32>
        tpu.vector_store %arg10[%swap3A_249, %swap3A_250], %swap3A_253 {strides = array<i32>} : memref<128x128xf32, #tpu.memory_space<vmem>>, vector<1x16xf32>,
        %get3A_254 = arith.index_cast %add3A_239 : i32 to index
        %get3A_255 = arith.constant 16 : index
        %get3A_256 = tpu.vector_load %arg10[%get3A_254, %get3A_255] {strides = array<i32>} : memref<128x128xf32, #tpu.memory_space<vmem>>, vector<1x16xf32>,
        %get3A_257 = vector.shape_cast %get3A_256 : vector<1x16xf32> to vector<16xf32>
        %mul3A_258 = arith.mulf %get3A_257, %gather3A_243 : vector<16xf32>
        %swap3A_259 = arith.index_cast %add3A_239 : i32 to index
        %swap3A_260 = arith.constant 16 : index
        %swap3A_261 = tpu.vector_load %arg10[%swap3A_259, %swap3A_260] {strides = array<i32>} : memref<128x128xf32, #tpu.memory_space<vmem>>, vector<1x16xf32>,
        %swap3A_262 = vector.shape_cast %swap3A_261 : vector<1x16xf32> to vector<16xf32>
        %swap3A_263 = vector.shape_cast %mul3A_258 : vector<16xf32> to vector<1x16xf32>
        tpu.vector_store %arg10[%swap3A_259, %swap3A_260], %swap3A_263 {strides = array<i32>} : memref<128x128xf32, #tpu.memory_space<vmem>>, vector<1x16xf32>,
        %get3A_264 = arith.index_cast %add3A_239 : i32 to index
        %get3A_265 = arith.constant 32 : index
        %get3A_266 = tpu.vector_load %arg10[%get3A_264, %get3A_265] {strides = array<i32>} : memref<128x128xf32, #tpu.memory_space<vmem>>, vector<1x16xf32>,
        %get3A_267 = vector.shape_cast %get3A_266 : vector<1x16xf32> to vector<16xf32>
        %mul3A_268 = arith.mulf %get3A_267, %gather3A_243 : vector<16xf32>
        %swap3A_269 = arith.index_cast %add3A_239 : i32 to index
        %swap3A_270 = arith.constant 32 : index
        %swap3A_271 = tpu.vector_load %arg10[%swap3A_269, %swap3A_270] {strides = array<i32>} : memref<128x128xf32, #tpu.memory_space<vmem>>, vector<1x16xf32>,
        %swap3A_272 = vector.shape_cast %swap3A_271 : vector<1x16xf32> to vector<16xf32>
        %swap3A_273 = vector.shape_cast %mul3A_268 : vector<16xf32> to vector<1x16xf32>
        tpu.vector_store %arg10[%swap3A_269, %swap3A_270], %swap3A_273 {strides = array<i32>} : memref<128x128xf32, #tpu.memory_space<vmem>>, vector<1x16xf32>,
        %get3A_274 = arith.index_cast %add3A_239 : i32 to index
        %get3A_275 = arith.constant 48 : index
        %get3A_276 = tpu.vector_load %arg10[%get3A_274, %get3A_275] {strides = array<i32>} : memref<128x128xf32, #tpu.memory_space<vmem>>, vector<1x16xf32>,
        %get3A_277 = vector.shape_cast %get3A_276 : vector<1x16xf32> to vector<16xf32>
        %mul3A_278 = arith.mulf %get3A_277, %gather3A_243 : vector<16xf32>
        %swap3A_279 = arith.index_cast %add3A_239 : i32 to index
        %swap3A_280 = arith.constant 48 : index
        %swap3A_281 = tpu.vector_load %arg10[%swap3A_279, %swap3A_280] {strides = array<i32>} : memref<128x128xf32, #tpu.memory_space<vmem>>, vector<1x16xf32>,
        %swap3A_282 = vector.shape_cast %swap3A_281 : vector<1x16xf32> to vector<16xf32>
        %swap3A_283 = vector.shape_cast %mul3A_278 : vector<16xf32> to vector<1x16xf32>
        tpu.vector_store %arg10[%swap3A_279, %swap3A_280], %swap3A_283 {strides = array<i32>} : memref<128x128xf32, #tpu.memory_space<vmem>>, vector<1x16xf32>,
        %get3A_284 = arith.index_cast %add3A_239 : i32 to index
        %get3A_285 = arith.constant 64 : index
        %get3A_286 = tpu.vector_load %arg10[%get3A_284, %get3A_285] {strides = array<i32>} : memref<128x128xf32, #tpu.memory_space<vmem>>, vector<1x16xf32>,
        %get3A_287 = vector.shape_cast %get3A_286 : vector<1x16xf32> to vector<16xf32>
        %mul3A_288 = arith.mulf %get3A_287, %gather3A_243 : vector<16xf32>
        %swap3A_289 = arith.index_cast %add3A_239 : i32 to index
        %swap3A_290 = arith.constant 64 : index
        %swap3A_291 = tpu.vector_load %arg10[%swap3A_289, %swap3A_290] {strides = array<i32>} : memref<128x128xf32, #tpu.memory_space<vmem>>, vector<1x16xf32>,
        %swap3A_292 = vector.shape_cast %swap3A_291 : vector<1x16xf32> to vector<16xf32>
        %swap3A_293 = vector.shape_cast %mul3A_288 : vector<16xf32> to vector<1x16xf32>
        tpu.vector_store %arg10[%swap3A_289, %swap3A_290], %swap3A_293 {strides = array<i32>} : memref<128x128xf32, #tpu.memory_space<vmem>>, vector<1x16xf32>,
        %get3A_294 = arith.index_cast %add3A_239 : i32 to index
        %get3A_295 = arith.constant 80 : index
        %get3A_296 = tpu.vector_load %arg10[%get3A_294, %get3A_295] {strides = array<i32>} : memref<128x128xf32, #tpu.memory_space<vmem>>, vector<1x16xf32>,
        %get3A_297 = vector.shape_cast %get3A_296 : vector<1x16xf32> to vector<16xf32>
        %mul3A_298 = arith.mulf %get3A_297, %gather3A_243 : vector<16xf32>
        %swap3A_299 = arith.index_cast %add3A_239 : i32 to index
        %swap3A_300 = arith.constant 80 : index
        %swap3A_301 = tpu.vector_load %arg10[%swap3A_299, %swap3A_300] {strides = array<i32>} : memref<128x128xf32, #tpu.memory_space<vmem>>, vector<1x16xf32>,
        %swap3A_302 = vector.shape_cast %swap3A_301 : vector<1x16xf32> to vector<16xf32>
        %swap3A_303 = vector.shape_cast %mul3A_298 : vector<16xf32> to vector<1x16xf32>
        tpu.vector_store %arg10[%swap3A_299, %swap3A_300], %swap3A_303 {strides = array<i32>} : memref<128x128xf32, #tpu.memory_space<vmem>>, vector<1x16xf32>,
        %get3A_304 = arith.index_cast %add3A_239 : i32 to index
        %get3A_305 = arith.constant 96 : index
        %get3A_306 = tpu.vector_load %arg10[%get3A_304, %get3A_305] {strides = array<i32>} : memref<128x128xf32, #tpu.memory_space<vmem>>, vector<1x16xf32>,
        %get3A_307 = vector.shape_cast %get3A_306 : vector<1x16xf32> to vector<16xf32>
        %mul3A_308 = arith.mulf %get3A_307, %gather3A_243 : vector<16xf32>
        %swap3A_309 = arith.index_cast %add3A_239 : i32 to index
        %swap3A_310 = arith.constant 96 : index
        %swap3A_311 = tpu.vector_load %arg10[%swap3A_309, %swap3A_310] {strides = array<i32>} : memref<128x128xf32, #tpu.memory_space<vmem>>, vector<1x16xf32>,
        %swap3A_312 = vector.shape_cast %swap3A_311 : vector<1x16xf32> to vector<16xf32>
        %swap3A_313 = vector.shape_cast %mul3A_308 : vector<16xf32> to vector<1x16xf32>
        tpu.vector_store %arg10[%swap3A_309, %swap3A_310], %swap3A_313 {strides = array<i32>} : memref<128x128xf32, #tpu.memory_space<vmem>>, vector<1x16xf32>,
        %get3A_314 = arith.index_cast %add3A_239 : i32 to index
        %get3A_315 = arith.constant 112 : index
        %get3A_316 = tpu.vector_load %arg10[%get3A_314, %get3A_315] {strides = array<i32>} : memref<128x128xf32, #tpu.memory_space<vmem>>, vector<1x16xf32>,
        %get3A_317 = vector.shape_cast %get3A_316 : vector<1x16xf32> to vector<16xf32>
        %mul3A_318 = arith.mulf %get3A_317, %gather3A_243 : vector<16xf32>
        %swap3A_319 = arith.index_cast %add3A_239 : i32 to index
        %swap3A_320 = arith.constant 112 : index
        %swap3A_321 = tpu.vector_load %arg10[%swap3A_319, %swap3A_320] {strides = array<i32>} : memref<128x128xf32, #tpu.memory_space<vmem>>, vector<1x16xf32>,
        %swap3A_322 = vector.shape_cast %swap3A_321 : vector<1x16xf32> to vector<16xf32>
        %swap3A_323 = vector.shape_cast %mul3A_318 : vector<16xf32> to vector<1x16xf32>
        tpu.vector_store %arg10[%swap3A_319, %swap3A_320], %swap3A_323 {strides = array<i32>} : memref<128x128xf32, #tpu.memory_space<vmem>>, vector<1x16xf32>,
        %mul3A_324 = arith.constant 16 : i32
        %mul3A_325 = arith.muli %scan3A_56, %mul3A_324 : i32
        %add3A_326 = arith.constant 3 : i32
        %add3A_327 = arith.addi %mul3A_325, %add3A_326 : i32
        %broadcast_in_dim3A_328 = arith.constant 3 : i32
        %broadcast_in_dim3A_329 = vector.broadcast %broadcast_in_dim3A_328 : i32 to vector<16x1xi32>
        %gather3A_330 = vector.shape_cast %broadcast_in_dim3A_329 : vector<16x1xi32> to vector<16xi32>
        %gather3A_331 = tpu.dynamic_gather %get3A_61[%gather3A_330] in [0] : vector<16xf32>, vector<16xi32> -> vector<16xf32>
        %get3A_332 = arith.index_cast %add3A_327 : i32 to index
        %get3A_333 = arith.constant 0 : index
        %get3A_334 = tpu.vector_load %arg10[%get3A_332, %get3A_333] {strides = array<i32>} : memref<128x128xf32, #tpu.memory_space<vmem>>, vector<1x16xf32>,
        %get3A_335 = vector.shape_cast %get3A_334 : vector<1x16xf32> to vector<16xf32>
        %mul3A_336 = arith.mulf %get3A_335, %gather3A_331 : vector<16xf32>
        %swap3A_337 = arith.index_cast %add3A_327 : i32 to index
        %swap3A_338 = arith.constant 0 : index
        %swap3A_339 = tpu.vector_load %arg10[%swap3A_337, %swap3A_338] {strides = array<i32>} : memref<128x128xf32, #tpu.memory_space<vmem>>, vector<1x16xf32>,
        %swap3A_340 = vector.shape_cast %swap3A_339 : vector<1x16xf32> to vector<16xf32>
        %swap3A_341 = vector.shape_cast %mul3A_336 : vector<16xf32> to vector<1x16xf32>
        tpu.vector_store %arg10[%swap3A_337, %swap3A_338], %swap3A_341 {strides = array<i32>} : memref<128x128xf32, #tpu.memory_space<vmem>>, vector<1x16xf32>,
        %get3A_342 = arith.index_cast %add3A_327 : i32 to index
        %get3A_343 = arith.constant 16 : index
        %get3A_344 = tpu.vector_load %arg10[%get3A_342, %get3A_343] {strides = array<i32>} : memref<128x128xf32, #tpu.memory_space<vmem>>, vector<1x16xf32>,
        %get3A_345 = vector.shape_cast %get3A_344 : vector<1x16xf32> to vector<16xf32>
        %mul3A_346 = arith.mulf %get3A_345, %gather3A_331 : vector<16xf32>
        %swap3A_347 = arith.index_cast %add3A_327 : i32 to index
        %swap3A_348 = arith.constant 16 : index
        %swap3A_349 = tpu.vector_load %arg10[%swap3A_347, %swap3A_348] {strides = array<i32>} : memref<128x128xf32, #tpu.memory_space<vmem>>, vector<1x16xf32>,
        %swap3A_350 = vector.shape_cast %swap3A_349 : vector<1x16xf32> to vector<16xf32>
        %swap3A_351 = vector.shape_cast %mul3A_346 : vector<16xf32> to vector<1x16xf32>
        tpu.vector_store %arg10[%swap3A_347, %swap3A_348], %swap3A_351 {strides = array<i32>} : memref<128x128xf32, #tpu.memory_space<vmem>>, vector<1x16xf32>,
        %get3A_352 = arith.index_cast %add3A_327 : i32 to index
        %get3A_353 = arith.constant 32 : index
        %get3A_354 = tpu.vector_load %arg10[%get3A_352, %get3A_353] {strides = array<i32>} : memref<128x128xf32, #tpu.memory_space<vmem>>, vector<1x16xf32>,
        %get3A_355 = vector.shape_cast %get3A_354 : vector<1x16xf32> to vector<16xf32>
        %mul3A_356 = arith.mulf %get3A_355, %gather3A_331 : vector<16xf32>
        %swap3A_357 = arith.index_cast %add3A_327 : i32 to index
        %swap3A_358 = arith.constant 32 : index
        %swap3A_359 = tpu.vector_load %arg10[%swap3A_357, %swap3A_358] {strides = array<i32>} : memref<128x128xf32, #tpu.memory_space<vmem>>, vector<1x16xf32>,
        %swap3A_360 = vector.shape_cast %swap3A_359 : vector<1x16xf32> to vector<16xf32>
        %swap3A_361 = vector.shape_cast %mul3A_356 : vector<16xf32> to vector<1x16xf32>
        tpu.vector_store %arg10[%swap3A_357, %swap3A_358], %swap3A_361 {strides = array<i32>} : memref<128x128xf32, #tpu.memory_space<vmem>>, vector<1x16xf32>,
        %get3A_362 = arith.index_cast %add3A_327 : i32 to index
        %get3A_363 = arith.constant 48 : index
        %get3A_364 = tpu.vector_load %arg10[%get3A_362, %get3A_363] {strides = array<i32>} : memref<128x128xf32, #tpu.memory_space<vmem>>, vector<1x16xf32>,
        %get3A_365 = vector.shape_cast %get3A_364 : vector<1x16xf32> to vector<16xf32>
        %mul3A_366 = arith.mulf %get3A_365, %gather3A_331 : vector<16xf32>
        %swap3A_367 = arith.index_cast %add3A_327 : i32 to index
        %swap3A_368 = arith.constant 48 : index
        %swap3A_369 = tpu.vector_load %arg10[%swap3A_367, %swap3A_368] {strides = array<i32>} : memref<128x128xf32, #tpu.memory_space<vmem>>, vector<1x16xf32>,
        %swap3A_370 = vector.shape_cast %swap3A_369 : vector<1x16xf32> to vector<16xf32>
        %swap3A_371 = vector.shape_cast %mul3A_366 : vector<16xf32> to vector<1x16xf32>
        tpu.vector_store %arg10[%swap3A_367, %swap3A_368], %swap3A_371 {strides = array<i32>} : memref<128x128xf32, #tpu.memory_space<vmem>>, vector<1x16xf32>,
        %get3A_372 = arith.index_cast %add3A_327 : i32 to index
        %get3A_373 = arith.constant 64 : index
        %get3A_374 = tpu.vector_load %arg10[%get3A_372, %get3A_373] {strides = array<i32>} : memref<128x128xf32, #tpu.memory_space<vmem>>, vector<1x16xf32>,
        %get3A_375 = vector.shape_cast %get3A_374 : vector<1x16xf32> to vector<16xf32>
        %mul3A_376 = arith.mulf %get3A_375, %gather3A_331 : vector<16xf32>
        %swap3A_377 = arith.index_cast %add3A_327 : i32 to index
        %swap3A_378 = arith.constant 64 : index
        %swap3A_379 = tpu.vector_load %arg10[%swap3A_377, %swap3A_378] {strides = array<i32>} : memref<128x128xf32, #tpu.memory_space<vmem>>, vector<1x16xf32>,
        %swap3A_380 = vector.shape_cast %swap3A_379 : vector<1x16xf32> to vector<16xf32>
        %swap3A_381 = vector.shape_cast %mul3A_376 : vector<16xf32> to vector<1x16xf32>
        tpu.vector_store %arg10[%swap3A_377, %swap3A_378], %swap3A_381 {strides = array<i32>} : memref<128x128xf32, #tpu.memory_space<vmem>>, vector<1x16xf32>,
        %get3A_382 = arith.index_cast %add3A_327 : i32 to index
        %get3A_383 = arith.constant 80 : index
        %get3A_384 = tpu.vector_load %arg10[%get3A_382, %get3A_383] {strides = array<i32>} : memref<128x128xf32, #tpu.memory_space<vmem>>, vector<1x16xf32>,
        %get3A_385 = vector.shape_cast %get3A_384 : vector<1x16xf32> to vector<16xf32>
        %mul3A_386 = arith.mulf %get3A_385, %gather3A_331 : vector<16xf32>
        %swap3A_387 = arith.index_cast %add3A_327 : i32 to index
        %swap3A_388 = arith.constant 80 : index
        %swap3A_389 = tpu.vector_load %arg10[%swap3A_387, %swap3A_388] {strides = array<i32>} : memref<128x128xf32, #tpu.memory_space<vmem>>, vector<1x16xf32>,
        %swap3A_390 = vector.shape_cast %swap3A_389 : vector<1x16xf32> to vector<16xf32>
        %swap3A_391 = vector.shape_cast %mul3A_386 : vector<16xf32> to vector<1x16xf32>
        tpu.vector_store %arg10[%swap3A_387, %swap3A_388], %swap3A_391 {strides = array<i32>} : memref<128x128xf32, #tpu.memory_space<vmem>>, vector<1x16xf32>,
        %get3A_392 = arith.index_cast %add3A_327 : i32 to index
        %get3A_393 = arith.constant 96 : index
        %get3A_394 = tpu.vector_load %arg10[%get3A_392, %get3A_393] {strides = array<i32>} : memref<128x128xf32, #tpu.memory_space<vmem>>, vector<1x16xf32>,
        %get3A_395 = vector.shape_cast %get3A_394 : vector<1x16xf32> to vector<16xf32>
        %mul3A_396 = arith.mulf %get3A_395, %gather3A_331 : vector<16xf32>
        %swap3A_397 = arith.index_cast %add3A_327 : i32 to index
        %swap3A_398 = arith.constant 96 : index
        %swap3A_399 = tpu.vector_load %arg10[%swap3A_397, %swap3A_398] {strides = array<i32>} : memref<128x128xf32, #tpu.memory_space<vmem>>, vector<1x16xf32>,
        %swap3A_400 = vector.shape_cast %swap3A_399 : vector<1x16xf32> to vector<16xf32>
        %swap3A_401 = vector.shape_cast %mul3A_396 : vector<16xf32> to vector<1x16xf32>
        tpu.vector_store %arg10[%swap3A_397, %swap3A_398], %swap3A_401 {strides = array<i32>} : memref<128x128xf32, #tpu.memory_space<vmem>>, vector<1x16xf32>,
        %get3A_402 = arith.index_cast %add3A_327 : i32 to index
        %get3A_403 = arith.constant 112 : index
        %get3A_404 = tpu.vector_load %arg10[%get3A_402, %get3A_403] {strides = array<i32>} : memref<128x128xf32, #tpu.memory_space<vmem>>, vector<1x16xf32>,
        %get3A_405 = vector.shape_cast %get3A_404 : vector<1x16xf32> to vector<16xf32>
        %mul3A_406 = arith.mulf %get3A_405, %gather3A_331 : vector<16xf32>
        %swap3A_407 = arith.index_cast %add3A_327 : i32 to index
        %swap3A_408 = arith.constant 112 : index
        %swap3A_409 = tpu.vector_load %arg10[%swap3A_407, %swap3A_408] {strides = array<i32>} : memref<128x128xf32, #tpu.memory_space<vmem>>, vector<1x16xf32>,
        %swap3A_410 = vector.shape_cast %swap3A_409 : vector<1x16xf32> to vector<16xf32>
        %swap3A_411 = vector.shape_cast %mul3A_406 : vector<16xf32> to vector<1x16xf32>
        tpu.vector_store %arg10[%swap3A_407, %swap3A_408], %swap3A_411 {strides = array<i32>} : memref<128x128xf32, #tpu.memory_space<vmem>>, vector<1x16xf32>,
        %mul3A_412 = arith.constant 16 : i32
        %mul3A_413 = arith.muli %scan3A_56, %mul3A_412 : i32
        %add3A_414 = arith.constant 4 : i32
        %add3A_415 = arith.addi %mul3A_413, %add3A_414 : i32
        %broadcast_in_dim3A_416 = arith.constant 4 : i32
        %broadcast_in_dim3A_417 = vector.broadcast %broadcast_in_dim3A_416 : i32 to vector<16x1xi32>
        %gather3A_418 = vector.shape_cast %broadcast_in_dim3A_417 : vector<16x1xi32> to vector<16xi32>
        %gather3A_419 = tpu.dynamic_gather %get3A_61[%gather3A_418] in [0] : vector<16xf32>, vector<16xi32> -> vector<16xf32>
        %get3A_420 = arith.index_cast %add3A_415 : i32 to index
        %get3A_421 = arith.constant 0 : index
        %get3A_422 = tpu.vector_load %arg10[%get3A_420, %get3A_421] {strides = array<i32>} : memref<128x128xf32, #tpu.memory_space<vmem>>, vector<1x16xf32>,
        %get3A_423 = vector.shape_cast %get3A_422 : vector<1x16xf32> to vector<16xf32>
        %mul3A_424 = arith.mulf %get3A_423, %gather3A_419 : vector<16xf32>
        %swap3A_425 = arith.index_cast %add3A_415 : i32 to index
        %swap3A_426 = arith.constant 0 : index
        %swap3A_427 = tpu.vector_load %arg10[%swap3A_425, %swap3A_426] {strides = array<i32>} : memref<128x128xf32, #tpu.memory_space<vmem>>, vector<1x16xf32>,
        %swap3A_428 = vector.shape_cast %swap3A_427 : vector<1x16xf32> to vector<16xf32>
        %swap3A_429 = vector.shape_cast %mul3A_424 : vector<16xf32> to vector<1x16xf32>
        tpu.vector_store %arg10[%swap3A_425, %swap3A_426], %swap3A_429 {strides = array<i32>} : memref<128x128xf32, #tpu.memory_space<vmem>>, vector<1x16xf32>,
        %get3A_430 = arith.index_cast %add3A_415 : i32 to index
        %get3A_431 = arith.constant 16 : index
        %get3A_432 = tpu.vector_load %arg10[%get3A_430, %get3A_431] {strides = array<i32>} : memref<128x128xf32, #tpu.memory_space<vmem>>, vector<1x16xf32>,
        %get3A_433 = vector.shape_cast %get3A_432 : vector<1x16xf32> to vector<16xf32>
        %mul3A_434 = arith.mulf %get3A_433, %gather3A_419 : vector<16xf32>
        %swap3A_435 = arith.index_cast %add3A_415 : i32 to index
        %swap3A_436 = arith.constant 16 : index
        %swap3A_437 = tpu.vector_load %arg10[%swap3A_435, %swap3A_436] {strides = array<i32>} : memref<128x128xf32, #tpu.memory_space<vmem>>, vector<1x16xf32>,
        %swap3A_438 = vector.shape_cast %swap3A_437 : vector<1x16xf32> to vector<16xf32>
        %swap3A_439 = vector.shape_cast %mul3A_434 : vector<16xf32> to vector<1x16xf32>
        tpu.vector_store %arg10[%swap3A_435, %swap3A_436], %swap3A_439 {strides = array<i32>} : memref<128x128xf32, #tpu.memory_space<vmem>>, vector<1x16xf32>,
        %get3A_440 = arith.index_cast %add3A_415 : i32 to index
        %get3A_441 = arith.constant 32 : index
        %get3A_442 = tpu.vector_load %arg10[%get3A_440, %get3A_441] {strides = array<i32>} : memref<128x128xf32, #tpu.memory_space<vmem>>, vector<1x16xf32>,
        %get3A_443 = vector.shape_cast %get3A_442 : vector<1x16xf32> to vector<16xf32>
        %mul3A_444 = arith.mulf %get3A_443, %gather3A_419 : vector<16xf32>
        %swap3A_445 = arith.index_cast %add3A_415 : i32 to index
        %swap3A_446 = arith.constant 32 : index
        %swap3A_447 = tpu.vector_load %arg10[%swap3A_445, %swap3A_446] {strides = array<i32>} : memref<128x128xf32, #tpu.memory_space<vmem>>, vector<1x16xf32>,
        %swap3A_448 = vector.shape_cast %swap3A_447 : vector<1x16xf32> to vector<16xf32>
        %swap3A_449 = vector.shape_cast %mul3A_444 : vector<16xf32> to vector<1x16xf32>
        tpu.vector_store %arg10[%swap3A_445, %swap3A_446], %swap3A_449 {strides = array<i32>} : memref<128x128xf32, #tpu.memory_space<vmem>>, vector<1x16xf32>,
        %get3A_450 = arith.index_cast %add3A_415 : i32 to index
        %get3A_451 = arith.constant 48 : index
        %get3A_452 = tpu.vector_load %arg10[%get3A_450, %get3A_451] {strides = array<i32>} : memref<128x128xf32, #tpu.memory_space<vmem>>, vector<1x16xf32>,
        %get3A_453 = vector.shape_cast %get3A_452 : vector<1x16xf32> to vector<16xf32>
        %mul3A_454 = arith.mulf %get3A_453, %gather3A_419 : vector<16xf32>
        %swap3A_455 = arith.index_cast %add3A_415 : i32 to index
        %swap3A_456 = arith.constant 48 : index
        %swap3A_457 = tpu.vector_load %arg10[%swap3A_455, %swap3A_456] {strides = array<i32>} : memref<128x128xf32, #tpu.memory_space<vmem>>, vector<1x16xf32>,
        %swap3A_458 = vector.shape_cast %swap3A_457 : vector<1x16xf32> to vector<16xf32>
        %swap3A_459 = vector.shape_cast %mul3A_454 : vector<16xf32> to vector<1x16xf32>
        tpu.vector_store %arg10[%swap3A_455, %swap3A_456], %swap3A_459 {strides = array<i32>} : memref<128x128xf32, #tpu.memory_space<vmem>>, vector<1x16xf32>,
        %get3A_460 = arith.index_cast %add3A_415 : i32 to index
        %get3A_461 = arith.constant 64 : index
        %get3A_462 = tpu.vector_load %arg10[%get3A_460, %get3A_461] {strides = array<i32>} : memref<128x128xf32, #tpu.memory_space<vmem>>, vector<1x16xf32>,
        %get3A_463 = vector.shape_cast %get3A_462 : vector<1x16xf32> to vector<16xf32>
        %mul3A_464 = arith.mulf %get3A_463, %gather3A_419 : vector<16xf32>
        %swap3A_465 = arith.index_cast %add3A_415 : i32 to index
        %swap3A_466 = arith.constant 64 : index
        %swap3A_467 = tpu.vector_load %arg10[%swap3A_465, %swap3A_466] {strides = array<i32>} : memref<128x128xf32, #tpu.memory_space<vmem>>, vector<1x16xf32>,
        %swap3A_468 = vector.shape_cast %swap3A_467 : vector<1x16xf32> to vector<16xf32>
        %swap3A_469 = vector.shape_cast %mul3A_464 : vector<16xf32> to vector<1x16xf32>
        tpu.vector_store %arg10[%swap3A_465, %swap3A_466], %swap3A_469 {strides = array<i32>} : memref<128x128xf32, #tpu.memory_space<vmem>>, vector<1x16xf32>,
        %get3A_470 = arith.index_cast %add3A_415 : i32 to index
        %get3A_471 = arith.constant 80 : index
        %get3A_472 = tpu.vector_load %arg10[%get3A_470, %get3A_471] {strides = array<i32>} : memref<128x128xf32, #tpu.memory_space<vmem>>, vector<1x16xf32>,
        %get3A_473 = vector.shape_cast %get3A_472 : vector<1x16xf32> to vector<16xf32>
        %mul3A_474 = arith.mulf %get3A_473, %gather3A_419 : vector<16xf32>
        %swap3A_475 = arith.index_cast %add3A_415 : i32 to index
        %swap3A_476 = arith.constant 80 : index
        %swap3A_477 = tpu.vector_load %arg10[%swap3A_475, %swap3A_476] {strides = array<i32>} : memref<128x128xf32, #tpu.memory_space<vmem>>, vector<1x16xf32>,
        %swap3A_478 = vector.shape_cast %swap3A_477 : vector<1x16xf32> to vector<16xf32>
        %swap3A_479 = vector.shape_cast %mul3A_474 : vector<16xf32> to vector<1x16xf32>
        tpu.vector_store %arg10[%swap3A_475, %swap3A_476], %swap3A_479 {strides = array<i32>} : memref<128x128xf32, #tpu.memory_space<vmem>>, vector<1x16xf32>,
        %get3A_480 = arith.index_cast %add3A_415 : i32 to index
        %get3A_481 = arith.constant 96 : index
        %get3A_482 = tpu.vector_load %arg10[%get3A_480, %get3A_481] {strides = array<i32>} : memref<128x128xf32, #tpu.memory_space<vmem>>, vector<1x16xf32>,
        %get3A_483 = vector.shape_cast %get3A_482 : vector<1x16xf32> to vector<16xf32>
        %mul3A_484 = arith.mulf %get3A_483, %gather3A_419 : vector<16xf32>
        %swap3A_485 = arith.index_cast %add3A_415 : i32 to index
        %swap3A_486 = arith.constant 96 : index
        %swap3A_487 = tpu.vector_load %arg10[%swap3A_485, %swap3A_486] {strides = array<i32>} : memref<128x128xf32, #tpu.memory_space<vmem>>, vector<1x16xf32>,
        %swap3A_488 = vector.shape_cast %swap3A_487 : vector<1x16xf32> to vector<16xf32>
        %swap3A_489 = vector.shape_cast %mul3A_484 : vector<16xf32> to vector<1x16xf32>
        tpu.vector_store %arg10[%swap3A_485, %swap3A_486], %swap3A_489 {strides = array<i32>} : memref<128x128xf32, #tpu.memory_space<vmem>>, vector<1x16xf32>,
        %get3A_490 = arith.index_cast %add3A_415 : i32 to index
        %get3A_491 = arith.constant 112 : index
        %get3A_492 = tpu.vector_load %arg10[%get3A_490, %get3A_491] {strides = array<i32>} : memref<128x128xf32, #tpu.memory_space<vmem>>, vector<1x16xf32>,
        %get3A_493 = vector.shape_cast %get3A_492 : vector<1x16xf32> to vector<16xf32>
        %mul3A_494 = arith.mulf %get3A_493, %gather3A_419 : vector<16xf32>
        %swap3A_495 = arith.index_cast %add3A_415 : i32 to index
        %swap3A_496 = arith.constant 112 : index
        %swap3A_497 = tpu.vector_load %arg10[%swap3A_495, %swap3A_496] {strides = array<i32>} : memref<128x128xf32, #tpu.memory_space<vmem>>, vector<1x16xf32>,
        %swap3A_498 = vector.shape_cast %swap3A_497 : vector<1x16xf32> to vector<16xf32>
        %swap3A_499 = vector.shape_cast %mul3A_494 : vector<16xf32> to vector<1x16xf32>
        tpu.vector_store %arg10[%swap3A_495, %swap3A_496], %swap3A_499 {strides = array<i32>} : memref<128x128xf32, #tpu.memory_space<vmem>>, vector<1x16xf32>,
        %mul3A_500 = arith.constant 16 : i32
        %mul3A_501 = arith.muli %scan3A_56, %mul3A_500 : i32
        %add3A_502 = arith.constant 5 : i32
        %add3A_503 = arith.addi %mul3A_501, %add3A_502 : i32
        %broadcast_in_dim3A_504 = arith.constant 5 : i32
        %broadcast_in_dim3A_505 = vector.broadcast %broadcast_in_dim3A_504 : i32 to vector<16x1xi32>
        %gather3A_506 = vector.shape_cast %broadcast_in_dim3A_505 : vector<16x1xi32> to vector<16xi32>
        %gather3A_507 = tpu.dynamic_gather %get3A_61[%gather3A_506] in [0] : vector<16xf32>, vector<16xi32> -> vector<16xf32>
        %get3A_508 = arith.index_cast %add3A_503 : i32 to index
        %get3A_509 = arith.constant 0 : index
        %get3A_510 = tpu.vector_load %arg10[%get3A_508, %get3A_509] {strides = array<i32>} : memref<128x128xf32, #tpu.memory_space<vmem>>, vector<1x16xf32>,
        %get3A_511 = vector.shape_cast %get3A_510 : vector<1x16xf32> to vector<16xf32>
        %mul3A_512 = arith.mulf %get3A_511, %gather3A_507 : vector<16xf32>
        %swap3A_513 = arith.index_cast %add3A_503 : i32 to index
        %swap3A_514 = arith.constant 0 : index
        %swap3A_515 = tpu.vector_load %arg10[%swap3A_513, %swap3A_514] {strides = array<i32>} : memref<128x128xf32, #tpu.memory_space<vmem>>, vector<1x16xf32>,
        %swap3A_516 = vector.shape_cast %swap3A_515 : vector<1x16xf32> to vector<16xf32>
        %swap3A_517 = vector.shape_cast %mul3A_512 : vector<16xf32> to vector<1x16xf32>
        tpu.vector_store %arg10[%swap3A_513, %swap3A_514], %swap3A_517 {strides = array<i32>} : memref<128x128xf32, #tpu.memory_space<vmem>>, vector<1x16xf32>,
        %get3A_518 = arith.index_cast %add3A_503 : i32 to index
        %get3A_519 = arith.constant 16 : index
        %get3A_520 = tpu.vector_load %arg10[%get3A_518, %get3A_519] {strides = array<i32>} : memref<128x128xf32, #tpu.memory_space<vmem>>, vector<1x16xf32>,
        %get3A_521 = vector.shape_cast %get3A_520 : vector<1x16xf32> to vector<16xf32>
        %mul3A_522 = arith.mulf %get3A_521, %gather3A_507 : vector<16xf32>
        %swap3A_523 = arith.index_cast %add3A_503 : i32 to index
        %swap3A_524 = arith.constant 16 : index
        %swap3A_525 = tpu.vector_load %arg10[%swap3A_523, %swap3A_524] {strides = array<i32>} : memref<128x128xf32, #tpu.memory_space<vmem>>, vector<1x16xf32>,
        %swap3A_526 = vector.shape_cast %swap3A_525 : vector<1x16xf32> to vector<16xf32>
        %swap3A_527 = vector.shape_cast %mul3A_522 : vector<16xf32> to vector<1x16xf32>
        tpu.vector_store %arg10[%swap3A_523, %swap3A_524], %swap3A_527 {strides = array<i32>} : memref<128x128xf32, #tpu.memory_space<vmem>>, vector<1x16xf32>,
        %get3A_528 = arith.index_cast %add3A_503 : i32 to index
        %get3A_529 = arith.constant 32 : index
        %get3A_530 = tpu.vector_load %arg10[%get3A_528, %get3A_529] {strides = array<i32>} : memref<128x128xf32, #tpu.memory_space<vmem>>, vector<1x16xf32>,
        %get3A_531 = vector.shape_cast %get3A_530 : vector<1x16xf32> to vector<16xf32>
        %mul3A_532 = arith.mulf %get3A_531, %gather3A_507 : vector<16xf32>
        %swap3A_533 = arith.index_cast %add3A_503 : i32 to index
        %swap3A_534 = arith.constant 32 : index
        %swap3A_535 = tpu.vector_load %arg10[%swap3A_533, %swap3A_534] {strides = array<i32>} : memref<128x128xf32, #tpu.memory_space<vmem>>, vector<1x16xf32>,
        %swap3A_536 = vector.shape_cast %swap3A_535 : vector<1x16xf32> to vector<16xf32>
        %swap3A_537 = vector.shape_cast %mul3A_532 : vector<16xf32> to vector<1x16xf32>
        tpu.vector_store %arg10[%swap3A_533, %swap3A_534], %swap3A_537 {strides = array<i32>} : memref<128x128xf32, #tpu.memory_space<vmem>>, vector<1x16xf32>,
        %get3A_538 = arith.index_cast %add3A_503 : i32 to index
        %get3A_539 = arith.constant 48 : index
        %get3A_540 = tpu.vector_load %arg10[%get3A_538, %get3A_539] {strides = array<i32>} : memref<128x128xf32, #tpu.memory_space<vmem>>, vector<1x16xf32>,
        %get3A_541 = vector.shape_cast %get3A_540 : vector<1x16xf32> to vector<16xf32>
        %mul3A_542 = arith.mulf %get3A_541, %gather3A_507 : vector<16xf32>
        %swap3A_543 = arith.index_cast %add3A_503 : i32 to index
        %swap3A_544 = arith.constant 48 : index
        %swap3A_545 = tpu.vector_load %arg10[%swap3A_543, %swap3A_544] {strides = array<i32>} : memref<128x128xf32, #tpu.memory_space<vmem>>, vector<1x16xf32>,
        %swap3A_546 = vector.shape_cast %swap3A_545 : vector<1x16xf32> to vector<16xf32>
        %swap3A_547 = vector.shape_cast %mul3A_542 : vector<16xf32> to vector<1x16xf32>
        tpu.vector_store %arg10[%swap3A_543, %swap3A_544], %swap3A_547 {strides = array<i32>} : memref<128x128xf32, #tpu.memory_space<vmem>>, vector<1x16xf32>,
        %get3A_548 = arith.index_cast %add3A_503 : i32 to index
        %get3A_549 = arith.constant 64 : index
        %get3A_550 = tpu.vector_load %arg10[%get3A_548, %get3A_549] {strides = array<i32>} : memref<128x128xf32, #tpu.memory_space<vmem>>, vector<1x16xf32>,
        %get3A_551 = vector.shape_cast %get3A_550 : vector<1x16xf32> to vector<16xf32>
        %mul3A_552 = arith.mulf %get3A_551, %gather3A_507 : vector<16xf32>
        %swap3A_553 = arith.index_cast %add3A_503 : i32 to index
        %swap3A_554 = arith.constant 64 : index
        %swap3A_555 = tpu.vector_load %arg10[%swap3A_553, %swap3A_554] {strides = array<i32>} : memref<128x128xf32, #tpu.memory_space<vmem>>, vector<1x16xf32>,
        %swap3A_556 = vector.shape_cast %swap3A_555 : vector<1x16xf32> to vector<16xf32>
        %swap3A_557 = vector.shape_cast %mul3A_552 : vector<16xf32> to vector<1x16xf32>
        tpu.vector_store %arg10[%swap3A_553, %swap3A_554], %swap3A_557 {strides = array<i32>} : memref<128x128xf32, #tpu.memory_space<vmem>>, vector<1x16xf32>,
        %get3A_558 = arith.index_cast %add3A_503 : i32 to index
        %get3A_559 = arith.constant 80 : index
        %get3A_560 = tpu.vector_load %arg10[%get3A_558, %get3A_559] {strides = array<i32>} : memref<128x128xf32, #tpu.memory_space<vmem>>, vector<1x16xf32>,
        %get3A_561 = vector.shape_cast %get3A_560 : vector<1x16xf32> to vector<16xf32>
        %mul3A_562 = arith.mulf %get3A_561, %gather3A_507 : vector<16xf32>
        %swap3A_563 = arith.index_cast %add3A_503 : i32 to index
        %swap3A_564 = arith.constant 80 : index
        %swap3A_565 = tpu.vector_load %arg10[%swap3A_563, %swap3A_564] {strides = array<i32>} : memref<128x128xf32, #tpu.memory_space<vmem>>, vector<1x16xf32>,
        %swap3A_566 = vector.shape_cast %swap3A_565 : vector<1x16xf32> to vector<16xf32>
        %swap3A_567 = vector.shape_cast %mul3A_562 : vector<16xf32> to vector<1x16xf32>
        tpu.vector_store %arg10[%swap3A_563, %swap3A_564], %swap3A_567 {strides = array<i32>} : memref<128x128xf32, #tpu.memory_space<vmem>>, vector<1x16xf32>,
        %get3A_568 = arith.index_cast %add3A_503 : i32 to index
        %get3A_569 = arith.constant 96 : index
        %get3A_570 = tpu.vector_load %arg10[%get3A_568, %get3A_569] {strides = array<i32>} : memref<128x128xf32, #tpu.memory_space<vmem>>, vector<1x16xf32>,
        %get3A_571 = vector.shape_cast %get3A_570 : vector<1x16xf32> to vector<16xf32>
        %mul3A_572 = arith.mulf %get3A_571, %gather3A_507 : vector<16xf32>
        %swap3A_573 = arith.index_cast %add3A_503 : i32 to index
        %swap3A_574 = arith.constant 96 : index
        %swap3A_575 = tpu.vector_load %arg10[%swap3A_573, %swap3A_574] {strides = array<i32>} : memref<128x128xf32, #tpu.memory_space<vmem>>, vector<1x16xf32>,
        %swap3A_576 = vector.shape_cast %swap3A_575 : vector<1x16xf32> to vector<16xf32>
        %swap3A_577 = vector.shape_cast %mul3A_572 : vector<16xf32> to vector<1x16xf32>
        tpu.vector_store %arg10[%swap3A_573, %swap3A_574], %swap3A_577 {strides = array<i32>} : memref<128x128xf32, #tpu.memory_space<vmem>>, vector<1x16xf32>,
        %get3A_578 = arith.index_cast %add3A_503 : i32 to index
        %get3A_579 = arith.constant 112 : index
        %get3A_580 = tpu.vector_load %arg10[%get3A_578, %get3A_579] {strides = array<i32>} : memref<128x128xf32, #tpu.memory_space<vmem>>, vector<1x16xf32>,
        %get3A_581 = vector.shape_cast %get3A_580 : vector<1x16xf32> to vector<16xf32>
        %mul3A_582 = arith.mulf %get3A_581, %gather3A_507 : vector<16xf32>
        %swap3A_583 = arith.index_cast %add3A_503 : i32 to index
        %swap3A_584 = arith.constant 112 : index
        %swap3A_585 = tpu.vector_load %arg10[%swap3A_583, %swap3A_584] {strides = array<i32>} : memref<128x128xf32, #tpu.memory_space<vmem>>, vector<1x16xf32>,
        %swap3A_586 = vector.shape_cast %swap3A_585 : vector<1x16xf32> to vector<16xf32>
        %swap3A_587 = vector.shape_cast %mul3A_582 : vector<16xf32> to vector<1x16xf32>
        tpu.vector_store %arg10[%swap3A_583, %swap3A_584], %swap3A_587 {strides = array<i32>} : memref<128x128xf32, #tpu.memory_space<vmem>>, vector<1x16xf32>,
        %mul3A_588 = arith.constant 16 : i32
        %mul3A_589 = arith.muli %scan3A_56, %mul3A_588 : i32
        %add3A_590 = arith.constant 6 : i32
        %add3A_591 = arith.addi %mul3A_589, %add3A_590 : i32
        %broadcast_in_dim3A_592 = arith.constant 6 : i32
        %broadcast_in_dim3A_593 = vector.broadcast %broadcast_in_dim3A_592 : i32 to vector<16x1xi32>
        %gather3A_594 = vector.shape_cast %broadcast_in_dim3A_593 : vector<16x1xi32> to vector<16xi32>
        %gather3A_595 = tpu.dynamic_gather %get3A_61[%gather3A_594] in [0] : vector<16xf32>, vector<16xi32> -> vector<16xf32>
        %get3A_596 = arith.index_cast %add3A_591 : i32 to index
        %get3A_597 = arith.constant 0 : index
        %get3A_598 = tpu.vector_load %arg10[%get3A_596, %get3A_597] {strides = array<i32>} : memref<128x128xf32, #tpu.memory_space<vmem>>, vector<1x16xf32>,
        %get3A_599 = vector.shape_cast %get3A_598 : vector<1x16xf32> to vector<16xf32>
        %mul3A_600 = arith.mulf %get3A_599, %gather3A_595 : vector<16xf32>
        %swap3A_601 = arith.index_cast %add3A_591 : i32 to index
        %swap3A_602 = arith.constant 0 : index
        %swap3A_603 = tpu.vector_load %arg10[%swap3A_601, %swap3A_602] {strides = array<i32>} : memref<128x128xf32, #tpu.memory_space<vmem>>, vector<1x16xf32>,
        %swap3A_604 = vector.shape_cast %swap3A_603 : vector<1x16xf32> to vector<16xf32>
        %swap3A_605 = vector.shape_cast %mul3A_600 : vector<16xf32> to vector<1x16xf32>
        tpu.vector_store %arg10[%swap3A_601, %swap3A_602], %swap3A_605 {strides = array<i32>} : memref<128x128xf32, #tpu.memory_space<vmem>>, vector<1x16xf32>,
        %get3A_606 = arith.index_cast %add3A_591 : i32 to index
        %get3A_607 = arith.constant 16 : index
        %get3A_608 = tpu.vector_load %arg10[%get3A_606, %get3A_607] {strides = array<i32>} : memref<128x128xf32, #tpu.memory_space<vmem>>, vector<1x16xf32>,
        %get3A_609 = vector.shape_cast %get3A_608 : vector<1x16xf32> to vector<16xf32>
        %mul3A_610 = arith.mulf %get3A_609, %gather3A_595 : vector<16xf32>
        %swap3A_611 = arith.index_cast %add3A_591 : i32 to index
        %swap3A_612 = arith.constant 16 : index
        %swap3A_613 = tpu.vector_load %arg10[%swap3A_611, %swap3A_612] {strides = array<i32>} : memref<128x128xf32, #tpu.memory_space<vmem>>, vector<1x16xf32>,
        %swap3A_614 = vector.shape_cast %swap3A_613 : vector<1x16xf32> to vector<16xf32>
        %swap3A_615 = vector.shape_cast %mul3A_610 : vector<16xf32> to vector<1x16xf32>
        tpu.vector_store %arg10[%swap3A_611, %swap3A_612], %swap3A_615 {strides = array<i32>} : memref<128x128xf32, #tpu.memory_space<vmem>>, vector<1x16xf32>,
        %get3A_616 = arith.index_cast %add3A_591 : i32 to index
        %get3A_617 = arith.constant 32 : index
        %get3A_618 = tpu.vector_load %arg10[%get3A_616, %get3A_617] {strides = array<i32>} : memref<128x128xf32, #tpu.memory_space<vmem>>, vector<1x16xf32>,
        %get3A_619 = vector.shape_cast %get3A_618 : vector<1x16xf32> to vector<16xf32>
        %mul3A_620 = arith.mulf %get3A_619, %gather3A_595 : vector<16xf32>
        %swap3A_621 = arith.index_cast %add3A_591 : i32 to index
        %swap3A_622 = arith.constant 32 : index
        %swap3A_623 = tpu.vector_load %arg10[%swap3A_621, %swap3A_622] {strides = array<i32>} : memref<128x128xf32, #tpu.memory_space<vmem>>, vector<1x16xf32>,
        %swap3A_624 = vector.shape_cast %swap3A_623 : vector<1x16xf32> to vector<16xf32>
        %swap3A_625 = vector.shape_cast %mul3A_620 : vector<16xf32> to vector<1x16xf32>
        tpu.vector_store %arg10[%swap3A_621, %swap3A_622], %swap3A_625 {strides = array<i32>} : memref<128x128xf32, #tpu.memory_space<vmem>>, vector<1x16xf32>,
        %get3A_626 = arith.index_cast %add3A_591 : i32 to index
        %get3A_627 = arith.constant 48 : index
        %get3A_628 = tpu.vector_load %arg10[%get3A_626, %get3A_627] {strides = array<i32>} : memref<128x128xf32, #tpu.memory_space<vmem>>, vector<1x16xf32>,
        %get3A_629 = vector.shape_cast %get3A_628 : vector<1x16xf32> to vector<16xf32>
        %mul3A_630 = arith.mulf %get3A_629, %gather3A_595 : vector<16xf32>
        %swap3A_631 = arith.index_cast %add3A_591 : i32 to index
        %swap3A_632 = arith.constant 48 : index
        %swap3A_633 = tpu.vector_load %arg10[%swap3A_631, %swap3A_632] {strides = array<i32>} : memref<128x128xf32, #tpu.memory_space<vmem>>, vector<1x16xf32>,
        %swap3A_634 = vector.shape_cast %swap3A_633 : vector<1x16xf32> to vector<16xf32>
        %swap3A_635 = vector.shape_cast %mul3A_630 : vector<16xf32> to vector<1x16xf32>
        tpu.vector_store %arg10[%swap3A_631, %swap3A_632], %swap3A_635 {strides = array<i32>} : memref<128x128xf32, #tpu.memory_space<vmem>>, vector<1x16xf32>,
        %get3A_636 = arith.index_cast %add3A_591 : i32 to index
        %get3A_637 = arith.constant 64 : index
        %get3A_638 = tpu.vector_load %arg10[%get3A_636, %get3A_637] {strides = array<i32>} : memref<128x128xf32, #tpu.memory_space<vmem>>, vector<1x16xf32>,
        %get3A_639 = vector.shape_cast %get3A_638 : vector<1x16xf32> to vector<16xf32>
        %mul3A_640 = arith.mulf %get3A_639, %gather3A_595 : vector<16xf32>
        %swap3A_641 = arith.index_cast %add3A_591 : i32 to index
        %swap3A_642 = arith.constant 64 : index
        %swap3A_643 = tpu.vector_load %arg10[%swap3A_641, %swap3A_642] {strides = array<i32>} : memref<128x128xf32, #tpu.memory_space<vmem>>, vector<1x16xf32>,
        %swap3A_644 = vector.shape_cast %swap3A_643 : vector<1x16xf32> to vector<16xf32>
        %swap3A_645 = vector.shape_cast %mul3A_640 : vector<16xf32> to vector<1x16xf32>
        tpu.vector_store %arg10[%swap3A_641, %swap3A_642], %swap3A_645 {strides = array<i32>} : memref<128x128xf32, #tpu.memory_space<vmem>>, vector<1x16xf32>,
        %get3A_646 = arith.index_cast %add3A_591 : i32 to index
        %get3A_647 = arith.constant 80 : index
        %get3A_648 = tpu.vector_load %arg10[%get3A_646, %get3A_647] {strides = array<i32>} : memref<128x128xf32, #tpu.memory_space<vmem>>, vector<1x16xf32>,
        %get3A_649 = vector.shape_cast %get3A_648 : vector<1x16xf32> to vector<16xf32>
        %mul3A_650 = arith.mulf %get3A_649, %gather3A_595 : vector<16xf32>
        %swap3A_651 = arith.index_cast %add3A_591 : i32 to index
        %swap3A_652 = arith.constant 80 : index
        %swap3A_653 = tpu.vector_load %arg10[%swap3A_651, %swap3A_652] {strides = array<i32>} : memref<128x128xf32, #tpu.memory_space<vmem>>, vector<1x16xf32>,
        %swap3A_654 = vector.shape_cast %swap3A_653 : vector<1x16xf32> to vector<16xf32>
        %swap3A_655 = vector.shape_cast %mul3A_650 : vector<16xf32> to vector<1x16xf32>
        tpu.vector_store %arg10[%swap3A_651, %swap3A_652], %swap3A_655 {strides = array<i32>} : memref<128x128xf32, #tpu.memory_space<vmem>>, vector<1x16xf32>,
        %get3A_656 = arith.index_cast %add3A_591 : i32 to index
        %get3A_657 = arith.constant 96 : index
        %get3A_658 = tpu.vector_load %arg10[%get3A_656, %get3A_657] {strides = array<i32>} : memref<128x128xf32, #tpu.memory_space<vmem>>, vector<1x16xf32>,
        %get3A_659 = vector.shape_cast %get3A_658 : vector<1x16xf32> to vector<16xf32>
        %mul3A_660 = arith.mulf %get3A_659, %gather3A_595 : vector<16xf32>
        %swap3A_661 = arith.index_cast %add3A_591 : i32 to index
        %swap3A_662 = arith.constant 96 : index
        %swap3A_663 = tpu.vector_load %arg10[%swap3A_661, %swap3A_662] {strides = array<i32>} : memref<128x128xf32, #tpu.memory_space<vmem>>, vector<1x16xf32>,
        %swap3A_664 = vector.shape_cast %swap3A_663 : vector<1x16xf32> to vector<16xf32>
        %swap3A_665 = vector.shape_cast %mul3A_660 : vector<16xf32> to vector<1x16xf32>
        tpu.vector_store %arg10[%swap3A_661, %swap3A_662], %swap3A_665 {strides = array<i32>} : memref<128x128xf32, #tpu.memory_space<vmem>>, vector<1x16xf32>,
        %get3A_666 = arith.index_cast %add3A_591 : i32 to index
        %get3A_667 = arith.constant 112 : index
        %get3A_668 = tpu.vector_load %arg10[%get3A_666, %get3A_667] {strides = array<i32>} : memref<128x128xf32, #tpu.memory_space<vmem>>, vector<1x16xf32>,
        %get3A_669 = vector.shape_cast %get3A_668 : vector<1x16xf32> to vector<16xf32>
        %mul3A_670 = arith.mulf %get3A_669, %gather3A_595 : vector<16xf32>
        %swap3A_671 = arith.index_cast %add3A_591 : i32 to index
        %swap3A_672 = arith.constant 112 : index
        %swap3A_673 = tpu.vector_load %arg10[%swap3A_671, %swap3A_672] {strides = array<i32>} : memref<128x128xf32, #tpu.memory_space<vmem>>, vector<1x16xf32>,
        %swap3A_674 = vector.shape_cast %swap3A_673 : vector<1x16xf32> to vector<16xf32>
        %swap3A_675 = vector.shape_cast %mul3A_670 : vector<16xf32> to vector<1x16xf32>
        tpu.vector_store %arg10[%swap3A_671, %swap3A_672], %swap3A_675 {strides = array<i32>} : memref<128x128xf32, #tpu.memory_space<vmem>>, vector<1x16xf32>,
        %mul3A_676 = arith.constant 16 : i32
        %mul3A_677 = arith.muli %scan3A_56, %mul3A_676 : i32
        %add3A_678 = arith.constant 7 : i32
        %add3A_679 = arith.addi %mul3A_677, %add3A_678 : i32
        %broadcast_in_dim3A_680 = arith.constant 7 : i32
        %broadcast_in_dim3A_681 = vector.broadcast %broadcast_in_dim3A_680 : i32 to vector<16x1xi32>
        %gather3A_682 = vector.shape_cast %broadcast_in_dim3A_681 : vector<16x1xi32> to vector<16xi32>
        %gather3A_683 = tpu.dynamic_gather %get3A_61[%gather3A_682] in [0] : vector<16xf32>, vector<16xi32> -> vector<16xf32>
        %get3A_684 = arith.index_cast %add3A_679 : i32 to index
        %get3A_685 = arith.constant 0 : index
        %get3A_686 = tpu.vector_load %arg10[%get3A_684, %get3A_685] {strides = array<i32>} : memref<128x128xf32, #tpu.memory_space<vmem>>, vector<1x16xf32>,
        %get3A_687 = vector.shape_cast %get3A_686 : vector<1x16xf32> to vector<16xf32>
        %mul3A_688 = arith.mulf %get3A_687, %gather3A_683 : vector<16xf32>
        %swap3A_689 = arith.index_cast %add3A_679 : i32 to index
        %swap3A_690 = arith.constant 0 : index
        %swap3A_691 = tpu.vector_load %arg10[%swap3A_689, %swap3A_690] {strides = array<i32>} : memref<128x128xf32, #tpu.memory_space<vmem>>, vector<1x16xf32>,
        %swap3A_692 = vector.shape_cast %swap3A_691 : vector<1x16xf32> to vector<16xf32>
        %swap3A_693 = vector.shape_cast %mul3A_688 : vector<16xf32> to vector<1x16xf32>
        tpu.vector_store %arg10[%swap3A_689, %swap3A_690], %swap3A_693 {strides = array<i32>} : memref<128x128xf32, #tpu.memory_space<vmem>>, vector<1x16xf32>,
        %get3A_694 = arith.index_cast %add3A_679 : i32 to index
        %get3A_695 = arith.constant 16 : index
        %get3A_696 = tpu.vector_load %arg10[%get3A_694, %get3A_695] {strides = array<i32>} : memref<128x128xf32, #tpu.memory_space<vmem>>, vector<1x16xf32>,
        %get3A_697 = vector.shape_cast %get3A_696 : vector<1x16xf32> to vector<16xf32>
        %mul3A_698 = arith.mulf %get3A_697, %gather3A_683 : vector<16xf32>
        %swap3A_699 = arith.index_cast %add3A_679 : i32 to index
        %swap3A_700 = arith.constant 16 : index
        %swap3A_701 = tpu.vector_load %arg10[%swap3A_699, %swap3A_700] {strides = array<i32>} : memref<128x128xf32, #tpu.memory_space<vmem>>, vector<1x16xf32>,
        %swap3A_702 = vector.shape_cast %swap3A_701 : vector<1x16xf32> to vector<16xf32>
        %swap3A_703 = vector.shape_cast %mul3A_698 : vector<16xf32> to vector<1x16xf32>
        tpu.vector_store %arg10[%swap3A_699, %swap3A_700], %swap3A_703 {strides = array<i32>} : memref<128x128xf32, #tpu.memory_space<vmem>>, vector<1x16xf32>,
        %get3A_704 = arith.index_cast %add3A_679 : i32 to index
        %get3A_705 = arith.constant 32 : index
        %get3A_706 = tpu.vector_load %arg10[%get3A_704, %get3A_705] {strides = array<i32>} : memref<128x128xf32, #tpu.memory_space<vmem>>, vector<1x16xf32>,
        %get3A_707 = vector.shape_cast %get3A_706 : vector<1x16xf32> to vector<16xf32>
        %mul3A_708 = arith.mulf %get3A_707, %gather3A_683 : vector<16xf32>
        %swap3A_709 = arith.index_cast %add3A_679 : i32 to index
        %swap3A_710 = arith.constant 32 : index
        %swap3A_711 = tpu.vector_load %arg10[%swap3A_709, %swap3A_710] {strides = array<i32>} : memref<128x128xf32, #tpu.memory_space<vmem>>, vector<1x16xf32>,
        %swap3A_712 = vector.shape_cast %swap3A_711 : vector<1x16xf32> to vector<16xf32>
        %swap3A_713 = vector.shape_cast %mul3A_708 : vector<16xf32> to vector<1x16xf32>
        tpu.vector_store %arg10[%swap3A_709, %swap3A_710], %swap3A_713 {strides = array<i32>} : memref<128x128xf32, #tpu.memory_space<vmem>>, vector<1x16xf32>,
        %get3A_714 = arith.index_cast %add3A_679 : i32 to index
        %get3A_715 = arith.constant 48 : index
        %get3A_716 = tpu.vector_load %arg10[%get3A_714, %get3A_715] {strides = array<i32>} : memref<128x128xf32, #tpu.memory_space<vmem>>, vector<1x16xf32>,
        %get3A_717 = vector.shape_cast %get3A_716 : vector<1x16xf32> to vector<16xf32>
        %mul3A_718 = arith.mulf %get3A_717, %gather3A_683 : vector<16xf32>
        %swap3A_719 = arith.index_cast %add3A_679 : i32 to index
        %swap3A_720 = arith.constant 48 : index
        %swap3A_721 = tpu.vector_load %arg10[%swap3A_719, %swap3A_720] {strides = array<i32>} : memref<128x128xf32, #tpu.memory_space<vmem>>, vector<1x16xf32>,
        %swap3A_722 = vector.shape_cast %swap3A_721 : vector<1x16xf32> to vector<16xf32>
        %swap3A_723 = vector.shape_cast %mul3A_718 : vector<16xf32> to vector<1x16xf32>
        tpu.vector_store %arg10[%swap3A_719, %swap3A_720], %swap3A_723 {strides = array<i32>} : memref<128x128xf32, #tpu.memory_space<vmem>>, vector<1x16xf32>,
        %get3A_724 = arith.index_cast %add3A_679 : i32 to index
        %get3A_725 = arith.constant 64 : index
        %get3A_726 = tpu.vector_load %arg10[%get3A_724, %get3A_725] {strides = array<i32>} : memref<128x128xf32, #tpu.memory_space<vmem>>, vector<1x16xf32>,
        %get3A_727 = vector.shape_cast %get3A_726 : vector<1x16xf32> to vector<16xf32>
        %mul3A_728 = arith.mulf %get3A_727, %gather3A_683 : vector<16xf32>
        %swap3A_729 = arith.index_cast %add3A_679 : i32 to index
        %swap3A_730 = arith.constant 64 : index
        %swap3A_731 = tpu.vector_load %arg10[%swap3A_729, %swap3A_730] {strides = array<i32>} : memref<128x128xf32, #tpu.memory_space<vmem>>, vector<1x16xf32>,
        %swap3A_732 = vector.shape_cast %swap3A_731 : vector<1x16xf32> to vector<16xf32>
        %swap3A_733 = vector.shape_cast %mul3A_728 : vector<16xf32> to vector<1x16xf32>
        tpu.vector_store %arg10[%swap3A_729, %swap3A_730], %swap3A_733 {strides = array<i32>} : memref<128x128xf32, #tpu.memory_space<vmem>>, vector<1x16xf32>,
        %get3A_734 = arith.index_cast %add3A_679 : i32 to index
        %get3A_735 = arith.constant 80 : index
        %get3A_736 = tpu.vector_load %arg10[%get3A_734, %get3A_735] {strides = array<i32>} : memref<128x128xf32, #tpu.memory_space<vmem>>, vector<1x16xf32>,
        %get3A_737 = vector.shape_cast %get3A_736 : vector<1x16xf32> to vector<16xf32>
        %mul3A_738 = arith.mulf %get3A_737, %gather3A_683 : vector<16xf32>
        %swap3A_739 = arith.index_cast %add3A_679 : i32 to index
        %swap3A_740 = arith.constant 80 : index
        %swap3A_741 = tpu.vector_load %arg10[%swap3A_739, %swap3A_740] {strides = array<i32>} : memref<128x128xf32, #tpu.memory_space<vmem>>, vector<1x16xf32>,
        %swap3A_742 = vector.shape_cast %swap3A_741 : vector<1x16xf32> to vector<16xf32>
        %swap3A_743 = vector.shape_cast %mul3A_738 : vector<16xf32> to vector<1x16xf32>
        tpu.vector_store %arg10[%swap3A_739, %swap3A_740], %swap3A_743 {strides = array<i32>} : memref<128x128xf32, #tpu.memory_space<vmem>>, vector<1x16xf32>,
        %get3A_744 = arith.index_cast %add3A_679 : i32 to index
        %get3A_745 = arith.constant 96 : index
        %get3A_746 = tpu.vector_load %arg10[%get3A_744, %get3A_745] {strides = array<i32>} : memref<128x128xf32, #tpu.memory_space<vmem>>, vector<1x16xf32>,
        %get3A_747 = vector.shape_cast %get3A_746 : vector<1x16xf32> to vector<16xf32>
        %mul3A_748 = arith.mulf %get3A_747, %gather3A_683 : vector<16xf32>
        %swap3A_749 = arith.index_cast %add3A_679 : i32 to index
        %swap3A_750 = arith.constant 96 : index
        %swap3A_751 = tpu.vector_load %arg10[%swap3A_749, %swap3A_750] {strides = array<i32>} : memref<128x128xf32, #tpu.memory_space<vmem>>, vector<1x16xf32>,
        %swap3A_752 = vector.shape_cast %swap3A_751 : vector<1x16xf32> to vector<16xf32>
        %swap3A_753 = vector.shape_cast %mul3A_748 : vector<16xf32> to vector<1x16xf32>
        tpu.vector_store %arg10[%swap3A_749, %swap3A_750], %swap3A_753 {strides = array<i32>} : memref<128x128xf32, #tpu.memory_space<vmem>>, vector<1x16xf32>,
        %get3A_754 = arith.index_cast %add3A_679 : i32 to index
        %get3A_755 = arith.constant 112 : index
        %get3A_756 = tpu.vector_load %arg10[%get3A_754, %get3A_755] {strides = array<i32>} : memref<128x128xf32, #tpu.memory_space<vmem>>, vector<1x16xf32>,
        %get3A_757 = vector.shape_cast %get3A_756 : vector<1x16xf32> to vector<16xf32>
        %mul3A_758 = arith.mulf %get3A_757, %gather3A_683 : vector<16xf32>
        %swap3A_759 = arith.index_cast %add3A_679 : i32 to index
        %swap3A_760 = arith.constant 112 : index
        %swap3A_761 = tpu.vector_load %arg10[%swap3A_759, %swap3A_760] {strides = array<i32>} : memref<128x128xf32, #tpu.memory_space<vmem>>, vector<1x16xf32>,
        %swap3A_762 = vector.shape_cast %swap3A_761 : vector<1x16xf32> to vector<16xf32>
        %swap3A_763 = vector.shape_cast %mul3A_758 : vector<16xf32> to vector<1x16xf32>
        tpu.vector_store %arg10[%swap3A_759, %swap3A_760], %swap3A_763 {strides = array<i32>} : memref<128x128xf32, #tpu.memory_space<vmem>>, vector<1x16xf32>,
        %mul3A_764 = arith.constant 16 : i32
        %mul3A_765 = arith.muli %scan3A_56, %mul3A_764 : i32
        %add3A_766 = arith.constant 8 : i32
        %add3A_767 = arith.addi %mul3A_765, %add3A_766 : i32
        %broadcast_in_dim3A_768 = arith.constant 8 : i32
        %broadcast_in_dim3A_769 = vector.broadcast %broadcast_in_dim3A_768 : i32 to vector<16x1xi32>
        %gather3A_770 = vector.shape_cast %broadcast_in_dim3A_769 : vector<16x1xi32> to vector<16xi32>
        %gather3A_771 = tpu.dynamic_gather %get3A_61[%gather3A_770] in [0] : vector<16xf32>, vector<16xi32> -> vector<16xf32>
        %get3A_772 = arith.index_cast %add3A_767 : i32 to index
        %get3A_773 = arith.constant 0 : index
        %get3A_774 = tpu.vector_load %arg10[%get3A_772, %get3A_773] {strides = array<i32>} : memref<128x128xf32, #tpu.memory_space<vmem>>, vector<1x16xf32>,
        %get3A_775 = vector.shape_cast %get3A_774 : vector<1x16xf32> to vector<16xf32>
        %mul3A_776 = arith.mulf %get3A_775, %gather3A_771 : vector<16xf32>
        %swap3A_777 = arith.index_cast %add3A_767 : i32 to index
        %swap3A_778 = arith.constant 0 : index
        %swap3A_779 = tpu.vector_load %arg10[%swap3A_777, %swap3A_778] {strides = array<i32>} : memref<128x128xf32, #tpu.memory_space<vmem>>, vector<1x16xf32>,
        %swap3A_780 = vector.shape_cast %swap3A_779 : vector<1x16xf32> to vector<16xf32>
        %swap3A_781 = vector.shape_cast %mul3A_776 : vector<16xf32> to vector<1x16xf32>
        tpu.vector_store %arg10[%swap3A_777, %swap3A_778], %swap3A_781 {strides = array<i32>} : memref<128x128xf32, #tpu.memory_space<vmem>>, vector<1x16xf32>,
        %get3A_782 = arith.index_cast %add3A_767 : i32 to index
        %get3A_783 = arith.constant 16 : index
        %get3A_784 = tpu.vector_load %arg10[%get3A_782, %get3A_783] {strides = array<i32>} : memref<128x128xf32, #tpu.memory_space<vmem>>, vector<1x16xf32>,
        %get3A_785 = vector.shape_cast %get3A_784 : vector<1x16xf32> to vector<16xf32>
        %mul3A_786 = arith.mulf %get3A_785, %gather3A_771 : vector<16xf32>
        %swap3A_787 = arith.index_cast %add3A_767 : i32 to index
        %swap3A_788 = arith.constant 16 : index
        %swap3A_789 = tpu.vector_load %arg10[%swap3A_787, %swap3A_788] {strides = array<i32>} : memref<128x128xf32, #tpu.memory_space<vmem>>, vector<1x16xf32>,
        %swap3A_790 = vector.shape_cast %swap3A_789 : vector<1x16xf32> to vector<16xf32>
        %swap3A_791 = vector.shape_cast %mul3A_786 : vector<16xf32> to vector<1x16xf32>
        tpu.vector_store %arg10[%swap3A_787, %swap3A_788], %swap3A_791 {strides = array<i32>} : memref<128x128xf32, #tpu.memory_space<vmem>>, vector<1x16xf32>,
        %get3A_792 = arith.index_cast %add3A_767 : i32 to index
        %get3A_793 = arith.constant 32 : index
        %get3A_794 = tpu.vector_load %arg10[%get3A_792, %get3A_793] {strides = array<i32>} : memref<128x128xf32, #tpu.memory_space<vmem>>, vector<1x16xf32>,
        %get3A_795 = vector.shape_cast %get3A_794 : vector<1x16xf32> to vector<16xf32>
        %mul3A_796 = arith.mulf %get3A_795, %gather3A_771 : vector<16xf32>
        %swap3A_797 = arith.index_cast %add3A_767 : i32 to index
        %swap3A_798 = arith.constant 32 : index
        %swap3A_799 = tpu.vector_load %arg10[%swap3A_797, %swap3A_798] {strides = array<i32>} : memref<128x128xf32, #tpu.memory_space<vmem>>, vector<1x16xf32>,
        %swap3A_800 = vector.shape_cast %swap3A_799 : vector<1x16xf32> to vector<16xf32>
        %swap3A_801 = vector.shape_cast %mul3A_796 : vector<16xf32> to vector<1x16xf32>
        tpu.vector_store %arg10[%swap3A_797, %swap3A_798], %swap3A_801 {strides = array<i32>} : memref<128x128xf32, #tpu.memory_space<vmem>>, vector<1x16xf32>,
        %get3A_802 = arith.index_cast %add3A_767 : i32 to index
        %get3A_803 = arith.constant 48 : index
        %get3A_804 = tpu.vector_load %arg10[%get3A_802, %get3A_803] {strides = array<i32>} : memref<128x128xf32, #tpu.memory_space<vmem>>, vector<1x16xf32>,
        %get3A_805 = vector.shape_cast %get3A_804 : vector<1x16xf32> to vector<16xf32>
        %mul3A_806 = arith.mulf %get3A_805, %gather3A_771 : vector<16xf32>
        %swap3A_807 = arith.index_cast %add3A_767 : i32 to index
        %swap3A_808 = arith.constant 48 : index
        %swap3A_809 = tpu.vector_load %arg10[%swap3A_807, %swap3A_808] {strides = array<i32>} : memref<128x128xf32, #tpu.memory_space<vmem>>, vector<1x16xf32>,
        %swap3A_810 = vector.shape_cast %swap3A_809 : vector<1x16xf32> to vector<16xf32>
        %swap3A_811 = vector.shape_cast %mul3A_806 : vector<16xf32> to vector<1x16xf32>
        tpu.vector_store %arg10[%swap3A_807, %swap3A_808], %swap3A_811 {strides = array<i32>} : memref<128x128xf32, #tpu.memory_space<vmem>>, vector<1x16xf32>,
        %get3A_812 = arith.index_cast %add3A_767 : i32 to index
        %get3A_813 = arith.constant 64 : index
        %get3A_814 = tpu.vector_load %arg10[%get3A_812, %get3A_813] {strides = array<i32>} : memref<128x128xf32, #tpu.memory_space<vmem>>, vector<1x16xf32>,
        %get3A_815 = vector.shape_cast %get3A_814 : vector<1x16xf32> to vector<16xf32>
        %mul3A_816 = arith.mulf %get3A_815, %gather3A_771 : vector<16xf32>
        %swap3A_817 = arith.index_cast %add3A_767 : i32 to index
        %swap3A_818 = arith.constant 64 : index
        %swap3A_819 = tpu.vector_load %arg10[%swap3A_817, %swap3A_818] {strides = array<i32>} : memref<128x128xf32, #tpu.memory_space<vmem>>, vector<1x16xf32>,
        %swap3A_820 = vector.shape_cast %swap3A_819 : vector<1x16xf32> to vector<16xf32>
        %swap3A_821 = vector.shape_cast %mul3A_816 : vector<16xf32> to vector<1x16xf32>
        tpu.vector_store %arg10[%swap3A_817, %swap3A_818], %swap3A_821 {strides = array<i32>} : memref<128x128xf32, #tpu.memory_space<vmem>>, vector<1x16xf32>,
        %get3A_822 = arith.index_cast %add3A_767 : i32 to index
        %get3A_823 = arith.constant 80 : index
        %get3A_824 = tpu.vector_load %arg10[%get3A_822, %get3A_823] {strides = array<i32>} : memref<128x128xf32, #tpu.memory_space<vmem>>, vector<1x16xf32>,
        %get3A_825 = vector.shape_cast %get3A_824 : vector<1x16xf32> to vector<16xf32>
        %mul3A_826 = arith.mulf %get3A_825, %gather3A_771 : vector<16xf32>
        %swap3A_827 = arith.index_cast %add3A_767 : i32 to index
        %swap3A_828 = arith.constant 80 : index
        %swap3A_829 = tpu.vector_load %arg10[%swap3A_827, %swap3A_828] {strides = array<i32>} : memref<128x128xf32, #tpu.memory_space<vmem>>, vector<1x16xf32>,
        %swap3A_830 = vector.shape_cast %swap3A_829 : vector<1x16xf32> to vector<16xf32>
        %swap3A_831 = vector.shape_cast %mul3A_826 : vector<16xf32> to vector<1x16xf32>
        tpu.vector_store %arg10[%swap3A_827, %swap3A_828], %swap3A_831 {strides = array<i32>} : memref<128x128xf32, #tpu.memory_space<vmem>>, vector<1x16xf32>,
        %get3A_832 = arith.index_cast %add3A_767 : i32 to index
        %get3A_833 = arith.constant 96 : index
        %get3A_834 = tpu.vector_load %arg10[%get3A_832, %get3A_833] {strides = array<i32>} : memref<128x128xf32, #tpu.memory_space<vmem>>, vector<1x16xf32>,
        %get3A_835 = vector.shape_cast %get3A_834 : vector<1x16xf32> to vector<16xf32>
        %mul3A_836 = arith.mulf %get3A_835, %gather3A_771 : vector<16xf32>
        %swap3A_837 = arith.index_cast %add3A_767 : i32 to index
        %swap3A_838 = arith.constant 96 : index
        %swap3A_839 = tpu.vector_load %arg10[%swap3A_837, %swap3A_838] {strides = array<i32>} : memref<128x128xf32, #tpu.memory_space<vmem>>, vector<1x16xf32>,
        %swap3A_840 = vector.shape_cast %swap3A_839 : vector<1x16xf32> to vector<16xf32>
        %swap3A_841 = vector.shape_cast %mul3A_836 : vector<16xf32> to vector<1x16xf32>
        tpu.vector_store %arg10[%swap3A_837, %swap3A_838], %swap3A_841 {strides = array<i32>} : memref<128x128xf32, #tpu.memory_space<vmem>>, vector<1x16xf32>,
        %get3A_842 = arith.index_cast %add3A_767 : i32 to index
        %get3A_843 = arith.constant 112 : index
        %get3A_844 = tpu.vector_load %arg10[%get3A_842, %get3A_843] {strides = array<i32>} : memref<128x128xf32, #tpu.memory_space<vmem>>, vector<1x16xf32>,
        %get3A_845 = vector.shape_cast %get3A_844 : vector<1x16xf32> to vector<16xf32>
        %mul3A_846 = arith.mulf %get3A_845, %gather3A_771 : vector<16xf32>
        %swap3A_847 = arith.index_cast %add3A_767 : i32 to index
        %swap3A_848 = arith.constant 112 : index
        %swap3A_849 = tpu.vector_load %arg10[%swap3A_847, %swap3A_848] {strides = array<i32>} : memref<128x128xf32, #tpu.memory_space<vmem>>, vector<1x16xf32>,
        %swap3A_850 = vector.shape_cast %swap3A_849 : vector<1x16xf32> to vector<16xf32>
        %swap3A_851 = vector.shape_cast %mul3A_846 : vector<16xf32> to vector<1x16xf32>
        tpu.vector_store %arg10[%swap3A_847, %swap3A_848], %swap3A_851 {strides = array<i32>} : memref<128x128xf32, #tpu.memory_space<vmem>>, vector<1x16xf32>,
        %mul3A_852 = arith.constant 16 : i32
        %mul3A_853 = arith.muli %scan3A_56, %mul3A_852 : i32
        %add3A_854 = arith.constant 9 : i32
        %add3A_855 = arith.addi %mul3A_853, %add3A_854 : i32
        %broadcast_in_dim3A_856 = arith.constant 9 : i32
        %broadcast_in_dim3A_857 = vector.broadcast %broadcast_in_dim3A_856 : i32 to vector<16x1xi32>
        %gather3A_858 = vector.shape_cast %broadcast_in_dim3A_857 : vector<16x1xi32> to vector<16xi32>
        %gather3A_859 = tpu.dynamic_gather %get3A_61[%gather3A_858] in [0] : vector<16xf32>, vector<16xi32> -> vector<16xf32>
        %get3A_860 = arith.index_cast %add3A_855 : i32 to index
        %get3A_861 = arith.constant 0 : index
        %get3A_862 = tpu.vector_load %arg10[%get3A_860, %get3A_861] {strides = array<i32>} : memref<128x128xf32, #tpu.memory_space<vmem>>, vector<1x16xf32>,
        %get3A_863 = vector.shape_cast %get3A_862 : vector<1x16xf32> to vector<16xf32>
        %mul3A_864 = arith.mulf %get3A_863, %gather3A_859 : vector<16xf32>
        %swap3A_865 = arith.index_cast %add3A_855 : i32 to index
        %swap3A_866 = arith.constant 0 : index
        %swap3A_867 = tpu.vector_load %arg10[%swap3A_865, %swap3A_866] {strides = array<i32>} : memref<128x128xf32, #tpu.memory_space<vmem>>, vector<1x16xf32>,
        %swap3A_868 = vector.shape_cast %swap3A_867 : vector<1x16xf32> to vector<16xf32>
        %swap3A_869 = vector.shape_cast %mul3A_864 : vector<16xf32> to vector<1x16xf32>
        tpu.vector_store %arg10[%swap3A_865, %swap3A_866], %swap3A_869 {strides = array<i32>} : memref<128x128xf32, #tpu.memory_space<vmem>>, vector<1x16xf32>,
        %get3A_870 = arith.index_cast %add3A_855 : i32 to index
        %get3A_871 = arith.constant 16 : index
        %get3A_872 = tpu.vector_load %arg10[%get3A_870, %get3A_871] {strides = array<i32>} : memref<128x128xf32, #tpu.memory_space<vmem>>, vector<1x16xf32>,
        %get3A_873 = vector.shape_cast %get3A_872 : vector<1x16xf32> to vector<16xf32>
        %mul3A_874 = arith.mulf %get3A_873, %gather3A_859 : vector<16xf32>
        %swap3A_875 = arith.index_cast %add3A_855 : i32 to index
        %swap3A_876 = arith.constant 16 : index
        %swap3A_877 = tpu.vector_load %arg10[%swap3A_875, %swap3A_876] {strides = array<i32>} : memref<128x128xf32, #tpu.memory_space<vmem>>, vector<1x16xf32>,
        %swap3A_878 = vector.shape_cast %swap3A_877 : vector<1x16xf32> to vector<16xf32>
        %swap3A_879 = vector.shape_cast %mul3A_874 : vector<16xf32> to vector<1x16xf32>
        tpu.vector_store %arg10[%swap3A_875, %swap3A_876], %swap3A_879 {strides = array<i32>} : memref<128x128xf32, #tpu.memory_space<vmem>>, vector<1x16xf32>,
        %get3A_880 = arith.index_cast %add3A_855 : i32 to index
        %get3A_881 = arith.constant 32 : index
        %get3A_882 = tpu.vector_load %arg10[%get3A_880, %get3A_881] {strides = array<i32>} : memref<128x128xf32, #tpu.memory_space<vmem>>, vector<1x16xf32>,
        %get3A_883 = vector.shape_cast %get3A_882 : vector<1x16xf32> to vector<16xf32>
        %mul3A_884 = arith.mulf %get3A_883, %gather3A_859 : vector<16xf32>
        %swap3A_885 = arith.index_cast %add3A_855 : i32 to index
        %swap3A_886 = arith.constant 32 : index
        %swap3A_887 = tpu.vector_load %arg10[%swap3A_885, %swap3A_886] {strides = array<i32>} : memref<128x128xf32, #tpu.memory_space<vmem>>, vector<1x16xf32>,
        %swap3A_888 = vector.shape_cast %swap3A_887 : vector<1x16xf32> to vector<16xf32>
        %swap3A_889 = vector.shape_cast %mul3A_884 : vector<16xf32> to vector<1x16xf32>
        tpu.vector_store %arg10[%swap3A_885, %swap3A_886], %swap3A_889 {strides = array<i32>} : memref<128x128xf32, #tpu.memory_space<vmem>>, vector<1x16xf32>,
        %get3A_890 = arith.index_cast %add3A_855 : i32 to index
        %get3A_891 = arith.constant 48 : index
        %get3A_892 = tpu.vector_load %arg10[%get3A_890, %get3A_891] {strides = array<i32>} : memref<128x128xf32, #tpu.memory_space<vmem>>, vector<1x16xf32>,
        %get3A_893 = vector.shape_cast %get3A_892 : vector<1x16xf32> to vector<16xf32>
        %mul3A_894 = arith.mulf %get3A_893, %gather3A_859 : vector<16xf32>
        %swap3A_895 = arith.index_cast %add3A_855 : i32 to index
        %swap3A_896 = arith.constant 48 : index
        %swap3A_897 = tpu.vector_load %arg10[%swap3A_895, %swap3A_896] {strides = array<i32>} : memref<128x128xf32, #tpu.memory_space<vmem>>, vector<1x16xf32>,
        %swap3A_898 = vector.shape_cast %swap3A_897 : vector<1x16xf32> to vector<16xf32>
        %swap3A_899 = vector.shape_cast %mul3A_894 : vector<16xf32> to vector<1x16xf32>
        tpu.vector_store %arg10[%swap3A_895, %swap3A_896], %swap3A_899 {strides = array<i32>} : memref<128x128xf32, #tpu.memory_space<vmem>>, vector<1x16xf32>,
        %get3A_900 = arith.index_cast %add3A_855 : i32 to index
        %get3A_901 = arith.constant 64 : index
        %get3A_902 = tpu.vector_load %arg10[%get3A_900, %get3A_901] {strides = array<i32>} : memref<128x128xf32, #tpu.memory_space<vmem>>, vector<1x16xf32>,
        %get3A_903 = vector.shape_cast %get3A_902 : vector<1x16xf32> to vector<16xf32>
        %mul3A_904 = arith.mulf %get3A_903, %gather3A_859 : vector<16xf32>
        %swap3A_905 = arith.index_cast %add3A_855 : i32 to index
        %swap3A_906 = arith.constant 64 : index
        %swap3A_907 = tpu.vector_load %arg10[%swap3A_905, %swap3A_906] {strides = array<i32>} : memref<128x128xf32, #tpu.memory_space<vmem>>, vector<1x16xf32>,
        %swap3A_908 = vector.shape_cast %swap3A_907 : vector<1x16xf32> to vector<16xf32>
        %swap3A_909 = vector.shape_cast %mul3A_904 : vector<16xf32> to vector<1x16xf32>
        tpu.vector_store %arg10[%swap3A_905, %swap3A_906], %swap3A_909 {strides = array<i32>} : memref<128x128xf32, #tpu.memory_space<vmem>>, vector<1x16xf32>,
        %get3A_910 = arith.index_cast %add3A_855 : i32 to index
        %get3A_911 = arith.constant 80 : index
        %get3A_912 = tpu.vector_load %arg10[%get3A_910, %get3A_911] {strides = array<i32>} : memref<128x128xf32, #tpu.memory_space<vmem>>, vector<1x16xf32>,
        %get3A_913 = vector.shape_cast %get3A_912 : vector<1x16xf32> to vector<16xf32>
        %mul3A_914 = arith.mulf %get3A_913, %gather3A_859 : vector<16xf32>
        %swap3A_915 = arith.index_cast %add3A_855 : i32 to index
        %swap3A_916 = arith.constant 80 : index
        %swap3A_917 = tpu.vector_load %arg10[%swap3A_915, %swap3A_916] {strides = array<i32>} : memref<128x128xf32, #tpu.memory_space<vmem>>, vector<1x16xf32>,
        %swap3A_918 = vector.shape_cast %swap3A_917 : vector<1x16xf32> to vector<16xf32>
        %swap3A_919 = vector.shape_cast %mul3A_914 : vector<16xf32> to vector<1x16xf32>
        tpu.vector_store %arg10[%swap3A_915, %swap3A_916], %swap3A_919 {strides = array<i32>} : memref<128x128xf32, #tpu.memory_space<vmem>>, vector<1x16xf32>,
        %get3A_920 = arith.index_cast %add3A_855 : i32 to index
        %get3A_921 = arith.constant 96 : index
        %get3A_922 = tpu.vector_load %arg10[%get3A_920, %get3A_921] {strides = array<i32>} : memref<128x128xf32, #tpu.memory_space<vmem>>, vector<1x16xf32>,
        %get3A_923 = vector.shape_cast %get3A_922 : vector<1x16xf32> to vector<16xf32>
        %mul3A_924 = arith.mulf %get3A_923, %gather3A_859 : vector<16xf32>
        %swap3A_925 = arith.index_cast %add3A_855 : i32 to index
        %swap3A_926 = arith.constant 96 : index
        %swap3A_927 = tpu.vector_load %arg10[%swap3A_925, %swap3A_926] {strides = array<i32>} : memref<128x128xf32, #tpu.memory_space<vmem>>, vector<1x16xf32>,
        %swap3A_928 = vector.shape_cast %swap3A_927 : vector<1x16xf32> to vector<16xf32>
        %swap3A_929 = vector.shape_cast %mul3A_924 : vector<16xf32> to vector<1x16xf32>
        tpu.vector_store %arg10[%swap3A_925, %swap3A_926], %swap3A_929 {strides = array<i32>} : memref<128x128xf32, #tpu.memory_space<vmem>>, vector<1x16xf32>,
        %get3A_930 = arith.index_cast %add3A_855 : i32 to index
        %get3A_931 = arith.constant 112 : index
        %get3A_932 = tpu.vector_load %arg10[%get3A_930, %get3A_931] {strides = array<i32>} : memref<128x128xf32, #tpu.memory_space<vmem>>, vector<1x16xf32>,
        %get3A_933 = vector.shape_cast %get3A_932 : vector<1x16xf32> to vector<16xf32>
        %mul3A_934 = arith.mulf %get3A_933, %gather3A_859 : vector<16xf32>
        %swap3A_935 = arith.index_cast %add3A_855 : i32 to index
        %swap3A_936 = arith.constant 112 : index
        %swap3A_937 = tpu.vector_load %arg10[%swap3A_935, %swap3A_936] {strides = array<i32>} : memref<128x128xf32, #tpu.memory_space<vmem>>, vector<1x16xf32>,
        %swap3A_938 = vector.shape_cast %swap3A_937 : vector<1x16xf32> to vector<16xf32>
        %swap3A_939 = vector.shape_cast %mul3A_934 : vector<16xf32> to vector<1x16xf32>
        tpu.vector_store %arg10[%swap3A_935, %swap3A_936], %swap3A_939 {strides = array<i32>} : memref<128x128xf32, #tpu.memory_space<vmem>>, vector<1x16xf32>,
        %mul3A_940 = arith.constant 16 : i32
        %mul3A_941 = arith.muli %scan3A_56, %mul3A_940 : i32
        %add3A_942 = arith.constant 10 : i32
        %add3A_943 = arith.addi %mul3A_941, %add3A_942 : i32
        %broadcast_in_dim3A_944 = arith.constant 10 : i32
        %broadcast_in_dim3A_945 = vector.broadcast %broadcast_in_dim3A_944 : i32 to vector<16x1xi32>
        %gather3A_946 = vector.shape_cast %broadcast_in_dim3A_945 : vector<16x1xi32> to vector<16xi32>
        %gather3A_947 = tpu.dynamic_gather %get3A_61[%gather3A_946] in [0] : vector<16xf32>, vector<16xi32> -> vector<16xf32>
        %get3A_948 = arith.index_cast %add3A_943 : i32 to index
        %get3A_949 = arith.constant 0 : index
        %get3A_950 = tpu.vector_load %arg10[%get3A_948, %get3A_949] {strides = array<i32>} : memref<128x128xf32, #tpu.memory_space<vmem>>, vector<1x16xf32>,
        %get3A_951 = vector.shape_cast %get3A_950 : vector<1x16xf32> to vector<16xf32>
        %mul3A_952 = arith.mulf %get3A_951, %gather3A_947 : vector<16xf32>
        %swap3A_953 = arith.index_cast %add3A_943 : i32 to index
        %swap3A_954 = arith.constant 0 : index
        %swap3A_955 = tpu.vector_load %arg10[%swap3A_953, %swap3A_954] {strides = array<i32>} : memref<128x128xf32, #tpu.memory_space<vmem>>, vector<1x16xf32>,
        %swap3A_956 = vector.shape_cast %swap3A_955 : vector<1x16xf32> to vector<16xf32>
        %swap3A_957 = vector.shape_cast %mul3A_952 : vector<16xf32> to vector<1x16xf32>
        tpu.vector_store %arg10[%swap3A_953, %swap3A_954], %swap3A_957 {strides = array<i32>} : memref<128x128xf32, #tpu.memory_space<vmem>>, vector<1x16xf32>,
        %get3A_958 = arith.index_cast %add3A_943 : i32 to index
        %get3A_959 = arith.constant 16 : index
        %get3A_960 = tpu.vector_load %arg10[%get3A_958, %get3A_959] {strides = array<i32>} : memref<128x128xf32, #tpu.memory_space<vmem>>, vector<1x16xf32>,
        %get3A_961 = vector.shape_cast %get3A_960 : vector<1x16xf32> to vector<16xf32>
        %mul3A_962 = arith.mulf %get3A_961, %gather3A_947 : vector<16xf32>
        %swap3A_963 = arith.index_cast %add3A_943 : i32 to index
        %swap3A_964 = arith.constant 16 : index
        %swap3A_965 = tpu.vector_load %arg10[%swap3A_963, %swap3A_964] {strides = array<i32>} : memref<128x128xf32, #tpu.memory_space<vmem>>, vector<1x16xf32>,
        %swap3A_966 = vector.shape_cast %swap3A_965 : vector<1x16xf32> to vector<16xf32>
        %swap3A_967 = vector.shape_cast %mul3A_962 : vector<16xf32> to vector<1x16xf32>
        tpu.vector_store %arg10[%swap3A_963, %swap3A_964], %swap3A_967 {strides = array<i32>} : memref<128x128xf32, #tpu.memory_space<vmem>>, vector<1x16xf32>,
        %get3A_968 = arith.index_cast %add3A_943 : i32 to index
        %get3A_969 = arith.constant 32 : index
        %get3A_970 = tpu.vector_load %arg10[%get3A_968, %get3A_969] {strides = array<i32>} : memref<128x128xf32, #tpu.memory_space<vmem>>, vector<1x16xf32>,
        %get3A_971 = vector.shape_cast %get3A_970 : vector<1x16xf32> to vector<16xf32>
        %mul3A_972 = arith.mulf %get3A_971, %gather3A_947 : vector<16xf32>
        %swap3A_973 = arith.index_cast %add3A_943 : i32 to index
        %swap3A_974 = arith.constant 32 : index
        %swap3A_975 = tpu.vector_load %arg10[%swap3A_973, %swap3A_974] {strides = array<i32>} : memref<128x128xf32, #tpu.memory_space<vmem>>, vector<1x16xf32>,
        %swap3A_976 = vector.shape_cast %swap3A_975 : vector<1x16xf32> to vector<16xf32>
        %swap3A_977 = vector.shape_cast %mul3A_972 : vector<16xf32> to vector<1x16xf32>
        tpu.vector_store %arg10[%swap3A_973, %swap3A_974], %swap3A_977 {strides = array<i32>} : memref<128x128xf32, #tpu.memory_space<vmem>>, vector<1x16xf32>,
        %get3A_978 = arith.index_cast %add3A_943 : i32 to index
        %get3A_979 = arith.constant 48 : index
        %get3A_980 = tpu.vector_load %arg10[%get3A_978, %get3A_979] {strides = array<i32>} : memref<128x128xf32, #tpu.memory_space<vmem>>, vector<1x16xf32>,
        %get3A_981 = vector.shape_cast %get3A_980 : vector<1x16xf32> to vector<16xf32>
        %mul3A_982 = arith.mulf %get3A_981, %gather3A_947 : vector<16xf32>
        %swap3A_983 = arith.index_cast %add3A_943 : i32 to index
        %swap3A_984 = arith.constant 48 : index
        %swap3A_985 = tpu.vector_load %arg10[%swap3A_983, %swap3A_984] {strides = array<i32>} : memref<128x128xf32, #tpu.memory_space<vmem>>, vector<1x16xf32>,
        %swap3A_986 = vector.shape_cast %swap3A_985 : vector<1x16xf32> to vector<16xf32>
        %swap3A_987 = vector.shape_cast %mul3A_982 : vector<16xf32> to vector<1x16xf32>
        tpu.vector_store %arg10[%swap3A_983, %swap3A_984], %swap3A_987 {strides = array<i32>} : memref<128x128xf32, #tpu.memory_space<vmem>>, vector<1x16xf32>,
        %get3A_988 = arith.index_cast %add3A_943 : i32 to index
        %get3A_989 = arith.constant 64 : index
        %get3A_990 = tpu.vector_load %arg10[%get3A_988, %get3A_989] {strides = array<i32>} : memref<128x128xf32, #tpu.memory_space<vmem>>, vector<1x16xf32>,
        %get3A_991 = vector.shape_cast %get3A_990 : vector<1x16xf32> to vector<16xf32>
        %mul3A_992 = arith.mulf %get3A_991, %gather3A_947 : vector<16xf32>
        %swap3A_993 = arith.index_cast %add3A_943 : i32 to index
        %swap3A_994 = arith.constant 64 : index
        %swap3A_995 = tpu.vector_load %arg10[%swap3A_993, %swap3A_994] {strides = array<i32>} : memref<128x128xf32, #tpu.memory_space<vmem>>, vector<1x16xf32>,
        %swap3A_996 = vector.shape_cast %swap3A_995 : vector<1x16xf32> to vector<16xf32>
        %swap3A_997 = vector.shape_cast %mul3A_992 : vector<16xf32> to vector<1x16xf32>
        tpu.vector_store %arg10[%swap3A_993, %swap3A_994], %swap3A_997 {strides = array<i32>} : memref<128x128xf32, #tpu.memory_space<vmem>>, vector<1x16xf32>,
        %get3A_998 = arith.index_cast %add3A_943 : i32 to index
        %get3A_999 = arith.constant 80 : index
        %get3A_1000 = tpu.vector_load %arg10[%get3A_998, %get3A_999] {strides = array<i32>} : memref<128x128xf32, #tpu.memory_space<vmem>>, vector<1x16xf32>,
        %get3A_1001 = vector.shape_cast %get3A_1000 : vector<1x16xf32> to vector<16xf32>
        %mul3A_1002 = arith.mulf %get3A_1001, %gather3A_947 : vector<16xf32>
        %swap3A_1003 = arith.index_cast %add3A_943 : i32 to index
        %swap3A_1004 = arith.constant 80 : index
        %swap3A_1005 = tpu.vector_load %arg10[%swap3A_1003, %swap3A_1004] {strides = array<i32>} : memref<128x128xf32, #tpu.memory_space<vmem>>, vector<1x16xf32>,
        %swap3A_1006 = vector.shape_cast %swap3A_1005 : vector<1x16xf32> to vector<16xf32>
        %swap3A_1007 = vector.shape_cast %mul3A_1002 : vector<16xf32> to vector<1x16xf32>
        tpu.vector_store %arg10[%swap3A_1003, %swap3A_1004], %swap3A_1007 {strides = array<i32>} : memref<128x128xf32, #tpu.memory_space<vmem>>, vector<1x16xf32>,
        %get3A_1008 = arith.index_cast %add3A_943 : i32 to index
        %get3A_1009 = arith.constant 96 : index
        %get3A_1010 = tpu.vector_load %arg10[%get3A_1008, %get3A_1009] {strides = array<i32>} : memref<128x128xf32, #tpu.memory_space<vmem>>, vector<1x16xf32>,
        %get3A_1011 = vector.shape_cast %get3A_1010 : vector<1x16xf32> to vector<16xf32>
        %mul3A_1012 = arith.mulf %get3A_1011, %gather3A_947 : vector<16xf32>
        %swap3A_1013 = arith.index_cast %add3A_943 : i32 to index
        %swap3A_1014 = arith.constant 96 : index
        %swap3A_1015 = tpu.vector_load %arg10[%swap3A_1013, %swap3A_1014] {strides = array<i32>} : memref<128x128xf32, #tpu.memory_space<vmem>>, vector<1x16xf32>,
        %swap3A_1016 = vector.shape_cast %swap3A_1015 : vector<1x16xf32> to vector<16xf32>
        %swap3A_1017 = vector.shape_cast %mul3A_1012 : vector<16xf32> to vector<1x16xf32>
        tpu.vector_store %arg10[%swap3A_1013, %swap3A_1014], %swap3A_1017 {strides = array<i32>} : memref<128x128xf32, #tpu.memory_space<vmem>>, vector<1x16xf32>,
        %get3A_1018 = arith.index_cast %add3A_943 : i32 to index
        %get3A_1019 = arith.constant 112 : index
        %get3A_1020 = tpu.vector_load %arg10[%get3A_1018, %get3A_1019] {strides = array<i32>} : memref<128x128xf32, #tpu.memory_space<vmem>>, vector<1x16xf32>,
        %get3A_1021 = vector.shape_cast %get3A_1020 : vector<1x16xf32> to vector<16xf32>
        %mul3A_1022 = arith.mulf %get3A_1021, %gather3A_947 : vector<16xf32>
        %swap3A_1023 = arith.index_cast %add3A_943 : i32 to index
        %swap3A_1024 = arith.constant 112 : index
        %swap3A_1025 = tpu.vector_load %arg10[%swap3A_1023, %swap3A_1024] {strides = array<i32>} : memref<128x128xf32, #tpu.memory_space<vmem>>, vector<1x16xf32>,
        %swap3A_1026 = vector.shape_cast %swap3A_1025 : vector<1x16xf32> to vector<16xf32>
        %swap3A_1027 = vector.shape_cast %mul3A_1022 : vector<16xf32> to vector<1x16xf32>
        tpu.vector_store %arg10[%swap3A_1023, %swap3A_1024], %swap3A_1027 {strides = array<i32>} : memref<128x128xf32, #tpu.memory_space<vmem>>, vector<1x16xf32>,
        %mul3A_1028 = arith.constant 16 : i32
        %mul3A_1029 = arith.muli %scan3A_56, %mul3A_1028 : i32
        %add3A_1030 = arith.constant 11 : i32
        %add3A_1031 = arith.addi %mul3A_1029, %add3A_1030 : i32
        %broadcast_in_dim3A_1032 = arith.constant 11 : i32
        %broadcast_in_dim3A_1033 = vector.broadcast %broadcast_in_dim3A_1032 : i32 to vector<16x1xi32>
        %gather3A_1034 = vector.shape_cast %broadcast_in_dim3A_1033 : vector<16x1xi32> to vector<16xi32>
        %gather3A_1035 = tpu.dynamic_gather %get3A_61[%gather3A_1034] in [0] : vector<16xf32>, vector<16xi32> -> vector<16xf32>
        %get3A_1036 = arith.index_cast %add3A_1031 : i32 to index
        %get3A_1037 = arith.constant 0 : index
        %get3A_1038 = tpu.vector_load %arg10[%get3A_1036, %get3A_1037] {strides = array<i32>} : memref<128x128xf32, #tpu.memory_space<vmem>>, vector<1x16xf32>,
        %get3A_1039 = vector.shape_cast %get3A_1038 : vector<1x16xf32> to vector<16xf32>
        %mul3A_1040 = arith.mulf %get3A_1039, %gather3A_1035 : vector<16xf32>
        %swap3A_1041 = arith.index_cast %add3A_1031 : i32 to index
        %swap3A_1042 = arith.constant 0 : index
        %swap3A_1043 = tpu.vector_load %arg10[%swap3A_1041, %swap3A_1042] {strides = array<i32>} : memref<128x128xf32, #tpu.memory_space<vmem>>, vector<1x16xf32>,
        %swap3A_1044 = vector.shape_cast %swap3A_1043 : vector<1x16xf32> to vector<16xf32>
        %swap3A_1045 = vector.shape_cast %mul3A_1040 : vector<16xf32> to vector<1x16xf32>
        tpu.vector_store %arg10[%swap3A_1041, %swap3A_1042], %swap3A_1045 {strides = array<i32>} : memref<128x128xf32, #tpu.memory_space<vmem>>, vector<1x16xf32>,
        %get3A_1046 = arith.index_cast %add3A_1031 : i32 to index
        %get3A_1047 = arith.constant 16 : index
        %get3A_1048 = tpu.vector_load %arg10[%get3A_1046, %get3A_1047] {strides = array<i32>} : memref<128x128xf32, #tpu.memory_space<vmem>>, vector<1x16xf32>,
        %get3A_1049 = vector.shape_cast %get3A_1048 : vector<1x16xf32> to vector<16xf32>
        %mul3A_1050 = arith.mulf %get3A_1049, %gather3A_1035 : vector<16xf32>
        %swap3A_1051 = arith.index_cast %add3A_1031 : i32 to index
        %swap3A_1052 = arith.constant 16 : index
        %swap3A_1053 = tpu.vector_load %arg10[%swap3A_1051, %swap3A_1052] {strides = array<i32>} : memref<128x128xf32, #tpu.memory_space<vmem>>, vector<1x16xf32>,
        %swap3A_1054 = vector.shape_cast %swap3A_1053 : vector<1x16xf32> to vector<16xf32>
        %swap3A_1055 = vector.shape_cast %mul3A_1050 : vector<16xf32> to vector<1x16xf32>
        tpu.vector_store %arg10[%swap3A_1051, %swap3A_1052], %swap3A_1055 {strides = array<i32>} : memref<128x128xf32, #tpu.memory_space<vmem>>, vector<1x16xf32>,
        %get3A_1056 = arith.index_cast %add3A_1031 : i32 to index
        %get3A_1057 = arith.constant 32 : index
        %get3A_1058 = tpu.vector_load %arg10[%get3A_1056, %get3A_1057] {strides = array<i32>} : memref<128x128xf32, #tpu.memory_space<vmem>>, vector<1x16xf32>,
        %get3A_1059 = vector.shape_cast %get3A_1058 : vector<1x16xf32> to vector<16xf32>
        %mul3A_1060 = arith.mulf %get3A_1059, %gather3A_1035 : vector<16xf32>
        %swap3A_1061 = arith.index_cast %add3A_1031 : i32 to index
        %swap3A_1062 = arith.constant 32 : index
        %swap3A_1063 = tpu.vector_load %arg10[%swap3A_1061, %swap3A_1062] {strides = array<i32>} : memref<128x128xf32, #tpu.memory_space<vmem>>, vector<1x16xf32>,
        %swap3A_1064 = vector.shape_cast %swap3A_1063 : vector<1x16xf32> to vector<16xf32>
        %swap3A_1065 = vector.shape_cast %mul3A_1060 : vector<16xf32> to vector<1x16xf32>
        tpu.vector_store %arg10[%swap3A_1061, %swap3A_1062], %swap3A_1065 {strides = array<i32>} : memref<128x128xf32, #tpu.memory_space<vmem>>, vector<1x16xf32>,
        %get3A_1066 = arith.index_cast %add3A_1031 : i32 to index
        %get3A_1067 = arith.constant 48 : index
        %get3A_1068 = tpu.vector_load %arg10[%get3A_1066, %get3A_1067] {strides = array<i32>} : memref<128x128xf32, #tpu.memory_space<vmem>>, vector<1x16xf32>,
        %get3A_1069 = vector.shape_cast %get3A_1068 : vector<1x16xf32> to vector<16xf32>
        %mul3A_1070 = arith.mulf %get3A_1069, %gather3A_1035 : vector<16xf32>
        %swap3A_1071 = arith.index_cast %add3A_1031 : i32 to index
        %swap3A_1072 = arith.constant 48 : index
        %swap3A_1073 = tpu.vector_load %arg10[%swap3A_1071, %swap3A_1072] {strides = array<i32>} : memref<128x128xf32, #tpu.memory_space<vmem>>, vector<1x16xf32>,
        %swap3A_1074 = vector.shape_cast %swap3A_1073 : vector<1x16xf32> to vector<16xf32>
        %swap3A_1075 = vector.shape_cast %mul3A_1070 : vector<16xf32> to vector<1x16xf32>
        tpu.vector_store %arg10[%swap3A_1071, %swap3A_1072], %swap3A_1075 {strides = array<i32>} : memref<128x128xf32, #tpu.memory_space<vmem>>, vector<1x16xf32>,
        %get3A_1076 = arith.index_cast %add3A_1031 : i32 to index
        %get3A_1077 = arith.constant 64 : index
        %get3A_1078 = tpu.vector_load %arg10[%get3A_1076, %get3A_1077] {strides = array<i32>} : memref<128x128xf32, #tpu.memory_space<vmem>>, vector<1x16xf32>,
        %get3A_1079 = vector.shape_cast %get3A_1078 : vector<1x16xf32> to vector<16xf32>
        %mul3A_1080 = arith.mulf %get3A_1079, %gather3A_1035 : vector<16xf32>
        %swap3A_1081 = arith.index_cast %add3A_1031 : i32 to index
        %swap3A_1082 = arith.constant 64 : index
        %swap3A_1083 = tpu.vector_load %arg10[%swap3A_1081, %swap3A_1082] {strides = array<i32>} : memref<128x128xf32, #tpu.memory_space<vmem>>, vector<1x16xf32>,
        %swap3A_1084 = vector.shape_cast %swap3A_1083 : vector<1x16xf32> to vector<16xf32>
        %swap3A_1085 = vector.shape_cast %mul3A_1080 : vector<16xf32> to vector<1x16xf32>
        tpu.vector_store %arg10[%swap3A_1081, %swap3A_1082], %swap3A_1085 {strides = array<i32>} : memref<128x128xf32, #tpu.memory_space<vmem>>, vector<1x16xf32>,
        %get3A_1086 = arith.index_cast %add3A_1031 : i32 to index
        %get3A_1087 = arith.constant 80 : index
        %get3A_1088 = tpu.vector_load %arg10[%get3A_1086, %get3A_1087] {strides = array<i32>} : memref<128x128xf32, #tpu.memory_space<vmem>>, vector<1x16xf32>,
        %get3A_1089 = vector.shape_cast %get3A_1088 : vector<1x16xf32> to vector<16xf32>
        %mul3A_1090 = arith.mulf %get3A_1089, %gather3A_1035 : vector<16xf32>
        %swap3A_1091 = arith.index_cast %add3A_1031 : i32 to index
        %swap3A_1092 = arith.constant 80 : index
        %swap3A_1093 = tpu.vector_load %arg10[%swap3A_1091, %swap3A_1092] {strides = array<i32>} : memref<128x128xf32, #tpu.memory_space<vmem>>, vector<1x16xf32>,
        %swap3A_1094 = vector.shape_cast %swap3A_1093 : vector<1x16xf32> to vector<16xf32>
        %swap3A_1095 = vector.shape_cast %mul3A_1090 : vector<16xf32> to vector<1x16xf32>
        tpu.vector_store %arg10[%swap3A_1091, %swap3A_1092], %swap3A_1095 {strides = array<i32>} : memref<128x128xf32, #tpu.memory_space<vmem>>, vector<1x16xf32>,
        %get3A_1096 = arith.index_cast %add3A_1031 : i32 to index
        %get3A_1097 = arith.constant 96 : index
        %get3A_1098 = tpu.vector_load %arg10[%get3A_1096, %get3A_1097] {strides = array<i32>} : memref<128x128xf32, #tpu.memory_space<vmem>>, vector<1x16xf32>,
        %get3A_1099 = vector.shape_cast %get3A_1098 : vector<1x16xf32> to vector<16xf32>
        %mul3A_1100 = arith.mulf %get3A_1099, %gather3A_1035 : vector<16xf32>
        %swap3A_1101 = arith.index_cast %add3A_1031 : i32 to index
        %swap3A_1102 = arith.constant 96 : index
        %swap3A_1103 = tpu.vector_load %arg10[%swap3A_1101, %swap3A_1102] {strides = array<i32>} : memref<128x128xf32, #tpu.memory_space<vmem>>, vector<1x16xf32>,
        %swap3A_1104 = vector.shape_cast %swap3A_1103 : vector<1x16xf32> to vector<16xf32>
        %swap3A_1105 = vector.shape_cast %mul3A_1100 : vector<16xf32> to vector<1x16xf32>
        tpu.vector_store %arg10[%swap3A_1101, %swap3A_1102], %swap3A_1105 {strides = array<i32>} : memref<128x128xf32, #tpu.memory_space<vmem>>, vector<1x16xf32>,
        %get3A_1106 = arith.index_cast %add3A_1031 : i32 to index
        %get3A_1107 = arith.constant 112 : index
        %get3A_1108 = tpu.vector_load %arg10[%get3A_1106, %get3A_1107] {strides = array<i32>} : memref<128x128xf32, #tpu.memory_space<vmem>>, vector<1x16xf32>,
        %get3A_1109 = vector.shape_cast %get3A_1108 : vector<1x16xf32> to vector<16xf32>
        %mul3A_1110 = arith.mulf %get3A_1109, %gather3A_1035 : vector<16xf32>
        %swap3A_1111 = arith.index_cast %add3A_1031 : i32 to index
        %swap3A_1112 = arith.constant 112 : index
        %swap3A_1113 = tpu.vector_load %arg10[%swap3A_1111, %swap3A_1112] {strides = array<i32>} : memref<128x128xf32, #tpu.memory_space<vmem>>, vector<1x16xf32>,
        %swap3A_1114 = vector.shape_cast %swap3A_1113 : vector<1x16xf32> to vector<16xf32>
        %swap3A_1115 = vector.shape_cast %mul3A_1110 : vector<16xf32> to vector<1x16xf32>
        tpu.vector_store %arg10[%swap3A_1111, %swap3A_1112], %swap3A_1115 {strides = array<i32>} : memref<128x128xf32, #tpu.memory_space<vmem>>, vector<1x16xf32>,
        %mul3A_1116 = arith.constant 16 : i32
        %mul3A_1117 = arith.muli %scan3A_56, %mul3A_1116 : i32
        %add3A_1118 = arith.constant 12 : i32
        %add3A_1119 = arith.addi %mul3A_1117, %add3A_1118 : i32
        %broadcast_in_dim3A_1120 = arith.constant 12 : i32
        %broadcast_in_dim3A_1121 = vector.broadcast %broadcast_in_dim3A_1120 : i32 to vector<16x1xi32>
        %gather3A_1122 = vector.shape_cast %broadcast_in_dim3A_1121 : vector<16x1xi32> to vector<16xi32>
        %gather3A_1123 = tpu.dynamic_gather %get3A_61[%gather3A_1122] in [0] : vector<16xf32>, vector<16xi32> -> vector<16xf32>
        %get3A_1124 = arith.index_cast %add3A_1119 : i32 to index
        %get3A_1125 = arith.constant 0 : index
        %get3A_1126 = tpu.vector_load %arg10[%get3A_1124, %get3A_1125] {strides = array<i32>} : memref<128x128xf32, #tpu.memory_space<vmem>>, vector<1x16xf32>,
        %get3A_1127 = vector.shape_cast %get3A_1126 : vector<1x16xf32> to vector<16xf32>
        %mul3A_1128 = arith.mulf %get3A_1127, %gather3A_1123 : vector<16xf32>
        %swap3A_1129 = arith.index_cast %add3A_1119 : i32 to index
        %swap3A_1130 = arith.constant 0 : index
        %swap3A_1131 = tpu.vector_load %arg10[%swap3A_1129, %swap3A_1130] {strides = array<i32>} : memref<128x128xf32, #tpu.memory_space<vmem>>, vector<1x16xf32>,
        %swap3A_1132 = vector.shape_cast %swap3A_1131 : vector<1x16xf32> to vector<16xf32>
        %swap3A_1133 = vector.shape_cast %mul3A_1128 : vector<16xf32> to vector<1x16xf32>
        tpu.vector_store %arg10[%swap3A_1129, %swap3A_1130], %swap3A_1133 {strides = array<i32>} : memref<128x128xf32, #tpu.memory_space<vmem>>, vector<1x16xf32>,
        %get3A_1134 = arith.index_cast %add3A_1119 : i32 to index
        %get3A_1135 = arith.constant 16 : index
        %get3A_1136 = tpu.vector_load %arg10[%get3A_1134, %get3A_1135] {strides = array<i32>} : memref<128x128xf32, #tpu.memory_space<vmem>>, vector<1x16xf32>,
        %get3A_1137 = vector.shape_cast %get3A_1136 : vector<1x16xf32> to vector<16xf32>
        %mul3A_1138 = arith.mulf %get3A_1137, %gather3A_1123 : vector<16xf32>
        %swap3A_1139 = arith.index_cast %add3A_1119 : i32 to index
        %swap3A_1140 = arith.constant 16 : index
        %swap3A_1141 = tpu.vector_load %arg10[%swap3A_1139, %swap3A_1140] {strides = array<i32>} : memref<128x128xf32, #tpu.memory_space<vmem>>, vector<1x16xf32>,
        %swap3A_1142 = vector.shape_cast %swap3A_1141 : vector<1x16xf32> to vector<16xf32>
        %swap3A_1143 = vector.shape_cast %mul3A_1138 : vector<16xf32> to vector<1x16xf32>
        tpu.vector_store %arg10[%swap3A_1139, %swap3A_1140], %swap3A_1143 {strides = array<i32>} : memref<128x128xf32, #tpu.memory_space<vmem>>, vector<1x16xf32>,
        %get3A_1144 = arith.index_cast %add3A_1119 : i32 to index
        %get3A_1145 = arith.constant 32 : index
        %get3A_1146 = tpu.vector_load %arg10[%get3A_1144, %get3A_1145] {strides = array<i32>} : memref<128x128xf32, #tpu.memory_space<vmem>>, vector<1x16xf32>,
        %get3A_1147 = vector.shape_cast %get3A_1146 : vector<1x16xf32> to vector<16xf32>
        %mul3A_1148 = arith.mulf %get3A_1147, %gather3A_1123 : vector<16xf32>
        %swap3A_1149 = arith.index_cast %add3A_1119 : i32 to index
        %swap3A_1150 = arith.constant 32 : index
        %swap3A_1151 = tpu.vector_load %arg10[%swap3A_1149, %swap3A_1150] {strides = array<i32>} : memref<128x128xf32, #tpu.memory_space<vmem>>, vector<1x16xf32>,
        %swap3A_1152 = vector.shape_cast %swap3A_1151 : vector<1x16xf32> to vector<16xf32>
        %swap3A_1153 = vector.shape_cast %mul3A_1148 : vector<16xf32> to vector<1x16xf32>
        tpu.vector_store %arg10[%swap3A_1149, %swap3A_1150], %swap3A_1153 {strides = array<i32>} : memref<128x128xf32, #tpu.memory_space<vmem>>, vector<1x16xf32>,
        %get3A_1154 = arith.index_cast %add3A_1119 : i32 to index
        %get3A_1155 = arith.constant 48 : index
        %get3A_1156 = tpu.vector_load %arg10[%get3A_1154, %get3A_1155] {strides = array<i32>} : memref<128x128xf32, #tpu.memory_space<vmem>>, vector<1x16xf32>,
        %get3A_1157 = vector.shape_cast %get3A_1156 : vector<1x16xf32> to vector<16xf32>
        %mul3A_1158 = arith.mulf %get3A_1157, %gather3A_1123 : vector<16xf32>
        %swap3A_1159 = arith.index_cast %add3A_1119 : i32 to index
        %swap3A_1160 = arith.constant 48 : index
        %swap3A_1161 = tpu.vector_load %arg10[%swap3A_1159, %swap3A_1160] {strides = array<i32>} : memref<128x128xf32, #tpu.memory_space<vmem>>, vector<1x16xf32>,
        %swap3A_1162 = vector.shape_cast %swap3A_1161 : vector<1x16xf32> to vector<16xf32>
        %swap3A_1163 = vector.shape_cast %mul3A_1158 : vector<16xf32> to vector<1x16xf32>
        tpu.vector_store %arg10[%swap3A_1159, %swap3A_1160], %swap3A_1163 {strides = array<i32>} : memref<128x128xf32, #tpu.memory_space<vmem>>, vector<1x16xf32>,
        %get3A_1164 = arith.index_cast %add3A_1119 : i32 to index
        %get3A_1165 = arith.constant 64 : index
        %get3A_1166 = tpu.vector_load %arg10[%get3A_1164, %get3A_1165] {strides = array<i32>} : memref<128x128xf32, #tpu.memory_space<vmem>>, vector<1x16xf32>,
        %get3A_1167 = vector.shape_cast %get3A_1166 : vector<1x16xf32> to vector<16xf32>
        %mul3A_1168 = arith.mulf %get3A_1167, %gather3A_1123 : vector<16xf32>
        %swap3A_1169 = arith.index_cast %add3A_1119 : i32 to index
        %swap3A_1170 = arith.constant 64 : index
        %swap3A_1171 = tpu.vector_load %arg10[%swap3A_1169, %swap3A_1170] {strides = array<i32>} : memref<128x128xf32, #tpu.memory_space<vmem>>, vector<1x16xf32>,
        %swap3A_1172 = vector.shape_cast %swap3A_1171 : vector<1x16xf32> to vector<16xf32>
        %swap3A_1173 = vector.shape_cast %mul3A_1168 : vector<16xf32> to vector<1x16xf32>
        tpu.vector_store %arg10[%swap3A_1169, %swap3A_1170], %swap3A_1173 {strides = array<i32>} : memref<128x128xf32, #tpu.memory_space<vmem>>, vector<1x16xf32>,
        %get3A_1174 = arith.index_cast %add3A_1119 : i32 to index
        %get3A_1175 = arith.constant 80 : index
        %get3A_1176 = tpu.vector_load %arg10[%get3A_1174, %get3A_1175] {strides = array<i32>} : memref<128x128xf32, #tpu.memory_space<vmem>>, vector<1x16xf32>,
        %get3A_1177 = vector.shape_cast %get3A_1176 : vector<1x16xf32> to vector<16xf32>
        %mul3A_1178 = arith.mulf %get3A_1177, %gather3A_1123 : vector<16xf32>
        %swap3A_1179 = arith.index_cast %add3A_1119 : i32 to index
        %swap3A_1180 = arith.constant 80 : index
        %swap3A_1181 = tpu.vector_load %arg10[%swap3A_1179, %swap3A_1180] {strides = array<i32>} : memref<128x128xf32, #tpu.memory_space<vmem>>, vector<1x16xf32>,
        %swap3A_1182 = vector.shape_cast %swap3A_1181 : vector<1x16xf32> to vector<16xf32>
        %swap3A_1183 = vector.shape_cast %mul3A_1178 : vector<16xf32> to vector<1x16xf32>
        tpu.vector_store %arg10[%swap3A_1179, %swap3A_1180], %swap3A_1183 {strides = array<i32>} : memref<128x128xf32, #tpu.memory_space<vmem>>, vector<1x16xf32>,
        %get3A_1184 = arith.index_cast %add3A_1119 : i32 to index
        %get3A_1185 = arith.constant 96 : index
        %get3A_1186 = tpu.vector_load %arg10[%get3A_1184, %get3A_1185] {strides = array<i32>} : memref<128x128xf32, #tpu.memory_space<vmem>>, vector<1x16xf32>,
        %get3A_1187 = vector.shape_cast %get3A_1186 : vector<1x16xf32> to vector<16xf32>
        %mul3A_1188 = arith.mulf %get3A_1187, %gather3A_1123 : vector<16xf32>
        %swap3A_1189 = arith.index_cast %add3A_1119 : i32 to index
        %swap3A_1190 = arith.constant 96 : index
        %swap3A_1191 = tpu.vector_load %arg10[%swap3A_1189, %swap3A_1190] {strides = array<i32>} : memref<128x128xf32, #tpu.memory_space<vmem>>, vector<1x16xf32>,
        %swap3A_1192 = vector.shape_cast %swap3A_1191 : vector<1x16xf32> to vector<16xf32>
        %swap3A_1193 = vector.shape_cast %mul3A_1188 : vector<16xf32> to vector<1x16xf32>
        tpu.vector_store %arg10[%swap3A_1189, %swap3A_1190], %swap3A_1193 {strides = array<i32>} : memref<128x128xf32, #tpu.memory_space<vmem>>, vector<1x16xf32>,
        %get3A_1194 = arith.index_cast %add3A_1119 : i32 to index
        %get3A_1195 = arith.constant 112 : index
        %get3A_1196 = tpu.vector_load %arg10[%get3A_1194, %get3A_1195] {strides = array<i32>} : memref<128x128xf32, #tpu.memory_space<vmem>>, vector<1x16xf32>,
        %get3A_1197 = vector.shape_cast %get3A_1196 : vector<1x16xf32> to vector<16xf32>
        %mul3A_1198 = arith.mulf %get3A_1197, %gather3A_1123 : vector<16xf32>
        %swap3A_1199 = arith.index_cast %add3A_1119 : i32 to index
        %swap3A_1200 = arith.constant 112 : index
        %swap3A_1201 = tpu.vector_load %arg10[%swap3A_1199, %swap3A_1200] {strides = array<i32>} : memref<128x128xf32, #tpu.memory_space<vmem>>, vector<1x16xf32>,
        %swap3A_1202 = vector.shape_cast %swap3A_1201 : vector<1x16xf32> to vector<16xf32>
        %swap3A_1203 = vector.shape_cast %mul3A_1198 : vector<16xf32> to vector<1x16xf32>
        tpu.vector_store %arg10[%swap3A_1199, %swap3A_1200], %swap3A_1203 {strides = array<i32>} : memref<128x128xf32, #tpu.memory_space<vmem>>, vector<1x16xf32>,
        %mul3A_1204 = arith.constant 16 : i32
        %mul3A_1205 = arith.muli %scan3A_56, %mul3A_1204 : i32
        %add3A_1206 = arith.constant 13 : i32
        %add3A_1207 = arith.addi %mul3A_1205, %add3A_1206 : i32
        %broadcast_in_dim3A_1208 = arith.constant 13 : i32
        %broadcast_in_dim3A_1209 = vector.broadcast %broadcast_in_dim3A_1208 : i32 to vector<16x1xi32>
        %gather3A_1210 = vector.shape_cast %broadcast_in_dim3A_1209 : vector<16x1xi32> to vector<16xi32>
        %gather3A_1211 = tpu.dynamic_gather %get3A_61[%gather3A_1210] in [0] : vector<16xf32>, vector<16xi32> -> vector<16xf32>
        %get3A_1212 = arith.index_cast %add3A_1207 : i32 to index
        %get3A_1213 = arith.constant 0 : index
        %get3A_1214 = tpu.vector_load %arg10[%get3A_1212, %get3A_1213] {strides = array<i32>} : memref<128x128xf32, #tpu.memory_space<vmem>>, vector<1x16xf32>,
        %get3A_1215 = vector.shape_cast %get3A_1214 : vector<1x16xf32> to vector<16xf32>
        %mul3A_1216 = arith.mulf %get3A_1215, %gather3A_1211 : vector<16xf32>
        %swap3A_1217 = arith.index_cast %add3A_1207 : i32 to index
        %swap3A_1218 = arith.constant 0 : index
        %swap3A_1219 = tpu.vector_load %arg10[%swap3A_1217, %swap3A_1218] {strides = array<i32>} : memref<128x128xf32, #tpu.memory_space<vmem>>, vector<1x16xf32>,
        %swap3A_1220 = vector.shape_cast %swap3A_1219 : vector<1x16xf32> to vector<16xf32>
        %swap3A_1221 = vector.shape_cast %mul3A_1216 : vector<16xf32> to vector<1x16xf32>
        tpu.vector_store %arg10[%swap3A_1217, %swap3A_1218], %swap3A_1221 {strides = array<i32>} : memref<128x128xf32, #tpu.memory_space<vmem>>, vector<1x16xf32>,
        %get3A_1222 = arith.index_cast %add3A_1207 : i32 to index
        %get3A_1223 = arith.constant 16 : index
        %get3A_1224 = tpu.vector_load %arg10[%get3A_1222, %get3A_1223] {strides = array<i32>} : memref<128x128xf32, #tpu.memory_space<vmem>>, vector<1x16xf32>,
        %get3A_1225 = vector.shape_cast %get3A_1224 : vector<1x16xf32> to vector<16xf32>
        %mul3A_1226 = arith.mulf %get3A_1225, %gather3A_1211 : vector<16xf32>
        %swap3A_1227 = arith.index_cast %add3A_1207 : i32 to index
        %swap3A_1228 = arith.constant 16 : index
        %swap3A_1229 = tpu.vector_load %arg10[%swap3A_1227, %swap3A_1228] {strides = array<i32>} : memref<128x128xf32, #tpu.memory_space<vmem>>, vector<1x16xf32>,
        %swap3A_1230 = vector.shape_cast %swap3A_1229 : vector<1x16xf32> to vector<16xf32>
        %swap3A_1231 = vector.shape_cast %mul3A_1226 : vector<16xf32> to vector<1x16xf32>
        tpu.vector_store %arg10[%swap3A_1227, %swap3A_1228], %swap3A_1231 {strides = array<i32>} : memref<128x128xf32, #tpu.memory_space<vmem>>, vector<1x16xf32>,
        %get3A_1232 = arith.index_cast %add3A_1207 : i32 to index
        %get3A_1233 = arith.constant 32 : index
        %get3A_1234 = tpu.vector_load %arg10[%get3A_1232, %get3A_1233] {strides = array<i32>} : memref<128x128xf32, #tpu.memory_space<vmem>>, vector<1x16xf32>,
        %get3A_1235 = vector.shape_cast %get3A_1234 : vector<1x16xf32> to vector<16xf32>
        %mul3A_1236 = arith.mulf %get3A_1235, %gather3A_1211 : vector<16xf32>
        %swap3A_1237 = arith.index_cast %add3A_1207 : i32 to index
        %swap3A_1238 = arith.constant 32 : index
        %swap3A_1239 = tpu.vector_load %arg10[%swap3A_1237, %swap3A_1238] {strides = array<i32>} : memref<128x128xf32, #tpu.memory_space<vmem>>, vector<1x16xf32>,
        %swap3A_1240 = vector.shape_cast %swap3A_1239 : vector<1x16xf32> to vector<16xf32>
        %swap3A_1241 = vector.shape_cast %mul3A_1236 : vector<16xf32> to vector<1x16xf32>
        tpu.vector_store %arg10[%swap3A_1237, %swap3A_1238], %swap3A_1241 {strides = array<i32>} : memref<128x128xf32, #tpu.memory_space<vmem>>, vector<1x16xf32>,
        %get3A_1242 = arith.index_cast %add3A_1207 : i32 to index
        %get3A_1243 = arith.constant 48 : index
        %get3A_1244 = tpu.vector_load %arg10[%get3A_1242, %get3A_1243] {strides = array<i32>} : memref<128x128xf32, #tpu.memory_space<vmem>>, vector<1x16xf32>,
        %get3A_1245 = vector.shape_cast %get3A_1244 : vector<1x16xf32> to vector<16xf32>
        %mul3A_1246 = arith.mulf %get3A_1245, %gather3A_1211 : vector<16xf32>
        %swap3A_1247 = arith.index_cast %add3A_1207 : i32 to index
        %swap3A_1248 = arith.constant 48 : index
        %swap3A_1249 = tpu.vector_load %arg10[%swap3A_1247, %swap3A_1248] {strides = array<i32>} : memref<128x128xf32, #tpu.memory_space<vmem>>, vector<1x16xf32>,
        %swap3A_1250 = vector.shape_cast %swap3A_1249 : vector<1x16xf32> to vector<16xf32>
        %swap3A_1251 = vector.shape_cast %mul3A_1246 : vector<16xf32> to vector<1x16xf32>
        tpu.vector_store %arg10[%swap3A_1247, %swap3A_1248], %swap3A_1251 {strides = array<i32>} : memref<128x128xf32, #tpu.memory_space<vmem>>, vector<1x16xf32>,
        %get3A_1252 = arith.index_cast %add3A_1207 : i32 to index
        %get3A_1253 = arith.constant 64 : index
        %get3A_1254 = tpu.vector_load %arg10[%get3A_1252, %get3A_1253] {strides = array<i32>} : memref<128x128xf32, #tpu.memory_space<vmem>>, vector<1x16xf32>,
        %get3A_1255 = vector.shape_cast %get3A_1254 : vector<1x16xf32> to vector<16xf32>
        %mul3A_1256 = arith.mulf %get3A_1255, %gather3A_1211 : vector<16xf32>
        %swap3A_1257 = arith.index_cast %add3A_1207 : i32 to index
        %swap3A_1258 = arith.constant 64 : index
        %swap3A_1259 = tpu.vector_load %arg10[%swap3A_1257, %swap3A_1258] {strides = array<i32>} : memref<128x128xf32, #tpu.memory_space<vmem>>, vector<1x16xf32>,
        %swap3A_1260 = vector.shape_cast %swap3A_1259 : vector<1x16xf32> to vector<16xf32>
        %swap3A_1261 = vector.shape_cast %mul3A_1256 : vector<16xf32> to vector<1x16xf32>
        tpu.vector_store %arg10[%swap3A_1257, %swap3A_1258], %swap3A_1261 {strides = array<i32>} : memref<128x128xf32, #tpu.memory_space<vmem>>, vector<1x16xf32>,
        %get3A_1262 = arith.index_cast %add3A_1207 : i32 to index
        %get3A_1263 = arith.constant 80 : index
        %get3A_1264 = tpu.vector_load %arg10[%get3A_1262, %get3A_1263] {strides = array<i32>} : memref<128x128xf32, #tpu.memory_space<vmem>>, vector<1x16xf32>,
        %get3A_1265 = vector.shape_cast %get3A_1264 : vector<1x16xf32> to vector<16xf32>
        %mul3A_1266 = arith.mulf %get3A_1265, %gather3A_1211 : vector<16xf32>
        %swap3A_1267 = arith.index_cast %add3A_1207 : i32 to index
        %swap3A_1268 = arith.constant 80 : index
        %swap3A_1269 = tpu.vector_load %arg10[%swap3A_1267, %swap3A_1268] {strides = array<i32>} : memref<128x128xf32, #tpu.memory_space<vmem>>, vector<1x16xf32>,
        %swap3A_1270 = vector.shape_cast %swap3A_1269 : vector<1x16xf32> to vector<16xf32>
        %swap3A_1271 = vector.shape_cast %mul3A_1266 : vector<16xf32> to vector<1x16xf32>
        tpu.vector_store %arg10[%swap3A_1267, %swap3A_1268], %swap3A_1271 {strides = array<i32>} : memref<128x128xf32, #tpu.memory_space<vmem>>, vector<1x16xf32>,
        %get3A_1272 = arith.index_cast %add3A_1207 : i32 to index
        %get3A_1273 = arith.constant 96 : index
        %get3A_1274 = tpu.vector_load %arg10[%get3A_1272, %get3A_1273] {strides = array<i32>} : memref<128x128xf32, #tpu.memory_space<vmem>>, vector<1x16xf32>,
        %get3A_1275 = vector.shape_cast %get3A_1274 : vector<1x16xf32> to vector<16xf32>
        %mul3A_1276 = arith.mulf %get3A_1275, %gather3A_1211 : vector<16xf32>
        %swap3A_1277 = arith.index_cast %add3A_1207 : i32 to index
        %swap3A_1278 = arith.constant 96 : index
        %swap3A_1279 = tpu.vector_load %arg10[%swap3A_1277, %swap3A_1278] {strides = array<i32>} : memref<128x128xf32, #tpu.memory_space<vmem>>, vector<1x16xf32>,
        %swap3A_1280 = vector.shape_cast %swap3A_1279 : vector<1x16xf32> to vector<16xf32>
        %swap3A_1281 = vector.shape_cast %mul3A_1276 : vector<16xf32> to vector<1x16xf32>
        tpu.vector_store %arg10[%swap3A_1277, %swap3A_1278], %swap3A_1281 {strides = array<i32>} : memref<128x128xf32, #tpu.memory_space<vmem>>, vector<1x16xf32>,
        %get3A_1282 = arith.index_cast %add3A_1207 : i32 to index
        %get3A_1283 = arith.constant 112 : index
        %get3A_1284 = tpu.vector_load %arg10[%get3A_1282, %get3A_1283] {strides = array<i32>} : memref<128x128xf32, #tpu.memory_space<vmem>>, vector<1x16xf32>,
        %get3A_1285 = vector.shape_cast %get3A_1284 : vector<1x16xf32> to vector<16xf32>
        %mul3A_1286 = arith.mulf %get3A_1285, %gather3A_1211 : vector<16xf32>
        %swap3A_1287 = arith.index_cast %add3A_1207 : i32 to index
        %swap3A_1288 = arith.constant 112 : index
        %swap3A_1289 = tpu.vector_load %arg10[%swap3A_1287, %swap3A_1288] {strides = array<i32>} : memref<128x128xf32, #tpu.memory_space<vmem>>, vector<1x16xf32>,
        %swap3A_1290 = vector.shape_cast %swap3A_1289 : vector<1x16xf32> to vector<16xf32>
        %swap3A_1291 = vector.shape_cast %mul3A_1286 : vector<16xf32> to vector<1x16xf32>
        tpu.vector_store %arg10[%swap3A_1287, %swap3A_1288], %swap3A_1291 {strides = array<i32>} : memref<128x128xf32, #tpu.memory_space<vmem>>, vector<1x16xf32>,
        %mul3A_1292 = arith.constant 16 : i32
        %mul3A_1293 = arith.muli %scan3A_56, %mul3A_1292 : i32
        %add3A_1294 = arith.constant 14 : i32
        %add3A_1295 = arith.addi %mul3A_1293, %add3A_1294 : i32
        %broadcast_in_dim3A_1296 = arith.constant 14 : i32
        %broadcast_in_dim3A_1297 = vector.broadcast %broadcast_in_dim3A_1296 : i32 to vector<16x1xi32>
        %gather3A_1298 = vector.shape_cast %broadcast_in_dim3A_1297 : vector<16x1xi32> to vector<16xi32>
        %gather3A_1299 = tpu.dynamic_gather %get3A_61[%gather3A_1298] in [0] : vector<16xf32>, vector<16xi32> -> vector<16xf32>
        %get3A_1300 = arith.index_cast %add3A_1295 : i32 to index
        %get3A_1301 = arith.constant 0 : index
        %get3A_1302 = tpu.vector_load %arg10[%get3A_1300, %get3A_1301] {strides = array<i32>} : memref<128x128xf32, #tpu.memory_space<vmem>>, vector<1x16xf32>,
        %get3A_1303 = vector.shape_cast %get3A_1302 : vector<1x16xf32> to vector<16xf32>
        %mul3A_1304 = arith.mulf %get3A_1303, %gather3A_1299 : vector<16xf32>
        %swap3A_1305 = arith.index_cast %add3A_1295 : i32 to index
        %swap3A_1306 = arith.constant 0 : index
        %swap3A_1307 = tpu.vector_load %arg10[%swap3A_1305, %swap3A_1306] {strides = array<i32>} : memref<128x128xf32, #tpu.memory_space<vmem>>, vector<1x16xf32>,
        %swap3A_1308 = vector.shape_cast %swap3A_1307 : vector<1x16xf32> to vector<16xf32>
        %swap3A_1309 = vector.shape_cast %mul3A_1304 : vector<16xf32> to vector<1x16xf32>
        tpu.vector_store %arg10[%swap3A_1305, %swap3A_1306], %swap3A_1309 {strides = array<i32>} : memref<128x128xf32, #tpu.memory_space<vmem>>, vector<1x16xf32>,
        %get3A_1310 = arith.index_cast %add3A_1295 : i32 to index
        %get3A_1311 = arith.constant 16 : index
        %get3A_1312 = tpu.vector_load %arg10[%get3A_1310, %get3A_1311] {strides = array<i32>} : memref<128x128xf32, #tpu.memory_space<vmem>>, vector<1x16xf32>,
        %get3A_1313 = vector.shape_cast %get3A_1312 : vector<1x16xf32> to vector<16xf32>
        %mul3A_1314 = arith.mulf %get3A_1313, %gather3A_1299 : vector<16xf32>
        %swap3A_1315 = arith.index_cast %add3A_1295 : i32 to index
        %swap3A_1316 = arith.constant 16 : index
        %swap3A_1317 = tpu.vector_load %arg10[%swap3A_1315, %swap3A_1316] {strides = array<i32>} : memref<128x128xf32, #tpu.memory_space<vmem>>, vector<1x16xf32>,
        %swap3A_1318 = vector.shape_cast %swap3A_1317 : vector<1x16xf32> to vector<16xf32>
        %swap3A_1319 = vector.shape_cast %mul3A_1314 : vector<16xf32> to vector<1x16xf32>
        tpu.vector_store %arg10[%swap3A_1315, %swap3A_1316], %swap3A_1319 {strides = array<i32>} : memref<128x128xf32, #tpu.memory_space<vmem>>, vector<1x16xf32>,
        %get3A_1320 = arith.index_cast %add3A_1295 : i32 to index
        %get3A_1321 = arith.constant 32 : index
        %get3A_1322 = tpu.vector_load %arg10[%get3A_1320, %get3A_1321] {strides = array<i32>} : memref<128x128xf32, #tpu.memory_space<vmem>>, vector<1x16xf32>,
        %get3A_1323 = vector.shape_cast %get3A_1322 : vector<1x16xf32> to vector<16xf32>
        %mul3A_1324 = arith.mulf %get3A_1323, %gather3A_1299 : vector<16xf32>
        %swap3A_1325 = arith.index_cast %add3A_1295 : i32 to index
        %swap3A_1326 = arith.constant 32 : index
        %swap3A_1327 = tpu.vector_load %arg10[%swap3A_1325, %swap3A_1326] {strides = array<i32>} : memref<128x128xf32, #tpu.memory_space<vmem>>, vector<1x16xf32>,
        %swap3A_1328 = vector.shape_cast %swap3A_1327 : vector<1x16xf32> to vector<16xf32>
        %swap3A_1329 = vector.shape_cast %mul3A_1324 : vector<16xf32> to vector<1x16xf32>
        tpu.vector_store %arg10[%swap3A_1325, %swap3A_1326], %swap3A_1329 {strides = array<i32>} : memref<128x128xf32, #tpu.memory_space<vmem>>, vector<1x16xf32>,
        %get3A_1330 = arith.index_cast %add3A_1295 : i32 to index
        %get3A_1331 = arith.constant 48 : index
        %get3A_1332 = tpu.vector_load %arg10[%get3A_1330, %get3A_1331] {strides = array<i32>} : memref<128x128xf32, #tpu.memory_space<vmem>>, vector<1x16xf32>,
        %get3A_1333 = vector.shape_cast %get3A_1332 : vector<1x16xf32> to vector<16xf32>
        %mul3A_1334 = arith.mulf %get3A_1333, %gather3A_1299 : vector<16xf32>
        %swap3A_1335 = arith.index_cast %add3A_1295 : i32 to index
        %swap3A_1336 = arith.constant 48 : index
        %swap3A_1337 = tpu.vector_load %arg10[%swap3A_1335, %swap3A_1336] {strides = array<i32>} : memref<128x128xf32, #tpu.memory_space<vmem>>, vector<1x16xf32>,
        %swap3A_1338 = vector.shape_cast %swap3A_1337 : vector<1x16xf32> to vector<16xf32>
        %swap3A_1339 = vector.shape_cast %mul3A_1334 : vector<16xf32> to vector<1x16xf32>
        tpu.vector_store %arg10[%swap3A_1335, %swap3A_1336], %swap3A_1339 {strides = array<i32>} : memref<128x128xf32, #tpu.memory_space<vmem>>, vector<1x16xf32>,
        %get3A_1340 = arith.index_cast %add3A_1295 : i32 to index
        %get3A_1341 = arith.constant 64 : index
        %get3A_1342 = tpu.vector_load %arg10[%get3A_1340, %get3A_1341] {strides = array<i32>} : memref<128x128xf32, #tpu.memory_space<vmem>>, vector<1x16xf32>,
        %get3A_1343 = vector.shape_cast %get3A_1342 : vector<1x16xf32> to vector<16xf32>
        %mul3A_1344 = arith.mulf %get3A_1343, %gather3A_1299 : vector<16xf32>
        %swap3A_1345 = arith.index_cast %add3A_1295 : i32 to index
        %swap3A_1346 = arith.constant 64 : index
        %swap3A_1347 = tpu.vector_load %arg10[%swap3A_1345, %swap3A_1346] {strides = array<i32>} : memref<128x128xf32, #tpu.memory_space<vmem>>, vector<1x16xf32>,
        %swap3A_1348 = vector.shape_cast %swap3A_1347 : vector<1x16xf32> to vector<16xf32>
        %swap3A_1349 = vector.shape_cast %mul3A_1344 : vector<16xf32> to vector<1x16xf32>
        tpu.vector_store %arg10[%swap3A_1345, %swap3A_1346], %swap3A_1349 {strides = array<i32>} : memref<128x128xf32, #tpu.memory_space<vmem>>, vector<1x16xf32>,
        %get3A_1350 = arith.index_cast %add3A_1295 : i32 to index
        %get3A_1351 = arith.constant 80 : index
        %get3A_1352 = tpu.vector_load %arg10[%get3A_1350, %get3A_1351] {strides = array<i32>} : memref<128x128xf32, #tpu.memory_space<vmem>>, vector<1x16xf32>,
        %get3A_1353 = vector.shape_cast %get3A_1352 : vector<1x16xf32> to vector<16xf32>
        %mul3A_1354 = arith.mulf %get3A_1353, %gather3A_1299 : vector<16xf32>
        %swap3A_1355 = arith.index_cast %add3A_1295 : i32 to index
        %swap3A_1356 = arith.constant 80 : index
        %swap3A_1357 = tpu.vector_load %arg10[%swap3A_1355, %swap3A_1356] {strides = array<i32>} : memref<128x128xf32, #tpu.memory_space<vmem>>, vector<1x16xf32>,
        %swap3A_1358 = vector.shape_cast %swap3A_1357 : vector<1x16xf32> to vector<16xf32>
        %swap3A_1359 = vector.shape_cast %mul3A_1354 : vector<16xf32> to vector<1x16xf32>
        tpu.vector_store %arg10[%swap3A_1355, %swap3A_1356], %swap3A_1359 {strides = array<i32>} : memref<128x128xf32, #tpu.memory_space<vmem>>, vector<1x16xf32>,
        %get3A_1360 = arith.index_cast %add3A_1295 : i32 to index
        %get3A_1361 = arith.constant 96 : index
        %get3A_1362 = tpu.vector_load %arg10[%get3A_1360, %get3A_1361] {strides = array<i32>} : memref<128x128xf32, #tpu.memory_space<vmem>>, vector<1x16xf32>,
        %get3A_1363 = vector.shape_cast %get3A_1362 : vector<1x16xf32> to vector<16xf32>
        %mul3A_1364 = arith.mulf %get3A_1363, %gather3A_1299 : vector<16xf32>
        %swap3A_1365 = arith.index_cast %add3A_1295 : i32 to index
        %swap3A_1366 = arith.constant 96 : index
        %swap3A_1367 = tpu.vector_load %arg10[%swap3A_1365, %swap3A_1366] {strides = array<i32>} : memref<128x128xf32, #tpu.memory_space<vmem>>, vector<1x16xf32>,
        %swap3A_1368 = vector.shape_cast %swap3A_1367 : vector<1x16xf32> to vector<16xf32>
        %swap3A_1369 = vector.shape_cast %mul3A_1364 : vector<16xf32> to vector<1x16xf32>
        tpu.vector_store %arg10[%swap3A_1365, %swap3A_1366], %swap3A_1369 {strides = array<i32>} : memref<128x128xf32, #tpu.memory_space<vmem>>, vector<1x16xf32>,
        %get3A_1370 = arith.index_cast %add3A_1295 : i32 to index
        %get3A_1371 = arith.constant 112 : index
        %get3A_1372 = tpu.vector_load %arg10[%get3A_1370, %get3A_1371] {strides = array<i32>} : memref<128x128xf32, #tpu.memory_space<vmem>>, vector<1x16xf32>,
        %get3A_1373 = vector.shape_cast %get3A_1372 : vector<1x16xf32> to vector<16xf32>
        %mul3A_1374 = arith.mulf %get3A_1373, %gather3A_1299 : vector<16xf32>
        %swap3A_1375 = arith.index_cast %add3A_1295 : i32 to index
        %swap3A_1376 = arith.constant 112 : index
        %swap3A_1377 = tpu.vector_load %arg10[%swap3A_1375, %swap3A_1376] {strides = array<i32>} : memref<128x128xf32, #tpu.memory_space<vmem>>, vector<1x16xf32>,
        %swap3A_1378 = vector.shape_cast %swap3A_1377 : vector<1x16xf32> to vector<16xf32>
        %swap3A_1379 = vector.shape_cast %mul3A_1374 : vector<16xf32> to vector<1x16xf32>
        tpu.vector_store %arg10[%swap3A_1375, %swap3A_1376], %swap3A_1379 {strides = array<i32>} : memref<128x128xf32, #tpu.memory_space<vmem>>, vector<1x16xf32>,
        %mul3A_1380 = arith.constant 16 : i32
        %mul3A_1381 = arith.muli %scan3A_56, %mul3A_1380 : i32
        %add3A_1382 = arith.constant 15 : i32
        %add3A_1383 = arith.addi %mul3A_1381, %add3A_1382 : i32
        %broadcast_in_dim3A_1384 = arith.constant 15 : i32
        %broadcast_in_dim3A_1385 = vector.broadcast %broadcast_in_dim3A_1384 : i32 to vector<16x1xi32>
        %gather3A_1386 = vector.shape_cast %broadcast_in_dim3A_1385 : vector<16x1xi32> to vector<16xi32>
        %gather3A_1387 = tpu.dynamic_gather %get3A_61[%gather3A_1386] in [0] : vector<16xf32>, vector<16xi32> -> vector<16xf32>
        %get3A_1388 = arith.index_cast %add3A_1383 : i32 to index
        %get3A_1389 = arith.constant 0 : index
        %get3A_1390 = tpu.vector_load %arg10[%get3A_1388, %get3A_1389] {strides = array<i32>} : memref<128x128xf32, #tpu.memory_space<vmem>>, vector<1x16xf32>,
        %get3A_1391 = vector.shape_cast %get3A_1390 : vector<1x16xf32> to vector<16xf32>
        %mul3A_1392 = arith.mulf %get3A_1391, %gather3A_1387 : vector<16xf32>
        %swap3A_1393 = arith.index_cast %add3A_1383 : i32 to index
        %swap3A_1394 = arith.constant 0 : index
        %swap3A_1395 = tpu.vector_load %arg10[%swap3A_1393, %swap3A_1394] {strides = array<i32>} : memref<128x128xf32, #tpu.memory_space<vmem>>, vector<1x16xf32>,
        %swap3A_1396 = vector.shape_cast %swap3A_1395 : vector<1x16xf32> to vector<16xf32>
        %swap3A_1397 = vector.shape_cast %mul3A_1392 : vector<16xf32> to vector<1x16xf32>
        tpu.vector_store %arg10[%swap3A_1393, %swap3A_1394], %swap3A_1397 {strides = array<i32>} : memref<128x128xf32, #tpu.memory_space<vmem>>, vector<1x16xf32>,
        %get3A_1398 = arith.index_cast %add3A_1383 : i32 to index
        %get3A_1399 = arith.constant 16 : index
        %get3A_1400 = tpu.vector_load %arg10[%get3A_1398, %get3A_1399] {strides = array<i32>} : memref<128x128xf32, #tpu.memory_space<vmem>>, vector<1x16xf32>,
        %get3A_1401 = vector.shape_cast %get3A_1400 : vector<1x16xf32> to vector<16xf32>
        %mul3A_1402 = arith.mulf %get3A_1401, %gather3A_1387 : vector<16xf32>
        %swap3A_1403 = arith.index_cast %add3A_1383 : i32 to index
        %swap3A_1404 = arith.constant 16 : index
        %swap3A_1405 = tpu.vector_load %arg10[%swap3A_1403, %swap3A_1404] {strides = array<i32>} : memref<128x128xf32, #tpu.memory_space<vmem>>, vector<1x16xf32>,
        %swap3A_1406 = vector.shape_cast %swap3A_1405 : vector<1x16xf32> to vector<16xf32>
        %swap3A_1407 = vector.shape_cast %mul3A_1402 : vector<16xf32> to vector<1x16xf32>
        tpu.vector_store %arg10[%swap3A_1403, %swap3A_1404], %swap3A_1407 {strides = array<i32>} : memref<128x128xf32, #tpu.memory_space<vmem>>, vector<1x16xf32>,
        %get3A_1408 = arith.index_cast %add3A_1383 : i32 to index
        %get3A_1409 = arith.constant 32 : index
        %get3A_1410 = tpu.vector_load %arg10[%get3A_1408, %get3A_1409] {strides = array<i32>} : memref<128x128xf32, #tpu.memory_space<vmem>>, vector<1x16xf32>,
        %get3A_1411 = vector.shape_cast %get3A_1410 : vector<1x16xf32> to vector<16xf32>
        %mul3A_1412 = arith.mulf %get3A_1411, %gather3A_1387 : vector<16xf32>
        %swap3A_1413 = arith.index_cast %add3A_1383 : i32 to index
        %swap3A_1414 = arith.constant 32 : index
        %swap3A_1415 = tpu.vector_load %arg10[%swap3A_1413, %swap3A_1414] {strides = array<i32>} : memref<128x128xf32, #tpu.memory_space<vmem>>, vector<1x16xf32>,
        %swap3A_1416 = vector.shape_cast %swap3A_1415 : vector<1x16xf32> to vector<16xf32>
        %swap3A_1417 = vector.shape_cast %mul3A_1412 : vector<16xf32> to vector<1x16xf32>
        tpu.vector_store %arg10[%swap3A_1413, %swap3A_1414], %swap3A_1417 {strides = array<i32>} : memref<128x128xf32, #tpu.memory_space<vmem>>, vector<1x16xf32>,
        %get3A_1418 = arith.index_cast %add3A_1383 : i32 to index
        %get3A_1419 = arith.constant 48 : index
        %get3A_1420 = tpu.vector_load %arg10[%get3A_1418, %get3A_1419] {strides = array<i32>} : memref<128x128xf32, #tpu.memory_space<vmem>>, vector<1x16xf32>,
        %get3A_1421 = vector.shape_cast %get3A_1420 : vector<1x16xf32> to vector<16xf32>
        %mul3A_1422 = arith.mulf %get3A_1421, %gather3A_1387 : vector<16xf32>
        %swap3A_1423 = arith.index_cast %add3A_1383 : i32 to index
        %swap3A_1424 = arith.constant 48 : index
        %swap3A_1425 = tpu.vector_load %arg10[%swap3A_1423, %swap3A_1424] {strides = array<i32>} : memref<128x128xf32, #tpu.memory_space<vmem>>, vector<1x16xf32>,
        %swap3A_1426 = vector.shape_cast %swap3A_1425 : vector<1x16xf32> to vector<16xf32>
        %swap3A_1427 = vector.shape_cast %mul3A_1422 : vector<16xf32> to vector<1x16xf32>
        tpu.vector_store %arg10[%swap3A_1423, %swap3A_1424], %swap3A_1427 {strides = array<i32>} : memref<128x128xf32, #tpu.memory_space<vmem>>, vector<1x16xf32>,
        %get3A_1428 = arith.index_cast %add3A_1383 : i32 to index
        %get3A_1429 = arith.constant 64 : index
        %get3A_1430 = tpu.vector_load %arg10[%get3A_1428, %get3A_1429] {strides = array<i32>} : memref<128x128xf32, #tpu.memory_space<vmem>>, vector<1x16xf32>,
        %get3A_1431 = vector.shape_cast %get3A_1430 : vector<1x16xf32> to vector<16xf32>
        %mul3A_1432 = arith.mulf %get3A_1431, %gather3A_1387 : vector<16xf32>
        %swap3A_1433 = arith.index_cast %add3A_1383 : i32 to index
        %swap3A_1434 = arith.constant 64 : index
        %swap3A_1435 = tpu.vector_load %arg10[%swap3A_1433, %swap3A_1434] {strides = array<i32>} : memref<128x128xf32, #tpu.memory_space<vmem>>, vector<1x16xf32>,
        %swap3A_1436 = vector.shape_cast %swap3A_1435 : vector<1x16xf32> to vector<16xf32>
        %swap3A_1437 = vector.shape_cast %mul3A_1432 : vector<16xf32> to vector<1x16xf32>
        tpu.vector_store %arg10[%swap3A_1433, %swap3A_1434], %swap3A_1437 {strides = array<i32>} : memref<128x128xf32, #tpu.memory_space<vmem>>, vector<1x16xf32>,
        %get3A_1438 = arith.index_cast %add3A_1383 : i32 to index
        %get3A_1439 = arith.constant 80 : index
        %get3A_1440 = tpu.vector_load %arg10[%get3A_1438, %get3A_1439] {strides = array<i32>} : memref<128x128xf32, #tpu.memory_space<vmem>>, vector<1x16xf32>,
        %get3A_1441 = vector.shape_cast %get3A_1440 : vector<1x16xf32> to vector<16xf32>
        %mul3A_1442 = arith.mulf %get3A_1441, %gather3A_1387 : vector<16xf32>
        %swap3A_1443 = arith.index_cast %add3A_1383 : i32 to index
        %swap3A_1444 = arith.constant 80 : index
        %swap3A_1445 = tpu.vector_load %arg10[%swap3A_1443, %swap3A_1444] {strides = array<i32>} : memref<128x128xf32, #tpu.memory_space<vmem>>, vector<1x16xf32>,
        %swap3A_1446 = vector.shape_cast %swap3A_1445 : vector<1x16xf32> to vector<16xf32>
        %swap3A_1447 = vector.shape_cast %mul3A_1442 : vector<16xf32> to vector<1x16xf32>
        tpu.vector_store %arg10[%swap3A_1443, %swap3A_1444], %swap3A_1447 {strides = array<i32>} : memref<128x128xf32, #tpu.memory_space<vmem>>, vector<1x16xf32>,
        %get3A_1448 = arith.index_cast %add3A_1383 : i32 to index
        %get3A_1449 = arith.constant 96 : index
        %get3A_1450 = tpu.vector_load %arg10[%get3A_1448, %get3A_1449] {strides = array<i32>} : memref<128x128xf32, #tpu.memory_space<vmem>>, vector<1x16xf32>,
        %get3A_1451 = vector.shape_cast %get3A_1450 : vector<1x16xf32> to vector<16xf32>
        %mul3A_1452 = arith.mulf %get3A_1451, %gather3A_1387 : vector<16xf32>
        %swap3A_1453 = arith.index_cast %add3A_1383 : i32 to index
        %swap3A_1454 = arith.constant 96 : index
        %swap3A_1455 = tpu.vector_load %arg10[%swap3A_1453, %swap3A_1454] {strides = array<i32>} : memref<128x128xf32, #tpu.memory_space<vmem>>, vector<1x16xf32>,
        %swap3A_1456 = vector.shape_cast %swap3A_1455 : vector<1x16xf32> to vector<16xf32>
        %swap3A_1457 = vector.shape_cast %mul3A_1452 : vector<16xf32> to vector<1x16xf32>
        tpu.vector_store %arg10[%swap3A_1453, %swap3A_1454], %swap3A_1457 {strides = array<i32>} : memref<128x128xf32, #tpu.memory_space<vmem>>, vector<1x16xf32>,
        %get3A_1458 = arith.index_cast %add3A_1383 : i32 to index
        %get3A_1459 = arith.constant 112 : index
        %get3A_1460 = tpu.vector_load %arg10[%get3A_1458, %get3A_1459] {strides = array<i32>} : memref<128x128xf32, #tpu.memory_space<vmem>>, vector<1x16xf32>,
        %get3A_1461 = vector.shape_cast %get3A_1460 : vector<1x16xf32> to vector<16xf32>
        %mul3A_1462 = arith.mulf %get3A_1461, %gather3A_1387 : vector<16xf32>
        %swap3A_1463 = arith.index_cast %add3A_1383 : i32 to index
        %swap3A_1464 = arith.constant 112 : index
        %swap3A_1465 = tpu.vector_load %arg10[%swap3A_1463, %swap3A_1464] {strides = array<i32>} : memref<128x128xf32, #tpu.memory_space<vmem>>, vector<1x16xf32>,
        %swap3A_1466 = vector.shape_cast %swap3A_1465 : vector<1x16xf32> to vector<16xf32>
        %swap3A_1467 = vector.shape_cast %mul3A_1462 : vector<16xf32> to vector<1x16xf32>
        tpu.vector_store %arg10[%swap3A_1463, %swap3A_1464], %swap3A_1467 {strides = array<i32>} : memref<128x128xf32, #tpu.memory_space<vmem>>, vector<1x16xf32>,
      }
      %scan3A_55 = arith.constant 8 : i32
      "tpu.region"() ({
        %run_scoped3A = tpu.sem_alloc : memref<!tpu.dma_semaphore, #tpu.memory_space<semaphore_mem>>
        %dma_start3A = arith.constant 0 : i32
        %dma_start3A_56 = tpu.memref_slice %arg8[%while3A_49, %dma_start3A] : memref<88x128xi32, #tpu.memory_space<vmem>> -> memref<1x128xi32, #tpu.memory_space<vmem>>
        %dma_start3A_57 = tpu.memref_squeeze %dma_start3A_56 : memref<1x128xi32, #tpu.memory_space<vmem>> -> memref<128xi32, #tpu.memory_space<vmem>>
        %dma_start3A_58 = arith.constant 0 : i32
        %dma_start3A_59 = arith.constant 0 : i32
        %dma_start3A_60 = tpu.memref_slice %arg11[%dma_start3A_58, %dma_start3A_59] : memref<10000x128xf32, #tpu.memory_space<vmem_shared>> -> memref<10000x128xf32, #tpu.memory_space<vmem_shared>>
        tpu.enqueue_indirect_dma source(%arg10 : memref<128x128xf32, #tpu.memory_space<vmem>>) target(%dma_start3A_60 : memref<10000x128xf32, #tpu.memory_space<vmem_shared>>) offsets(%dma_start3A_57 : memref<128xi32, #tpu.memory_space<vmem>>) semaphore(%run_scoped3A : memref<!tpu.dma_semaphore, #tpu.memory_space<semaphore_mem>>) {add = true}
        %dma_wait3A = arith.constant 0 : i32
        %dma_wait3A_61 = tpu.memref_slice %arg8[%while3A_49, %dma_wait3A] : memref<88x128xi32, #tpu.memory_space<vmem>> -> memref<1x128xi32, #tpu.memory_space<vmem>>
        %dma_wait3A_62 = tpu.memref_squeeze %dma_wait3A_61 : memref<1x128xi32, #tpu.memory_space<vmem>> -> memref<128xi32, #tpu.memory_space<vmem>>
        %dma_wait3A_63 = arith.constant 0 : i32
        %dma_wait3A_64 = arith.constant 0 : i32
        %dma_wait3A_65 = tpu.memref_slice %arg11[%dma_wait3A_63, %dma_wait3A_64] : memref<10000x128xf32, #tpu.memory_space<vmem_shared>> -> memref<10000x128xf32, #tpu.memory_space<vmem_shared>>
        tpu.wait_indirect_dma semaphore(%run_scoped3A : memref<!tpu.dma_semaphore, #tpu.memory_space<semaphore_mem>>) src(%arg10 : memref<128x128xf32, #tpu.memory_space<vmem>>) dst(%dma_wait3A_65 : memref<10000x128xf32, #tpu.memory_space<vmem_shared>>)
        tpu.yield
      }) : () -> ()
    }
    %barrier3A_40 = arith.constant 0 : index
    tpu.barrier barrier_id(%barrier3A_40)
    %mul3A_41 = arith.constant 624 : i32
    %mul3A_42 = arith.muli %arg1, %mul3A_41 : i32
    %multiple_of3A_43 = tpu.assume_multiple %mul3A_42, 8 : i32
    "tpu.region"() ({
      %run_scoped3A = tpu.sem_alloc : memref<!tpu.dma_semaphore, #tpu.memory_space<semaphore_mem>>
      %dma_start3A = arith.constant 0 : i32
      %dma_start3A_49 = tpu.memref_slice %arg6[%arg0, %multiple_of3A_43, %dma_start3A] : memref<2x10000x128xf32, #tpu.memory_space<hbm>> -> memref<1x624x128xf32, #tpu.memory_space<hbm>>
      %dma_start3A_50 = tpu.memref_squeeze %dma_start3A_49 : memref<1x624x128xf32, #tpu.memory_space<hbm>> -> memref<624x128xf32, #tpu.memory_space<hbm>>
      %dma_start3A_51 = arith.constant 0 : i32
      %dma_start3A_52 = tpu.memref_slice %arg11[%multiple_of3A_43, %dma_start3A_51] : memref<10000x128xf32, #tpu.memory_space<vmem_shared>> -> memref<624x128xf32, #tpu.memory_space<vmem_shared>>
      tpu.enqueue_dma source(%dma_start3A_52 : memref<624x128xf32, #tpu.memory_space<vmem_shared>>) target(%dma_start3A_50 : memref<624x128xf32, #tpu.memory_space<hbm>>) target_semaphore(%run_scoped3A : memref<!tpu.dma_semaphore, #tpu.memory_space<semaphore_mem>>)
      %dma_wait3A = arith.constant 0 : i32
      %dma_wait3A_53 = tpu.memref_slice %arg6[%arg0, %multiple_of3A_43, %dma_wait3A] : memref<2x10000x128xf32, #tpu.memory_space<hbm>> -> memref<1x624x128xf32, #tpu.memory_space<hbm>>
      %dma_wait3A_54 = tpu.memref_squeeze %dma_wait3A_53 : memref<1x624x128xf32, #tpu.memory_space<hbm>> -> memref<624x128xf32, #tpu.memory_space<hbm>>
      %dma_wait3A_55 = arith.constant 0 : i32
      %dma_wait3A_56 = tpu.memref_slice %arg11[%multiple_of3A_43, %dma_wait3A_55] : memref<10000x128xf32, #tpu.memory_space<vmem_shared>> -> memref<624x128xf32, #tpu.memory_space<vmem_shared>>
      tpu.wait_dma2 semaphore(%run_scoped3A : memref<!tpu.dma_semaphore, #tpu.memory_space<semaphore_mem>>) src(%dma_wait3A_56 : memref<624x128xf32, #tpu.memory_space<vmem_shared>>) dst(%dma_wait3A_54 : memref<624x128xf32, #tpu.memory_space<hbm>>)
      tpu.yield
    }) : () -> ()
    %eq3A_44 = arith.constant 15 : i32
    %eq3A_45 = arith.cmpi eq, %arg1, %eq3A_44 : i32
    %convert_element_type3A_46 = arith.extui %eq3A_45 : i1 to i32
    %cond3A_47 = arith.constant 0 : i32
    %cond3A_48 = arith.cmpi ne, %convert_element_type3A_46, %cond3A_47 : i32
    scf.if %cond3A_48 {
      "tpu.region"() ({
        %run_scoped3A = tpu.sem_alloc : memref<!tpu.dma_semaphore, #tpu.memory_space<semaphore_mem>>
        %dma_start3A = arith.constant 9984 : i32
        %dma_start3A_49 = arith.constant 0 : i32
        %dma_start3A_50 = tpu.memref_slice %arg6[%arg0, %dma_start3A, %dma_start3A_49] : memref<2x10000x128xf32, #tpu.memory_space<hbm>> -> memref<1x16x128xf32, #tpu.memory_space<hbm>>
        %dma_start3A_51 = tpu.memref_squeeze %dma_start3A_50 : memref<1x16x128xf32, #tpu.memory_space<hbm>> -> memref<16x128xf32, #tpu.memory_space<hbm>>
        %dma_start3A_52 = arith.constant 9984 : i32
        %dma_start3A_53 = arith.constant 0 : i32
        %dma_start3A_54 = tpu.memref_slice %arg11[%dma_start3A_52, %dma_start3A_53] : memref<10000x128xf32, #tpu.memory_space<vmem_shared>> -> memref<16x128xf32, #tpu.memory_space<vmem_shared>>
        tpu.enqueue_dma source(%dma_start3A_54 : memref<16x128xf32, #tpu.memory_space<vmem_shared>>) target(%dma_start3A_51 : memref<16x128xf32, #tpu.memory_space<hbm>>) target_semaphore(%run_scoped3A : memref<!tpu.dma_semaphore, #tpu.memory_space<semaphore_mem>>)
        %dma_wait3A = arith.constant 9984 : i32
        %dma_wait3A_55 = arith.constant 0 : i32
        %dma_wait3A_56 = tpu.memref_slice %arg6[%arg0, %dma_wait3A, %dma_wait3A_55] : memref<2x10000x128xf32, #tpu.memory_space<hbm>> -> memref<1x16x128xf32, #tpu.memory_space<hbm>>
        %dma_wait3A_57 = tpu.memref_squeeze %dma_wait3A_56 : memref<1x16x128xf32, #tpu.memory_space<hbm>> -> memref<16x128xf32, #tpu.memory_space<hbm>>
        %dma_wait3A_58 = arith.constant 9984 : i32
        %dma_wait3A_59 = arith.constant 0 : i32
        %dma_wait3A_60 = tpu.memref_slice %arg11[%dma_wait3A_58, %dma_wait3A_59] : memref<10000x128xf32, #tpu.memory_space<vmem_shared>> -> memref<16x128xf32, #tpu.memory_space<vmem_shared>>
        tpu.wait_dma2 semaphore(%run_scoped3A : memref<!tpu.dma_semaphore, #tpu.memory_space<semaphore_mem>>) src(%dma_wait3A_60 : memref<16x128xf32, #tpu.memory_space<vmem_shared>>) dst(%dma_wait3A_57 : memref<16x128xf32, #tpu.memory_space<hbm>>)
        tpu.yield
      }) : () -> ()
    } else {
    }
    return
  }
}

module attributes {stable_mosaic.version = 14 : i64} {
  func.func @_matmul_body(%arg0: i32, %arg1: memref<1000x128xf32, #tpu.memory_space<vmem>>, %arg2: memref<128x128xf32, #tpu.memory_space<vmem>>, %arg3: memref<1x128xf32, #tpu.memory_space<vmem>>, %arg4: memref<1000x128xf32, #tpu.memory_space<vmem>>) attributes {dimension_semantics = [#tpu.dimension_semantics<arbitrary>], iteration_bounds = array<i64: 10>, scalar_prefetch = 0 : i64, scratch_operands = 0 : i64, tpu.core_type = #tpu.core_type<tc>, window_params = [{transform_indices = @transform_0, window_bounds = array<i64: 1000, 128>}, {pipeline_mode = #tpu.pipeline_mode<synchronous>, transform_indices = @transform_1, window_bounds = array<i64: 128, 128>}, {pipeline_mode = #tpu.pipeline_mode<synchronous>, transform_indices = @transform_2, window_bounds = array<i64: 1, 128>}, {transform_indices = @transform_3, window_bounds = array<i64: 1000, 128>}]} {
    %get3A = arith.constant 0 : index
    %get3A_0 = arith.constant 0 : index
    %get3A_1 = vector.load %arg1[%get3A, %get3A_0] : memref<1000x128xf32, #tpu.memory_space<vmem>>, vector<1000x128xf32>
    %get3A_2 = arith.constant 0 : index
    %get3A_3 = arith.constant 0 : index
    %get3A_4 = vector.load %arg2[%get3A_2, %get3A_3] : memref<128x128xf32, #tpu.memory_space<vmem>>, vector<128x128xf32>
    %dot_general3A = arith.constant dense<0.000000e+00> : vector<1000x128xf32>
    %dot_general3A_5 = tpu.matmul %get3A_1, %get3A_4, %dot_general3A {dimension_numbers = #tpu.dot_dimension_numbers<[1], [0], [0], [1], [0, 0, 1, 1], [], []>, transpose_lhs_hint = false} : vector<1000x128xf32>, vector<128x128xf32>, vector<1000x128xf32> -> vector<1000x128xf32>
    %get3A_6 = arith.constant 0 : index
    %get3A_7 = arith.constant 0 : index
    %get3A_8 = vector.load %arg3[%get3A_6, %get3A_7] : memref<1x128xf32, #tpu.memory_space<vmem>>, vector<1x128xf32>
    %add3A = vector.broadcast %get3A_8 : vector<1x128xf32> to vector<1000x128xf32>
    %add3A_9 = arith.addf %dot_general3A_5, %add3A : vector<1000x128xf32>
    %swap3A = arith.constant 0 : index
    %swap3A_10 = arith.constant 0 : index
    %swap3A_11 = vector.load %arg4[%swap3A, %swap3A_10] : memref<1000x128xf32, #tpu.memory_space<vmem>>, vector<1000x128xf32>
    tpu.vector_store %arg4[%swap3A, %swap3A_10], %add3A_9 {strides = array<i32>} : memref<1000x128xf32, #tpu.memory_space<vmem>>, vector<1000x128xf32>,
    return
  }
  func.func @transform_0(%arg0: i32) -> (i32, i32) {
    %c0_i32 = arith.constant 0 : i32
    %c0_i32_0 = arith.constant 0 : i32
    return %arg0, %c0_i32 : i32, i32
  }
  func.func @transform_1(%arg0: i32) -> (i32, i32) {
    %c0_i32 = arith.constant 0 : i32
    %c0_i32_0 = arith.constant 0 : i32
    %c0_i32_1 = arith.constant 0 : i32
    return %c0_i32, %c0_i32_0 : i32, i32
  }
  func.func @transform_2(%arg0: i32) -> (i32, i32) {
    %c0_i32 = arith.constant 0 : i32
    %c0_i32_0 = arith.constant 0 : i32
    %c0_i32_1 = arith.constant 0 : i32
    return %c0_i32, %c0_i32_0 : i32, i32
  }
  func.func @transform_3(%arg0: i32) -> (i32, i32) {
    %c0_i32 = arith.constant 0 : i32
    %c0_i32_0 = arith.constant 0 : i32
    return %arg0, %c0_i32 : i32, i32
  }
}

module attributes {stable_mosaic.version = 14 : i64} {
  func.func @_fuse_body(%arg0: i32, %arg1: memref<1000x128xf32, #tpu.memory_space<vmem>>, %arg2: memref<1000x128xf32, #tpu.memory_space<vmem>>, %arg3: memref<1000x128xf32, #tpu.memory_space<vmem>>, %arg4: memref<1000x128xf32, #tpu.memory_space<vmem>>) attributes {dimension_semantics = [#tpu.dimension_semantics<arbitrary>], iteration_bounds = array<i64: 10>, scalar_prefetch = 0 : i64, scratch_operands = 0 : i64, tpu.core_type = #tpu.core_type<tc>, window_params = [{transform_indices = @transform_0, window_bounds = array<i64: 1000, 128>}, {transform_indices = @transform_1, window_bounds = array<i64: 1000, 128>}, {transform_indices = @transform_2, window_bounds = array<i64: 1000, 128>}, {transform_indices = @transform_3, window_bounds = array<i64: 1000, 128>}]} {
    %get3A = arith.constant 0 : index
    %get3A_0 = arith.constant 0 : index
    %get3A_1 = vector.load %arg1[%get3A, %get3A_0] : memref<1000x128xf32, #tpu.memory_space<vmem>>, vector<1000x128xf32>
    %get3A_2 = arith.constant 0 : index
    %get3A_3 = arith.constant 0 : index
    %get3A_4 = vector.load %arg2[%get3A_2, %get3A_3] : memref<1000x128xf32, #tpu.memory_space<vmem>>, vector<1000x128xf32>
    %add3A = arith.addf %get3A_1, %get3A_4 : vector<1000x128xf32>
    %get3A_5 = arith.constant 0 : index
    %get3A_6 = arith.constant 0 : index
    %get3A_7 = vector.load %arg3[%get3A_5, %get3A_6] : memref<1000x128xf32, #tpu.memory_space<vmem>>, vector<1000x128xf32>
    %add3A_8 = arith.addf %add3A, %get3A_7 : vector<1000x128xf32>
    %ge3A = arith.constant 0.000000e+00 : f32
    %ge3A_9 = vector.broadcast %ge3A : f32 to vector<1000x128xf32>
    %ge3A_10 = arith.cmpf oge, %add3A_8, %ge3A_9 : vector<1000x128xf32>
    %mul3A = arith.constant 2.000000e-01 : f32
    %mul3A_11 = vector.broadcast %mul3A : f32 to vector<1000x128xf32>
    %mul3A_12 = arith.mulf %mul3A_11, %add3A_8 : vector<1000x128xf32>
    %select_n3A = arith.select %ge3A_10, %add3A_8, %mul3A_12 : vector<1000x128xi1>, vector<1000x128xf32>
    %swap3A = arith.constant 0 : index
    %swap3A_13 = arith.constant 0 : index
    %swap3A_14 = vector.load %arg4[%swap3A, %swap3A_13] : memref<1000x128xf32, #tpu.memory_space<vmem>>, vector<1000x128xf32>
    tpu.vector_store %arg4[%swap3A, %swap3A_13], %select_n3A {strides = array<i32>} : memref<1000x128xf32, #tpu.memory_space<vmem>>, vector<1000x128xf32>,
    return
  }
  func.func @transform_0(%arg0: i32) -> (i32, i32) {
    %c0_i32 = arith.constant 0 : i32
    %c0_i32_0 = arith.constant 0 : i32
    return %arg0, %c0_i32 : i32, i32
  }
  func.func @transform_1(%arg0: i32) -> (i32, i32) {
    %c0_i32 = arith.constant 0 : i32
    %c0_i32_0 = arith.constant 0 : i32
    return %arg0, %c0_i32 : i32, i32
  }
  func.func @transform_2(%arg0: i32) -> (i32, i32) {
    %c0_i32 = arith.constant 0 : i32
    %c0_i32_0 = arith.constant 0 : i32
    return %arg0, %c0_i32 : i32, i32
  }
  func.func @transform_3(%arg0: i32) -> (i32, i32) {
    %c0_i32 = arith.constant 0 : i32
    %c0_i32_0 = arith.constant 0 : i32
    return %arg0, %c0_i32 : i32, i32
  }
}

</mosaic_0001>

<sc_bundles>
// kernel: kernel.5.cloned.1.call-start
scs
__scs_entry_jumppad:
0x0: {  	(pc) =	sbr.rel $0x88, $3  }
0x1: {  	(tag) =	ssettag $0x0;
	lr =	simm.s32 $0x1  }
0x2: {  	[smem:$0x3F9C] =	sst lr;
	_ =	strace $0xD0000000  }
0x3: {  	_ = 	snop  }
0x4: {  	_ = 	snop  }
0x5: {  	_ = 	snop  }
0x6: {  	_ = 	snop  }
0x7: {  	_ = 	snop  }
__scs_overlays_trampoline_lowered:
0x8: {  	[smem:$0x3FAB] =	sst s0  }
0x9: {  	[smem:$0x3FAC] =	sst s1  }
0xa: {  	[smem:$0x3FAD] =	sst s2  }
0xb: {  	[smem:$0x3FAE] =	sst s3  }
0xc: {  	[smem:$0x3FAF] =	sst s4  }
0xd: {  	[smem:$0x3FB0] =	sst s5  }
0xe: {  	[smem:$0x3FB1] =	sst s6  }
0xf: {  	[smem:$0x3FB2] =	sst s7  }
0x10: {  	[smem:$0x3FB3] =	sst s8  }
0x11: {  	[smem:$0x3FB4] =	sst s9;
	s0 =	simm.s32 @!p0 $0x0  }
0x12: {  	s1 =	sld [smem:$0x3F9A];
	s0 =	simm.s32 @p0 $0x1  }
0x13: {  	[smem:$0x3FB5] =	sst s0;
	s0 =	simm.s32 @!p1 $0x0  }
0x14: {  	s2 =	sld [smem:$0x3F99];
	s0 =	simm.s32 @p1 $0x1  }
0x15: {  	[smem:$0x3FB6] =	sst s0;
	s0 =	simm.s32 @!p2 $0x0  }
0x16: {  	s3 =	sld [smem:$0x3FDB];
	s0 =	simm.s32 @p2 $0x1  }
0x17: {  	s4 =	simm.s32 $0x1BF5;
	[smem:$0x3FB8] =	sst s0  }
0x18: {  	s0 =	sld [smem:$0x3F9B];
	_ =	swait.ge [sflag:s4], $0x0  }
0x19: {  	s7 =	sld [smem:$0x3F9C]  }
0x1a: {  	s8 =	sadd.s32 $0xFFFFE003, lr  }
0x1b: {  	s9 =	sadd.s32 $0xFFFFFEF7, lr;
	s5 =	simm.s32 $0xFFFFFFFF;
	p2 =	slt.u32 s8, $0xFFFFF086  }
0x1c: {  	p1 =	slt.u32 s9, $0xF7A;
	s5 =	simm.s32 @!p2 $0x0  }
0x1d: {  	s5 =	simm.s32 @p1 $0x1;
	p0 =	seq.s32 s7, s2  }
0x1e: {  	s7 =	smul.u32 @!p0 $0xF7A, s2;
	p2 =	seq.s32 @!p0 s5, $0x0  }
0x1f: {  	s9 =	smul.u32 $0xF7A, s1;
	s8 =	simm.s32 @!p0 $0x1BF5;
	p2 =	por !p2, p0  }
0x20: {  	[sflag:s8] =	ssyncset.s32 @!p0 $0xFFFFF086;
	s6 =	sadd.s32 @!p0 s3, s7;
	s7 =	simm.s32 @!p0 $0x108  }
0x21: {  	s3 =	sadd.s32 s3, s9;
	s6 =	sadd.s32 @!p0 $0x88, s6;
	s7 =	simm.s32 @p2 $0x1082  }
0x22: {  	[simem:s7], [sflag:s8] =	dma.local @!p0 [hbm:s6], $0xF7A  }
0x23: {  	s9 =	sor.u32 $0xD0000000, s2;
	s6 =	simm.s32 $0x108;
	_ =	swait.ge @!p0 [sflag:s8], $0x0  }
0x24: {  	s3 =	sadd.s32 $0x88, s3;
	s6 =	simm.s32 @!p1 $0x1082;
	[sflag:s4] =	ssyncset.s32 $0xFFFFF086  }
0x25: {  	[simem:s6], [sflag:s4] =	dma.local [hbm:s3], $0xF7A  }
0x26: {  	[smem:$0x3F9C] =	sst s1;
	(tag) =	ssettag s2;
	_ =	strace s9  }
0x27: {  	s1 =	sld [smem:$0x3FAC]  }
0x28: {  	s2 =	sld [smem:$0x3FAD]  }
0x29: {  	s4 =	sld [smem:$0x3FAF]  }
0x2a: {  	p0 =	seq.s32 s5, $0x0;
	s5 =	sld [smem:$0x3FB0]  }
0x2b: {  	s6 =	sld [smem:$0x3FB1]  }
0x2c: {  	s7 =	sld [smem:$0x3FB2]  }
0x2d: {  	s3 =	simm.s32 $0x108;
	s8 =	sld [smem:$0x3FB3]  }
0x2e: {  	s3 =	simm.s32 @!p0 $0x1082;
	s9 =	sld [smem:$0x3FB4]  }
0x2f: {  	lr =	sadd.s32 s0, s3;
	s0 =	sld [smem:$0x3FAB]  }
0x30: {  	s3 =	sld [smem:$0x3FAE]  }
0x31: {  	[smem:$0x3FB7] =	sst s10  }
0x32: {  	s10 =	sld [smem:$0x3FB5];
	_ =	sdelay $0x3  }
0x33: {  	p0 =	seq.s32 s10, $0x1;
	s10 =	sld [smem:$0x3FB7];
	_ =	sdelay $0x3  }
0x34: {  	[smem:$0x3FB7] =	sst s10  }
0x35: {  	s10 =	sld [smem:$0x3FB6];
	_ =	sdelay $0x3  }
0x36: {  	p1 =	seq.s32 s10, $0x1;
	s10 =	sld [smem:$0x3FB7];
	_ =	sdelay $0x3  }
0x37: {  	[smem:$0x3FB7] =	sst s10  }
0x38: {  	s10 =	sld [smem:$0x3FB8]  }
0x39: {  	_ = 	snop;
	(pc) =	sbr.ind lr, $3  }
0x3a: {  	_ = 	snop  }
0x3b: {  	_ = 	snop  }
0x3c: {  	p2 =	seq.s32 s10, $0x1;
	s10 =	sld [smem:$0x3FB7]  }
0x3d: {  	_ =	shalt  }
0x3e: {  	_ =	shalt  }
0x3f: {  	_ =	shalt  }
0x40: {  	_ =	shalt  }
0x41: {  	_ =	shalt  }
0x42: {  	_ =	shalt  }
0x43: {  	_ =	shalt  }
0x44: {  	_ =	shalt  }
0x45: {  	_ =	shalt  }
0x46: {  	_ =	shalt  }
0x47: {  	_ =	shalt  }
0x48: {  	_ =	shalt  }
0x49: {  	_ =	shalt  }
0x4a: {  	_ =	shalt  }
0x4b: {  	_ =	shalt  }
0x4c: {  	_ =	shalt  }
0x4d: {  	_ =	shalt  }
0x4e: {  	_ =	shalt  }
0x4f: {  	_ =	shalt  }
0x50: {  	_ =	shalt  }
0x51: {  	_ =	shalt  }
0x52: {  	_ =	shalt  }
0x53: {  	_ =	shalt  }
0x54: {  	_ =	shalt  }
0x55: {  	_ =	shalt  }
0x56: {  	_ =	shalt  }
0x57: {  	_ =	shalt  }
0x58: {  	_ =	shalt  }
0x59: {  	_ =	shalt  }
0x5a: {  	_ =	shalt  }
0x5b: {  	_ =	shalt  }
0x5c: {  	_ =	shalt  }
0x5d: {  	_ =	shalt  }
0x5e: {  	_ =	shalt  }
0x5f: {  	_ =	shalt  }
0x60: {  	_ =	shalt  }
0x61: {  	_ =	shalt  }
0x62: {  	_ =	shalt  }
0x63: {  	_ =	shalt  }
0x64: {  	_ =	shalt  }
0x65: {  	_ =	shalt  }
0x66: {  	_ =	shalt  }
0x67: {  	_ =	shalt  }
0x68: {  	_ =	shalt  }
0x69: {  	_ =	shalt  }
0x6a: {  	_ =	shalt  }
0x6b: {  	_ =	shalt  }
0x6c: {  	_ =	shalt  }
0x6d: {  	_ =	shalt  }
0x6e: {  	_ =	shalt  }
0x6f: {  	_ =	shalt  }
0x70: {  	_ =	shalt  }
0x71: {  	_ =	shalt  }
0x72: {  	_ =	shalt  }
0x73: {  	_ =	shalt  }
0x74: {  	_ =	shalt  }
0x75: {  	_ =	shalt  }
0x76: {  	_ =	shalt  }
0x77: {  	_ =	shalt  }
0x78: {  	_ =	shalt  }
0x79: {  	_ =	shalt  }
0x7a: {  	_ =	shalt  }
0x7b: {  	_ =	shalt  }
0x7c: {  	_ =	shalt  }
0x7d: {  	_ =	shalt  }
0x7e: {  	_ =	shalt  }
0x7f: {  	_ =	shalt  }
0x80: {  	_ =	shalt  }
0x81: {  	_ =	shalt  }
0x82: {  	_ =	shalt  }
0x83: {  	_ =	shalt  }
0x84: {  	_ =	shalt  }
0x85: {  	_ =	shalt  }
0x86: {  	_ =	shalt  }
0x87: {  	_ =	shalt  }
.Lfunc_end0:
.L_simem_size_0:
called_computation_lowered:
.L_overlay_start_0:
0x88: {  	s2 =	sld [smem:$0x3FD9]  }
0x89: {  	s3 =	sld [smem:$0x3FFE];
	_ =	sdelay $0x1  }
0x8a: {  	s1 =	srdreg.scid  }
0x8b: {  	s0 =	sand.u32 $0x1, s1  }
0x8c: {  	s17 =	sshll.u32 s0, $0xA;
	s2 =	sadd.s32 s3, s2  }
0x8d: {  	s2 =	sadd.s32 s2, s17  }
0x8e: {  	[smem:$0x3FC3] =	sst s2  }
0x8f: {  	_ = 	snop  }
0x90: {  	s2 =	sld [smem:$0x3FD0];
	(tm) =	ssettm $0x1  }
0x91: {  	s18 =	sld [smem:$0x3FFB];
	_ =	sdelay $0x3  }
0x92: {  	_ =	strace s18  }
0x93: {  	s3 =	sld [smem:$0x3FFC];
	_ =	sdelay $0x3  }
0x94: {  	_ =	strace s3  }
0x95: {  	s3 =	sld [smem:$0x3FFD];
	_ =	sdelay $0x3  }
0x96: {  	_ =	strace s3  }
0x97: {  	_ =	strace $0x8FFFFFFF  }
0x98: {  	s19 =	sld [smem:$0x3FDB];
	_ =	sdelay $0x1  }
0x99: {  	s4 =	simm.s32 $_scs_section_size  }
0x9a: {  	s5 =	simm.s32 $_size__tile_overlayer_lowered;
	s6 =	simm.s32 $_tile_overlayer_lowered  }
0x9b: {  	s22 =	simm.s32 $0x1BFF;
	s21 =	sshll.u32 s6, $0x1;
	s3 =	sadd.s32 s4, s19  }
0x9c: {  	s7 =	simm.s32 $0x0;
	s20 =	sshll.u32 s5, $0x1;
	s5 =	sadd.s32 s21, s3  }
0x9d: {  	[timem:s7], [sflag:s22] =	dma.local [hbm:s5], s20  }
0x9e: {  	_ =	swait.ge [sflag:s22], s20  }
0x9f: {  	s4 =	ssub.s32 $0x0, s20;
	[sflag:s22] =	ssyncset.done $0x0  }
0xa0: {  	[sflag:s22] =	ssyncadd.s32 s4;
	_ =	sdelay $0x1  }
0xa1: {  	s23 =	simm.s32 $0x1B8B  }
0xa2: {  	_ =	swait.ge [sflag:s23], $0x1  }
0xa3: {  	[sflag:s23] =	ssyncset.done $0x0  }
0xa4: {  	s25 =	simm.s32 $0x1B8E;
	s24 =	sld [smem:$0x3FFE];
	[sflag:s23] =	ssyncadd.s32 $0xFFFFFFFF  }
0xa5: {  	s26 =	simm.s32 $execute0_lowered;
	[smem:$0x3FD2] =	sst s25  }
0xa6: {  	s5 =	sshll.u32 s26, $0x1;
	_ =	strace $0x80000046;
	[dreg:$0x1] =	wrdreg $0xFFFFFFFF  }
0xa7: {  	s28 =	simm.s32 $_size_execute0_lowered;
	s3 =	sadd.s32 s3, s5;
	[dreg:$0x0] =	wrdreg $0x0  }
0xa8: {  	s5 =	sshll.u32 s28, $0x1;
	[dreg:$0x2] =	wrdreg s3  }
0xa9: {  	[dreg:$0x3] =	wrdreg s5  }
0xaa: {  	[dreg:$0x4] =	wrdreg $0xC0  }
0xab: {  	_ =	task [dreg:s7], $0x5FFFF  }
0xac: {  	[dreg:$0x1] =	wrdreg $0xFFFFFFFF  }
0xad: {  	[dreg:$0x0] =	wrdreg $0x60  }
0xae: {  	[dreg:$0x2] =	wrdreg s2  }
0xaf: {  	[dreg:$0x3] =	wrdreg s24  }
0xb0: {  	[dreg:$0x4] =	wrdreg $0xC4000  }
0xb1: {  	[dreg:$0x5] =	wrdreg $0x9  }
0xb2: {  	_ =	task.clear_ibuf [dreg:s7], $0x6FFFF;
	_ =	strace $0x90000046  }
0xb3: {  	s29 =	simm.s32 $0x9;
	_ =	strace $0x80000048  }
0xb4: {  	_ =	swait.ge [sflag:s29], $0x1  }
0xb5: {  	[sflag:s29] =	ssyncadd.s32 $0xFFFFFFFF  }
0xb6: {  	_ =	strace $0x90000048  }
0xb7: {  	_ =	sfence  }
0xb8: {  	s30 =	sld [smem:$0x0];
	_ =	sdelay $0x2  }
0xb9: {  	s31 =	sshll.u32 s1, $0xD;
	s1 =	sshrl.u32 s1, $0x2  }
0xba: {  	s3 =	sand.u32 $0x4000, s31;
	s1 =	sadd.s32 s1, s30  }
0xbb: {  	s0 =	sor.u32 s3, s0;
	s1 =	sshll.u32 s1, $0x11  }
0xbc: {  	s0 =	sor.u32 s1, s0  }
0xbd: {  	s0 =	sadd.s32 $0x8F2B, s0  }
0xbe: {  	[sflag:s0] =	ssyncadd.remote.s32 $0x1  }
0xbf: {  	_ =	sfence.sel $0xFFFF  }
0xc0: {  	[dreg:$0x0] =	wrdreg $0xFFFFFFFF;
	(pc) =	sbr.abs _section_cstart, $3  }
0xc1: {  	[dreg:$0x1] =	wrdreg $0xFFFFFFFF  }
0xc2: {  	_ =	task.clear_ibuf [dreg:s7], $0x2FFFF;
	_ =	strace $0x9FFFFFFF  }
0xc3: {  	(tm) =	ssettm $0x7FFFFFFF  }
tec
execute0_lowered:
.L_overlay_start_1:
0x0: {  	(tag) =	ssettag $0x1  }
0x1: {  	s1 =	srdreg.scid;
	s2 =	rddreg [dreg:$0x0]  }
0x2: {  	s0 =	stileid.u32;
	s7 =	rddreg [dreg:$0x1]  }
0x3: {  	s3 =	rddreg [dreg:$0x2];
	s4 =	simm.s32 $0x0;
	s19 =	simm.s32 $0x2C00  }
0x4: {  	s20 =	simm.s32 $0x5800;
	s21 =	simm.s32 $0x8400;
	s5 =	smul.u32 $0xA0, s0  }
0x5: {  	s22 =	simm.s32 $0x80;
	s23 =	simm.s32 $0x0;
	s30 =	smul.u32 $0x4E000, s0  }
0x6: {  	s6 =	sand.u32 $0x1, s1;
	s1 =	rddreg [dreg:$0x3];
	s13 =	smul.u32 $0x13800, s0  }
0x7: {  	[smem:$0x7FF] =	sst s4;
	s16 =	sadd.s32 $0x1EE00, s7;
	s8 =	smul.u32 $0x48, s6  }
0x8: {  	_ =	strace $0x80000047;
	s28 =	ssub.s32 $0x2, s6;
	s14 =	smul.u32 $0x138800, s6  }
0x9: {  	p0 =	seq.s32 s6, $0x0;
	s29 =	sshrl.u32 s28, $0x1;
	s31 =	sshrl.u32 s30, $0x2  }
0xa: {  	s5 =	sadd.s32 s8, s5;
	s17 =	ssub.s32 s28, s29;
	s15 =	sadd.s32 s13, s14  }
0xb: {  	s18 =	sshrl.u32 s14, $0x3;
	s14 =	sadd.s32 $0x138000, s3;
	s5 =	sshll.u32 s5, $0x4  }
0xc: {  	v0 =	vimm.f32 $0.0e+00;
	v1 =	vimm.s32 $0x0;
	s15 =	sshrl.u32 s15, $0x3;
	s17 =	smax.u32 s17, $0x1;
	s9 =	sadd.s32 s5, s7  }
0xd: {  	v2 =	vimm.s32 $0x1;
	v3 =	vimm.s32 $0x2;
	v4 =	vimm.s32 $0x3;
	s5 =	simm.s32 $0x48;
	s7 =	sadd.s32 s31, s3;
	s15 =	sadd.s32 s16, s15  }
0xe: {  	v5 =	vimm.s32 $0x4;
	v6 =	vimm.s32 $0x5;
	v7 =	vimm.s32 $0x6;
	s16 =	sadd.s32 s16, s18;
	s18 =	simm.s32 $0x1;
	s5 =	simm.s32 @!p0 $0x58  }
0xf: {  	v8 =	vimm.s32 $0x7;
	v9 =	vimm.s32 $0x8;
	v10 =	vimm.s32 $0x9;
	s6 =	sadd.s32 $0x14E00, s9;
	s8 =	sadd.s32 $0xAE00, s9;
	s9 =	sadd.s32 $0xE00, s9  }
0x10: {  	v11 =	vimm.s32 $0xA;
	v12 =	vimm.s32 $0xB;
	v13 =	vimm.s32 $0xC;
	s10 =	sadd.s32 $0x4000, s7;
	s11 =	sadd.s32 $0x8000, s7;
	s12 =	sadd.s32 $0xC000, s7  }
0x11: {  	v14 =	vimm.s32 $0xD;
	v15 =	vimm.s32 $0xE;
	v16 =	vimm.s32 $0xF;
	s13 =	sadd.s32 $0x10000, s7;
	s16 =	sadd.s32 $0x27000, s16;
	p0 =	sne.s32 s0, $0xF  }
.LBB2_1:
0x12: {  	[tilespmem:s4], [sflag:$0x1] =	stream.linear.gather [hbm4b:s6+s4], $0x2C00, $0x38;
	[tilespmem:$0x1FC80] =	vst v63  }
0x13: {  	_ =	swait.ge [sflag:s18], $0x2C00  }
0x14: {  	[sflag:s18] =	ssyncset.done $0x0  }
0x15: {  	[sflag:s18] =	ssyncadd.s32 $0xFFFFD400  }
0x16: {  	[tilespmem:s19], [sflag:$0x1] =	stream.linear.gather [hbm4b:s8+s4], $0x2C00, $0x38;
	[tilespmem:$0x1FC80] =	vst v63  }
0x17: {  	_ =	swait.ge [sflag:s18], $0x2C00  }
0x18: {  	[sflag:s18] =	ssyncset.done $0x0  }
0x19: {  	[sflag:s18] =	ssyncadd.s32 $0xFFFFD400  }
0x1a: {  	[tilespmem:s20], [sflag:$0x1] =	stream.linear.gather [hbm4b:s9+s4], $0x2C00, $0x38;
	[tilespmem:$0x1FC80] =	vst v63  }
0x1b: {  	_ =	swait.ge [sflag:s18], $0x2C00  }
0x1c: {  	[sflag:s18] =	ssyncset.done $0x0  }
0x1d: {  	s24 =	simm.s32 $0x0;
	s25 =	simm.s32 $0x200;
	[sflag:s18] =	ssyncadd.s32 $0xFFFFD400  }
.LBB2_2:
0x1e: {  	p1 =	sne.s32 s25, $0xFE00;
	[tilespmem:s24+$0x8470] =	vst v0  }
0x1f: {  	[tilespmem:s24+$0x8400] =	vst v0  }
0x20: {  	[tilespmem:s24+$0x8410] =	vst v0  }
.Ltmp0:
0x21: {  	[tilespmem:s24+$0x8420] =	vst v0;
	(pc) =	sbr.rel @p1 .LBB2_2-.Ltmp0, $4  }
0x22: {  	[tilespmem:s24+$0x8430] =	vst v0  }
0x23: {  	[tilespmem:s24+$0x8440] =	vst v0  }
0x24: {  	[tilespmem:s24+$0x8450] =	vst v0  }
0x25: {  	[tilespmem:s24+$0x8460] =	vst v0;
	s24 =	sshra.s32 s25, $0x2;
	s25 =	sadd.s32 $0x200, s25  }
0x26: {  	[tilespmem:s24+$0x8470] =	vst v0  }
0x27: {  	[tilespmem:s24+$0x8400] =	vst v0  }
0x28: {  	[tilespmem:s24+$0x8410] =	vst v0  }
0x29: {  	[tilespmem:s24+$0x8420] =	vst v0  }
0x2a: {  	[tilespmem:s24+$0x8430] =	vst v0  }
0x2b: {  	[tilespmem:s24+$0x8440] =	vst v0  }
0x2c: {  	[tilespmem:s24+$0x8450] =	vst v0  }
0x2d: {  	[tilespmem:s24+$0x8460] =	vst v0  }
0x2e: {  	[spmem:s7] =	stream.linear.scatter [tilespmem:s21], [sflag:$0x1], $0x4000, $0x38;
	[tilespmem:$0x1FC80] =	vst v63  }
0x2f: {  	_ =	swait.ge [sflag:s18], $0x4000  }
0x30: {  	[sflag:s18] =	ssyncset.done $0x0  }
0x31: {  	[sflag:s18] =	ssyncadd.s32 $0xFFFFC000  }
0x32: {  	[spmem:s10] =	stream.linear.scatter [tilespmem:s21], [sflag:$0x1], $0x4000, $0x38;
	[tilespmem:$0x1FC80] =	vst v63  }
0x33: {  	_ =	swait.ge [sflag:s18], $0x4000  }
0x34: {  	[sflag:s18] =	ssyncset.done $0x0  }
0x35: {  	[sflag:s18] =	ssyncadd.s32 $0xFFFFC000  }
0x36: {  	[spmem:s11] =	stream.linear.scatter [tilespmem:s21], [sflag:$0x1], $0x4000, $0x38;
	[tilespmem:$0x1FC80] =	vst v63  }
0x37: {  	_ =	swait.ge [sflag:s18], $0x4000  }
0x38: {  	[sflag:s18] =	ssyncset.done $0x0  }
0x39: {  	[sflag:s18] =	ssyncadd.s32 $0xFFFFC000  }
0x3a: {  	[spmem:s12] =	stream.linear.scatter [tilespmem:s21], [sflag:$0x1], $0x4000, $0x38;
	[tilespmem:$0x1FC80] =	vst v63  }
0x3b: {  	_ =	swait.ge [sflag:s18], $0x4000  }
0x3c: {  	[sflag:s18] =	ssyncset.done $0x0  }
0x3d: {  	[sflag:s18] =	ssyncadd.s32 $0xFFFFC000  }
0x3e: {  	[spmem:s13] =	stream.linear.scatter [tilespmem:s21], [sflag:$0x1], $0x3800, $0x38;
	[tilespmem:$0x1FC80] =	vst v63  }
0x3f: {  	_ =	swait.ge [sflag:s18], $0x3800  }
0x40: {  	[sflag:s18] =	ssyncset.done $0x0  }
0x41: {  	s24 =	simm.s32 @!p0 $0x8400;
	[sflag:s18] =	ssyncadd.s32 $0xFFFFC800  }
0x42: {  	[spmem:s14] =	stream.linear.scatter @!p0 [tilespmem:s24], [sflag:$0x1], $0x800, $0x38;
	[tilespmem:$0x1FC80] =	vst v63  }
0x43: {  	s24 =	simm.s32 @!p0 $0x1  }
0x44: {  	_ =	swait.ge @!p0 [sflag:s24], $0x800  }
0x45: {  	[sflag:s24] =	ssyncset.done @!p0 $0x0  }
0x46: {  	[sflag:s24] =	ssyncadd.s32 @!p0 $0xFFFFF800  }
0x47: {  	s24 =	simm.s32 $0x0;
	[bflag:$0x0] =	sbarrier.arrive $0xFFFF  }
.LBB2_4:
0x48: {  	s25 =	sshll.u32 s24, $0x7  }
0x49: {  	[tilespmem:s21], [sflag:$0x1] =	stream.indirect.gather [hbm4b:s2+s22], $0x80, s25, s22, $0xb8;
	[tilespmem:$0x1FC80] =	vst v63  }
0x4a: {  	s26 =	sadd.s32 $0x5800, s25  }
0x4b: {  	_ =	swait.ge [sflag:s18], $0x4000;
	v17 =	vmov s26  }
0x4c: {  	[sflag:s18] =	ssyncset.done $0x0  }
0x4d: {  	s26 =	simm.s32 $0x0;
	[sflag:s18] =	ssyncadd.s32 $0xFFFFC000  }
.LBB2_5:
0x4e: {  	s28 =	sshll.u32 s26, $0x4  }
0x4f: {  	s28 =	sand.u32 $0x3FFFFFF0, s28  }
0x50: {  	s31 =	sshll.u32 s26, $0xB;
	v18 =	vld.idx.msk [tilespmem:v17+s28+$0x0 ss:$0x1], $0xffff  }
0x51: {  	s28 =	sand.u32 $0x3FFFF800, s31  }
0x52: {  	v19 =	vld [tilespmem:s28+$0x8400]  }
0x53: {  	v20 =	vld [tilespmem:s28+$0x8410]  }
0x54: {  	v21 =	vld [tilespmem:s28+$0x8420]  }
0x55: {  	v23 =	vld [tilespmem:s28+$0x8430];
	v22 =	vperm.xlane v18, v1  }
0x56: {  	v24 =	vld [tilespmem:s28+$0x8440]  }
0x57: {  	v25 =	vld [tilespmem:s28+$0x8450];
	v19 =	vmul.f32 v19, v22  }
0x58: {  	v26 =	vld [tilespmem:s28+$0x8460];
	v20 =	vmul.f32 v20, v22  }
0x59: {  	v43 =	vld [tilespmem:s28+$0x8470];
	[tilespmem:s28+$0x8400] =	vst v19;
	v19 =	vmul.f32 v21, v22  }
0x5a: {  	v45 =	vld [tilespmem:s28+$0x8480];
	v44 =	vmul.f32 v23, v22;
	[tilespmem:s28+$0x8410] =	vst v20  }
0x5b: {  	v46 =	vld [tilespmem:s28+$0x8490];
	[tilespmem:s28+$0x8420] =	vst v19;
	v19 =	vmul.f32 v24, v22  }
0x5c: {  	v48 =	vld [tilespmem:s28+$0x84A0];
	v47 =	vmul.f32 v25, v22;
	[tilespmem:s28+$0x8430] =	vst v44  }
0x5d: {  	v27 =	vld [tilespmem:s28+$0x84B0];
	v49 =	vperm.xlane v18, v2;
	[tilespmem:s28+$0x8440] =	vst v19;
	v19 =	vmul.f32 v26, v22  }
0x5e: {  	v51 =	vld [tilespmem:s28+$0x84C0];
	v50 =	vmul.f32 v43, v22;
	[tilespmem:s28+$0x8450] =	vst v47  }
0x5f: {  	v52 =	vld [tilespmem:s28+$0x84D0];
	[tilespmem:s28+$0x8460] =	vst v19;
	v19 =	vmul.f32 v45, v49  }
0x60: {  	v54 =	vld [tilespmem:s28+$0x84E0];
	v53 =	vmul.f32 v46, v49;
	[tilespmem:s28+$0x8470] =	vst v50  }
0x61: {  	v55 =	vld [tilespmem:s28+$0x84F0];
	[tilespmem:s28+$0x8480] =	vst v19;
	v19 =	vmul.f32 v48, v49  }
0x62: {  	v57 =	vld [tilespmem:s28+$0x8500];
	v56 =	vmul.f32 v27, v49;
	[tilespmem:s28+$0x8490] =	vst v53  }
0x63: {  	v58 =	vld [tilespmem:s28+$0x8510];
	[tilespmem:s28+$0x84A0] =	vst v19;
	v19 =	vmul.f32 v51, v49  }
0x64: {  	v60 =	vld [tilespmem:s28+$0x8520];
	v59 =	vmul.f32 v52, v49;
	[tilespmem:s28+$0x84B0] =	vst v56  }
0x65: {  	v62 =	vld [tilespmem:s28+$0x8530];
	v61 =	vperm.xlane v18, v3;
	[tilespmem:s28+$0x84C0] =	vst v19;
	v19 =	vmul.f32 v54, v49  }
0x66: {  	v28 =	vld [tilespmem:s28+$0x8540];
	v63 =	vmul.f32 v55, v49;
	[tilespmem:s28+$0x84D0] =	vst v59  }
0x67: {  	v29 =	vld [tilespmem:s28+$0x8550];
	[tilespmem:s28+$0x84E0] =	vst v19;
	v19 =	vmul.f32 v57, v61  }
0x68: {  	v31 =	vld [tilespmem:s28+$0x8560];
	v30 =	vmul.f32 v58, v61;
	[tilespmem:s28+$0x84F0] =	vst v63  }
0x69: {  	v32 =	vld [tilespmem:s28+$0x8570];
	[tilespmem:s28+$0x8500] =	vst v19;
	v19 =	vmul.f32 v60, v61  }
0x6a: {  	v34 =	vld [tilespmem:s28+$0x8580];
	v33 =	vmul.f32 v62, v61;
	[tilespmem:s28+$0x8510] =	vst v30  }
0x6b: {  	v35 =	vld [tilespmem:s28+$0x8590];
	[tilespmem:s28+$0x8520] =	vst v19;
	v19 =	vmul.f32 v28, v61  }
0x6c: {  	v37 =	vld [tilespmem:s28+$0x85A0];
	v36 =	vmul.f32 v29, v61;
	[tilespmem:s28+$0x8530] =	vst v33  }
0x6d: {  	v39 =	vld [tilespmem:s28+$0x85B0];
	v38 =	vperm.xlane v18, v4;
	[tilespmem:s28+$0x8540] =	vst v19;
	v19 =	vmul.f32 v31, v61  }
0x6e: {  	v41 =	vld [tilespmem:s28+$0x85C0];
	v40 =	vmul.f32 v32, v61;
	[tilespmem:s28+$0x8550] =	vst v36  }
0x6f: {  	v45 =	vld [tilespmem:s28+$0x85F0];
	[tilespmem:s28+$0x8560] =	vst v19;
	v19 =	vmul.f32 v34, v38  }
0x70: {  	v43 =	vmul.f32 v35, v38;
	[tilespmem:s28+$0x8570] =	vst v40;
	v44 =	vld [tilespmem:s28+$0x85E0]  }
0x71: {  	v42 =	vld [tilespmem:s28+$0x85D0];
	[tilespmem:s28+$0x8580] =	vst v19;
	v19 =	vmul.f32 v37, v38  }
0x72: {  	v46 =	vmul.f32 v39, v38;
	[tilespmem:s28+$0x8590] =	vst v43;
	v47 =	vld [tilespmem:s28+$0x8600]  }
0x73: {  	v52 =	vld [tilespmem:s28+$0x8630];
	[tilespmem:s28+$0x85A0] =	vst v19;
	v19 =	vmul.f32 v41, v38  }
0x74: {  	[tilespmem:s28+$0x85B0] =	vst v46;
	v50 =	vld [tilespmem:s28+$0x8620];
	v53 =	vmul.f32 v45, v38  }
0x75: {  	v55 =	vld [tilespmem:s28+$0x8650];
	v51 =	vperm.xlane v18, v5;
	[tilespmem:s28+$0x85C0] =	vst v19;
	v19 =	vmul.f32 v44, v38  }
0x76: {  	v49 =	vmul.f32 v42, v38;
	v54 =	vld [tilespmem:s28+$0x8640];
	[tilespmem:s28+$0x85F0] =	vst v53  }
0x77: {  	v58 =	vld [tilespmem:s28+$0x8670];
	[tilespmem:s28+$0x85E0] =	vst v19;
	v19 =	vmul.f32 v47, v51  }
0x78: {  	v59 =	vmul.f32 v52, v51;
	[tilespmem:s28+$0x85D0] =	vst v49;
	v57 =	vld [tilespmem:s28+$0x8660]  }
0x79: {  	v48 =	vld [tilespmem:s28+$0x8610];
	[tilespmem:s28+$0x8600] =	vst v19;
	v19 =	vmul.f32 v50, v51  }
0x7a: {  	v62 =	vmul.f32 v55, v51;
	[tilespmem:s28+$0x8630] =	vst v59;
	v60 =	vld [tilespmem:s28+$0x8680]  }
0x7b: {  	v40 =	vld [tilespmem:s28+$0x8710];
	[tilespmem:s28+$0x8620] =	vst v19;
	v19 =	vmul.f32 v54, v51  }
0x7c: {  	v63 =	vld [tilespmem:s28+$0x86A0];
	v32 =	vmul.f32 v58, v51;
	[tilespmem:s28+$0x8650] =	vst v62  }
0x7d: {  	v30 =	vperm.xlane v18, v6;
	v61 =	vld [tilespmem:s28+$0x8690];
	[tilespmem:s28+$0x8640] =	vst v19;
	v19 =	vmul.f32 v57, v51  }
0x7e: {  	v33 =	vld [tilespmem:s28+$0x86C0];
	v43 =	vperm.xlane v18, v7;
	v56 =	vmul.f32 v48, v51;
	[tilespmem:s28+$0x8670] =	vst v32  }
0x7f: {  	v53 =	vld [tilespmem:s28+$0x8790];
	[tilespmem:s28+$0x8660] =	vst v19;
	v19 =	vmul.f32 v60, v30  }
0x80: {  	v36 =	vld [tilespmem:s28+$0x86E0];
	v48 =	vmul.f32 v40, v43;
	[tilespmem:s28+$0x8610] =	vst v56  }
0x81: {  	v31 =	vld [tilespmem:s28+$0x86B0];
	[tilespmem:s28+$0x8680] =	vst v19;
	v19 =	vmul.f32 v63, v30  }
0x82: {  	v39 =	vld [tilespmem:s28+$0x8700];
	[tilespmem:s28+$0x8710] =	vst v48;
	v56 =	vperm.xlane v18, v8;
	v35 =	vmul.f32 v61, v30  }
0x83: {  	v34 =	vld [tilespmem:s28+$0x86D0];
	[tilespmem:s28+$0x86A0] =	vst v19;
	v19 =	vmul.f32 v33, v30  }
0x84: {  	v42 =	vld [tilespmem:s28+$0x8720];
	v61 =	vmul.f32 v53, v56;
	[tilespmem:s28+$0x8690] =	vst v35  }
0x85: {  	v37 =	vld [tilespmem:s28+$0x86F0];
	[tilespmem:s28+$0x86C0] =	vst v19;
	v19 =	vmul.f32 v36, v30  }
0x86: {  	v46 =	vld [tilespmem:s28+$0x8740];
	[tilespmem:s28+$0x8790] =	vst v61;
	v38 =	vmul.f32 v31, v30  }
0x87: {  	v47 =	vld [tilespmem:s28+$0x8750];
	[tilespmem:s28+$0x86E0] =	vst v19;
	v19 =	vmul.f32 v39, v43  }
0x88: {  	v49 =	vld [tilespmem:s28+$0x8760];
	v41 =	vmul.f32 v34, v30;
	[tilespmem:s28+$0x86B0] =	vst v38  }
0x89: {  	v38 =	vld [tilespmem:s28+$0x8850];
	[tilespmem:s28+$0x8700] =	vst v19;
	v19 =	vmul.f32 v42, v43  }
0x8a: {  	v52 =	vld [tilespmem:s28+$0x8780];
	[tilespmem:s28+$0x86D0] =	vst v41;
	v45 =	vmul.f32 v37, v30  }
0x8b: {  	v44 =	vld [tilespmem:s28+$0x8730];
	[tilespmem:s28+$0x8720] =	vst v19;
	v19 =	vmul.f32 v46, v43  }
0x8c: {  	v55 =	vld [tilespmem:s28+$0x87A0];
	v34 =	vperm.xlane v18, v9;
	[tilespmem:s28+$0x86F0] =	vst v45;
	v54 =	vmul.f32 v47, v43  }
0x8d: {  	v50 =	vld [tilespmem:s28+$0x8770];
	[tilespmem:s28+$0x8740] =	vst v19;
	v19 =	vmul.f32 v49, v43  }
0x8e: {  	v59 =	vld [tilespmem:s28+$0x87C0];
	v45 =	vmul.f32 v38, v34;
	[tilespmem:s28+$0x8750] =	vst v54  }
0x8f: {  	v57 =	vld [tilespmem:s28+$0x87B0];
	[tilespmem:s28+$0x8760] =	vst v19;
	v19 =	vmul.f32 v52, v56  }
0x90: {  	v62 =	vld [tilespmem:s28+$0x87E0];
	v51 =	vmul.f32 v44, v43;
	[tilespmem:s28+$0x8850] =	vst v45  }
0x91: {  	v60 =	vld [tilespmem:s28+$0x87D0];
	[tilespmem:s28+$0x8780] =	vst v19;
	v19 =	vmul.f32 v55, v56  }
0x92: {  	v58 =	vmul.f32 v50, v43;
	[tilespmem:s28+$0x8730] =	vst v51;
	v30 =	vld [tilespmem:s28+$0x8800]  }
0x93: {  	v51 =	vld [tilespmem:s28+$0x88D0];
	[tilespmem:s28+$0x87A0] =	vst v19;
	v19 =	vmul.f32 v59, v56  }
0x94: {  	[tilespmem:s28+$0x8770] =	vst v58;
	v29 =	vmul.f32 v57, v56;
	v33 =	vld [tilespmem:s28+$0x8820]  }
0x95: {  	v63 =	vld [tilespmem:s28+$0x87F0];
	[tilespmem:s28+$0x87C0] =	vst v19;
	v19 =	vmul.f32 v62, v56  }
0x96: {  	v37 =	vld [tilespmem:s28+$0x8840];
	v47 =	vperm.xlane v18, v10;
	[tilespmem:s28+$0x87B0] =	vst v29;
	v32 =	vmul.f32 v60, v56  }
0x97: {  	v61 =	vld [tilespmem:s28+$0x8930];
	[tilespmem:s28+$0x87E0] =	vst v19;
	v19 =	vmul.f32 v30, v34  }
0x98: {  	v40 =	vld [tilespmem:s28+$0x8860];
	v58 =	vmul.f32 v51, v47;
	[tilespmem:s28+$0x87D0] =	vst v32  }
0x99: {  	v31 =	vld [tilespmem:s28+$0x8810];
	[tilespmem:s28+$0x8800] =	vst v19;
	v19 =	vmul.f32 v33, v34  }
0x9a: {  	v60 =	vperm.xlane v18, v11;
	v36 =	vmul.f32 v63, v56;
	[tilespmem:s28+$0x88D0] =	vst v58;
	v43 =	vld [tilespmem:s28+$0x8880]  }
0x9b: {  	v57 =	vld [tilespmem:s28+$0x8910];
	[tilespmem:s28+$0x8820] =	vst v19;
	v19 =	vmul.f32 v37, v34  }
0x9c: {  	v32 =	vmul.f32 v61, v60;
	[tilespmem:s28+$0x87F0] =	vst v36;
	v46 =	vld [tilespmem:s28+$0x88A0]  }
0x9d: {  	v35 =	vld [tilespmem:s28+$0x8830];
	[tilespmem:s28+$0x8840] =	vst v19;
	v19 =	vmul.f32 v40, v34  }
0x9e: {  	v50 =	vld [tilespmem:s28+$0x88C0];
	v39 =	vmul.f32 v31, v34;
	[tilespmem:s28+$0x8930] =	vst v32  }
0x9f: {  	v28 =	vld [tilespmem:s28+$0x8950];
	[tilespmem:s28+$0x8860] =	vst v19;
	v19 =	vmul.f32 v43, v47  }
0xa0: {  	v53 =	vld [tilespmem:s28+$0x88E0];
	v29 =	vmul.f32 v57, v60;
	[tilespmem:s28+$0x8810] =	vst v39  }
0xa1: {  	v31 =	vld [tilespmem:s28+$0x8970];
	[tilespmem:s28+$0x8880] =	vst v19;
	v19 =	vmul.f32 v46, v47  }
0xa2: {  	v42 =	vmul.f32 v35, v34;
	[tilespmem:s28+$0x8910] =	vst v29;
	v56 =	vld [tilespmem:s28+$0x8900]  }
0xa3: {  	v41 =	vld [tilespmem:s28+$0x8870];
	[tilespmem:s28+$0x88A0] =	vst v19;
	v19 =	vmul.f32 v50, v47  }
0xa4: {  	v35 =	vmul.f32 v28, v60;
	[tilespmem:s28+$0x8830] =	vst v42;
	v59 =	vld [tilespmem:s28+$0x8920]  }
0xa5: {  	v44 =	vld [tilespmem:s28+$0x8890];
	[tilespmem:s28+$0x88C0] =	vst v19;
	v19 =	vmul.f32 v53, v47  }
0xa6: {  	v63 =	vld [tilespmem:s28+$0x8940];
	[tilespmem:s28+$0x8950] =	vst v35;
	v39 =	vmul.f32 v31, v60  }
0xa7: {  	v48 =	vld [tilespmem:s28+$0x88B0];
	[tilespmem:s28+$0x88E0] =	vst v19;
	v19 =	vmul.f32 v56, v60  }
0xa8: {  	v49 =	vmul.f32 v41, v34;
	[tilespmem:s28+$0x8970] =	vst v39;
	v30 =	vld [tilespmem:s28+$0x8960]  }
0xa9: {  	v54 =	vld [tilespmem:s28+$0x88F0];
	[tilespmem:s28+$0x8900] =	vst v19;
	v19 =	vmul.f32 v59, v60  }
0xaa: {  	[tilespmem:s28+$0x8870] =	vst v49;
	v52 =	vmul.f32 v44, v47;
	v33 =	vld [tilespmem:s28+$0x8980]  }
0xab: {  	v38 =	vld [tilespmem:s28+$0x89B0];
	[tilespmem:s28+$0x8920] =	vst v19;
	v19 =	vmul.f32 v63, v60  }
0xac: {  	v36 =	vld [tilespmem:s28+$0x89A0];
	[tilespmem:s28+$0x8890] =	vst v52;
	v55 =	vmul.f32 v48, v47  }
0xad: {  	v41 =	vld [tilespmem:s28+$0x89D0];
	v37 =	vperm.xlane v18, v12;
	[tilespmem:s28+$0x8940] =	vst v19;
	v19 =	vmul.f32 v30, v60  }
0xae: {  	[tilespmem:s28+$0x88B0] =	vst v55;
	v62 =	vmul.f32 v54, v47;
	v40 =	vld [tilespmem:s28+$0x89C0]  }
0xaf: {  	v44 =	vld [tilespmem:s28+$0x89F0];
	[tilespmem:s28+$0x8960] =	vst v19;
	v19 =	vmul.f32 v33, v37  }
0xb0: {  	[tilespmem:s28+$0x88F0] =	vst v62;
	v45 =	vmul.f32 v38, v37;
	v43 =	vld [tilespmem:s28+$0x89E0]  }
0xb1: {  	v34 =	vld [tilespmem:s28+$0x8990];
	[tilespmem:s28+$0x8980] =	vst v19;
	v19 =	vmul.f32 v36, v37  }
0xb2: {  	v48 =	vmul.f32 v41, v37;
	[tilespmem:s28+$0x89B0] =	vst v45;
	v46 =	vld [tilespmem:s28+$0x8A00]  }
0xb3: {  	v51 =	vld [tilespmem:s28+$0x8A30];
	[tilespmem:s28+$0x89A0] =	vst v19;
	v19 =	vmul.f32 v40, v37  }
0xb4: {  	v49 =	vld [tilespmem:s28+$0x8A20];
	v52 =	vmul.f32 v44, v37;
	[tilespmem:s28+$0x89D0] =	vst v48  }
0xb5: {  	v54 =	vld [tilespmem:s28+$0x8A50];
	v50 =	vperm.xlane v18, v13;
	[tilespmem:s28+$0x89C0] =	vst v19;
	v19 =	vmul.f32 v43, v37  }
0xb6: {  	[tilespmem:s28+$0x89F0] =	vst v52;
	v42 =	vmul.f32 v34, v37;
	v53 =	vld [tilespmem:s28+$0x8A40]  }
0xb7: {  	v57 =	vld [tilespmem:s28+$0x8A70];
	[tilespmem:s28+$0x89E0] =	vst v19;
	v19 =	vmul.f32 v46, v50  }
0xb8: {  	[tilespmem:s28+$0x8990] =	vst v42;
	v58 =	vmul.f32 v51, v50;
	v56 =	vld [tilespmem:s28+$0x8A60]  }
0xb9: {  	v47 =	vld [tilespmem:s28+$0x8A10];
	[tilespmem:s28+$0x8A00] =	vst v19;
	v19 =	vmul.f32 v49, v50  }
0xba: {  	v61 =	vmul.f32 v54, v50;
	[tilespmem:s28+$0x8A30] =	vst v58;
	v59 =	vld [tilespmem:s28+$0x8A80]  }
0xbb: {  	v39 =	vld [tilespmem:s28+$0x8B10];
	[tilespmem:s28+$0x8A20] =	vst v19;
	v19 =	vmul.f32 v53, v50  }
0xbc: {  	v62 =	vld [tilespmem:s28+$0x8AA0];
	v31 =	vmul.f32 v57, v50;
	[tilespmem:s28+$0x8A50] =	vst v61  }
0xbd: {  	v63 =	vperm.xlane v18, v14;
	v60 =	vld [tilespmem:s28+$0x8A90];
	[tilespmem:s28+$0x8A40] =	vst v19;
	v19 =	vmul.f32 v56, v50  }
0xbe: {  	v32 =	vld [tilespmem:s28+$0x8AC0];
	v42 =	vperm.xlane v18, v15;
	[tilespmem:s28+$0x8A70] =	vst v31;
	v55 =	vmul.f32 v47, v50  }
0xbf: {  	v33 =	vld [tilespmem:s28+$0x8AD0];
	[tilespmem:s28+$0x8A60] =	vst v19;
	v19 =	vmul.f32 v59, v63  }
0xc0: {  	v35 =	vld [tilespmem:s28+$0x8AE0];
	v47 =	vmul.f32 v39, v42;
	[tilespmem:s28+$0x8A10] =	vst v55  }
0xc1: {  	v30 =	vld [tilespmem:s28+$0x8AB0];
	[tilespmem:s28+$0x8A80] =	vst v19;
	v19 =	vmul.f32 v62, v63  }
0xc2: {  	v38 =	vld [tilespmem:s28+$0x8B00];
	[tilespmem:s28+$0x8B10] =	vst v47;
	v34 =	vmul.f32 v60, v63  }
0xc3: {  	v36 =	vld [tilespmem:s28+$0x8AF0];
	[tilespmem:s28+$0x8AA0] =	vst v19;
	v19 =	vmul.f32 v32, v63  }
0xc4: {  	v41 =	vld [tilespmem:s28+$0x8B20];
	[tilespmem:s28+$0x8A90] =	vst v34;
	v40 =	vmul.f32 v33, v63  }
0xc5: {  	v46 =	vld [tilespmem:s28+$0x8B50];
	[tilespmem:s28+$0x8AC0] =	vst v19;
	v19 =	vmul.f32 v35, v63  }
0xc6: {  	v45 =	vld [tilespmem:s28+$0x8B40];
	v37 =	vmul.f32 v30, v63;
	[tilespmem:s28+$0x8AD0] =	vst v40  }
0xc7: {  	v43 =	vld [tilespmem:s28+$0x8B30];
	[tilespmem:s28+$0x8AE0] =	vst v19;
	v19 =	vmul.f32 v38, v42  }
0xc8: {  	v48 =	vld [tilespmem:s28+$0x8B60];
	v44 =	vmul.f32 v36, v63;
	[tilespmem:s28+$0x8AB0] =	vst v37  }
0xc9: {  	v49 =	vld [tilespmem:s28+$0x8B70];
	[tilespmem:s28+$0x8B00] =	vst v19;
	v19 =	vmul.f32 v41, v42  }
0xca: {  	v51 =	vld [tilespmem:s28+$0x8B80];
	[tilespmem:s28+$0x8AF0] =	vst v44;
	v53 =	vmul.f32 v46, v42  }
0xcb: {  	v52 =	vld [tilespmem:s28+$0x8B90];
	[tilespmem:s28+$0x8B20] =	vst v19;
	v19 =	vmul.f32 v45, v42  }
0xcc: {  	v54 =	vld [tilespmem:s28+$0x8BA0];
	v50 =	vmul.f32 v43, v42;
	[tilespmem:s28+$0x8B50] =	vst v53  }
0xcd: {  	v18 =	vperm.xlane v18, v16;
	v55 =	vld [tilespmem:s28+$0x8BB0];
	[tilespmem:s28+$0x8B40] =	vst v19;
	v19 =	vmul.f32 v48, v42  }
0xce: {  	v57 =	vld [tilespmem:s28+$0x8BC0];
	v56 =	vmul.f32 v49, v42;
	[tilespmem:s28+$0x8B30] =	vst v50  }
0xcf: {  	v58 =	vld [tilespmem:s28+$0x8BD0];
	[tilespmem:s28+$0x8B60] =	vst v19;
	v19 =	vmul.f32 v51, v18  }
0xd0: {  	v60 =	vld [tilespmem:s28+$0x8BE0];
	v59 =	vmul.f32 v52, v18;
	[tilespmem:s28+$0x8B70] =	vst v56  }
0xd1: {  	v61 =	vld [tilespmem:s28+$0x8BF0];
	[tilespmem:s28+$0x8B80] =	vst v19;
	v19 =	vmul.f32 v54, v18  }
0xd2: {  	[tilespmem:s28+$0x8B90] =	vst v59;
	v62 =	vmul.f32 v55, v18  }
0xd3: {  	p1 =	sne.s32 s26, $0x7;
	[tilespmem:s28+$0x8BA0] =	vst v19;
	v19 =	vmul.f32 v57, v18  }
.Ltmp1:
0xd4: {  	[tilespmem:s28+$0x8BB0] =	vst v62;
	v63 =	vmul.f32 v58, v18;
	(pc) =	sbr.rel @p1 .LBB2_5-.Ltmp1, $4  }
0xd5: {  	[tilespmem:s28+$0x8BC0] =	vst v19;
	v19 =	vmul.f32 v60, v18  }
0xd6: {  	[tilespmem:s28+$0x8BD0] =	vst v63;
	v18 =	vmul.f32 v61, v18  }
0xd7: {  	[tilespmem:s28+$0x8BE0] =	vst v19  }
0xd8: {  	s26 =	sadd.s32 $0x1, s26;
	[tilespmem:s28+$0x8BF0] =	vst v18  }
0xd9: {  	s24 =	sadd.s32 $0x1, s24  }
0xda: {  	p1 =	sne.s32 s24, s5  }
.Ltmp2:
0xdb: {  	s25 =	sadd.s32 $0x2C00, s25;
	(pc) =	sbr.rel @p1 .LBB2_4-.Ltmp2, $4  }
0xdc: {  	[spmem:s3] =	stream.indirect.scatter.add.f32 [tilespmem:s21], [sflag:$0x1], $0x80, s25, s22, $0xb8;
	[tilespmem:$0x1FC80] =	vst v63  }
0xdd: {  	_ =	swait.ge [sflag:s18], $0x4000  }
0xde: {  	[sflag:s18] =	ssyncset.done $0x0  }
0xdf: {  	[sflag:s18] =	ssyncadd.s32 $0xFFFFC000  }
0xe0: {  	s24 =	sshll.u32 s0, $0x6  }
0xe1: {  	[bflag:$0x0] =	sbarrier.arrive $0xFFFF;
	s25 =	sshrl.u32 s7, $0x3;
	s24 =	sor.u32 $0x1C01, s24  }
0xe2: {  	[hbm:s15], [sflag:s24] =	dma.local [spmem:s25], $0x2700  }
0xe3: {  	_ =	swait.ge [sflag:s18], $0x2700  }
0xe4: {  	s23 =	sadd.s32 $0x1, s23;
	[sflag:s18] =	ssyncset.done $0x0  }
0xe5: {  	p1 =	sne.s32 s23, s17;
	s25 =	sshrl.u32 @!p0 s14, $0x3;
	[sflag:s18] =	ssyncadd.s32 $0xFFFFD900  }
0xe6: {  	[hbm:s16], [sflag:s24] =	dma.local @!p0 [spmem:s25], $0x100  }
.Ltmp3:
0xe7: {  	_ = 	snop;
	(pc) =	sbr.rel @p1 .LBB2_1-.Ltmp3, $4  }
0xe8: {  	s24 =	simm.s32 @!p0 $0x1  }
0xe9: {  	_ =	swait.ge @!p0 [sflag:s24], $0x100  }
0xea: {  	[sflag:s24] =	ssyncset.done @!p0 $0x0  }
0xeb: {  	[sflag:s24] =	ssyncadd.s32 @!p0 $0xFFFFFF00  }
0xec: {  	_ =	sfence.sel $0x180000  }
0xed: {  	[bflag:$0x0] =	sbarrier.arrive $0xFFFF  }
0xee: {  	p0 =	sne.s32 s0, $0x0;
	_ =	strace $0x90000047  }
0xef: {  	s0 =	sadd.s32 @!p0 $0x100000, s1;
	[bflag:$0x2] =	sbarrier.arrive $0xFFFF  }
0xf0: {  	[sflag:s0] =	ssyncadd.tile.s32 @!p0 $0x1;
	_ =	shalt  }
.Lfunc_end2:
_tile_overlayer_lowered:
.L_overlay_start_2:
0xf1: {  	(tag) =	ssettag $0x2  }
0xf2: {  	s0 =	rddreg [dreg:$0x0];
	s2 =	stileid.u32  }
0xf3: {  	s1 =	rddreg [dreg:$0x1];
	p0 =	sne.s32 s2, $0x0  }
0xf4: {  	s3 =	rddreg [dreg:$0x2];
	[bflag:$0x3] =	sbarrier.arrive $0xFFFF;
	s2 =	simm.s32 @!p0 $0x1C01  }
0xf5: {  	[timem:s3], [sflag:s2] =	dma.local @!p0 [hbm:s0], s1  }
0xf6: {  	s0 =	simm.s32 @!p0 $0x1  }
0xf7: {  	_ =	swait.ge @!p0 [sflag:s0], s1  }
0xf8: {  	s1 =	ssub.s32 @!p0 $0x0, s1;
	[sflag:s0] =	ssyncset.done @!p0 $0x0  }
0xf9: {  	[sflag:s0] =	ssyncadd.s32 @!p0 s1  }
0xfa: {  	[bflag:$0x3] =	sbarrier.arrive $0xFFFF  }
0xfb: {  	_ =	shalt  }

</sc_bundles>
